<compile_context>
chip_gen: v7x
topology: tpu7x:2x2x1
jax: 0.10.2.dev20260603
libtpu: 0.0.44.dev20260713+nightly
codegen_flags: <defaults>
</compile_context>

<pallas_src>
import functools

import jax
import jax.numpy as jnp
from jax import lax
from jax.experimental import pallas as pl
from jax.experimental.pallas import tpu as pltpu
from jax.experimental.pallas import tpu_sc as plsc

NN = 10000
EE = 320000
FIN = 128
FH = 256
NC = 2
NS = 16
PC = 16
CH1, NB1 = 64, 2
CH2, NB2 = 64, 2
EPAD = 327680
K1 = EPAD // (NC * NS) // CH1
K2 = EPAD // NS // CH2
NPAD = 10112
RPT = NPAD // NS
ZCH = 64


@functools.cache
def _mesh():
    return plsc.VectorSubcoreMesh(core_axis_name="c", subcore_axis_name="s",
                                  num_cores=NC, num_subcores=NS)


def _zero_buf(buf, nrows):
    def z(t, _):
        buf[t // 8, pl.ds((t % 8) * 16, 16)] = jnp.zeros((16,), jnp.float32)
        return 0
    lax.fori_loop(0, nrows * 8, z, 0)


def _chunks(step):
    out = []
    o = 0
    while o < RPT:
        out.append((o, min(step, RPT - o)))
        o += step
    return out


def _zero_acc_slice(buf, acc_sh, tbase, step):
    for o, c in _chunks(step):
        pltpu.sync_copy(buf.at[pl.ds(0, c)], acc_sh.at[pl.ds(tbase + o, c)])


def _dump_acc_slice(bufa, bufb, sema, semb, acc_sh, tbase, out_hbm, step):
    bufs = (bufa, bufb)
    sems = (sema, semb)
    pend = [None, None]
    for i, (o, c) in enumerate(_chunks(step)):
        b = i % 2
        if pend[b] is not None:
            pend[b].wait()
        pltpu.sync_copy(acc_sh.at[pl.ds(tbase + o, c)], bufs[b].at[pl.ds(0, c)])
        pend[b] = pltpu.async_copy(bufs[b].at[pl.ds(0, c)],
                                   out_hbm.at[pl.ds(tbase + o, c)], sems[b])
    for b in range(2):
        if pend[b] is not None:
            pend[b].wait()


def _ring(PCn, NBn, wait_g, issue_s, issue_g, drain_extra=None):
    gd = [issue_g(k) for k in range(NBn)]
    sd = [None] * NBn
    for c in range(PCn):
        b = c % NBn
        gd[b].wait()
        sd[b] = issue_s(c, b)
        if drain_extra is not None:
            drain_extra(c)
        n = c + 2
        if n >= NBn and n < PCn:
            bn = n % NBn
            sd[bn].wait()
            gd[bn] = issue_g(n)
    for k in range(PCn - NBn, PCn):
        sd[k % NBn].wait()


def _sc_agg1_body(x_hbm, srcp_hbm, dstp_hbm, p_out, deg_out, *scr):
    sidx, didx = scr[0], scr[1]
    bufs = scr[2:2 + NB1]
    degtile = scr[2 + NB1]
    acc_sh = scr[3 + NB1]
    gsem = scr[4 + NB1:4 + 2 * NB1]
    ssem = scr[4 + 2 * NB1:4 + 3 * NB1]

    cid = lax.axis_index("c")
    sid = lax.axis_index("s")
    wid = sid * NC + cid
    tbase = sid * RPT

    _zero_buf(bufs[0], CH1)
    _zero_buf(bufs[1], CH1)

    def zdeg(t, _):
        degtile[pl.ds(t * 16, 16)] = jnp.zeros((16,), jnp.float32)
        return 0
    lax.fori_loop(0, NPAD // 16, zdeg, 0)

    _zero_acc_slice(bufs[0], acc_sh, tbase, CH1)
    plsc.subcore_barrier()

    ones16 = jnp.ones((16,), jnp.float32)

    def one_pass(hp, _):
        base = wid * K1 + hp * PC
        pltpu.sync_copy(srcp_hbm.at[pl.ds(base, PC)], sidx)
        pltpu.sync_copy(dstp_hbm.at[pl.ds(base, PC)], didx)

        def issue_g(c):
            return pltpu.async_copy(x_hbm.at[sidx.at[c]], bufs[c % NB1],
                                    gsem[c % NB1])

        def issue_s(c, b):
            return pltpu.async_copy(bufs[b], acc_sh.at[didx.at[c]],
                                    ssem[b], add=True)

        def deg(c):
            for j in range(CH1 // 16):
                d = didx[c, pl.ds(j * 16, 16)]
                plsc.addupdate_scatter(degtile, [d], ones16)

        _ring(PC, NB1, None, issue_s, issue_g, drain_extra=deg)
        return 0
    lax.fori_loop(0, K1 // PC, one_pass, 0)

    plsc.subcore_barrier()
    _dump_acc_slice(bufs[0], bufs[1], gsem[0], gsem[1], acc_sh, tbase,
                    p_out.at[cid], CH1)
    pltpu.sync_copy(degtile, deg_out.at[cid, sid])


@functools.cache
def _sc_agg1():
  return pl.kernel(
    _sc_agg1_body,
    out_type=[jax.ShapeDtypeStruct((NC, NPAD, FIN), jnp.float32),
              jax.ShapeDtypeStruct((NC, NS, NPAD), jnp.float32)],
    mesh=_mesh(),
    compiler_params=pltpu.CompilerParams(needs_layout_passes=False),
    scratch_types=(
        [pltpu.VMEM((PC, CH1), jnp.int32)] * 2
        + [pltpu.VMEM((CH1, FIN), jnp.float32)] * NB1
        + [pltpu.VMEM((NPAD,), jnp.float32)]
        + [pltpu.VMEM_SHARED((NPAD, FIN), jnp.float32)]
        + [pltpu.SemaphoreType.DMA] * (2 * NB1)
    ),
  )


def _sc_agg2_body(h2v_hbm, srcp_hbm, dstp_hbm, a_out, *scr):
    sidx, didx = scr[0], scr[1]
    scx = scr[2:2 + NB2]
    bufs = scr[2 + NB2:2 + 2 * NB2]
    acc_sh = scr[2 + 2 * NB2]
    gsem = scr[3 + 2 * NB2:3 + 3 * NB2]
    ssem = scr[3 + 3 * NB2:3 + 4 * NB2]

    cid = lax.axis_index("c")
    sid = lax.axis_index("s")
    tbase = sid * RPT

    _zero_buf(bufs[0], CH2)
    _zero_buf(bufs[1], CH2)
    _zero_acc_slice(bufs[0], acc_sh, tbase, CH2)
    plsc.subcore_barrier()

    def scale_into(dst, c):
        def scale(j, _):
            v = sidx[c, pl.ds(j * 16, 16)]
            dst[pl.ds(j * 16, 16)] = v * 2 + cid
            return 0
        lax.fori_loop(0, CH2 // 16, scale, 0)

    def one_pass(hp, _):
        base = sid * K2 + hp * PC
        pltpu.sync_copy(srcp_hbm.at[pl.ds(base, PC)], sidx)
        pltpu.sync_copy(dstp_hbm.at[pl.ds(base, PC)], didx)

        def issue_g(c):
            b = c % NB2
            scale_into(scx[b], c)
            return pltpu.async_copy(h2v_hbm.at[scx[b]], bufs[b], gsem[b])

        def issue_s(c, b):
            return pltpu.async_copy(bufs[b], acc_sh.at[didx.at[c]],
                                    ssem[b], add=True)

        _ring(PC, NB2, None, issue_s, issue_g)
        return 0
    lax.fori_loop(0, K2 // PC, one_pass, 0)

    plsc.subcore_barrier()
    _dump_acc_slice(bufs[0], bufs[1], gsem[0], gsem[1], acc_sh, tbase,
                    a_out.at[cid], CH2)


@functools.cache
def _sc_agg2():
  return pl.kernel(
    _sc_agg2_body,
    out_type=jax.ShapeDtypeStruct((NC, NPAD, FIN), jnp.float32),
    mesh=_mesh(),
    compiler_params=pltpu.CompilerParams(needs_layout_passes=False),
    scratch_types=(
        [pltpu.VMEM((PC, CH2), jnp.int32)] * 2
        + [pltpu.VMEM((CH2,), jnp.int32)] * NB2
        + [pltpu.VMEM((CH2, FIN), jnp.float32)] * NB2
        + [pltpu.VMEM_SHARED((NPAD, FIN), jnp.float32)]
        + [pltpu.SemaphoreType.DMA] * (2 * NB2)
    ),
  )


BN = 2048


def _rdeg(d_ref):
    deg = jnp.sum(d_ref[...], axis=(0, 1))[:, None]
    return 1.0 / jnp.maximum(deg, 1.0)


def _tc1_body(x_ref, p0_ref, p1_ref, d_ref, wl_ref, wr_ref, b_ref, h_ref):
    agg = (p0_ref[0] + p1_ref[0]) * _rdeg(d_ref)
    h = jnp.dot(agg, wl_ref[...], preferred_element_type=jnp.float32)
    h = h + jnp.dot(x_ref[...], wr_ref[...], preferred_element_type=jnp.float32)
    h = h + b_ref[...]
    h_ref[...] = jnp.maximum(h, 0.0)


_tc1 = pl.pallas_call(
    _tc1_body,
    grid=(pl.cdiv(NN, BN),),
    in_specs=[
        pl.BlockSpec((BN, FIN), lambda i: (i, 0)),
        pl.BlockSpec((1, BN, FIN), lambda i: (0, i, 0)),
        pl.BlockSpec((1, BN, FIN), lambda i: (1, i, 0)),
        pl.BlockSpec((NC, NS, BN), lambda i: (0, 0, i)),
        pl.BlockSpec((FIN, FH), lambda i: (0, 0)),
        pl.BlockSpec((FIN, FH), lambda i: (0, 0)),
        pl.BlockSpec((1, FH), lambda i: (0, 0)),
    ],
    out_specs=pl.BlockSpec((BN, FH), lambda i: (i, 0)),
    out_shape=jax.ShapeDtypeStruct((NN, FH), jnp.float32),
)


def _tc2_body(h_ref, a0_ref, a1_ref, d_ref, wl0_ref, wl1_ref,
              wr_ref, b_ref, wsy_ref, h2_ref, osy_ref):
    rdeg = _rdeg(d_ref)
    h2 = jnp.dot(a0_ref[0] * rdeg, wl0_ref[...],
                 preferred_element_type=jnp.float32)
    h2 = h2 + jnp.dot(a1_ref[0] * rdeg, wl1_ref[...],
                      preferred_element_type=jnp.float32)
    h2 = h2 + jnp.dot(h_ref[...], wr_ref[...],
                      preferred_element_type=jnp.float32)
    h2 = h2 + b_ref[...]
    h2_ref[...] = h2
    osy_ref[...] = jnp.dot(h2, wsy_ref[...], preferred_element_type=jnp.float32)


_tc2 = pl.pallas_call(
    _tc2_body,
    grid=(pl.cdiv(NN, BN),),
    in_specs=[
        pl.BlockSpec((BN, FH), lambda i: (i, 0)),
        pl.BlockSpec((1, BN, FIN), lambda i: (0, i, 0)),
        pl.BlockSpec((1, BN, FIN), lambda i: (1, i, 0)),
        pl.BlockSpec((NC, NS, BN), lambda i: (0, 0, i)),
        pl.BlockSpec((FIN, FH), lambda i: (0, 0)),
        pl.BlockSpec((FIN, FH), lambda i: (0, 0)),
        pl.BlockSpec((FH, FH), lambda i: (0, 0)),
        pl.BlockSpec((1, FH), lambda i: (0, 0)),
        pl.BlockSpec((FH, FIN), lambda i: (0, 0)),
    ],
    out_specs=[
        pl.BlockSpec((BN, FH), lambda i: (i, 0)),
        pl.BlockSpec((BN, FIN), lambda i: (i, 0)),
    ],
    out_shape=[
        jax.ShapeDtypeStruct((NN, FH), jnp.float32),
        jax.ShapeDtypeStruct((NN, FIN), jnp.float32),
    ],
)


def kernel(x, edge_index, W1l, b1, W1r, W2l, b2, W2r, Ws, Wy):
    src = edge_index[0]
    dst = edge_index[1]
    pad = EPAD - EE
    src_p = jnp.concatenate([src, jnp.zeros((pad,), jnp.int32)])
    dst_p = jnp.concatenate([dst, jnp.full((pad,), NN, jnp.int32)])
    srcp1 = src_p.reshape(EPAD // CH1, CH1)
    dstp1 = dst_p.reshape(EPAD // CH1, CH1)
    srcp2 = src_p.reshape(EPAD // CH2, CH2)
    dstp2 = dst_p.reshape(EPAD // CH2, CH2)

    p, degp = _sc_agg1()(x, srcp1, dstp1)
    h = _tc1(x, p, p, degp, W1l.T, W1r.T, b1.reshape(1, FH))

    a2 = _sc_agg2()(h.reshape(2 * NN, FIN), srcp2, dstp2)

    wsy = jnp.concatenate([Ws, Wy], axis=0)
    wsy_pad = jnp.pad(wsy, ((0, FIN - wsy.shape[0]), (0, 0))).T
    w2lt = W2l.T
    h2, osy = _tc2(h, a2, a2, degp, w2lt[:FIN], w2lt[FIN:], W2r.T,
                   b2.reshape(1, FH), wsy_pad)
    return osy[:, :2], osy[:, 2:42], h2

# --- scband reference (transcript-rebuilt; emitter-appended) ---
"""Pipeline reference for scband-my-encoder-60765197304596 (READ-ONLY COPY).

The authoritative reference and input builder live on the scoring server;
editing this copy changes nothing except your own understanding.
"""

import jax, jax.numpy as jnp
import numpy as np

N = 10000
E = 320000
IN = 128
H = 256
S = 2
Y = 40


def _glorot(key, shape):
    fan_in = shape[-1]
    return jax.random.normal(key, shape, dtype=jnp.float32) * (1.0 / np.sqrt(fan_in))


def setup_inputs(seed: int = 0) -> dict:
    key = jax.random.key(seed)
    ks = jax.random.split(key, 12)
    x = jax.random.normal(ks[0], (N, IN), dtype=jnp.float32)
    edge_index = jax.random.randint(ks[1], (2, E), 0, N, dtype=jnp.int32)
    # SAGEConv1: lin_l (aggregated neighbors, with bias) and lin_r (root, no bias)
    W1l = _glorot(ks[2], (H, IN))
    b1 = jnp.zeros((H,), dtype=jnp.float32)
    W1r = _glorot(ks[3], (H, IN))
    # SAGEConv2
    W2l = _glorot(ks[4], (H, H))
    b2 = jnp.zeros((H,), dtype=jnp.float32)
    W2r = _glorot(ks[5], (H, H))
    # heads (bias=False)
    Ws = _glorot(ks[6], (S, H))
    Wy = _glorot(ks[7], (Y, H))
    return {"x": x, "edge_index": edge_index, "W1l": W1l, "b1": b1, "W1r": W1r,
            "W2l": W2l, "b2": b2, "W2r": W2r, "Ws": Ws, "Wy": Wy}


def _sage_conv(x, src, dst, Wl, bl, Wr, n_nodes):
    # mean aggregation of neighbor features (messages flow src -> dst)
    msgs = x[src]
    agg = jax.ops.segment_sum(msgs, dst, num_segments=n_nodes)
    deg = jax.ops.segment_sum(jnp.ones((src.shape[0],), dtype=x.dtype), dst, num_segments=n_nodes)
    agg = agg / jnp.clip(deg, 1.0, None)[:, None]
    return agg @ Wl.T + bl + x @ Wr.T


def reference(x, edge_index, W1l, b1, W1r, W2l, b2, W2r, Ws, Wy):
    src = edge_index[0]
    dst = edge_index[1]
    h = _sage_conv(x, src, dst, W1l, b1, W1r, N)
    h = jax.nn.relu(h)
    h = _sage_conv(h, src, dst, W2l, b2, W2r, N)
    out_s = h @ Ws.T
    out_y = h @ Wy.T
    return (out_s, out_y, h)

if __name__ == "__main__":
    import jax
    _d = setup_inputs()
    print(jax.jit(kernel)(*tuple(_d.values())))

</pallas_src>

<mosaic_0001>
#map = affine_map<(d0, d1) -> (0, 0)>
#map1 = affine_map<(d0, d1) -> (0, 0, 0)>
module attributes {stable_mosaic.version = 14 : i64} {
  func.func @_sc_agg1_body(%arg0: i32, %arg1: i32, %arg2: memref<10000x128xf32, #tpu.memory_space<hbm>>, %arg3: memref<5120x64xi32, #tpu.memory_space<hbm>>, %arg4: memref<5120x64xi32, #tpu.memory_space<hbm>>, %arg5: memref<2x10112x128xf32, #tpu.memory_space<hbm>>, %arg6: memref<2x16x10112xf32, #tpu.memory_space<hbm>>, %arg7: memref<16x64xi32, #tpu.memory_space<vmem>>, %arg8: memref<16x64xi32, #tpu.memory_space<vmem>>, %arg9: memref<64x128xf32, #tpu.memory_space<vmem>>, %arg10: memref<64x128xf32, #tpu.memory_space<vmem>>, %arg11: memref<10112xf32, #tpu.memory_space<vmem>>, %arg12: memref<10112x128xf32, #tpu.memory_space<vmem_shared>>, %arg13: memref<!tpu.dma_semaphore, #tpu.memory_space<semaphore_mem>>, %arg14: memref<!tpu.dma_semaphore, #tpu.memory_space<semaphore_mem>>, %arg15: memref<!tpu.dma_semaphore, #tpu.memory_space<semaphore_mem>>, %arg16: memref<!tpu.dma_semaphore, #tpu.memory_space<semaphore_mem>>) attributes {dimension_semantics = [#tpu.dimension_semantics<core_parallel>, #tpu.dimension_semantics<subcore_parallel>], iteration_bounds = array<i64: 2, 16>, scalar_prefetch = 0 : i64, scratch_operands = 10 : i64, tpu.core_type = #tpu.core_type<sc_vector_subcore>, window_params = [{transform_indices = #map}, {transform_indices = #map}, {transform_indices = #map}, {transform_indices = #map1}, {transform_indices = #map1}]} {
    %mul3A = arith.constant 2 : i32
    %mul3A_0 = arith.muli %arg1, %mul3A : i32
    %add3A = arith.addi %mul3A_0, %arg0 : i32
    %mul3A_1 = arith.constant 632 : i32
    %mul3A_2 = arith.muli %arg1, %mul3A_1 : i32
    %scan3A = arith.constant 0 : i32
    %scan3A_3 = arith.constant 0 : i32
    %scan3A_4 = arith.constant 512 : i32
    %scan3A_5 = arith.addi %scan3A_3, %scan3A_4 : i32
    %scan3A_6 = arith.constant 1 : i32
    %scan3A_7 = scf.for %scan3A_450 = %scan3A_3 to %scan3A_5 step %scan3A_6 iter_args(%scan3A_451 = %scan3A) -> (i32)  : i32 {
      %broadcast_in_dim3A_452 = arith.constant 0.000000e+00 : f32
      %broadcast_in_dim3A_453 = vector.broadcast %broadcast_in_dim3A_452 : f32 to vector<16xf32>
      %jit3A = arith.constant 8 : i32
      %div3A = arith.divsi %scan3A_450, %jit3A : i32
      %sign3A = arith.constant 0 : i32
      %sign3A_454 = arith.cmpi sgt, %scan3A_450, %sign3A : i32
      %sign3A_455 = arith.extui %sign3A_454 : i1 to i32
      %sign3A_456 = arith.constant 0 : i32
      %sign3A_457 = arith.cmpi slt, %scan3A_450, %sign3A_456 : i32
      %sign3A_458 = arith.extui %sign3A_457 : i1 to i32
      %sign3A_459 = arith.subi %sign3A_455, %sign3A_458 : i32
      %sign3A_460 = arith.constant 0 : i32
      %sign3A_461 = arith.cmpi sgt, %jit3A, %sign3A_460 : i32
      %sign3A_462 = arith.extui %sign3A_461 : i1 to i32
      %sign3A_463 = arith.constant 0 : i32
      %sign3A_464 = arith.cmpi slt, %jit3A, %sign3A_463 : i32
      %sign3A_465 = arith.extui %sign3A_464 : i1 to i32
      %sign3A_466 = arith.subi %sign3A_462, %sign3A_465 : i32
      %ne3A = arith.cmpi ne, %sign3A_459, %sign3A_466 : i32
      %rem3A = arith.remsi %scan3A_450, %jit3A : i32
      %ne3A_467 = arith.constant 0 : i32
      %ne3A_468 = arith.cmpi ne, %rem3A, %ne3A_467 : i32
      %and3A = arith.andi %ne3A, %ne3A_468 : i1
      %sub3A = arith.constant 1 : i32
      %sub3A_469 = arith.subi %div3A, %sub3A : i32
      %select_n3A = arith.select %and3A, %sub3A_469, %div3A : i32
      %jit3A_470 = arith.constant 8 : i32
      %eq3A = arith.constant 0 : i32
      %eq3A_471 = arith.cmpi eq, %jit3A_470, %eq3A : i32
      %jit3A_472 = arith.constant 1 : i32
      %select_n3A_473 = arith.select %eq3A_471, %jit3A_472, %jit3A_470 : i32
      %rem3A_474 = arith.remsi %scan3A_450, %select_n3A_473 : i32
      %ne3A_475 = arith.constant 0 : i32
      %ne3A_476 = arith.cmpi ne, %rem3A_474, %ne3A_475 : i32
      %lt3A = arith.constant 0 : i32
      %lt3A_477 = arith.cmpi slt, %rem3A_474, %lt3A : i32
      %lt3A_478 = arith.constant 0 : i32
      %lt3A_479 = arith.cmpi slt, %select_n3A_473, %lt3A_478 : i32
      %ne3A_480 = arith.xori %lt3A_477, %lt3A_479 : i1
      %and3A_481 = arith.andi %ne3A_480, %ne3A_476 : i1
      %add3A_482 = arith.addi %rem3A_474, %select_n3A_473 : i32
      %select_n3A_483 = arith.select %and3A_481, %add3A_482, %rem3A_474 : i32
      %mul3A_484 = arith.constant 16 : i32
      %mul3A_485 = arith.muli %select_n3A_483, %mul3A_484 : i32
      %swap3A = arith.index_cast %select_n3A : i32 to index
      %swap3A_486 = arith.index_cast %mul3A_485 : i32 to index
      %swap3A_487 = tpu.vector_load %arg9[%swap3A, %swap3A_486] {strides = array<i32>} : memref<64x128xf32, #tpu.memory_space<vmem>>, vector<16xf32>,
      tpu.vector_store %arg9[%swap3A, %swap3A_486], %broadcast_in_dim3A_453 {strides = array<i32>} : memref<64x128xf32, #tpu.memory_space<vmem>>, vector<16xf32>,
      %scan3A_488 = arith.constant 0 : i32
      scf.yield %scan3A_488 : i32
    }
    %scan3A_8 = arith.constant 512 : i32
    %scan3A_9 = arith.constant 0 : i32
    %scan3A_10 = arith.constant 0 : i32
    %scan3A_11 = arith.constant 512 : i32
    %scan3A_12 = arith.addi %scan3A_10, %scan3A_11 : i32
    %scan3A_13 = arith.constant 1 : i32
    %scan3A_14 = scf.for %scan3A_450 = %scan3A_10 to %scan3A_12 step %scan3A_13 iter_args(%scan3A_451 = %scan3A_9) -> (i32)  : i32 {
      %broadcast_in_dim3A_452 = arith.constant 0.000000e+00 : f32
      %broadcast_in_dim3A_453 = vector.broadcast %broadcast_in_dim3A_452 : f32 to vector<16xf32>
      %jit3A = arith.constant 8 : i32
      %div3A = arith.divsi %scan3A_450, %jit3A : i32
      %sign3A = arith.constant 0 : i32
      %sign3A_454 = arith.cmpi sgt, %scan3A_450, %sign3A : i32
      %sign3A_455 = arith.extui %sign3A_454 : i1 to i32
      %sign3A_456 = arith.constant 0 : i32
      %sign3A_457 = arith.cmpi slt, %scan3A_450, %sign3A_456 : i32
      %sign3A_458 = arith.extui %sign3A_457 : i1 to i32
      %sign3A_459 = arith.subi %sign3A_455, %sign3A_458 : i32
      %sign3A_460 = arith.constant 0 : i32
      %sign3A_461 = arith.cmpi sgt, %jit3A, %sign3A_460 : i32
      %sign3A_462 = arith.extui %sign3A_461 : i1 to i32
      %sign3A_463 = arith.constant 0 : i32
      %sign3A_464 = arith.cmpi slt, %jit3A, %sign3A_463 : i32
      %sign3A_465 = arith.extui %sign3A_464 : i1 to i32
      %sign3A_466 = arith.subi %sign3A_462, %sign3A_465 : i32
      %ne3A = arith.cmpi ne, %sign3A_459, %sign3A_466 : i32
      %rem3A = arith.remsi %scan3A_450, %jit3A : i32
      %ne3A_467 = arith.constant 0 : i32
      %ne3A_468 = arith.cmpi ne, %rem3A, %ne3A_467 : i32
      %and3A = arith.andi %ne3A, %ne3A_468 : i1
      %sub3A = arith.constant 1 : i32
      %sub3A_469 = arith.subi %div3A, %sub3A : i32
      %select_n3A = arith.select %and3A, %sub3A_469, %div3A : i32
      %jit3A_470 = arith.constant 8 : i32
      %eq3A = arith.constant 0 : i32
      %eq3A_471 = arith.cmpi eq, %jit3A_470, %eq3A : i32
      %jit3A_472 = arith.constant 1 : i32
      %select_n3A_473 = arith.select %eq3A_471, %jit3A_472, %jit3A_470 : i32
      %rem3A_474 = arith.remsi %scan3A_450, %select_n3A_473 : i32
      %ne3A_475 = arith.constant 0 : i32
      %ne3A_476 = arith.cmpi ne, %rem3A_474, %ne3A_475 : i32
      %lt3A = arith.constant 0 : i32
      %lt3A_477 = arith.cmpi slt, %rem3A_474, %lt3A : i32
      %lt3A_478 = arith.constant 0 : i32
      %lt3A_479 = arith.cmpi slt, %select_n3A_473, %lt3A_478 : i32
      %ne3A_480 = arith.xori %lt3A_477, %lt3A_479 : i1
      %and3A_481 = arith.andi %ne3A_480, %ne3A_476 : i1
      %add3A_482 = arith.addi %rem3A_474, %select_n3A_473 : i32
      %select_n3A_483 = arith.select %and3A_481, %add3A_482, %rem3A_474 : i32
      %mul3A_484 = arith.constant 16 : i32
      %mul3A_485 = arith.muli %select_n3A_483, %mul3A_484 : i32
      %swap3A = arith.index_cast %select_n3A : i32 to index
      %swap3A_486 = arith.index_cast %mul3A_485 : i32 to index
      %swap3A_487 = tpu.vector_load %arg10[%swap3A, %swap3A_486] {strides = array<i32>} : memref<64x128xf32, #tpu.memory_space<vmem>>, vector<16xf32>,
      tpu.vector_store %arg10[%swap3A, %swap3A_486], %broadcast_in_dim3A_453 {strides = array<i32>} : memref<64x128xf32, #tpu.memory_space<vmem>>, vector<16xf32>,
      %scan3A_488 = arith.constant 0 : i32
      scf.yield %scan3A_488 : i32
    }
    %scan3A_15 = arith.constant 512 : i32
    %scan3A_16 = arith.constant 0 : i32
    %scan3A_17 = arith.constant 0 : i32
    %scan3A_18 = arith.constant 632 : i32
    %scan3A_19 = arith.addi %scan3A_17, %scan3A_18 : i32
    %scan3A_20 = arith.constant 1 : i32
    %scan3A_21 = scf.for %scan3A_450 = %scan3A_17 to %scan3A_19 step %scan3A_20 iter_args(%scan3A_451 = %scan3A_16) -> (i32)  : i32 {
      %broadcast_in_dim3A_452 = arith.constant 0.000000e+00 : f32
      %broadcast_in_dim3A_453 = vector.broadcast %broadcast_in_dim3A_452 : f32 to vector<16xf32>
      %mul3A_454 = arith.constant 16 : i32
      %mul3A_455 = arith.muli %scan3A_450, %mul3A_454 : i32
      %swap3A = arith.index_cast %mul3A_455 : i32 to index
      %swap3A_456 = tpu.vector_load %arg11[%swap3A] {strides = array<i32>} : memref<10112xf32, #tpu.memory_space<vmem>>, vector<16xf32>,
      tpu.vector_store %arg11[%swap3A], %broadcast_in_dim3A_453 {strides = array<i32>} : memref<10112xf32, #tpu.memory_space<vmem>>, vector<16xf32>,
      %scan3A_457 = arith.constant 0 : i32
      scf.yield %scan3A_457 : i32
    }
    %scan3A_22 = arith.constant 632 : i32
    %add3A_23 = arith.constant 0 : i32
    %add3A_24 = arith.addi %mul3A_2, %add3A_23 : i32
    "tpu.region"() ({
      %run_scoped3A = tpu.sem_alloc : memref<!tpu.dma_semaphore, #tpu.memory_space<semaphore_mem>>
      %dma_start3A_450 = arith.constant 0 : i32
      %dma_start3A_451 = arith.constant 0 : i32
      %dma_start3A_452 = tpu.memref_slice %arg9[%dma_start3A_450, %dma_start3A_451] : memref<64x128xf32, #tpu.memory_space<vmem>> -> memref<64x128xf32, #tpu.memory_space<vmem>>
      %dma_start3A_453 = arith.constant 0 : i32
      %dma_start3A_454 = tpu.memref_slice %arg12[%add3A_24, %dma_start3A_453] : memref<10112x128xf32, #tpu.memory_space<vmem_shared>> -> memref<64x128xf32, #tpu.memory_space<vmem_shared>>
      %dma_start3A_455 = arith.constant 0 : i32
      %dma_start3A_456 = tpu.memref_slice %arg12[%add3A_24, %dma_start3A_455] : memref<10112x128xf32, #tpu.memory_space<vmem_shared>> -> memref<64x128xf32, #tpu.memory_space<vmem_shared>>
      %dma_start3A_457 = arith.constant 0 : i32
      %dma_start3A_458 = arith.constant 0 : i32
      %dma_start3A_459 = tpu.memref_slice %arg9[%dma_start3A_457, %dma_start3A_458] : memref<64x128xf32, #tpu.memory_space<vmem>> -> memref<64x128xf32, #tpu.memory_space<vmem>>
      tpu.enqueue_dma source(%dma_start3A_459 : memref<64x128xf32, #tpu.memory_space<vmem>>) target(%dma_start3A_456 : memref<64x128xf32, #tpu.memory_space<vmem_shared>>) target_semaphore(%run_scoped3A : memref<!tpu.dma_semaphore, #tpu.memory_space<semaphore_mem>>)
      %dma_wait3A_460 = arith.constant 0 : i32
      %dma_wait3A_461 = arith.constant 0 : i32
      %dma_wait3A_462 = tpu.memref_slice %arg9[%dma_wait3A_460, %dma_wait3A_461] : memref<64x128xf32, #tpu.memory_space<vmem>> -> memref<64x128xf32, #tpu.memory_space<vmem>>
      %dma_wait3A_463 = arith.constant 0 : i32
      %dma_wait3A_464 = tpu.memref_slice %arg12[%add3A_24, %dma_wait3A_463] : memref<10112x128xf32, #tpu.memory_space<vmem_shared>> -> memref<64x128xf32, #tpu.memory_space<vmem_shared>>
      %dma_wait3A_465 = arith.constant 0 : i32
      %dma_wait3A_466 = tpu.memref_slice %arg12[%add3A_24, %dma_wait3A_465] : memref<10112x128xf32, #tpu.memory_space<vmem_shared>> -> memref<64x128xf32, #tpu.memory_space<vmem_shared>>
      %dma_wait3A_467 = arith.constant 0 : i32
      %dma_wait3A_468 = arith.constant 0 : i32
      %dma_wait3A_469 = tpu.memref_slice %arg9[%dma_wait3A_467, %dma_wait3A_468] : memref<64x128xf32, #tpu.memory_space<vmem>> -> memref<64x128xf32, #tpu.memory_space<vmem>>
      tpu.wait_dma2 semaphore(%run_scoped3A : memref<!tpu.dma_semaphore, #tpu.memory_space<semaphore_mem>>) src(%dma_wait3A_469 : memref<64x128xf32, #tpu.memory_space<vmem>>) dst(%dma_wait3A_466 : memref<64x128xf32, #tpu.memory_space<vmem_shared>>)
      tpu.yield
    }) : () -> ()
    %add3A_25 = arith.constant 64 : i32
    %add3A_26 = arith.addi %mul3A_2, %add3A_25 : i32
    "tpu.region"() ({
      %run_scoped3A = tpu.sem_alloc : memref<!tpu.dma_semaphore, #tpu.memory_space<semaphore_mem>>
      %dma_start3A_450 = arith.constant 0 : i32
      %dma_start3A_451 = arith.constant 0 : i32
      %dma_start3A_452 = tpu.memref_slice %arg9[%dma_start3A_450, %dma_start3A_451] : memref<64x128xf32, #tpu.memory_space<vmem>> -> memref<64x128xf32, #tpu.memory_space<vmem>>
      %dma_start3A_453 = arith.constant 0 : i32
      %dma_start3A_454 = tpu.memref_slice %arg12[%add3A_26, %dma_start3A_453] : memref<10112x128xf32, #tpu.memory_space<vmem_shared>> -> memref<64x128xf32, #tpu.memory_space<vmem_shared>>
      %dma_start3A_455 = arith.constant 0 : i32
      %dma_start3A_456 = tpu.memref_slice %arg12[%add3A_26, %dma_start3A_455] : memref<10112x128xf32, #tpu.memory_space<vmem_shared>> -> memref<64x128xf32, #tpu.memory_space<vmem_shared>>
      %dma_start3A_457 = arith.constant 0 : i32
      %dma_start3A_458 = arith.constant 0 : i32
      %dma_start3A_459 = tpu.memref_slice %arg9[%dma_start3A_457, %dma_start3A_458] : memref<64x128xf32, #tpu.memory_space<vmem>> -> memref<64x128xf32, #tpu.memory_space<vmem>>
      tpu.enqueue_dma source(%dma_start3A_459 : memref<64x128xf32, #tpu.memory_space<vmem>>) target(%dma_start3A_456 : memref<64x128xf32, #tpu.memory_space<vmem_shared>>) target_semaphore(%run_scoped3A : memref<!tpu.dma_semaphore, #tpu.memory_space<semaphore_mem>>)
      %dma_wait3A_460 = arith.constant 0 : i32
      %dma_wait3A_461 = arith.constant 0 : i32
      %dma_wait3A_462 = tpu.memref_slice %arg9[%dma_wait3A_460, %dma_wait3A_461] : memref<64x128xf32, #tpu.memory_space<vmem>> -> memref<64x128xf32, #tpu.memory_space<vmem>>
      %dma_wait3A_463 = arith.constant 0 : i32
      %dma_wait3A_464 = tpu.memref_slice %arg12[%add3A_26, %dma_wait3A_463] : memref<10112x128xf32, #tpu.memory_space<vmem_shared>> -> memref<64x128xf32, #tpu.memory_space<vmem_shared>>
      %dma_wait3A_465 = arith.constant 0 : i32
      %dma_wait3A_466 = tpu.memref_slice %arg12[%add3A_26, %dma_wait3A_465] : memref<10112x128xf32, #tpu.memory_space<vmem_shared>> -> memref<64x128xf32, #tpu.memory_space<vmem_shared>>
      %dma_wait3A_467 = arith.constant 0 : i32
      %dma_wait3A_468 = arith.constant 0 : i32
      %dma_wait3A_469 = tpu.memref_slice %arg9[%dma_wait3A_467, %dma_wait3A_468] : memref<64x128xf32, #tpu.memory_space<vmem>> -> memref<64x128xf32, #tpu.memory_space<vmem>>
      tpu.wait_dma2 semaphore(%run_scoped3A : memref<!tpu.dma_semaphore, #tpu.memory_space<semaphore_mem>>) src(%dma_wait3A_469 : memref<64x128xf32, #tpu.memory_space<vmem>>) dst(%dma_wait3A_466 : memref<64x128xf32, #tpu.memory_space<vmem_shared>>)
      tpu.yield
    }) : () -> ()
    %add3A_27 = arith.constant 128 : i32
    %add3A_28 = arith.addi %mul3A_2, %add3A_27 : i32
    "tpu.region"() ({
      %run_scoped3A = tpu.sem_alloc : memref<!tpu.dma_semaphore, #tpu.memory_space<semaphore_mem>>
      %dma_start3A_450 = arith.constant 0 : i32
      %dma_start3A_451 = arith.constant 0 : i32
      %dma_start3A_452 = tpu.memref_slice %arg9[%dma_start3A_450, %dma_start3A_451] : memref<64x128xf32, #tpu.memory_space<vmem>> -> memref<64x128xf32, #tpu.memory_space<vmem>>
      %dma_start3A_453 = arith.constant 0 : i32
      %dma_start3A_454 = tpu.memref_slice %arg12[%add3A_28, %dma_start3A_453] : memref<10112x128xf32, #tpu.memory_space<vmem_shared>> -> memref<64x128xf32, #tpu.memory_space<vmem_shared>>
      %dma_start3A_455 = arith.constant 0 : i32
      %dma_start3A_456 = tpu.memref_slice %arg12[%add3A_28, %dma_start3A_455] : memref<10112x128xf32, #tpu.memory_space<vmem_shared>> -> memref<64x128xf32, #tpu.memory_space<vmem_shared>>
      %dma_start3A_457 = arith.constant 0 : i32
      %dma_start3A_458 = arith.constant 0 : i32
      %dma_start3A_459 = tpu.memref_slice %arg9[%dma_start3A_457, %dma_start3A_458] : memref<64x128xf32, #tpu.memory_space<vmem>> -> memref<64x128xf32, #tpu.memory_space<vmem>>
      tpu.enqueue_dma source(%dma_start3A_459 : memref<64x128xf32, #tpu.memory_space<vmem>>) target(%dma_start3A_456 : memref<64x128xf32, #tpu.memory_space<vmem_shared>>) target_semaphore(%run_scoped3A : memref<!tpu.dma_semaphore, #tpu.memory_space<semaphore_mem>>)
      %dma_wait3A_460 = arith.constant 0 : i32
      %dma_wait3A_461 = arith.constant 0 : i32
      %dma_wait3A_462 = tpu.memref_slice %arg9[%dma_wait3A_460, %dma_wait3A_461] : memref<64x128xf32, #tpu.memory_space<vmem>> -> memref<64x128xf32, #tpu.memory_space<vmem>>
      %dma_wait3A_463 = arith.constant 0 : i32
      %dma_wait3A_464 = tpu.memref_slice %arg12[%add3A_28, %dma_wait3A_463] : memref<10112x128xf32, #tpu.memory_space<vmem_shared>> -> memref<64x128xf32, #tpu.memory_space<vmem_shared>>
      %dma_wait3A_465 = arith.constant 0 : i32
      %dma_wait3A_466 = tpu.memref_slice %arg12[%add3A_28, %dma_wait3A_465] : memref<10112x128xf32, #tpu.memory_space<vmem_shared>> -> memref<64x128xf32, #tpu.memory_space<vmem_shared>>
      %dma_wait3A_467 = arith.constant 0 : i32
      %dma_wait3A_468 = arith.constant 0 : i32
      %dma_wait3A_469 = tpu.memref_slice %arg9[%dma_wait3A_467, %dma_wait3A_468] : memref<64x128xf32, #tpu.memory_space<vmem>> -> memref<64x128xf32, #tpu.memory_space<vmem>>
      tpu.wait_dma2 semaphore(%run_scoped3A : memref<!tpu.dma_semaphore, #tpu.memory_space<semaphore_mem>>) src(%dma_wait3A_469 : memref<64x128xf32, #tpu.memory_space<vmem>>) dst(%dma_wait3A_466 : memref<64x128xf32, #tpu.memory_space<vmem_shared>>)
      tpu.yield
    }) : () -> ()
    %add3A_29 = arith.constant 192 : i32
    %add3A_30 = arith.addi %mul3A_2, %add3A_29 : i32
    "tpu.region"() ({
      %run_scoped3A = tpu.sem_alloc : memref<!tpu.dma_semaphore, #tpu.memory_space<semaphore_mem>>
      %dma_start3A_450 = arith.constant 0 : i32
      %dma_start3A_451 = arith.constant 0 : i32
      %dma_start3A_452 = tpu.memref_slice %arg9[%dma_start3A_450, %dma_start3A_451] : memref<64x128xf32, #tpu.memory_space<vmem>> -> memref<64x128xf32, #tpu.memory_space<vmem>>
      %dma_start3A_453 = arith.constant 0 : i32
      %dma_start3A_454 = tpu.memref_slice %arg12[%add3A_30, %dma_start3A_453] : memref<10112x128xf32, #tpu.memory_space<vmem_shared>> -> memref<64x128xf32, #tpu.memory_space<vmem_shared>>
      %dma_start3A_455 = arith.constant 0 : i32
      %dma_start3A_456 = tpu.memref_slice %arg12[%add3A_30, %dma_start3A_455] : memref<10112x128xf32, #tpu.memory_space<vmem_shared>> -> memref<64x128xf32, #tpu.memory_space<vmem_shared>>
      %dma_start3A_457 = arith.constant 0 : i32
      %dma_start3A_458 = arith.constant 0 : i32
      %dma_start3A_459 = tpu.memref_slice %arg9[%dma_start3A_457, %dma_start3A_458] : memref<64x128xf32, #tpu.memory_space<vmem>> -> memref<64x128xf32, #tpu.memory_space<vmem>>
      tpu.enqueue_dma source(%dma_start3A_459 : memref<64x128xf32, #tpu.memory_space<vmem>>) target(%dma_start3A_456 : memref<64x128xf32, #tpu.memory_space<vmem_shared>>) target_semaphore(%run_scoped3A : memref<!tpu.dma_semaphore, #tpu.memory_space<semaphore_mem>>)
      %dma_wait3A_460 = arith.constant 0 : i32
      %dma_wait3A_461 = arith.constant 0 : i32
      %dma_wait3A_462 = tpu.memref_slice %arg9[%dma_wait3A_460, %dma_wait3A_461] : memref<64x128xf32, #tpu.memory_space<vmem>> -> memref<64x128xf32, #tpu.memory_space<vmem>>
      %dma_wait3A_463 = arith.constant 0 : i32
      %dma_wait3A_464 = tpu.memref_slice %arg12[%add3A_30, %dma_wait3A_463] : memref<10112x128xf32, #tpu.memory_space<vmem_shared>> -> memref<64x128xf32, #tpu.memory_space<vmem_shared>>
      %dma_wait3A_465 = arith.constant 0 : i32
      %dma_wait3A_466 = tpu.memref_slice %arg12[%add3A_30, %dma_wait3A_465] : memref<10112x128xf32, #tpu.memory_space<vmem_shared>> -> memref<64x128xf32, #tpu.memory_space<vmem_shared>>
      %dma_wait3A_467 = arith.constant 0 : i32
      %dma_wait3A_468 = arith.constant 0 : i32
      %dma_wait3A_469 = tpu.memref_slice %arg9[%dma_wait3A_467, %dma_wait3A_468] : memref<64x128xf32, #tpu.memory_space<vmem>> -> memref<64x128xf32, #tpu.memory_space<vmem>>
      tpu.wait_dma2 semaphore(%run_scoped3A : memref<!tpu.dma_semaphore, #tpu.memory_space<semaphore_mem>>) src(%dma_wait3A_469 : memref<64x128xf32, #tpu.memory_space<vmem>>) dst(%dma_wait3A_466 : memref<64x128xf32, #tpu.memory_space<vmem_shared>>)
      tpu.yield
    }) : () -> ()
    %add3A_31 = arith.constant 256 : i32
    %add3A_32 = arith.addi %mul3A_2, %add3A_31 : i32
    "tpu.region"() ({
      %run_scoped3A = tpu.sem_alloc : memref<!tpu.dma_semaphore, #tpu.memory_space<semaphore_mem>>
      %dma_start3A_450 = arith.constant 0 : i32
      %dma_start3A_451 = arith.constant 0 : i32
      %dma_start3A_452 = tpu.memref_slice %arg9[%dma_start3A_450, %dma_start3A_451] : memref<64x128xf32, #tpu.memory_space<vmem>> -> memref<64x128xf32, #tpu.memory_space<vmem>>
      %dma_start3A_453 = arith.constant 0 : i32
      %dma_start3A_454 = tpu.memref_slice %arg12[%add3A_32, %dma_start3A_453] : memref<10112x128xf32, #tpu.memory_space<vmem_shared>> -> memref<64x128xf32, #tpu.memory_space<vmem_shared>>
      %dma_start3A_455 = arith.constant 0 : i32
      %dma_start3A_456 = tpu.memref_slice %arg12[%add3A_32, %dma_start3A_455] : memref<10112x128xf32, #tpu.memory_space<vmem_shared>> -> memref<64x128xf32, #tpu.memory_space<vmem_shared>>
      %dma_start3A_457 = arith.constant 0 : i32
      %dma_start3A_458 = arith.constant 0 : i32
      %dma_start3A_459 = tpu.memref_slice %arg9[%dma_start3A_457, %dma_start3A_458] : memref<64x128xf32, #tpu.memory_space<vmem>> -> memref<64x128xf32, #tpu.memory_space<vmem>>
      tpu.enqueue_dma source(%dma_start3A_459 : memref<64x128xf32, #tpu.memory_space<vmem>>) target(%dma_start3A_456 : memref<64x128xf32, #tpu.memory_space<vmem_shared>>) target_semaphore(%run_scoped3A : memref<!tpu.dma_semaphore, #tpu.memory_space<semaphore_mem>>)
      %dma_wait3A_460 = arith.constant 0 : i32
      %dma_wait3A_461 = arith.constant 0 : i32
      %dma_wait3A_462 = tpu.memref_slice %arg9[%dma_wait3A_460, %dma_wait3A_461] : memref<64x128xf32, #tpu.memory_space<vmem>> -> memref<64x128xf32, #tpu.memory_space<vmem>>
      %dma_wait3A_463 = arith.constant 0 : i32
      %dma_wait3A_464 = tpu.memref_slice %arg12[%add3A_32, %dma_wait3A_463] : memref<10112x128xf32, #tpu.memory_space<vmem_shared>> -> memref<64x128xf32, #tpu.memory_space<vmem_shared>>
      %dma_wait3A_465 = arith.constant 0 : i32
      %dma_wait3A_466 = tpu.memref_slice %arg12[%add3A_32, %dma_wait3A_465] : memref<10112x128xf32, #tpu.memory_space<vmem_shared>> -> memref<64x128xf32, #tpu.memory_space<vmem_shared>>
      %dma_wait3A_467 = arith.constant 0 : i32
      %dma_wait3A_468 = arith.constant 0 : i32
      %dma_wait3A_469 = tpu.memref_slice %arg9[%dma_wait3A_467, %dma_wait3A_468] : memref<64x128xf32, #tpu.memory_space<vmem>> -> memref<64x128xf32, #tpu.memory_space<vmem>>
      tpu.wait_dma2 semaphore(%run_scoped3A : memref<!tpu.dma_semaphore, #tpu.memory_space<semaphore_mem>>) src(%dma_wait3A_469 : memref<64x128xf32, #tpu.memory_space<vmem>>) dst(%dma_wait3A_466 : memref<64x128xf32, #tpu.memory_space<vmem_shared>>)
      tpu.yield
    }) : () -> ()
    %add3A_33 = arith.constant 320 : i32
    %add3A_34 = arith.addi %mul3A_2, %add3A_33 : i32
    "tpu.region"() ({
      %run_scoped3A = tpu.sem_alloc : memref<!tpu.dma_semaphore, #tpu.memory_space<semaphore_mem>>
      %dma_start3A_450 = arith.constant 0 : i32
      %dma_start3A_451 = arith.constant 0 : i32
      %dma_start3A_452 = tpu.memref_slice %arg9[%dma_start3A_450, %dma_start3A_451] : memref<64x128xf32, #tpu.memory_space<vmem>> -> memref<64x128xf32, #tpu.memory_space<vmem>>
      %dma_start3A_453 = arith.constant 0 : i32
      %dma_start3A_454 = tpu.memref_slice %arg12[%add3A_34, %dma_start3A_453] : memref<10112x128xf32, #tpu.memory_space<vmem_shared>> -> memref<64x128xf32, #tpu.memory_space<vmem_shared>>
      %dma_start3A_455 = arith.constant 0 : i32
      %dma_start3A_456 = tpu.memref_slice %arg12[%add3A_34, %dma_start3A_455] : memref<10112x128xf32, #tpu.memory_space<vmem_shared>> -> memref<64x128xf32, #tpu.memory_space<vmem_shared>>
      %dma_start3A_457 = arith.constant 0 : i32
      %dma_start3A_458 = arith.constant 0 : i32
      %dma_start3A_459 = tpu.memref_slice %arg9[%dma_start3A_457, %dma_start3A_458] : memref<64x128xf32, #tpu.memory_space<vmem>> -> memref<64x128xf32, #tpu.memory_space<vmem>>
      tpu.enqueue_dma source(%dma_start3A_459 : memref<64x128xf32, #tpu.memory_space<vmem>>) target(%dma_start3A_456 : memref<64x128xf32, #tpu.memory_space<vmem_shared>>) target_semaphore(%run_scoped3A : memref<!tpu.dma_semaphore, #tpu.memory_space<semaphore_mem>>)
      %dma_wait3A_460 = arith.constant 0 : i32
      %dma_wait3A_461 = arith.constant 0 : i32
      %dma_wait3A_462 = tpu.memref_slice %arg9[%dma_wait3A_460, %dma_wait3A_461] : memref<64x128xf32, #tpu.memory_space<vmem>> -> memref<64x128xf32, #tpu.memory_space<vmem>>
      %dma_wait3A_463 = arith.constant 0 : i32
      %dma_wait3A_464 = tpu.memref_slice %arg12[%add3A_34, %dma_wait3A_463] : memref<10112x128xf32, #tpu.memory_space<vmem_shared>> -> memref<64x128xf32, #tpu.memory_space<vmem_shared>>
      %dma_wait3A_465 = arith.constant 0 : i32
      %dma_wait3A_466 = tpu.memref_slice %arg12[%add3A_34, %dma_wait3A_465] : memref<10112x128xf32, #tpu.memory_space<vmem_shared>> -> memref<64x128xf32, #tpu.memory_space<vmem_shared>>
      %dma_wait3A_467 = arith.constant 0 : i32
      %dma_wait3A_468 = arith.constant 0 : i32
      %dma_wait3A_469 = tpu.memref_slice %arg9[%dma_wait3A_467, %dma_wait3A_468] : memref<64x128xf32, #tpu.memory_space<vmem>> -> memref<64x128xf32, #tpu.memory_space<vmem>>
      tpu.wait_dma2 semaphore(%run_scoped3A : memref<!tpu.dma_semaphore, #tpu.memory_space<semaphore_mem>>) src(%dma_wait3A_469 : memref<64x128xf32, #tpu.memory_space<vmem>>) dst(%dma_wait3A_466 : memref<64x128xf32, #tpu.memory_space<vmem_shared>>)
      tpu.yield
    }) : () -> ()
    %add3A_35 = arith.constant 384 : i32
    %add3A_36 = arith.addi %mul3A_2, %add3A_35 : i32
    "tpu.region"() ({
      %run_scoped3A = tpu.sem_alloc : memref<!tpu.dma_semaphore, #tpu.memory_space<semaphore_mem>>
      %dma_start3A_450 = arith.constant 0 : i32
      %dma_start3A_451 = arith.constant 0 : i32
      %dma_start3A_452 = tpu.memref_slice %arg9[%dma_start3A_450, %dma_start3A_451] : memref<64x128xf32, #tpu.memory_space<vmem>> -> memref<64x128xf32, #tpu.memory_space<vmem>>
      %dma_start3A_453 = arith.constant 0 : i32
      %dma_start3A_454 = tpu.memref_slice %arg12[%add3A_36, %dma_start3A_453] : memref<10112x128xf32, #tpu.memory_space<vmem_shared>> -> memref<64x128xf32, #tpu.memory_space<vmem_shared>>
      %dma_start3A_455 = arith.constant 0 : i32
      %dma_start3A_456 = tpu.memref_slice %arg12[%add3A_36, %dma_start3A_455] : memref<10112x128xf32, #tpu.memory_space<vmem_shared>> -> memref<64x128xf32, #tpu.memory_space<vmem_shared>>
      %dma_start3A_457 = arith.constant 0 : i32
      %dma_start3A_458 = arith.constant 0 : i32
      %dma_start3A_459 = tpu.memref_slice %arg9[%dma_start3A_457, %dma_start3A_458] : memref<64x128xf32, #tpu.memory_space<vmem>> -> memref<64x128xf32, #tpu.memory_space<vmem>>
      tpu.enqueue_dma source(%dma_start3A_459 : memref<64x128xf32, #tpu.memory_space<vmem>>) target(%dma_start3A_456 : memref<64x128xf32, #tpu.memory_space<vmem_shared>>) target_semaphore(%run_scoped3A : memref<!tpu.dma_semaphore, #tpu.memory_space<semaphore_mem>>)
      %dma_wait3A_460 = arith.constant 0 : i32
      %dma_wait3A_461 = arith.constant 0 : i32
      %dma_wait3A_462 = tpu.memref_slice %arg9[%dma_wait3A_460, %dma_wait3A_461] : memref<64x128xf32, #tpu.memory_space<vmem>> -> memref<64x128xf32, #tpu.memory_space<vmem>>
      %dma_wait3A_463 = arith.constant 0 : i32
      %dma_wait3A_464 = tpu.memref_slice %arg12[%add3A_36, %dma_wait3A_463] : memref<10112x128xf32, #tpu.memory_space<vmem_shared>> -> memref<64x128xf32, #tpu.memory_space<vmem_shared>>
      %dma_wait3A_465 = arith.constant 0 : i32
      %dma_wait3A_466 = tpu.memref_slice %arg12[%add3A_36, %dma_wait3A_465] : memref<10112x128xf32, #tpu.memory_space<vmem_shared>> -> memref<64x128xf32, #tpu.memory_space<vmem_shared>>
      %dma_wait3A_467 = arith.constant 0 : i32
      %dma_wait3A_468 = arith.constant 0 : i32
      %dma_wait3A_469 = tpu.memref_slice %arg9[%dma_wait3A_467, %dma_wait3A_468] : memref<64x128xf32, #tpu.memory_space<vmem>> -> memref<64x128xf32, #tpu.memory_space<vmem>>
      tpu.wait_dma2 semaphore(%run_scoped3A : memref<!tpu.dma_semaphore, #tpu.memory_space<semaphore_mem>>) src(%dma_wait3A_469 : memref<64x128xf32, #tpu.memory_space<vmem>>) dst(%dma_wait3A_466 : memref<64x128xf32, #tpu.memory_space<vmem_shared>>)
      tpu.yield
    }) : () -> ()
    %add3A_37 = arith.constant 448 : i32
    %add3A_38 = arith.addi %mul3A_2, %add3A_37 : i32
    "tpu.region"() ({
      %run_scoped3A = tpu.sem_alloc : memref<!tpu.dma_semaphore, #tpu.memory_space<semaphore_mem>>
      %dma_start3A_450 = arith.constant 0 : i32
      %dma_start3A_451 = arith.constant 0 : i32
      %dma_start3A_452 = tpu.memref_slice %arg9[%dma_start3A_450, %dma_start3A_451] : memref<64x128xf32, #tpu.memory_space<vmem>> -> memref<64x128xf32, #tpu.memory_space<vmem>>
      %dma_start3A_453 = arith.constant 0 : i32
      %dma_start3A_454 = tpu.memref_slice %arg12[%add3A_38, %dma_start3A_453] : memref<10112x128xf32, #tpu.memory_space<vmem_shared>> -> memref<64x128xf32, #tpu.memory_space<vmem_shared>>
      %dma_start3A_455 = arith.constant 0 : i32
      %dma_start3A_456 = tpu.memref_slice %arg12[%add3A_38, %dma_start3A_455] : memref<10112x128xf32, #tpu.memory_space<vmem_shared>> -> memref<64x128xf32, #tpu.memory_space<vmem_shared>>
      %dma_start3A_457 = arith.constant 0 : i32
      %dma_start3A_458 = arith.constant 0 : i32
      %dma_start3A_459 = tpu.memref_slice %arg9[%dma_start3A_457, %dma_start3A_458] : memref<64x128xf32, #tpu.memory_space<vmem>> -> memref<64x128xf32, #tpu.memory_space<vmem>>
      tpu.enqueue_dma source(%dma_start3A_459 : memref<64x128xf32, #tpu.memory_space<vmem>>) target(%dma_start3A_456 : memref<64x128xf32, #tpu.memory_space<vmem_shared>>) target_semaphore(%run_scoped3A : memref<!tpu.dma_semaphore, #tpu.memory_space<semaphore_mem>>)
      %dma_wait3A_460 = arith.constant 0 : i32
      %dma_wait3A_461 = arith.constant 0 : i32
      %dma_wait3A_462 = tpu.memref_slice %arg9[%dma_wait3A_460, %dma_wait3A_461] : memref<64x128xf32, #tpu.memory_space<vmem>> -> memref<64x128xf32, #tpu.memory_space<vmem>>
      %dma_wait3A_463 = arith.constant 0 : i32
      %dma_wait3A_464 = tpu.memref_slice %arg12[%add3A_38, %dma_wait3A_463] : memref<10112x128xf32, #tpu.memory_space<vmem_shared>> -> memref<64x128xf32, #tpu.memory_space<vmem_shared>>
      %dma_wait3A_465 = arith.constant 0 : i32
      %dma_wait3A_466 = tpu.memref_slice %arg12[%add3A_38, %dma_wait3A_465] : memref<10112x128xf32, #tpu.memory_space<vmem_shared>> -> memref<64x128xf32, #tpu.memory_space<vmem_shared>>
      %dma_wait3A_467 = arith.constant 0 : i32
      %dma_wait3A_468 = arith.constant 0 : i32
      %dma_wait3A_469 = tpu.memref_slice %arg9[%dma_wait3A_467, %dma_wait3A_468] : memref<64x128xf32, #tpu.memory_space<vmem>> -> memref<64x128xf32, #tpu.memory_space<vmem>>
      tpu.wait_dma2 semaphore(%run_scoped3A : memref<!tpu.dma_semaphore, #tpu.memory_space<semaphore_mem>>) src(%dma_wait3A_469 : memref<64x128xf32, #tpu.memory_space<vmem>>) dst(%dma_wait3A_466 : memref<64x128xf32, #tpu.memory_space<vmem_shared>>)
      tpu.yield
    }) : () -> ()
    %add3A_39 = arith.constant 512 : i32
    %add3A_40 = arith.addi %mul3A_2, %add3A_39 : i32
    "tpu.region"() ({
      %run_scoped3A = tpu.sem_alloc : memref<!tpu.dma_semaphore, #tpu.memory_space<semaphore_mem>>
      %dma_start3A_450 = arith.constant 0 : i32
      %dma_start3A_451 = arith.constant 0 : i32
      %dma_start3A_452 = tpu.memref_slice %arg9[%dma_start3A_450, %dma_start3A_451] : memref<64x128xf32, #tpu.memory_space<vmem>> -> memref<64x128xf32, #tpu.memory_space<vmem>>
      %dma_start3A_453 = arith.constant 0 : i32
      %dma_start3A_454 = tpu.memref_slice %arg12[%add3A_40, %dma_start3A_453] : memref<10112x128xf32, #tpu.memory_space<vmem_shared>> -> memref<64x128xf32, #tpu.memory_space<vmem_shared>>
      %dma_start3A_455 = arith.constant 0 : i32
      %dma_start3A_456 = tpu.memref_slice %arg12[%add3A_40, %dma_start3A_455] : memref<10112x128xf32, #tpu.memory_space<vmem_shared>> -> memref<64x128xf32, #tpu.memory_space<vmem_shared>>
      %dma_start3A_457 = arith.constant 0 : i32
      %dma_start3A_458 = arith.constant 0 : i32
      %dma_start3A_459 = tpu.memref_slice %arg9[%dma_start3A_457, %dma_start3A_458] : memref<64x128xf32, #tpu.memory_space<vmem>> -> memref<64x128xf32, #tpu.memory_space<vmem>>
      tpu.enqueue_dma source(%dma_start3A_459 : memref<64x128xf32, #tpu.memory_space<vmem>>) target(%dma_start3A_456 : memref<64x128xf32, #tpu.memory_space<vmem_shared>>) target_semaphore(%run_scoped3A : memref<!tpu.dma_semaphore, #tpu.memory_space<semaphore_mem>>)
      %dma_wait3A_460 = arith.constant 0 : i32
      %dma_wait3A_461 = arith.constant 0 : i32
      %dma_wait3A_462 = tpu.memref_slice %arg9[%dma_wait3A_460, %dma_wait3A_461] : memref<64x128xf32, #tpu.memory_space<vmem>> -> memref<64x128xf32, #tpu.memory_space<vmem>>
      %dma_wait3A_463 = arith.constant 0 : i32
      %dma_wait3A_464 = tpu.memref_slice %arg12[%add3A_40, %dma_wait3A_463] : memref<10112x128xf32, #tpu.memory_space<vmem_shared>> -> memref<64x128xf32, #tpu.memory_space<vmem_shared>>
      %dma_wait3A_465 = arith.constant 0 : i32
      %dma_wait3A_466 = tpu.memref_slice %arg12[%add3A_40, %dma_wait3A_465] : memref<10112x128xf32, #tpu.memory_space<vmem_shared>> -> memref<64x128xf32, #tpu.memory_space<vmem_shared>>
      %dma_wait3A_467 = arith.constant 0 : i32
      %dma_wait3A_468 = arith.constant 0 : i32
      %dma_wait3A_469 = tpu.memref_slice %arg9[%dma_wait3A_467, %dma_wait3A_468] : memref<64x128xf32, #tpu.memory_space<vmem>> -> memref<64x128xf32, #tpu.memory_space<vmem>>
      tpu.wait_dma2 semaphore(%run_scoped3A : memref<!tpu.dma_semaphore, #tpu.memory_space<semaphore_mem>>) src(%dma_wait3A_469 : memref<64x128xf32, #tpu.memory_space<vmem>>) dst(%dma_wait3A_466 : memref<64x128xf32, #tpu.memory_space<vmem_shared>>)
      tpu.yield
    }) : () -> ()
    %add3A_41 = arith.constant 576 : i32
    %add3A_42 = arith.addi %mul3A_2, %add3A_41 : i32
    "tpu.region"() ({
      %run_scoped3A = tpu.sem_alloc : memref<!tpu.dma_semaphore, #tpu.memory_space<semaphore_mem>>
      %dma_start3A_450 = arith.constant 0 : i32
      %dma_start3A_451 = arith.constant 0 : i32
      %dma_start3A_452 = tpu.memref_slice %arg9[%dma_start3A_450, %dma_start3A_451] : memref<64x128xf32, #tpu.memory_space<vmem>> -> memref<56x128xf32, #tpu.memory_space<vmem>>
      %dma_start3A_453 = arith.constant 0 : i32
      %dma_start3A_454 = tpu.memref_slice %arg12[%add3A_42, %dma_start3A_453] : memref<10112x128xf32, #tpu.memory_space<vmem_shared>> -> memref<56x128xf32, #tpu.memory_space<vmem_shared>>
      %dma_start3A_455 = arith.constant 0 : i32
      %dma_start3A_456 = tpu.memref_slice %arg12[%add3A_42, %dma_start3A_455] : memref<10112x128xf32, #tpu.memory_space<vmem_shared>> -> memref<56x128xf32, #tpu.memory_space<vmem_shared>>
      %dma_start3A_457 = arith.constant 0 : i32
      %dma_start3A_458 = arith.constant 0 : i32
      %dma_start3A_459 = tpu.memref_slice %arg9[%dma_start3A_457, %dma_start3A_458] : memref<64x128xf32, #tpu.memory_space<vmem>> -> memref<56x128xf32, #tpu.memory_space<vmem>>
      tpu.enqueue_dma source(%dma_start3A_459 : memref<56x128xf32, #tpu.memory_space<vmem>>) target(%dma_start3A_456 : memref<56x128xf32, #tpu.memory_space<vmem_shared>>) target_semaphore(%run_scoped3A : memref<!tpu.dma_semaphore, #tpu.memory_space<semaphore_mem>>)
      %dma_wait3A_460 = arith.constant 0 : i32
      %dma_wait3A_461 = arith.constant 0 : i32
      %dma_wait3A_462 = tpu.memref_slice %arg9[%dma_wait3A_460, %dma_wait3A_461] : memref<64x128xf32, #tpu.memory_space<vmem>> -> memref<56x128xf32, #tpu.memory_space<vmem>>
      %dma_wait3A_463 = arith.constant 0 : i32
      %dma_wait3A_464 = tpu.memref_slice %arg12[%add3A_42, %dma_wait3A_463] : memref<10112x128xf32, #tpu.memory_space<vmem_shared>> -> memref<56x128xf32, #tpu.memory_space<vmem_shared>>
      %dma_wait3A_465 = arith.constant 0 : i32
      %dma_wait3A_466 = tpu.memref_slice %arg12[%add3A_42, %dma_wait3A_465] : memref<10112x128xf32, #tpu.memory_space<vmem_shared>> -> memref<56x128xf32, #tpu.memory_space<vmem_shared>>
      %dma_wait3A_467 = arith.constant 0 : i32
      %dma_wait3A_468 = arith.constant 0 : i32
      %dma_wait3A_469 = tpu.memref_slice %arg9[%dma_wait3A_467, %dma_wait3A_468] : memref<64x128xf32, #tpu.memory_space<vmem>> -> memref<56x128xf32, #tpu.memory_space<vmem>>
      tpu.wait_dma2 semaphore(%run_scoped3A : memref<!tpu.dma_semaphore, #tpu.memory_space<semaphore_mem>>) src(%dma_wait3A_469 : memref<56x128xf32, #tpu.memory_space<vmem>>) dst(%dma_wait3A_466 : memref<56x128xf32, #tpu.memory_space<vmem_shared>>)
      tpu.yield
    }) : () -> ()
    %barrier3A = arith.constant 0 : index
    tpu.barrier barrier_id(%barrier3A)
    %broadcast_in_dim3A = arith.constant 1.000000e+00 : f32
    %broadcast_in_dim3A_43 = vector.broadcast %broadcast_in_dim3A : f32 to vector<16xf32>
    %scan3A_44 = arith.constant 0 : i32
    %scan3A_45 = arith.constant 0 : i32
    %scan3A_46 = arith.constant 10 : i32
    %scan3A_47 = arith.addi %scan3A_45, %scan3A_46 : i32
    %scan3A_48 = arith.constant 1 : i32
    %scan3A_49 = scf.for %scan3A_450 = %scan3A_45 to %scan3A_47 step %scan3A_48 iter_args(%scan3A_451 = %scan3A_44) -> (i32)  : i32 {
      %mul3A_452 = arith.constant 160 : i32
      %mul3A_453 = arith.muli %add3A, %mul3A_452 : i32
      %mul3A_454 = arith.constant 16 : i32
      %mul3A_455 = arith.muli %scan3A_450, %mul3A_454 : i32
      %add3A_456 = arith.addi %mul3A_453, %mul3A_455 : i32
      "tpu.region"() ({
        %run_scoped3A = tpu.sem_alloc : memref<!tpu.dma_semaphore, #tpu.memory_space<semaphore_mem>>
        %dma_start3A_1161 = arith.constant 0 : i32
        %dma_start3A_1162 = tpu.memref_slice %arg3[%add3A_456, %dma_start3A_1161] : memref<5120x64xi32, #tpu.memory_space<hbm>> -> memref<16x64xi32, #tpu.memory_space<hbm>>
        %dma_start3A_1163 = arith.constant 0 : i32
        %dma_start3A_1164 = tpu.memref_slice %arg3[%add3A_456, %dma_start3A_1163] : memref<5120x64xi32, #tpu.memory_space<hbm>> -> memref<16x64xi32, #tpu.memory_space<hbm>>
        tpu.enqueue_dma source(%dma_start3A_1164 : memref<16x64xi32, #tpu.memory_space<hbm>>) target(%arg7 : memref<16x64xi32, #tpu.memory_space<vmem>>) target_semaphore(%run_scoped3A : memref<!tpu.dma_semaphore, #tpu.memory_space<semaphore_mem>>)
        %dma_wait3A_1165 = arith.constant 0 : i32
        %dma_wait3A_1166 = tpu.memref_slice %arg3[%add3A_456, %dma_wait3A_1165] : memref<5120x64xi32, #tpu.memory_space<hbm>> -> memref<16x64xi32, #tpu.memory_space<hbm>>
        %dma_wait3A_1167 = arith.constant 0 : i32
        %dma_wait3A_1168 = tpu.memref_slice %arg3[%add3A_456, %dma_wait3A_1167] : memref<5120x64xi32, #tpu.memory_space<hbm>> -> memref<16x64xi32, #tpu.memory_space<hbm>>
        tpu.wait_dma2 semaphore(%run_scoped3A : memref<!tpu.dma_semaphore, #tpu.memory_space<semaphore_mem>>) src(%dma_wait3A_1168 : memref<16x64xi32, #tpu.memory_space<hbm>>) dst(%arg7 : memref<16x64xi32, #tpu.memory_space<vmem>>)
        tpu.yield
      }) : () -> ()
      "tpu.region"() ({
        %run_scoped3A = tpu.sem_alloc : memref<!tpu.dma_semaphore, #tpu.memory_space<semaphore_mem>>
        %dma_start3A_1161 = arith.constant 0 : i32
        %dma_start3A_1162 = tpu.memref_slice %arg4[%add3A_456, %dma_start3A_1161] : memref<5120x64xi32, #tpu.memory_space<hbm>> -> memref<16x64xi32, #tpu.memory_space<hbm>>
        %dma_start3A_1163 = arith.constant 0 : i32
        %dma_start3A_1164 = tpu.memref_slice %arg4[%add3A_456, %dma_start3A_1163] : memref<5120x64xi32, #tpu.memory_space<hbm>> -> memref<16x64xi32, #tpu.memory_space<hbm>>
        tpu.enqueue_dma source(%dma_start3A_1164 : memref<16x64xi32, #tpu.memory_space<hbm>>) target(%arg8 : memref<16x64xi32, #tpu.memory_space<vmem>>) target_semaphore(%run_scoped3A : memref<!tpu.dma_semaphore, #tpu.memory_space<semaphore_mem>>)
        %dma_wait3A_1165 = arith.constant 0 : i32
        %dma_wait3A_1166 = tpu.memref_slice %arg4[%add3A_456, %dma_wait3A_1165] : memref<5120x64xi32, #tpu.memory_space<hbm>> -> memref<16x64xi32, #tpu.memory_space<hbm>>
        %dma_wait3A_1167 = arith.constant 0 : i32
        %dma_wait3A_1168 = tpu.memref_slice %arg4[%add3A_456, %dma_wait3A_1167] : memref<5120x64xi32, #tpu.memory_space<hbm>> -> memref<16x64xi32, #tpu.memory_space<hbm>>
        tpu.wait_dma2 semaphore(%run_scoped3A : memref<!tpu.dma_semaphore, #tpu.memory_space<semaphore_mem>>) src(%dma_wait3A_1168 : memref<16x64xi32, #tpu.memory_space<hbm>>) dst(%arg8 : memref<16x64xi32, #tpu.memory_space<vmem>>)
        tpu.yield
      }) : () -> ()
      %dma_start3A_457 = arith.constant 0 : i32
      %dma_start3A_458 = arith.constant 0 : i32
      %dma_start3A_459 = tpu.memref_slice %arg7[%dma_start3A_457, %dma_start3A_458] : memref<16x64xi32, #tpu.memory_space<vmem>> -> memref<1x64xi32, #tpu.memory_space<vmem>>
      %dma_start3A_460 = tpu.memref_squeeze %dma_start3A_459 : memref<1x64xi32, #tpu.memory_space<vmem>> -> memref<64xi32, #tpu.memory_space<vmem>>
      %dma_start3A_461 = arith.constant 0 : i32
      %dma_start3A_462 = arith.constant 0 : i32
      %dma_start3A_463 = tpu.memref_slice %arg2[%dma_start3A_461, %dma_start3A_462] : memref<10000x128xf32, #tpu.memory_space<hbm>> -> memref<10000x128xf32, #tpu.memory_space<hbm>>
      tpu.enqueue_indirect_dma source(%dma_start3A_463 : memref<10000x128xf32, #tpu.memory_space<hbm>>) target(%arg9 : memref<64x128xf32, #tpu.memory_space<vmem>>) offsets(%dma_start3A_460 : memref<64xi32, #tpu.memory_space<vmem>>) semaphore(%arg13 : memref<!tpu.dma_semaphore, #tpu.memory_space<semaphore_mem>>)
      %dma_start3A_464 = arith.constant 1 : i32
      %dma_start3A_465 = arith.constant 0 : i32
      %dma_start3A_466 = tpu.memref_slice %arg7[%dma_start3A_464, %dma_start3A_465] : memref<16x64xi32, #tpu.memory_space<vmem>> -> memref<1x64xi32, #tpu.memory_space<vmem>>
      %dma_start3A_467 = tpu.memref_squeeze %dma_start3A_466 : memref<1x64xi32, #tpu.memory_space<vmem>> -> memref<64xi32, #tpu.memory_space<vmem>>
      %dma_start3A_468 = arith.constant 0 : i32
      %dma_start3A_469 = arith.constant 0 : i32
      %dma_start3A_470 = tpu.memref_slice %arg2[%dma_start3A_468, %dma_start3A_469] : memref<10000x128xf32, #tpu.memory_space<hbm>> -> memref<10000x128xf32, #tpu.memory_space<hbm>>
      tpu.enqueue_indirect_dma source(%dma_start3A_470 : memref<10000x128xf32, #tpu.memory_space<hbm>>) target(%arg10 : memref<64x128xf32, #tpu.memory_space<vmem>>) offsets(%dma_start3A_467 : memref<64xi32, #tpu.memory_space<vmem>>) semaphore(%arg14 : memref<!tpu.dma_semaphore, #tpu.memory_space<semaphore_mem>>)
      %dma_wait3A_471 = arith.constant 0 : i32
      %dma_wait3A_472 = arith.constant 0 : i32
      %dma_wait3A_473 = tpu.memref_slice %arg7[%dma_wait3A_471, %dma_wait3A_472] : memref<16x64xi32, #tpu.memory_space<vmem>> -> memref<1x64xi32, #tpu.memory_space<vmem>>
      %dma_wait3A_474 = tpu.memref_squeeze %dma_wait3A_473 : memref<1x64xi32, #tpu.memory_space<vmem>> -> memref<64xi32, #tpu.memory_space<vmem>>
      %dma_wait3A_475 = arith.constant 0 : i32
      %dma_wait3A_476 = arith.constant 0 : i32
      %dma_wait3A_477 = tpu.memref_slice %arg2[%dma_wait3A_475, %dma_wait3A_476] : memref<10000x128xf32, #tpu.memory_space<hbm>> -> memref<10000x128xf32, #tpu.memory_space<hbm>>
      tpu.wait_indirect_dma semaphore(%arg13 : memref<!tpu.dma_semaphore, #tpu.memory_space<semaphore_mem>>) src(%dma_wait3A_477 : memref<10000x128xf32, #tpu.memory_space<hbm>>) dst(%arg9 : memref<64x128xf32, #tpu.memory_space<vmem>>)
      %dma_start3A_478 = arith.constant 0 : i32
      %dma_start3A_479 = arith.constant 0 : i32
      %dma_start3A_480 = tpu.memref_slice %arg8[%dma_start3A_478, %dma_start3A_479] : memref<16x64xi32, #tpu.memory_space<vmem>> -> memref<1x64xi32, #tpu.memory_space<vmem>>
      %dma_start3A_481 = tpu.memref_squeeze %dma_start3A_480 : memref<1x64xi32, #tpu.memory_space<vmem>> -> memref<64xi32, #tpu.memory_space<vmem>>
      %dma_start3A_482 = arith.constant 0 : i32
      %dma_start3A_483 = arith.constant 0 : i32
      %dma_start3A_484 = tpu.memref_slice %arg12[%dma_start3A_482, %dma_start3A_483] : memref<10112x128xf32, #tpu.memory_space<vmem_shared>> -> memref<10112x128xf32, #tpu.memory_space<vmem_shared>>
      tpu.enqueue_indirect_dma source(%arg9 : memref<64x128xf32, #tpu.memory_space<vmem>>) target(%dma_start3A_484 : memref<10112x128xf32, #tpu.memory_space<vmem_shared>>) offsets(%dma_start3A_481 : memref<64xi32, #tpu.memory_space<vmem>>) semaphore(%arg15 : memref<!tpu.dma_semaphore, #tpu.memory_space<semaphore_mem>>) {add = true}
      %get3A = arith.constant 0 : i32
      %get3A_485 = arith.index_cast %get3A : i32 to index
      %get3A_486 = arith.constant 0 : index
      %get3A_487 = tpu.vector_load %arg8[%get3A_485, %get3A_486] {strides = array<i32>} : memref<16x64xi32, #tpu.memory_space<vmem>>, vector<16xi32>,
      tpu.vector_store_idx %arg11[%get3A_487], %broadcast_in_dim3A_43 {add = true} : memref<10112xf32, #tpu.memory_space<vmem>>[vector<16xi32>], vector<16xf32>,
      %get3A_488 = arith.constant 0 : i32
      %get3A_489 = arith.index_cast %get3A_488 : i32 to index
      %get3A_490 = arith.constant 16 : index
      %get3A_491 = tpu.vector_load %arg8[%get3A_489, %get3A_490] {strides = array<i32>} : memref<16x64xi32, #tpu.memory_space<vmem>>, vector<16xi32>,
      tpu.vector_store_idx %arg11[%get3A_491], %broadcast_in_dim3A_43 {add = true} : memref<10112xf32, #tpu.memory_space<vmem>>[vector<16xi32>], vector<16xf32>,
      %get3A_492 = arith.constant 0 : i32
      %get3A_493 = arith.index_cast %get3A_492 : i32 to index
      %get3A_494 = arith.constant 32 : index
      %get3A_495 = tpu.vector_load %arg8[%get3A_493, %get3A_494] {strides = array<i32>} : memref<16x64xi32, #tpu.memory_space<vmem>>, vector<16xi32>,
      tpu.vector_store_idx %arg11[%get3A_495], %broadcast_in_dim3A_43 {add = true} : memref<10112xf32, #tpu.memory_space<vmem>>[vector<16xi32>], vector<16xf32>,
      %get3A_496 = arith.constant 0 : i32
      %get3A_497 = arith.index_cast %get3A_496 : i32 to index
      %get3A_498 = arith.constant 48 : index
      %get3A_499 = tpu.vector_load %arg8[%get3A_497, %get3A_498] {strides = array<i32>} : memref<16x64xi32, #tpu.memory_space<vmem>>, vector<16xi32>,
      tpu.vector_store_idx %arg11[%get3A_499], %broadcast_in_dim3A_43 {add = true} : memref<10112xf32, #tpu.memory_space<vmem>>[vector<16xi32>], vector<16xf32>,
      %dma_wait3A_500 = arith.constant 0 : i32
      %dma_wait3A_501 = arith.constant 0 : i32
      %dma_wait3A_502 = tpu.memref_slice %arg8[%dma_wait3A_500, %dma_wait3A_501] : memref<16x64xi32, #tpu.memory_space<vmem>> -> memref<1x64xi32, #tpu.memory_space<vmem>>
      %dma_wait3A_503 = tpu.memref_squeeze %dma_wait3A_502 : memref<1x64xi32, #tpu.memory_space<vmem>> -> memref<64xi32, #tpu.memory_space<vmem>>
      %dma_wait3A_504 = arith.constant 0 : i32
      %dma_wait3A_505 = arith.constant 0 : i32
      %dma_wait3A_506 = tpu.memref_slice %arg12[%dma_wait3A_504, %dma_wait3A_505] : memref<10112x128xf32, #tpu.memory_space<vmem_shared>> -> memref<10112x128xf32, #tpu.memory_space<vmem_shared>>
      tpu.wait_indirect_dma semaphore(%arg15 : memref<!tpu.dma_semaphore, #tpu.memory_space<semaphore_mem>>) src(%arg9 : memref<64x128xf32, #tpu.memory_space<vmem>>) dst(%dma_wait3A_506 : memref<10112x128xf32, #tpu.memory_space<vmem_shared>>)
      %dma_start3A_507 = arith.constant 2 : i32
      %dma_start3A_508 = arith.constant 0 : i32
      %dma_start3A_509 = tpu.memref_slice %arg7[%dma_start3A_507, %dma_start3A_508] : memref<16x64xi32, #tpu.memory_space<vmem>> -> memref<1x64xi32, #tpu.memory_space<vmem>>
      %dma_start3A_510 = tpu.memref_squeeze %dma_start3A_509 : memref<1x64xi32, #tpu.memory_space<vmem>> -> memref<64xi32, #tpu.memory_space<vmem>>
      %dma_start3A_511 = arith.constant 0 : i32
      %dma_start3A_512 = arith.constant 0 : i32
      %dma_start3A_513 = tpu.memref_slice %arg2[%dma_start3A_511, %dma_start3A_512] : memref<10000x128xf32, #tpu.memory_space<hbm>> -> memref<10000x128xf32, #tpu.memory_space<hbm>>
      tpu.enqueue_indirect_dma source(%dma_start3A_513 : memref<10000x128xf32, #tpu.memory_space<hbm>>) target(%arg9 : memref<64x128xf32, #tpu.memory_space<vmem>>) offsets(%dma_start3A_510 : memref<64xi32, #tpu.memory_space<vmem>>) semaphore(%arg13 : memref<!tpu.dma_semaphore, #tpu.memory_space<semaphore_mem>>)
      %dma_wait3A_514 = arith.constant 1 : i32
      %dma_wait3A_515 = arith.constant 0 : i32
      %dma_wait3A_516 = tpu.memref_slice %arg7[%dma_wait3A_514, %dma_wait3A_515] : memref<16x64xi32, #tpu.memory_space<vmem>> -> memref<1x64xi32, #tpu.memory_space<vmem>>
      %dma_wait3A_517 = tpu.memref_squeeze %dma_wait3A_516 : memref<1x64xi32, #tpu.memory_space<vmem>> -> memref<64xi32, #tpu.memory_space<vmem>>
      %dma_wait3A_518 = arith.constant 0 : i32
      %dma_wait3A_519 = arith.constant 0 : i32
      %dma_wait3A_520 = tpu.memref_slice %arg2[%dma_wait3A_518, %dma_wait3A_519] : memref<10000x128xf32, #tpu.memory_space<hbm>> -> memref<10000x128xf32, #tpu.memory_space<hbm>>
      tpu.wait_indirect_dma semaphore(%arg14 : memref<!tpu.dma_semaphore, #tpu.memory_space<semaphore_mem>>) src(%dma_wait3A_520 : memref<10000x128xf32, #tpu.memory_space<hbm>>) dst(%arg10 : memref<64x128xf32, #tpu.memory_space<vmem>>)
      %dma_start3A_521 = arith.constant 1 : i32
      %dma_start3A_522 = arith.constant 0 : i32
      %dma_start3A_523 = tpu.memref_slice %arg8[%dma_start3A_521, %dma_start3A_522] : memref<16x64xi32, #tpu.memory_space<vmem>> -> memref<1x64xi32, #tpu.memory_space<vmem>>
      %dma_start3A_524 = tpu.memref_squeeze %dma_start3A_523 : memref<1x64xi32, #tpu.memory_space<vmem>> -> memref<64xi32, #tpu.memory_space<vmem>>
      %dma_start3A_525 = arith.constant 0 : i32
      %dma_start3A_526 = arith.constant 0 : i32
      %dma_start3A_527 = tpu.memref_slice %arg12[%dma_start3A_525, %dma_start3A_526] : memref<10112x128xf32, #tpu.memory_space<vmem_shared>> -> memref<10112x128xf32, #tpu.memory_space<vmem_shared>>
      tpu.enqueue_indirect_dma source(%arg10 : memref<64x128xf32, #tpu.memory_space<vmem>>) target(%dma_start3A_527 : memref<10112x128xf32, #tpu.memory_space<vmem_shared>>) offsets(%dma_start3A_524 : memref<64xi32, #tpu.memory_space<vmem>>) semaphore(%arg16 : memref<!tpu.dma_semaphore, #tpu.memory_space<semaphore_mem>>) {add = true}
      %get3A_528 = arith.constant 1 : i32
      %get3A_529 = arith.index_cast %get3A_528 : i32 to index
      %get3A_530 = arith.constant 0 : index
      %get3A_531 = tpu.vector_load %arg8[%get3A_529, %get3A_530] {strides = array<i32>} : memref<16x64xi32, #tpu.memory_space<vmem>>, vector<16xi32>,
      tpu.vector_store_idx %arg11[%get3A_531], %broadcast_in_dim3A_43 {add = true} : memref<10112xf32, #tpu.memory_space<vmem>>[vector<16xi32>], vector<16xf32>,
      %get3A_532 = arith.constant 1 : i32
      %get3A_533 = arith.index_cast %get3A_532 : i32 to index
      %get3A_534 = arith.constant 16 : index
      %get3A_535 = tpu.vector_load %arg8[%get3A_533, %get3A_534] {strides = array<i32>} : memref<16x64xi32, #tpu.memory_space<vmem>>, vector<16xi32>,
      tpu.vector_store_idx %arg11[%get3A_535], %broadcast_in_dim3A_43 {add = true} : memref<10112xf32, #tpu.memory_space<vmem>>[vector<16xi32>], vector<16xf32>,
      %get3A_536 = arith.constant 1 : i32
      %get3A_537 = arith.index_cast %get3A_536 : i32 to index
      %get3A_538 = arith.constant 32 : index
      %get3A_539 = tpu.vector_load %arg8[%get3A_537, %get3A_538] {strides = array<i32>} : memref<16x64xi32, #tpu.memory_space<vmem>>, vector<16xi32>,
      tpu.vector_store_idx %arg11[%get3A_539], %broadcast_in_dim3A_43 {add = true} : memref<10112xf32, #tpu.memory_space<vmem>>[vector<16xi32>], vector<16xf32>,
      %get3A_540 = arith.constant 1 : i32
      %get3A_541 = arith.index_cast %get3A_540 : i32 to index
      %get3A_542 = arith.constant 48 : index
      %get3A_543 = tpu.vector_load %arg8[%get3A_541, %get3A_542] {strides = array<i32>} : memref<16x64xi32, #tpu.memory_space<vmem>>, vector<16xi32>,
      tpu.vector_store_idx %arg11[%get3A_543], %broadcast_in_dim3A_43 {add = true} : memref<10112xf32, #tpu.memory_space<vmem>>[vector<16xi32>], vector<16xf32>,
      %dma_wait3A_544 = arith.constant 1 : i32
      %dma_wait3A_545 = arith.constant 0 : i32
      %dma_wait3A_546 = tpu.memref_slice %arg8[%dma_wait3A_544, %dma_wait3A_545] : memref<16x64xi32, #tpu.memory_space<vmem>> -> memref<1x64xi32, #tpu.memory_space<vmem>>
      %dma_wait3A_547 = tpu.memref_squeeze %dma_wait3A_546 : memref<1x64xi32, #tpu.memory_space<vmem>> -> memref<64xi32, #tpu.memory_space<vmem>>
      %dma_wait3A_548 = arith.constant 0 : i32
      %dma_wait3A_549 = arith.constant 0 : i32
      %dma_wait3A_550 = tpu.memref_slice %arg12[%dma_wait3A_548, %dma_wait3A_549] : memref<10112x128xf32, #tpu.memory_space<vmem_shared>> -> memref<10112x128xf32, #tpu.memory_space<vmem_shared>>
      tpu.wait_indirect_dma semaphore(%arg16 : memref<!tpu.dma_semaphore, #tpu.memory_space<semaphore_mem>>) src(%arg10 : memref<64x128xf32, #tpu.memory_space<vmem>>) dst(%dma_wait3A_550 : memref<10112x128xf32, #tpu.memory_space<vmem_shared>>)
      %dma_start3A_551 = arith.constant 3 : i32
      %dma_start3A_552 = arith.constant 0 : i32
      %dma_start3A_553 = tpu.memref_slice %arg7[%dma_start3A_551, %dma_start3A_552] : memref<16x64xi32, #tpu.memory_space<vmem>> -> memref<1x64xi32, #tpu.memory_space<vmem>>
      %dma_start3A_554 = tpu.memref_squeeze %dma_start3A_553 : memref<1x64xi32, #tpu.memory_space<vmem>> -> memref<64xi32, #tpu.memory_space<vmem>>
      %dma_start3A_555 = arith.constant 0 : i32
      %dma_start3A_556 = arith.constant 0 : i32
      %dma_start3A_557 = tpu.memref_slice %arg2[%dma_start3A_555, %dma_start3A_556] : memref<10000x128xf32, #tpu.memory_space<hbm>> -> memref<10000x128xf32, #tpu.memory_space<hbm>>
      tpu.enqueue_indirect_dma source(%dma_start3A_557 : memref<10000x128xf32, #tpu.memory_space<hbm>>) target(%arg10 : memref<64x128xf32, #tpu.memory_space<vmem>>) offsets(%dma_start3A_554 : memref<64xi32, #tpu.memory_space<vmem>>) semaphore(%arg14 : memref<!tpu.dma_semaphore, #tpu.memory_space<semaphore_mem>>)
      %dma_wait3A_558 = arith.constant 2 : i32
      %dma_wait3A_559 = arith.constant 0 : i32
      %dma_wait3A_560 = tpu.memref_slice %arg7[%dma_wait3A_558, %dma_wait3A_559] : memref<16x64xi32, #tpu.memory_space<vmem>> -> memref<1x64xi32, #tpu.memory_space<vmem>>
      %dma_wait3A_561 = tpu.memref_squeeze %dma_wait3A_560 : memref<1x64xi32, #tpu.memory_space<vmem>> -> memref<64xi32, #tpu.memory_space<vmem>>
      %dma_wait3A_562 = arith.constant 0 : i32
      %dma_wait3A_563 = arith.constant 0 : i32
      %dma_wait3A_564 = tpu.memref_slice %arg2[%dma_wait3A_562, %dma_wait3A_563] : memref<10000x128xf32, #tpu.memory_space<hbm>> -> memref<10000x128xf32, #tpu.memory_space<hbm>>
      tpu.wait_indirect_dma semaphore(%arg13 : memref<!tpu.dma_semaphore, #tpu.memory_space<semaphore_mem>>) src(%dma_wait3A_564 : memref<10000x128xf32, #tpu.memory_space<hbm>>) dst(%arg9 : memref<64x128xf32, #tpu.memory_space<vmem>>)
      %dma_start3A_565 = arith.constant 2 : i32
      %dma_start3A_566 = arith.constant 0 : i32
      %dma_start3A_567 = tpu.memref_slice %arg8[%dma_start3A_565, %dma_start3A_566] : memref<16x64xi32, #tpu.memory_space<vmem>> -> memref<1x64xi32, #tpu.memory_space<vmem>>
      %dma_start3A_568 = tpu.memref_squeeze %dma_start3A_567 : memref<1x64xi32, #tpu.memory_space<vmem>> -> memref<64xi32, #tpu.memory_space<vmem>>
      %dma_start3A_569 = arith.constant 0 : i32
      %dma_start3A_570 = arith.constant 0 : i32
      %dma_start3A_571 = tpu.memref_slice %arg12[%dma_start3A_569, %dma_start3A_570] : memref<10112x128xf32, #tpu.memory_space<vmem_shared>> -> memref<10112x128xf32, #tpu.memory_space<vmem_shared>>
      tpu.enqueue_indirect_dma source(%arg9 : memref<64x128xf32, #tpu.memory_space<vmem>>) target(%dma_start3A_571 : memref<10112x128xf32, #tpu.memory_space<vmem_shared>>) offsets(%dma_start3A_568 : memref<64xi32, #tpu.memory_space<vmem>>) semaphore(%arg15 : memref<!tpu.dma_semaphore, #tpu.memory_space<semaphore_mem>>) {add = true}
      %get3A_572 = arith.constant 2 : i32
      %get3A_573 = arith.index_cast %get3A_572 : i32 to index
      %get3A_574 = arith.constant 0 : index
      %get3A_575 = tpu.vector_load %arg8[%get3A_573, %get3A_574] {strides = array<i32>} : memref<16x64xi32, #tpu.memory_space<vmem>>, vector<16xi32>,
      tpu.vector_store_idx %arg11[%get3A_575], %broadcast_in_dim3A_43 {add = true} : memref<10112xf32, #tpu.memory_space<vmem>>[vector<16xi32>], vector<16xf32>,
      %get3A_576 = arith.constant 2 : i32
      %get3A_577 = arith.index_cast %get3A_576 : i32 to index
      %get3A_578 = arith.constant 16 : index
      %get3A_579 = tpu.vector_load %arg8[%get3A_577, %get3A_578] {strides = array<i32>} : memref<16x64xi32, #tpu.memory_space<vmem>>, vector<16xi32>,
      tpu.vector_store_idx %arg11[%get3A_579], %broadcast_in_dim3A_43 {add = true} : memref<10112xf32, #tpu.memory_space<vmem>>[vector<16xi32>], vector<16xf32>,
      %get3A_580 = arith.constant 2 : i32
      %get3A_581 = arith.index_cast %get3A_580 : i32 to index
      %get3A_582 = arith.constant 32 : index
      %get3A_583 = tpu.vector_load %arg8[%get3A_581, %get3A_582] {strides = array<i32>} : memref<16x64xi32, #tpu.memory_space<vmem>>, vector<16xi32>,
      tpu.vector_store_idx %arg11[%get3A_583], %broadcast_in_dim3A_43 {add = true} : memref<10112xf32, #tpu.memory_space<vmem>>[vector<16xi32>], vector<16xf32>,
      %get3A_584 = arith.constant 2 : i32
      %get3A_585 = arith.index_cast %get3A_584 : i32 to index
      %get3A_586 = arith.constant 48 : index
      %get3A_587 = tpu.vector_load %arg8[%get3A_585, %get3A_586] {strides = array<i32>} : memref<16x64xi32, #tpu.memory_space<vmem>>, vector<16xi32>,
      tpu.vector_store_idx %arg11[%get3A_587], %broadcast_in_dim3A_43 {add = true} : memref<10112xf32, #tpu.memory_space<vmem>>[vector<16xi32>], vector<16xf32>,
      %dma_wait3A_588 = arith.constant 2 : i32
      %dma_wait3A_589 = arith.constant 0 : i32
      %dma_wait3A_590 = tpu.memref_slice %arg8[%dma_wait3A_588, %dma_wait3A_589] : memref<16x64xi32, #tpu.memory_space<vmem>> -> memref<1x64xi32, #tpu.memory_space<vmem>>
      %dma_wait3A_591 = tpu.memref_squeeze %dma_wait3A_590 : memref<1x64xi32, #tpu.memory_space<vmem>> -> memref<64xi32, #tpu.memory_space<vmem>>
      %dma_wait3A_592 = arith.constant 0 : i32
      %dma_wait3A_593 = arith.constant 0 : i32
      %dma_wait3A_594 = tpu.memref_slice %arg12[%dma_wait3A_592, %dma_wait3A_593] : memref<10112x128xf32, #tpu.memory_space<vmem_shared>> -> memref<10112x128xf32, #tpu.memory_space<vmem_shared>>
      tpu.wait_indirect_dma semaphore(%arg15 : memref<!tpu.dma_semaphore, #tpu.memory_space<semaphore_mem>>) src(%arg9 : memref<64x128xf32, #tpu.memory_space<vmem>>) dst(%dma_wait3A_594 : memref<10112x128xf32, #tpu.memory_space<vmem_shared>>)
      %dma_start3A_595 = arith.constant 4 : i32
      %dma_start3A_596 = arith.constant 0 : i32
      %dma_start3A_597 = tpu.memref_slice %arg7[%dma_start3A_595, %dma_start3A_596] : memref<16x64xi32, #tpu.memory_space<vmem>> -> memref<1x64xi32, #tpu.memory_space<vmem>>
      %dma_start3A_598 = tpu.memref_squeeze %dma_start3A_597 : memref<1x64xi32, #tpu.memory_space<vmem>> -> memref<64xi32, #tpu.memory_space<vmem>>
      %dma_start3A_599 = arith.constant 0 : i32
      %dma_start3A_600 = arith.constant 0 : i32
      %dma_start3A_601 = tpu.memref_slice %arg2[%dma_start3A_599, %dma_start3A_600] : memref<10000x128xf32, #tpu.memory_space<hbm>> -> memref<10000x128xf32, #tpu.memory_space<hbm>>
      tpu.enqueue_indirect_dma source(%dma_start3A_601 : memref<10000x128xf32, #tpu.memory_space<hbm>>) target(%arg9 : memref<64x128xf32, #tpu.memory_space<vmem>>) offsets(%dma_start3A_598 : memref<64xi32, #tpu.memory_space<vmem>>) semaphore(%arg13 : memref<!tpu.dma_semaphore, #tpu.memory_space<semaphore_mem>>)
      %dma_wait3A_602 = arith.constant 3 : i32
      %dma_wait3A_603 = arith.constant 0 : i32
      %dma_wait3A_604 = tpu.memref_slice %arg7[%dma_wait3A_602, %dma_wait3A_603] : memref<16x64xi32, #tpu.memory_space<vmem>> -> memref<1x64xi32, #tpu.memory_space<vmem>>
      %dma_wait3A_605 = tpu.memref_squeeze %dma_wait3A_604 : memref<1x64xi32, #tpu.memory_space<vmem>> -> memref<64xi32, #tpu.memory_space<vmem>>
      %dma_wait3A_606 = arith.constant 0 : i32
      %dma_wait3A_607 = arith.constant 0 : i32
      %dma_wait3A_608 = tpu.memref_slice %arg2[%dma_wait3A_606, %dma_wait3A_607] : memref<10000x128xf32, #tpu.memory_space<hbm>> -> memref<10000x128xf32, #tpu.memory_space<hbm>>
      tpu.wait_indirect_dma semaphore(%arg14 : memref<!tpu.dma_semaphore, #tpu.memory_space<semaphore_mem>>) src(%dma_wait3A_608 : memref<10000x128xf32, #tpu.memory_space<hbm>>) dst(%arg10 : memref<64x128xf32, #tpu.memory_space<vmem>>)
      %dma_start3A_609 = arith.constant 3 : i32
      %dma_start3A_610 = arith.constant 0 : i32
      %dma_start3A_611 = tpu.memref_slice %arg8[%dma_start3A_609, %dma_start3A_610] : memref<16x64xi32, #tpu.memory_space<vmem>> -> memref<1x64xi32, #tpu.memory_space<vmem>>
      %dma_start3A_612 = tpu.memref_squeeze %dma_start3A_611 : memref<1x64xi32, #tpu.memory_space<vmem>> -> memref<64xi32, #tpu.memory_space<vmem>>
      %dma_start3A_613 = arith.constant 0 : i32
      %dma_start3A_614 = arith.constant 0 : i32
      %dma_start3A_615 = tpu.memref_slice %arg12[%dma_start3A_613, %dma_start3A_614] : memref<10112x128xf32, #tpu.memory_space<vmem_shared>> -> memref<10112x128xf32, #tpu.memory_space<vmem_shared>>
      tpu.enqueue_indirect_dma source(%arg10 : memref<64x128xf32, #tpu.memory_space<vmem>>) target(%dma_start3A_615 : memref<10112x128xf32, #tpu.memory_space<vmem_shared>>) offsets(%dma_start3A_612 : memref<64xi32, #tpu.memory_space<vmem>>) semaphore(%arg16 : memref<!tpu.dma_semaphore, #tpu.memory_space<semaphore_mem>>) {add = true}
      %get3A_616 = arith.constant 3 : i32
      %get3A_617 = arith.index_cast %get3A_616 : i32 to index
      %get3A_618 = arith.constant 0 : index
      %get3A_619 = tpu.vector_load %arg8[%get3A_617, %get3A_618] {strides = array<i32>} : memref<16x64xi32, #tpu.memory_space<vmem>>, vector<16xi32>,
      tpu.vector_store_idx %arg11[%get3A_619], %broadcast_in_dim3A_43 {add = true} : memref<10112xf32, #tpu.memory_space<vmem>>[vector<16xi32>], vector<16xf32>,
      %get3A_620 = arith.constant 3 : i32
      %get3A_621 = arith.index_cast %get3A_620 : i32 to index
      %get3A_622 = arith.constant 16 : index
      %get3A_623 = tpu.vector_load %arg8[%get3A_621, %get3A_622] {strides = array<i32>} : memref<16x64xi32, #tpu.memory_space<vmem>>, vector<16xi32>,
      tpu.vector_store_idx %arg11[%get3A_623], %broadcast_in_dim3A_43 {add = true} : memref<10112xf32, #tpu.memory_space<vmem>>[vector<16xi32>], vector<16xf32>,
      %get3A_624 = arith.constant 3 : i32
      %get3A_625 = arith.index_cast %get3A_624 : i32 to index
      %get3A_626 = arith.constant 32 : index
      %get3A_627 = tpu.vector_load %arg8[%get3A_625, %get3A_626] {strides = array<i32>} : memref<16x64xi32, #tpu.memory_space<vmem>>, vector<16xi32>,
      tpu.vector_store_idx %arg11[%get3A_627], %broadcast_in_dim3A_43 {add = true} : memref<10112xf32, #tpu.memory_space<vmem>>[vector<16xi32>], vector<16xf32>,
      %get3A_628 = arith.constant 3 : i32
      %get3A_629 = arith.index_cast %get3A_628 : i32 to index
      %get3A_630 = arith.constant 48 : index
      %get3A_631 = tpu.vector_load %arg8[%get3A_629, %get3A_630] {strides = array<i32>} : memref<16x64xi32, #tpu.memory_space<vmem>>, vector<16xi32>,
      tpu.vector_store_idx %arg11[%get3A_631], %broadcast_in_dim3A_43 {add = true} : memref<10112xf32, #tpu.memory_space<vmem>>[vector<16xi32>], vector<16xf32>,
      %dma_wait3A_632 = arith.constant 3 : i32
      %dma_wait3A_633 = arith.constant 0 : i32
      %dma_wait3A_634 = tpu.memref_slice %arg8[%dma_wait3A_632, %dma_wait3A_633] : memref<16x64xi32, #tpu.memory_space<vmem>> -> memref<1x64xi32, #tpu.memory_space<vmem>>
      %dma_wait3A_635 = tpu.memref_squeeze %dma_wait3A_634 : memref<1x64xi32, #tpu.memory_space<vmem>> -> memref<64xi32, #tpu.memory_space<vmem>>
      %dma_wait3A_636 = arith.constant 0 : i32
      %dma_wait3A_637 = arith.constant 0 : i32
      %dma_wait3A_638 = tpu.memref_slice %arg12[%dma_wait3A_636, %dma_wait3A_637] : memref<10112x128xf32, #tpu.memory_space<vmem_shared>> -> memref<10112x128xf32, #tpu.memory_space<vmem_shared>>
      tpu.wait_indirect_dma semaphore(%arg16 : memref<!tpu.dma_semaphore, #tpu.memory_space<semaphore_mem>>) src(%arg10 : memref<64x128xf32, #tpu.memory_space<vmem>>) dst(%dma_wait3A_638 : memref<10112x128xf32, #tpu.memory_space<vmem_shared>>)
      %dma_start3A_639 = arith.constant 5 : i32
      %dma_start3A_640 = arith.constant 0 : i32
      %dma_start3A_641 = tpu.memref_slice %arg7[%dma_start3A_639, %dma_start3A_640] : memref<16x64xi32, #tpu.memory_space<vmem>> -> memref<1x64xi32, #tpu.memory_space<vmem>>
      %dma_start3A_642 = tpu.memref_squeeze %dma_start3A_641 : memref<1x64xi32, #tpu.memory_space<vmem>> -> memref<64xi32, #tpu.memory_space<vmem>>
      %dma_start3A_643 = arith.constant 0 : i32
      %dma_start3A_644 = arith.constant 0 : i32
      %dma_start3A_645 = tpu.memref_slice %arg2[%dma_start3A_643, %dma_start3A_644] : memref<10000x128xf32, #tpu.memory_space<hbm>> -> memref<10000x128xf32, #tpu.memory_space<hbm>>
      tpu.enqueue_indirect_dma source(%dma_start3A_645 : memref<10000x128xf32, #tpu.memory_space<hbm>>) target(%arg10 : memref<64x128xf32, #tpu.memory_space<vmem>>) offsets(%dma_start3A_642 : memref<64xi32, #tpu.memory_space<vmem>>) semaphore(%arg14 : memref<!tpu.dma_semaphore, #tpu.memory_space<semaphore_mem>>)
      %dma_wait3A_646 = arith.constant 4 : i32
      %dma_wait3A_647 = arith.constant 0 : i32
      %dma_wait3A_648 = tpu.memref_slice %arg7[%dma_wait3A_646, %dma_wait3A_647] : memref<16x64xi32, #tpu.memory_space<vmem>> -> memref<1x64xi32, #tpu.memory_space<vmem>>
      %dma_wait3A_649 = tpu.memref_squeeze %dma_wait3A_648 : memref<1x64xi32, #tpu.memory_space<vmem>> -> memref<64xi32, #tpu.memory_space<vmem>>
      %dma_wait3A_650 = arith.constant 0 : i32
      %dma_wait3A_651 = arith.constant 0 : i32
      %dma_wait3A_652 = tpu.memref_slice %arg2[%dma_wait3A_650, %dma_wait3A_651] : memref<10000x128xf32, #tpu.memory_space<hbm>> -> memref<10000x128xf32, #tpu.memory_space<hbm>>
      tpu.wait_indirect_dma semaphore(%arg13 : memref<!tpu.dma_semaphore, #tpu.memory_space<semaphore_mem>>) src(%dma_wait3A_652 : memref<10000x128xf32, #tpu.memory_space<hbm>>) dst(%arg9 : memref<64x128xf32, #tpu.memory_space<vmem>>)
      %dma_start3A_653 = arith.constant 4 : i32
      %dma_start3A_654 = arith.constant 0 : i32
      %dma_start3A_655 = tpu.memref_slice %arg8[%dma_start3A_653, %dma_start3A_654] : memref<16x64xi32, #tpu.memory_space<vmem>> -> memref<1x64xi32, #tpu.memory_space<vmem>>
      %dma_start3A_656 = tpu.memref_squeeze %dma_start3A_655 : memref<1x64xi32, #tpu.memory_space<vmem>> -> memref<64xi32, #tpu.memory_space<vmem>>
      %dma_start3A_657 = arith.constant 0 : i32
      %dma_start3A_658 = arith.constant 0 : i32
      %dma_start3A_659 = tpu.memref_slice %arg12[%dma_start3A_657, %dma_start3A_658] : memref<10112x128xf32, #tpu.memory_space<vmem_shared>> -> memref<10112x128xf32, #tpu.memory_space<vmem_shared>>
      tpu.enqueue_indirect_dma source(%arg9 : memref<64x128xf32, #tpu.memory_space<vmem>>) target(%dma_start3A_659 : memref<10112x128xf32, #tpu.memory_space<vmem_shared>>) offsets(%dma_start3A_656 : memref<64xi32, #tpu.memory_space<vmem>>) semaphore(%arg15 : memref<!tpu.dma_semaphore, #tpu.memory_space<semaphore_mem>>) {add = true}
      %get3A_660 = arith.constant 4 : i32
      %get3A_661 = arith.index_cast %get3A_660 : i32 to index
      %get3A_662 = arith.constant 0 : index
      %get3A_663 = tpu.vector_load %arg8[%get3A_661, %get3A_662] {strides = array<i32>} : memref<16x64xi32, #tpu.memory_space<vmem>>, vector<16xi32>,
      tpu.vector_store_idx %arg11[%get3A_663], %broadcast_in_dim3A_43 {add = true} : memref<10112xf32, #tpu.memory_space<vmem>>[vector<16xi32>], vector<16xf32>,
      %get3A_664 = arith.constant 4 : i32
      %get3A_665 = arith.index_cast %get3A_664 : i32 to index
      %get3A_666 = arith.constant 16 : index
      %get3A_667 = tpu.vector_load %arg8[%get3A_665, %get3A_666] {strides = array<i32>} : memref<16x64xi32, #tpu.memory_space<vmem>>, vector<16xi32>,
      tpu.vector_store_idx %arg11[%get3A_667], %broadcast_in_dim3A_43 {add = true} : memref<10112xf32, #tpu.memory_space<vmem>>[vector<16xi32>], vector<16xf32>,
      %get3A_668 = arith.constant 4 : i32
      %get3A_669 = arith.index_cast %get3A_668 : i32 to index
      %get3A_670 = arith.constant 32 : index
      %get3A_671 = tpu.vector_load %arg8[%get3A_669, %get3A_670] {strides = array<i32>} : memref<16x64xi32, #tpu.memory_space<vmem>>, vector<16xi32>,
      tpu.vector_store_idx %arg11[%get3A_671], %broadcast_in_dim3A_43 {add = true} : memref<10112xf32, #tpu.memory_space<vmem>>[vector<16xi32>], vector<16xf32>,
      %get3A_672 = arith.constant 4 : i32
      %get3A_673 = arith.index_cast %get3A_672 : i32 to index
      %get3A_674 = arith.constant 48 : index
      %get3A_675 = tpu.vector_load %arg8[%get3A_673, %get3A_674] {strides = array<i32>} : memref<16x64xi32, #tpu.memory_space<vmem>>, vector<16xi32>,
      tpu.vector_store_idx %arg11[%get3A_675], %broadcast_in_dim3A_43 {add = true} : memref<10112xf32, #tpu.memory_space<vmem>>[vector<16xi32>], vector<16xf32>,
      %dma_wait3A_676 = arith.constant 4 : i32
      %dma_wait3A_677 = arith.constant 0 : i32
      %dma_wait3A_678 = tpu.memref_slice %arg8[%dma_wait3A_676, %dma_wait3A_677] : memref<16x64xi32, #tpu.memory_space<vmem>> -> memref<1x64xi32, #tpu.memory_space<vmem>>
      %dma_wait3A_679 = tpu.memref_squeeze %dma_wait3A_678 : memref<1x64xi32, #tpu.memory_space<vmem>> -> memref<64xi32, #tpu.memory_space<vmem>>
      %dma_wait3A_680 = arith.constant 0 : i32
      %dma_wait3A_681 = arith.constant 0 : i32
      %dma_wait3A_682 = tpu.memref_slice %arg12[%dma_wait3A_680, %dma_wait3A_681] : memref<10112x128xf32, #tpu.memory_space<vmem_shared>> -> memref<10112x128xf32, #tpu.memory_space<vmem_shared>>
      tpu.wait_indirect_dma semaphore(%arg15 : memref<!tpu.dma_semaphore, #tpu.memory_space<semaphore_mem>>) src(%arg9 : memref<64x128xf32, #tpu.memory_space<vmem>>) dst(%dma_wait3A_682 : memref<10112x128xf32, #tpu.memory_space<vmem_shared>>)
      %dma_start3A_683 = arith.constant 6 : i32
      %dma_start3A_684 = arith.constant 0 : i32
      %dma_start3A_685 = tpu.memref_slice %arg7[%dma_start3A_683, %dma_start3A_684] : memref<16x64xi32, #tpu.memory_space<vmem>> -> memref<1x64xi32, #tpu.memory_space<vmem>>
      %dma_start3A_686 = tpu.memref_squeeze %dma_start3A_685 : memref<1x64xi32, #tpu.memory_space<vmem>> -> memref<64xi32, #tpu.memory_space<vmem>>
      %dma_start3A_687 = arith.constant 0 : i32
      %dma_start3A_688 = arith.constant 0 : i32
      %dma_start3A_689 = tpu.memref_slice %arg2[%dma_start3A_687, %dma_start3A_688] : memref<10000x128xf32, #tpu.memory_space<hbm>> -> memref<10000x128xf32, #tpu.memory_space<hbm>>
      tpu.enqueue_indirect_dma source(%dma_start3A_689 : memref<10000x128xf32, #tpu.memory_space<hbm>>) target(%arg9 : memref<64x128xf32, #tpu.memory_space<vmem>>) offsets(%dma_start3A_686 : memref<64xi32, #tpu.memory_space<vmem>>) semaphore(%arg13 : memref<!tpu.dma_semaphore, #tpu.memory_space<semaphore_mem>>)
      %dma_wait3A_690 = arith.constant 5 : i32
      %dma_wait3A_691 = arith.constant 0 : i32
      %dma_wait3A_692 = tpu.memref_slice %arg7[%dma_wait3A_690, %dma_wait3A_691] : memref<16x64xi32, #tpu.memory_space<vmem>> -> memref<1x64xi32, #tpu.memory_space<vmem>>
      %dma_wait3A_693 = tpu.memref_squeeze %dma_wait3A_692 : memref<1x64xi32, #tpu.memory_space<vmem>> -> memref<64xi32, #tpu.memory_space<vmem>>
      %dma_wait3A_694 = arith.constant 0 : i32
      %dma_wait3A_695 = arith.constant 0 : i32
      %dma_wait3A_696 = tpu.memref_slice %arg2[%dma_wait3A_694, %dma_wait3A_695] : memref<10000x128xf32, #tpu.memory_space<hbm>> -> memref<10000x128xf32, #tpu.memory_space<hbm>>
      tpu.wait_indirect_dma semaphore(%arg14 : memref<!tpu.dma_semaphore, #tpu.memory_space<semaphore_mem>>) src(%dma_wait3A_696 : memref<10000x128xf32, #tpu.memory_space<hbm>>) dst(%arg10 : memref<64x128xf32, #tpu.memory_space<vmem>>)
      %dma_start3A_697 = arith.constant 5 : i32
      %dma_start3A_698 = arith.constant 0 : i32
      %dma_start3A_699 = tpu.memref_slice %arg8[%dma_start3A_697, %dma_start3A_698] : memref<16x64xi32, #tpu.memory_space<vmem>> -> memref<1x64xi32, #tpu.memory_space<vmem>>
      %dma_start3A_700 = tpu.memref_squeeze %dma_start3A_699 : memref<1x64xi32, #tpu.memory_space<vmem>> -> memref<64xi32, #tpu.memory_space<vmem>>
      %dma_start3A_701 = arith.constant 0 : i32
      %dma_start3A_702 = arith.constant 0 : i32
      %dma_start3A_703 = tpu.memref_slice %arg12[%dma_start3A_701, %dma_start3A_702] : memref<10112x128xf32, #tpu.memory_space<vmem_shared>> -> memref<10112x128xf32, #tpu.memory_space<vmem_shared>>
      tpu.enqueue_indirect_dma source(%arg10 : memref<64x128xf32, #tpu.memory_space<vmem>>) target(%dma_start3A_703 : memref<10112x128xf32, #tpu.memory_space<vmem_shared>>) offsets(%dma_start3A_700 : memref<64xi32, #tpu.memory_space<vmem>>) semaphore(%arg16 : memref<!tpu.dma_semaphore, #tpu.memory_space<semaphore_mem>>) {add = true}
      %get3A_704 = arith.constant 5 : i32
      %get3A_705 = arith.index_cast %get3A_704 : i32 to index
      %get3A_706 = arith.constant 0 : index
      %get3A_707 = tpu.vector_load %arg8[%get3A_705, %get3A_706] {strides = array<i32>} : memref<16x64xi32, #tpu.memory_space<vmem>>, vector<16xi32>,
      tpu.vector_store_idx %arg11[%get3A_707], %broadcast_in_dim3A_43 {add = true} : memref<10112xf32, #tpu.memory_space<vmem>>[vector<16xi32>], vector<16xf32>,
      %get3A_708 = arith.constant 5 : i32
      %get3A_709 = arith.index_cast %get3A_708 : i32 to index
      %get3A_710 = arith.constant 16 : index
      %get3A_711 = tpu.vector_load %arg8[%get3A_709, %get3A_710] {strides = array<i32>} : memref<16x64xi32, #tpu.memory_space<vmem>>, vector<16xi32>,
      tpu.vector_store_idx %arg11[%get3A_711], %broadcast_in_dim3A_43 {add = true} : memref<10112xf32, #tpu.memory_space<vmem>>[vector<16xi32>], vector<16xf32>,
      %get3A_712 = arith.constant 5 : i32
      %get3A_713 = arith.index_cast %get3A_712 : i32 to index
      %get3A_714 = arith.constant 32 : index
      %get3A_715 = tpu.vector_load %arg8[%get3A_713, %get3A_714] {strides = array<i32>} : memref<16x64xi32, #tpu.memory_space<vmem>>, vector<16xi32>,
      tpu.vector_store_idx %arg11[%get3A_715], %broadcast_in_dim3A_43 {add = true} : memref<10112xf32, #tpu.memory_space<vmem>>[vector<16xi32>], vector<16xf32>,
      %get3A_716 = arith.constant 5 : i32
      %get3A_717 = arith.index_cast %get3A_716 : i32 to index
      %get3A_718 = arith.constant 48 : index
      %get3A_719 = tpu.vector_load %arg8[%get3A_717, %get3A_718] {strides = array<i32>} : memref<16x64xi32, #tpu.memory_space<vmem>>, vector<16xi32>,
      tpu.vector_store_idx %arg11[%get3A_719], %broadcast_in_dim3A_43 {add = true} : memref<10112xf32, #tpu.memory_space<vmem>>[vector<16xi32>], vector<16xf32>,
      %dma_wait3A_720 = arith.constant 5 : i32
      %dma_wait3A_721 = arith.constant 0 : i32
      %dma_wait3A_722 = tpu.memref_slice %arg8[%dma_wait3A_720, %dma_wait3A_721] : memref<16x64xi32, #tpu.memory_space<vmem>> -> memref<1x64xi32, #tpu.memory_space<vmem>>
      %dma_wait3A_723 = tpu.memref_squeeze %dma_wait3A_722 : memref<1x64xi32, #tpu.memory_space<vmem>> -> memref<64xi32, #tpu.memory_space<vmem>>
      %dma_wait3A_724 = arith.constant 0 : i32
      %dma_wait3A_725 = arith.constant 0 : i32
      %dma_wait3A_726 = tpu.memref_slice %arg12[%dma_wait3A_724, %dma_wait3A_725] : memref<10112x128xf32, #tpu.memory_space<vmem_shared>> -> memref<10112x128xf32, #tpu.memory_space<vmem_shared>>
      tpu.wait_indirect_dma semaphore(%arg16 : memref<!tpu.dma_semaphore, #tpu.memory_space<semaphore_mem>>) src(%arg10 : memref<64x128xf32, #tpu.memory_space<vmem>>) dst(%dma_wait3A_726 : memref<10112x128xf32, #tpu.memory_space<vmem_shared>>)
      %dma_start3A_727 = arith.constant 7 : i32
      %dma_start3A_728 = arith.constant 0 : i32
      %dma_start3A_729 = tpu.memref_slice %arg7[%dma_start3A_727, %dma_start3A_728] : memref<16x64xi32, #tpu.memory_space<vmem>> -> memref<1x64xi32, #tpu.memory_space<vmem>>
      %dma_start3A_730 = tpu.memref_squeeze %dma_start3A_729 : memref<1x64xi32, #tpu.memory_space<vmem>> -> memref<64xi32, #tpu.memory_space<vmem>>
      %dma_start3A_731 = arith.constant 0 : i32
      %dma_start3A_732 = arith.constant 0 : i32
      %dma_start3A_733 = tpu.memref_slice %arg2[%dma_start3A_731, %dma_start3A_732] : memref<10000x128xf32, #tpu.memory_space<hbm>> -> memref<10000x128xf32, #tpu.memory_space<hbm>>
      tpu.enqueue_indirect_dma source(%dma_start3A_733 : memref<10000x128xf32, #tpu.memory_space<hbm>>) target(%arg10 : memref<64x128xf32, #tpu.memory_space<vmem>>) offsets(%dma_start3A_730 : memref<64xi32, #tpu.memory_space<vmem>>) semaphore(%arg14 : memref<!tpu.dma_semaphore, #tpu.memory_space<semaphore_mem>>)
      %dma_wait3A_734 = arith.constant 6 : i32
      %dma_wait3A_735 = arith.constant 0 : i32
      %dma_wait3A_736 = tpu.memref_slice %arg7[%dma_wait3A_734, %dma_wait3A_735] : memref<16x64xi32, #tpu.memory_space<vmem>> -> memref<1x64xi32, #tpu.memory_space<vmem>>
      %dma_wait3A_737 = tpu.memref_squeeze %dma_wait3A_736 : memref<1x64xi32, #tpu.memory_space<vmem>> -> memref<64xi32, #tpu.memory_space<vmem>>
      %dma_wait3A_738 = arith.constant 0 : i32
      %dma_wait3A_739 = arith.constant 0 : i32
      %dma_wait3A_740 = tpu.memref_slice %arg2[%dma_wait3A_738, %dma_wait3A_739] : memref<10000x128xf32, #tpu.memory_space<hbm>> -> memref<10000x128xf32, #tpu.memory_space<hbm>>
      tpu.wait_indirect_dma semaphore(%arg13 : memref<!tpu.dma_semaphore, #tpu.memory_space<semaphore_mem>>) src(%dma_wait3A_740 : memref<10000x128xf32, #tpu.memory_space<hbm>>) dst(%arg9 : memref<64x128xf32, #tpu.memory_space<vmem>>)
      %dma_start3A_741 = arith.constant 6 : i32
      %dma_start3A_742 = arith.constant 0 : i32
      %dma_start3A_743 = tpu.memref_slice %arg8[%dma_start3A_741, %dma_start3A_742] : memref<16x64xi32, #tpu.memory_space<vmem>> -> memref<1x64xi32, #tpu.memory_space<vmem>>
      %dma_start3A_744 = tpu.memref_squeeze %dma_start3A_743 : memref<1x64xi32, #tpu.memory_space<vmem>> -> memref<64xi32, #tpu.memory_space<vmem>>
      %dma_start3A_745 = arith.constant 0 : i32
      %dma_start3A_746 = arith.constant 0 : i32
      %dma_start3A_747 = tpu.memref_slice %arg12[%dma_start3A_745, %dma_start3A_746] : memref<10112x128xf32, #tpu.memory_space<vmem_shared>> -> memref<10112x128xf32, #tpu.memory_space<vmem_shared>>
      tpu.enqueue_indirect_dma source(%arg9 : memref<64x128xf32, #tpu.memory_space<vmem>>) target(%dma_start3A_747 : memref<10112x128xf32, #tpu.memory_space<vmem_shared>>) offsets(%dma_start3A_744 : memref<64xi32, #tpu.memory_space<vmem>>) semaphore(%arg15 : memref<!tpu.dma_semaphore, #tpu.memory_space<semaphore_mem>>) {add = true}
      %get3A_748 = arith.constant 6 : i32
      %get3A_749 = arith.index_cast %get3A_748 : i32 to index
      %get3A_750 = arith.constant 0 : index
      %get3A_751 = tpu.vector_load %arg8[%get3A_749, %get3A_750] {strides = array<i32>} : memref<16x64xi32, #tpu.memory_space<vmem>>, vector<16xi32>,
      tpu.vector_store_idx %arg11[%get3A_751], %broadcast_in_dim3A_43 {add = true} : memref<10112xf32, #tpu.memory_space<vmem>>[vector<16xi32>], vector<16xf32>,
      %get3A_752 = arith.constant 6 : i32
      %get3A_753 = arith.index_cast %get3A_752 : i32 to index
      %get3A_754 = arith.constant 16 : index
      %get3A_755 = tpu.vector_load %arg8[%get3A_753, %get3A_754] {strides = array<i32>} : memref<16x64xi32, #tpu.memory_space<vmem>>, vector<16xi32>,
      tpu.vector_store_idx %arg11[%get3A_755], %broadcast_in_dim3A_43 {add = true} : memref<10112xf32, #tpu.memory_space<vmem>>[vector<16xi32>], vector<16xf32>,
      %get3A_756 = arith.constant 6 : i32
      %get3A_757 = arith.index_cast %get3A_756 : i32 to index
      %get3A_758 = arith.constant 32 : index
      %get3A_759 = tpu.vector_load %arg8[%get3A_757, %get3A_758] {strides = array<i32>} : memref<16x64xi32, #tpu.memory_space<vmem>>, vector<16xi32>,
      tpu.vector_store_idx %arg11[%get3A_759], %broadcast_in_dim3A_43 {add = true} : memref<10112xf32, #tpu.memory_space<vmem>>[vector<16xi32>], vector<16xf32>,
      %get3A_760 = arith.constant 6 : i32
      %get3A_761 = arith.index_cast %get3A_760 : i32 to index
      %get3A_762 = arith.constant 48 : index
      %get3A_763 = tpu.vector_load %arg8[%get3A_761, %get3A_762] {strides = array<i32>} : memref<16x64xi32, #tpu.memory_space<vmem>>, vector<16xi32>,
      tpu.vector_store_idx %arg11[%get3A_763], %broadcast_in_dim3A_43 {add = true} : memref<10112xf32, #tpu.memory_space<vmem>>[vector<16xi32>], vector<16xf32>,
      %dma_wait3A_764 = arith.constant 6 : i32
      %dma_wait3A_765 = arith.constant 0 : i32
      %dma_wait3A_766 = tpu.memref_slice %arg8[%dma_wait3A_764, %dma_wait3A_765] : memref<16x64xi32, #tpu.memory_space<vmem>> -> memref<1x64xi32, #tpu.memory_space<vmem>>
      %dma_wait3A_767 = tpu.memref_squeeze %dma_wait3A_766 : memref<1x64xi32, #tpu.memory_space<vmem>> -> memref<64xi32, #tpu.memory_space<vmem>>
      %dma_wait3A_768 = arith.constant 0 : i32
      %dma_wait3A_769 = arith.constant 0 : i32
      %dma_wait3A_770 = tpu.memref_slice %arg12[%dma_wait3A_768, %dma_wait3A_769] : memref<10112x128xf32, #tpu.memory_space<vmem_shared>> -> memref<10112x128xf32, #tpu.memory_space<vmem_shared>>
      tpu.wait_indirect_dma semaphore(%arg15 : memref<!tpu.dma_semaphore, #tpu.memory_space<semaphore_mem>>) src(%arg9 : memref<64x128xf32, #tpu.memory_space<vmem>>) dst(%dma_wait3A_770 : memref<10112x128xf32, #tpu.memory_space<vmem_shared>>)
      %dma_start3A_771 = arith.constant 8 : i32
      %dma_start3A_772 = arith.constant 0 : i32
      %dma_start3A_773 = tpu.memref_slice %arg7[%dma_start3A_771, %dma_start3A_772] : memref<16x64xi32, #tpu.memory_space<vmem>> -> memref<1x64xi32, #tpu.memory_space<vmem>>
      %dma_start3A_774 = tpu.memref_squeeze %dma_start3A_773 : memref<1x64xi32, #tpu.memory_space<vmem>> -> memref<64xi32, #tpu.memory_space<vmem>>
      %dma_start3A_775 = arith.constant 0 : i32
      %dma_start3A_776 = arith.constant 0 : i32
      %dma_start3A_777 = tpu.memref_slice %arg2[%dma_start3A_775, %dma_start3A_776] : memref<10000x128xf32, #tpu.memory_space<hbm>> -> memref<10000x128xf32, #tpu.memory_space<hbm>>
      tpu.enqueue_indirect_dma source(%dma_start3A_777 : memref<10000x128xf32, #tpu.memory_space<hbm>>) target(%arg9 : memref<64x128xf32, #tpu.memory_space<vmem>>) offsets(%dma_start3A_774 : memref<64xi32, #tpu.memory_space<vmem>>) semaphore(%arg13 : memref<!tpu.dma_semaphore, #tpu.memory_space<semaphore_mem>>)
      %dma_wait3A_778 = arith.constant 7 : i32
      %dma_wait3A_779 = arith.constant 0 : i32
      %dma_wait3A_780 = tpu.memref_slice %arg7[%dma_wait3A_778, %dma_wait3A_779] : memref<16x64xi32, #tpu.memory_space<vmem>> -> memref<1x64xi32, #tpu.memory_space<vmem>>
      %dma_wait3A_781 = tpu.memref_squeeze %dma_wait3A_780 : memref<1x64xi32, #tpu.memory_space<vmem>> -> memref<64xi32, #tpu.memory_space<vmem>>
      %dma_wait3A_782 = arith.constant 0 : i32
      %dma_wait3A_783 = arith.constant 0 : i32
      %dma_wait3A_784 = tpu.memref_slice %arg2[%dma_wait3A_782, %dma_wait3A_783] : memref<10000x128xf32, #tpu.memory_space<hbm>> -> memref<10000x128xf32, #tpu.memory_space<hbm>>
      tpu.wait_indirect_dma semaphore(%arg14 : memref<!tpu.dma_semaphore, #tpu.memory_space<semaphore_mem>>) src(%dma_wait3A_784 : memref<10000x128xf32, #tpu.memory_space<hbm>>) dst(%arg10 : memref<64x128xf32, #tpu.memory_space<vmem>>)
      %dma_start3A_785 = arith.constant 7 : i32
      %dma_start3A_786 = arith.constant 0 : i32
      %dma_start3A_787 = tpu.memref_slice %arg8[%dma_start3A_785, %dma_start3A_786] : memref<16x64xi32, #tpu.memory_space<vmem>> -> memref<1x64xi32, #tpu.memory_space<vmem>>
      %dma_start3A_788 = tpu.memref_squeeze %dma_start3A_787 : memref<1x64xi32, #tpu.memory_space<vmem>> -> memref<64xi32, #tpu.memory_space<vmem>>
      %dma_start3A_789 = arith.constant 0 : i32
      %dma_start3A_790 = arith.constant 0 : i32
      %dma_start3A_791 = tpu.memref_slice %arg12[%dma_start3A_789, %dma_start3A_790] : memref<10112x128xf32, #tpu.memory_space<vmem_shared>> -> memref<10112x128xf32, #tpu.memory_space<vmem_shared>>
      tpu.enqueue_indirect_dma source(%arg10 : memref<64x128xf32, #tpu.memory_space<vmem>>) target(%dma_start3A_791 : memref<10112x128xf32, #tpu.memory_space<vmem_shared>>) offsets(%dma_start3A_788 : memref<64xi32, #tpu.memory_space<vmem>>) semaphore(%arg16 : memref<!tpu.dma_semaphore, #tpu.memory_space<semaphore_mem>>) {add = true}
      %get3A_792 = arith.constant 7 : i32
      %get3A_793 = arith.index_cast %get3A_792 : i32 to index
      %get3A_794 = arith.constant 0 : index
      %get3A_795 = tpu.vector_load %arg8[%get3A_793, %get3A_794] {strides = array<i32>} : memref<16x64xi32, #tpu.memory_space<vmem>>, vector<16xi32>,
      tpu.vector_store_idx %arg11[%get3A_795], %broadcast_in_dim3A_43 {add = true} : memref<10112xf32, #tpu.memory_space<vmem>>[vector<16xi32>], vector<16xf32>,
      %get3A_796 = arith.constant 7 : i32
      %get3A_797 = arith.index_cast %get3A_796 : i32 to index
      %get3A_798 = arith.constant 16 : index
      %get3A_799 = tpu.vector_load %arg8[%get3A_797, %get3A_798] {strides = array<i32>} : memref<16x64xi32, #tpu.memory_space<vmem>>, vector<16xi32>,
      tpu.vector_store_idx %arg11[%get3A_799], %broadcast_in_dim3A_43 {add = true} : memref<10112xf32, #tpu.memory_space<vmem>>[vector<16xi32>], vector<16xf32>,
      %get3A_800 = arith.constant 7 : i32
      %get3A_801 = arith.index_cast %get3A_800 : i32 to index
      %get3A_802 = arith.constant 32 : index
      %get3A_803 = tpu.vector_load %arg8[%get3A_801, %get3A_802] {strides = array<i32>} : memref<16x64xi32, #tpu.memory_space<vmem>>, vector<16xi32>,
      tpu.vector_store_idx %arg11[%get3A_803], %broadcast_in_dim3A_43 {add = true} : memref<10112xf32, #tpu.memory_space<vmem>>[vector<16xi32>], vector<16xf32>,
      %get3A_804 = arith.constant 7 : i32
      %get3A_805 = arith.index_cast %get3A_804 : i32 to index
      %get3A_806 = arith.constant 48 : index
      %get3A_807 = tpu.vector_load %arg8[%get3A_805, %get3A_806] {strides = array<i32>} : memref<16x64xi32, #tpu.memory_space<vmem>>, vector<16xi32>,
      tpu.vector_store_idx %arg11[%get3A_807], %broadcast_in_dim3A_43 {add = true} : memref<10112xf32, #tpu.memory_space<vmem>>[vector<16xi32>], vector<16xf32>,
      %dma_wait3A_808 = arith.constant 7 : i32
      %dma_wait3A_809 = arith.constant 0 : i32
      %dma_wait3A_810 = tpu.memref_slice %arg8[%dma_wait3A_808, %dma_wait3A_809] : memref<16x64xi32, #tpu.memory_space<vmem>> -> memref<1x64xi32, #tpu.memory_space<vmem>>
      %dma_wait3A_811 = tpu.memref_squeeze %dma_wait3A_810 : memref<1x64xi32, #tpu.memory_space<vmem>> -> memref<64xi32, #tpu.memory_space<vmem>>
      %dma_wait3A_812 = arith.constant 0 : i32
      %dma_wait3A_813 = arith.constant 0 : i32
      %dma_wait3A_814 = tpu.memref_slice %arg12[%dma_wait3A_812, %dma_wait3A_813] : memref<10112x128xf32, #tpu.memory_space<vmem_shared>> -> memref<10112x128xf32, #tpu.memory_space<vmem_shared>>
      tpu.wait_indirect_dma semaphore(%arg16 : memref<!tpu.dma_semaphore, #tpu.memory_space<semaphore_mem>>) src(%arg10 : memref<64x128xf32, #tpu.memory_space<vmem>>) dst(%dma_wait3A_814 : memref<10112x128xf32, #tpu.memory_space<vmem_shared>>)
      %dma_start3A_815 = arith.constant 9 : i32
      %dma_start3A_816 = arith.constant 0 : i32
      %dma_start3A_817 = tpu.memref_slice %arg7[%dma_start3A_815, %dma_start3A_816] : memref<16x64xi32, #tpu.memory_space<vmem>> -> memref<1x64xi32, #tpu.memory_space<vmem>>
      %dma_start3A_818 = tpu.memref_squeeze %dma_start3A_817 : memref<1x64xi32, #tpu.memory_space<vmem>> -> memref<64xi32, #tpu.memory_space<vmem>>
      %dma_start3A_819 = arith.constant 0 : i32
      %dma_start3A_820 = arith.constant 0 : i32
      %dma_start3A_821 = tpu.memref_slice %arg2[%dma_start3A_819, %dma_start3A_820] : memref<10000x128xf32, #tpu.memory_space<hbm>> -> memref<10000x128xf32, #tpu.memory_space<hbm>>
      tpu.enqueue_indirect_dma source(%dma_start3A_821 : memref<10000x128xf32, #tpu.memory_space<hbm>>) target(%arg10 : memref<64x128xf32, #tpu.memory_space<vmem>>) offsets(%dma_start3A_818 : memref<64xi32, #tpu.memory_space<vmem>>) semaphore(%arg14 : memref<!tpu.dma_semaphore, #tpu.memory_space<semaphore_mem>>)
      %dma_wait3A_822 = arith.constant 8 : i32
      %dma_wait3A_823 = arith.constant 0 : i32
      %dma_wait3A_824 = tpu.memref_slice %arg7[%dma_wait3A_822, %dma_wait3A_823] : memref<16x64xi32, #tpu.memory_space<vmem>> -> memref<1x64xi32, #tpu.memory_space<vmem>>
      %dma_wait3A_825 = tpu.memref_squeeze %dma_wait3A_824 : memref<1x64xi32, #tpu.memory_space<vmem>> -> memref<64xi32, #tpu.memory_space<vmem>>
      %dma_wait3A_826 = arith.constant 0 : i32
      %dma_wait3A_827 = arith.constant 0 : i32
      %dma_wait3A_828 = tpu.memref_slice %arg2[%dma_wait3A_826, %dma_wait3A_827] : memref<10000x128xf32, #tpu.memory_space<hbm>> -> memref<10000x128xf32, #tpu.memory_space<hbm>>
      tpu.wait_indirect_dma semaphore(%arg13 : memref<!tpu.dma_semaphore, #tpu.memory_space<semaphore_mem>>) src(%dma_wait3A_828 : memref<10000x128xf32, #tpu.memory_space<hbm>>) dst(%arg9 : memref<64x128xf32, #tpu.memory_space<vmem>>)
      %dma_start3A_829 = arith.constant 8 : i32
      %dma_start3A_830 = arith.constant 0 : i32
      %dma_start3A_831 = tpu.memref_slice %arg8[%dma_start3A_829, %dma_start3A_830] : memref<16x64xi32, #tpu.memory_space<vmem>> -> memref<1x64xi32, #tpu.memory_space<vmem>>
      %dma_start3A_832 = tpu.memref_squeeze %dma_start3A_831 : memref<1x64xi32, #tpu.memory_space<vmem>> -> memref<64xi32, #tpu.memory_space<vmem>>
      %dma_start3A_833 = arith.constant 0 : i32
      %dma_start3A_834 = arith.constant 0 : i32
      %dma_start3A_835 = tpu.memref_slice %arg12[%dma_start3A_833, %dma_start3A_834] : memref<10112x128xf32, #tpu.memory_space<vmem_shared>> -> memref<10112x128xf32, #tpu.memory_space<vmem_shared>>
      tpu.enqueue_indirect_dma source(%arg9 : memref<64x128xf32, #tpu.memory_space<vmem>>) target(%dma_start3A_835 : memref<10112x128xf32, #tpu.memory_space<vmem_shared>>) offsets(%dma_start3A_832 : memref<64xi32, #tpu.memory_space<vmem>>) semaphore(%arg15 : memref<!tpu.dma_semaphore, #tpu.memory_space<semaphore_mem>>) {add = true}
      %get3A_836 = arith.constant 8 : i32
      %get3A_837 = arith.index_cast %get3A_836 : i32 to index
      %get3A_838 = arith.constant 0 : index
      %get3A_839 = tpu.vector_load %arg8[%get3A_837, %get3A_838] {strides = array<i32>} : memref<16x64xi32, #tpu.memory_space<vmem>>, vector<16xi32>,
      tpu.vector_store_idx %arg11[%get3A_839], %broadcast_in_dim3A_43 {add = true} : memref<10112xf32, #tpu.memory_space<vmem>>[vector<16xi32>], vector<16xf32>,
      %get3A_840 = arith.constant 8 : i32
      %get3A_841 = arith.index_cast %get3A_840 : i32 to index
      %get3A_842 = arith.constant 16 : index
      %get3A_843 = tpu.vector_load %arg8[%get3A_841, %get3A_842] {strides = array<i32>} : memref<16x64xi32, #tpu.memory_space<vmem>>, vector<16xi32>,
      tpu.vector_store_idx %arg11[%get3A_843], %broadcast_in_dim3A_43 {add = true} : memref<10112xf32, #tpu.memory_space<vmem>>[vector<16xi32>], vector<16xf32>,
      %get3A_844 = arith.constant 8 : i32
      %get3A_845 = arith.index_cast %get3A_844 : i32 to index
      %get3A_846 = arith.constant 32 : index
      %get3A_847 = tpu.vector_load %arg8[%get3A_845, %get3A_846] {strides = array<i32>} : memref<16x64xi32, #tpu.memory_space<vmem>>, vector<16xi32>,
      tpu.vector_store_idx %arg11[%get3A_847], %broadcast_in_dim3A_43 {add = true} : memref<10112xf32, #tpu.memory_space<vmem>>[vector<16xi32>], vector<16xf32>,
      %get3A_848 = arith.constant 8 : i32
      %get3A_849 = arith.index_cast %get3A_848 : i32 to index
      %get3A_850 = arith.constant 48 : index
      %get3A_851 = tpu.vector_load %arg8[%get3A_849, %get3A_850] {strides = array<i32>} : memref<16x64xi32, #tpu.memory_space<vmem>>, vector<16xi32>,
      tpu.vector_store_idx %arg11[%get3A_851], %broadcast_in_dim3A_43 {add = true} : memref<10112xf32, #tpu.memory_space<vmem>>[vector<16xi32>], vector<16xf32>,
      %dma_wait3A_852 = arith.constant 8 : i32
      %dma_wait3A_853 = arith.constant 0 : i32
      %dma_wait3A_854 = tpu.memref_slice %arg8[%dma_wait3A_852, %dma_wait3A_853] : memref<16x64xi32, #tpu.memory_space<vmem>> -> memref<1x64xi32, #tpu.memory_space<vmem>>
      %dma_wait3A_855 = tpu.memref_squeeze %dma_wait3A_854 : memref<1x64xi32, #tpu.memory_space<vmem>> -> memref<64xi32, #tpu.memory_space<vmem>>
      %dma_wait3A_856 = arith.constant 0 : i32
      %dma_wait3A_857 = arith.constant 0 : i32
      %dma_wait3A_858 = tpu.memref_slice %arg12[%dma_wait3A_856, %dma_wait3A_857] : memref<10112x128xf32, #tpu.memory_space<vmem_shared>> -> memref<10112x128xf32, #tpu.memory_space<vmem_shared>>
      tpu.wait_indirect_dma semaphore(%arg15 : memref<!tpu.dma_semaphore, #tpu.memory_space<semaphore_mem>>) src(%arg9 : memref<64x128xf32, #tpu.memory_space<vmem>>) dst(%dma_wait3A_858 : memref<10112x128xf32, #tpu.memory_space<vmem_shared>>)
      %dma_start3A_859 = arith.constant 10 : i32
      %dma_start3A_860 = arith.constant 0 : i32
      %dma_start3A_861 = tpu.memref_slice %arg7[%dma_start3A_859, %dma_start3A_860] : memref<16x64xi32, #tpu.memory_space<vmem>> -> memref<1x64xi32, #tpu.memory_space<vmem>>
      %dma_start3A_862 = tpu.memref_squeeze %dma_start3A_861 : memref<1x64xi32, #tpu.memory_space<vmem>> -> memref<64xi32, #tpu.memory_space<vmem>>
      %dma_start3A_863 = arith.constant 0 : i32
      %dma_start3A_864 = arith.constant 0 : i32
      %dma_start3A_865 = tpu.memref_slice %arg2[%dma_start3A_863, %dma_start3A_864] : memref<10000x128xf32, #tpu.memory_space<hbm>> -> memref<10000x128xf32, #tpu.memory_space<hbm>>
      tpu.enqueue_indirect_dma source(%dma_start3A_865 : memref<10000x128xf32, #tpu.memory_space<hbm>>) target(%arg9 : memref<64x128xf32, #tpu.memory_space<vmem>>) offsets(%dma_start3A_862 : memref<64xi32, #tpu.memory_space<vmem>>) semaphore(%arg13 : memref<!tpu.dma_semaphore, #tpu.memory_space<semaphore_mem>>)
      %dma_wait3A_866 = arith.constant 9 : i32
      %dma_wait3A_867 = arith.constant 0 : i32
      %dma_wait3A_868 = tpu.memref_slice %arg7[%dma_wait3A_866, %dma_wait3A_867] : memref<16x64xi32, #tpu.memory_space<vmem>> -> memref<1x64xi32, #tpu.memory_space<vmem>>
      %dma_wait3A_869 = tpu.memref_squeeze %dma_wait3A_868 : memref<1x64xi32, #tpu.memory_space<vmem>> -> memref<64xi32, #tpu.memory_space<vmem>>
      %dma_wait3A_870 = arith.constant 0 : i32
      %dma_wait3A_871 = arith.constant 0 : i32
      %dma_wait3A_872 = tpu.memref_slice %arg2[%dma_wait3A_870, %dma_wait3A_871] : memref<10000x128xf32, #tpu.memory_space<hbm>> -> memref<10000x128xf32, #tpu.memory_space<hbm>>
      tpu.wait_indirect_dma semaphore(%arg14 : memref<!tpu.dma_semaphore, #tpu.memory_space<semaphore_mem>>) src(%dma_wait3A_872 : memref<10000x128xf32, #tpu.memory_space<hbm>>) dst(%arg10 : memref<64x128xf32, #tpu.memory_space<vmem>>)
      %dma_start3A_873 = arith.constant 9 : i32
      %dma_start3A_874 = arith.constant 0 : i32
      %dma_start3A_875 = tpu.memref_slice %arg8[%dma_start3A_873, %dma_start3A_874] : memref<16x64xi32, #tpu.memory_space<vmem>> -> memref<1x64xi32, #tpu.memory_space<vmem>>
      %dma_start3A_876 = tpu.memref_squeeze %dma_start3A_875 : memref<1x64xi32, #tpu.memory_space<vmem>> -> memref<64xi32, #tpu.memory_space<vmem>>
      %dma_start3A_877 = arith.constant 0 : i32
      %dma_start3A_878 = arith.constant 0 : i32
      %dma_start3A_879 = tpu.memref_slice %arg12[%dma_start3A_877, %dma_start3A_878] : memref<10112x128xf32, #tpu.memory_space<vmem_shared>> -> memref<10112x128xf32, #tpu.memory_space<vmem_shared>>
      tpu.enqueue_indirect_dma source(%arg10 : memref<64x128xf32, #tpu.memory_space<vmem>>) target(%dma_start3A_879 : memref<10112x128xf32, #tpu.memory_space<vmem_shared>>) offsets(%dma_start3A_876 : memref<64xi32, #tpu.memory_space<vmem>>) semaphore(%arg16 : memref<!tpu.dma_semaphore, #tpu.memory_space<semaphore_mem>>) {add = true}
      %get3A_880 = arith.constant 9 : i32
      %get3A_881 = arith.index_cast %get3A_880 : i32 to index
      %get3A_882 = arith.constant 0 : index
      %get3A_883 = tpu.vector_load %arg8[%get3A_881, %get3A_882] {strides = array<i32>} : memref<16x64xi32, #tpu.memory_space<vmem>>, vector<16xi32>,
      tpu.vector_store_idx %arg11[%get3A_883], %broadcast_in_dim3A_43 {add = true} : memref<10112xf32, #tpu.memory_space<vmem>>[vector<16xi32>], vector<16xf32>,
      %get3A_884 = arith.constant 9 : i32
      %get3A_885 = arith.index_cast %get3A_884 : i32 to index
      %get3A_886 = arith.constant 16 : index
      %get3A_887 = tpu.vector_load %arg8[%get3A_885, %get3A_886] {strides = array<i32>} : memref<16x64xi32, #tpu.memory_space<vmem>>, vector<16xi32>,
      tpu.vector_store_idx %arg11[%get3A_887], %broadcast_in_dim3A_43 {add = true} : memref<10112xf32, #tpu.memory_space<vmem>>[vector<16xi32>], vector<16xf32>,
      %get3A_888 = arith.constant 9 : i32
      %get3A_889 = arith.index_cast %get3A_888 : i32 to index
      %get3A_890 = arith.constant 32 : index
      %get3A_891 = tpu.vector_load %arg8[%get3A_889, %get3A_890] {strides = array<i32>} : memref<16x64xi32, #tpu.memory_space<vmem>>, vector<16xi32>,
      tpu.vector_store_idx %arg11[%get3A_891], %broadcast_in_dim3A_43 {add = true} : memref<10112xf32, #tpu.memory_space<vmem>>[vector<16xi32>], vector<16xf32>,
      %get3A_892 = arith.constant 9 : i32
      %get3A_893 = arith.index_cast %get3A_892 : i32 to index
      %get3A_894 = arith.constant 48 : index
      %get3A_895 = tpu.vector_load %arg8[%get3A_893, %get3A_894] {strides = array<i32>} : memref<16x64xi32, #tpu.memory_space<vmem>>, vector<16xi32>,
      tpu.vector_store_idx %arg11[%get3A_895], %broadcast_in_dim3A_43 {add = true} : memref<10112xf32, #tpu.memory_space<vmem>>[vector<16xi32>], vector<16xf32>,
      %dma_wait3A_896 = arith.constant 9 : i32
      %dma_wait3A_897 = arith.constant 0 : i32
      %dma_wait3A_898 = tpu.memref_slice %arg8[%dma_wait3A_896, %dma_wait3A_897] : memref<16x64xi32, #tpu.memory_space<vmem>> -> memref<1x64xi32, #tpu.memory_space<vmem>>
      %dma_wait3A_899 = tpu.memref_squeeze %dma_wait3A_898 : memref<1x64xi32, #tpu.memory_space<vmem>> -> memref<64xi32, #tpu.memory_space<vmem>>
      %dma_wait3A_900 = arith.constant 0 : i32
      %dma_wait3A_901 = arith.constant 0 : i32
      %dma_wait3A_902 = tpu.memref_slice %arg12[%dma_wait3A_900, %dma_wait3A_901] : memref<10112x128xf32, #tpu.memory_space<vmem_shared>> -> memref<10112x128xf32, #tpu.memory_space<vmem_shared>>
      tpu.wait_indirect_dma semaphore(%arg16 : memref<!tpu.dma_semaphore, #tpu.memory_space<semaphore_mem>>) src(%arg10 : memref<64x128xf32, #tpu.memory_space<vmem>>) dst(%dma_wait3A_902 : memref<10112x128xf32, #tpu.memory_space<vmem_shared>>)
      %dma_start3A_903 = arith.constant 11 : i32
      %dma_start3A_904 = arith.constant 0 : i32
      %dma_start3A_905 = tpu.memref_slice %arg7[%dma_start3A_903, %dma_start3A_904] : memref<16x64xi32, #tpu.memory_space<vmem>> -> memref<1x64xi32, #tpu.memory_space<vmem>>
      %dma_start3A_906 = tpu.memref_squeeze %dma_start3A_905 : memref<1x64xi32, #tpu.memory_space<vmem>> -> memref<64xi32, #tpu.memory_space<vmem>>
      %dma_start3A_907 = arith.constant 0 : i32
      %dma_start3A_908 = arith.constant 0 : i32
      %dma_start3A_909 = tpu.memref_slice %arg2[%dma_start3A_907, %dma_start3A_908] : memref<10000x128xf32, #tpu.memory_space<hbm>> -> memref<10000x128xf32, #tpu.memory_space<hbm>>
      tpu.enqueue_indirect_dma source(%dma_start3A_909 : memref<10000x128xf32, #tpu.memory_space<hbm>>) target(%arg10 : memref<64x128xf32, #tpu.memory_space<vmem>>) offsets(%dma_start3A_906 : memref<64xi32, #tpu.memory_space<vmem>>) semaphore(%arg14 : memref<!tpu.dma_semaphore, #tpu.memory_space<semaphore_mem>>)
      %dma_wait3A_910 = arith.constant 10 : i32
      %dma_wait3A_911 = arith.constant 0 : i32
      %dma_wait3A_912 = tpu.memref_slice %arg7[%dma_wait3A_910, %dma_wait3A_911] : memref<16x64xi32, #tpu.memory_space<vmem>> -> memref<1x64xi32, #tpu.memory_space<vmem>>
      %dma_wait3A_913 = tpu.memref_squeeze %dma_wait3A_912 : memref<1x64xi32, #tpu.memory_space<vmem>> -> memref<64xi32, #tpu.memory_space<vmem>>
      %dma_wait3A_914 = arith.constant 0 : i32
      %dma_wait3A_915 = arith.constant 0 : i32
      %dma_wait3A_916 = tpu.memref_slice %arg2[%dma_wait3A_914, %dma_wait3A_915] : memref<10000x128xf32, #tpu.memory_space<hbm>> -> memref<10000x128xf32, #tpu.memory_space<hbm>>
      tpu.wait_indirect_dma semaphore(%arg13 : memref<!tpu.dma_semaphore, #tpu.memory_space<semaphore_mem>>) src(%dma_wait3A_916 : memref<10000x128xf32, #tpu.memory_space<hbm>>) dst(%arg9 : memref<64x128xf32, #tpu.memory_space<vmem>>)
      %dma_start3A_917 = arith.constant 10 : i32
      %dma_start3A_918 = arith.constant 0 : i32
      %dma_start3A_919 = tpu.memref_slice %arg8[%dma_start3A_917, %dma_start3A_918] : memref<16x64xi32, #tpu.memory_space<vmem>> -> memref<1x64xi32, #tpu.memory_space<vmem>>
      %dma_start3A_920 = tpu.memref_squeeze %dma_start3A_919 : memref<1x64xi32, #tpu.memory_space<vmem>> -> memref<64xi32, #tpu.memory_space<vmem>>
      %dma_start3A_921 = arith.constant 0 : i32
      %dma_start3A_922 = arith.constant 0 : i32
      %dma_start3A_923 = tpu.memref_slice %arg12[%dma_start3A_921, %dma_start3A_922] : memref<10112x128xf32, #tpu.memory_space<vmem_shared>> -> memref<10112x128xf32, #tpu.memory_space<vmem_shared>>
      tpu.enqueue_indirect_dma source(%arg9 : memref<64x128xf32, #tpu.memory_space<vmem>>) target(%dma_start3A_923 : memref<10112x128xf32, #tpu.memory_space<vmem_shared>>) offsets(%dma_start3A_920 : memref<64xi32, #tpu.memory_space<vmem>>) semaphore(%arg15 : memref<!tpu.dma_semaphore, #tpu.memory_space<semaphore_mem>>) {add = true}
      %get3A_924 = arith.constant 10 : i32
      %get3A_925 = arith.index_cast %get3A_924 : i32 to index
      %get3A_926 = arith.constant 0 : index
      %get3A_927 = tpu.vector_load %arg8[%get3A_925, %get3A_926] {strides = array<i32>} : memref<16x64xi32, #tpu.memory_space<vmem>>, vector<16xi32>,
      tpu.vector_store_idx %arg11[%get3A_927], %broadcast_in_dim3A_43 {add = true} : memref<10112xf32, #tpu.memory_space<vmem>>[vector<16xi32>], vector<16xf32>,
      %get3A_928 = arith.constant 10 : i32
      %get3A_929 = arith.index_cast %get3A_928 : i32 to index
      %get3A_930 = arith.constant 16 : index
      %get3A_931 = tpu.vector_load %arg8[%get3A_929, %get3A_930] {strides = array<i32>} : memref<16x64xi32, #tpu.memory_space<vmem>>, vector<16xi32>,
      tpu.vector_store_idx %arg11[%get3A_931], %broadcast_in_dim3A_43 {add = true} : memref<10112xf32, #tpu.memory_space<vmem>>[vector<16xi32>], vector<16xf32>,
      %get3A_932 = arith.constant 10 : i32
      %get3A_933 = arith.index_cast %get3A_932 : i32 to index
      %get3A_934 = arith.constant 32 : index
      %get3A_935 = tpu.vector_load %arg8[%get3A_933, %get3A_934] {strides = array<i32>} : memref<16x64xi32, #tpu.memory_space<vmem>>, vector<16xi32>,
      tpu.vector_store_idx %arg11[%get3A_935], %broadcast_in_dim3A_43 {add = true} : memref<10112xf32, #tpu.memory_space<vmem>>[vector<16xi32>], vector<16xf32>,
      %get3A_936 = arith.constant 10 : i32
      %get3A_937 = arith.index_cast %get3A_936 : i32 to index
      %get3A_938 = arith.constant 48 : index
      %get3A_939 = tpu.vector_load %arg8[%get3A_937, %get3A_938] {strides = array<i32>} : memref<16x64xi32, #tpu.memory_space<vmem>>, vector<16xi32>,
      tpu.vector_store_idx %arg11[%get3A_939], %broadcast_in_dim3A_43 {add = true} : memref<10112xf32, #tpu.memory_space<vmem>>[vector<16xi32>], vector<16xf32>,
      %dma_wait3A_940 = arith.constant 10 : i32
      %dma_wait3A_941 = arith.constant 0 : i32
      %dma_wait3A_942 = tpu.memref_slice %arg8[%dma_wait3A_940, %dma_wait3A_941] : memref<16x64xi32, #tpu.memory_space<vmem>> -> memref<1x64xi32, #tpu.memory_space<vmem>>
      %dma_wait3A_943 = tpu.memref_squeeze %dma_wait3A_942 : memref<1x64xi32, #tpu.memory_space<vmem>> -> memref<64xi32, #tpu.memory_space<vmem>>
      %dma_wait3A_944 = arith.constant 0 : i32
      %dma_wait3A_945 = arith.constant 0 : i32
      %dma_wait3A_946 = tpu.memref_slice %arg12[%dma_wait3A_944, %dma_wait3A_945] : memref<10112x128xf32, #tpu.memory_space<vmem_shared>> -> memref<10112x128xf32, #tpu.memory_space<vmem_shared>>
      tpu.wait_indirect_dma semaphore(%arg15 : memref<!tpu.dma_semaphore, #tpu.memory_space<semaphore_mem>>) src(%arg9 : memref<64x128xf32, #tpu.memory_space<vmem>>) dst(%dma_wait3A_946 : memref<10112x128xf32, #tpu.memory_space<vmem_shared>>)
      %dma_start3A_947 = arith.constant 12 : i32
      %dma_start3A_948 = arith.constant 0 : i32
      %dma_start3A_949 = tpu.memref_slice %arg7[%dma_start3A_947, %dma_start3A_948] : memref<16x64xi32, #tpu.memory_space<vmem>> -> memref<1x64xi32, #tpu.memory_space<vmem>>
      %dma_start3A_950 = tpu.memref_squeeze %dma_start3A_949 : memref<1x64xi32, #tpu.memory_space<vmem>> -> memref<64xi32, #tpu.memory_space<vmem>>
      %dma_start3A_951 = arith.constant 0 : i32
      %dma_start3A_952 = arith.constant 0 : i32
      %dma_start3A_953 = tpu.memref_slice %arg2[%dma_start3A_951, %dma_start3A_952] : memref<10000x128xf32, #tpu.memory_space<hbm>> -> memref<10000x128xf32, #tpu.memory_space<hbm>>
      tpu.enqueue_indirect_dma source(%dma_start3A_953 : memref<10000x128xf32, #tpu.memory_space<hbm>>) target(%arg9 : memref<64x128xf32, #tpu.memory_space<vmem>>) offsets(%dma_start3A_950 : memref<64xi32, #tpu.memory_space<vmem>>) semaphore(%arg13 : memref<!tpu.dma_semaphore, #tpu.memory_space<semaphore_mem>>)
      %dma_wait3A_954 = arith.constant 11 : i32
      %dma_wait3A_955 = arith.constant 0 : i32
      %dma_wait3A_956 = tpu.memref_slice %arg7[%dma_wait3A_954, %dma_wait3A_955] : memref<16x64xi32, #tpu.memory_space<vmem>> -> memref<1x64xi32, #tpu.memory_space<vmem>>
      %dma_wait3A_957 = tpu.memref_squeeze %dma_wait3A_956 : memref<1x64xi32, #tpu.memory_space<vmem>> -> memref<64xi32, #tpu.memory_space<vmem>>
      %dma_wait3A_958 = arith.constant 0 : i32
      %dma_wait3A_959 = arith.constant 0 : i32
      %dma_wait3A_960 = tpu.memref_slice %arg2[%dma_wait3A_958, %dma_wait3A_959] : memref<10000x128xf32, #tpu.memory_space<hbm>> -> memref<10000x128xf32, #tpu.memory_space<hbm>>
      tpu.wait_indirect_dma semaphore(%arg14 : memref<!tpu.dma_semaphore, #tpu.memory_space<semaphore_mem>>) src(%dma_wait3A_960 : memref<10000x128xf32, #tpu.memory_space<hbm>>) dst(%arg10 : memref<64x128xf32, #tpu.memory_space<vmem>>)
      %dma_start3A_961 = arith.constant 11 : i32
      %dma_start3A_962 = arith.constant 0 : i32
      %dma_start3A_963 = tpu.memref_slice %arg8[%dma_start3A_961, %dma_start3A_962] : memref<16x64xi32, #tpu.memory_space<vmem>> -> memref<1x64xi32, #tpu.memory_space<vmem>>
      %dma_start3A_964 = tpu.memref_squeeze %dma_start3A_963 : memref<1x64xi32, #tpu.memory_space<vmem>> -> memref<64xi32, #tpu.memory_space<vmem>>
      %dma_start3A_965 = arith.constant 0 : i32
      %dma_start3A_966 = arith.constant 0 : i32
      %dma_start3A_967 = tpu.memref_slice %arg12[%dma_start3A_965, %dma_start3A_966] : memref<10112x128xf32, #tpu.memory_space<vmem_shared>> -> memref<10112x128xf32, #tpu.memory_space<vmem_shared>>
      tpu.enqueue_indirect_dma source(%arg10 : memref<64x128xf32, #tpu.memory_space<vmem>>) target(%dma_start3A_967 : memref<10112x128xf32, #tpu.memory_space<vmem_shared>>) offsets(%dma_start3A_964 : memref<64xi32, #tpu.memory_space<vmem>>) semaphore(%arg16 : memref<!tpu.dma_semaphore, #tpu.memory_space<semaphore_mem>>) {add = true}
      %get3A_968 = arith.constant 11 : i32
      %get3A_969 = arith.index_cast %get3A_968 : i32 to index
      %get3A_970 = arith.constant 0 : index
      %get3A_971 = tpu.vector_load %arg8[%get3A_969, %get3A_970] {strides = array<i32>} : memref<16x64xi32, #tpu.memory_space<vmem>>, vector<16xi32>,
      tpu.vector_store_idx %arg11[%get3A_971], %broadcast_in_dim3A_43 {add = true} : memref<10112xf32, #tpu.memory_space<vmem>>[vector<16xi32>], vector<16xf32>,
      %get3A_972 = arith.constant 11 : i32
      %get3A_973 = arith.index_cast %get3A_972 : i32 to index
      %get3A_974 = arith.constant 16 : index
      %get3A_975 = tpu.vector_load %arg8[%get3A_973, %get3A_974] {strides = array<i32>} : memref<16x64xi32, #tpu.memory_space<vmem>>, vector<16xi32>,
      tpu.vector_store_idx %arg11[%get3A_975], %broadcast_in_dim3A_43 {add = true} : memref<10112xf32, #tpu.memory_space<vmem>>[vector<16xi32>], vector<16xf32>,
      %get3A_976 = arith.constant 11 : i32
      %get3A_977 = arith.index_cast %get3A_976 : i32 to index
      %get3A_978 = arith.constant 32 : index
      %get3A_979 = tpu.vector_load %arg8[%get3A_977, %get3A_978] {strides = array<i32>} : memref<16x64xi32, #tpu.memory_space<vmem>>, vector<16xi32>,
      tpu.vector_store_idx %arg11[%get3A_979], %broadcast_in_dim3A_43 {add = true} : memref<10112xf32, #tpu.memory_space<vmem>>[vector<16xi32>], vector<16xf32>,
      %get3A_980 = arith.constant 11 : i32
      %get3A_981 = arith.index_cast %get3A_980 : i32 to index
      %get3A_982 = arith.constant 48 : index
      %get3A_983 = tpu.vector_load %arg8[%get3A_981, %get3A_982] {strides = array<i32>} : memref<16x64xi32, #tpu.memory_space<vmem>>, vector<16xi32>,
      tpu.vector_store_idx %arg11[%get3A_983], %broadcast_in_dim3A_43 {add = true} : memref<10112xf32, #tpu.memory_space<vmem>>[vector<16xi32>], vector<16xf32>,
      %dma_wait3A_984 = arith.constant 11 : i32
      %dma_wait3A_985 = arith.constant 0 : i32
      %dma_wait3A_986 = tpu.memref_slice %arg8[%dma_wait3A_984, %dma_wait3A_985] : memref<16x64xi32, #tpu.memory_space<vmem>> -> memref<1x64xi32, #tpu.memory_space<vmem>>
      %dma_wait3A_987 = tpu.memref_squeeze %dma_wait3A_986 : memref<1x64xi32, #tpu.memory_space<vmem>> -> memref<64xi32, #tpu.memory_space<vmem>>
      %dma_wait3A_988 = arith.constant 0 : i32
      %dma_wait3A_989 = arith.constant 0 : i32
      %dma_wait3A_990 = tpu.memref_slice %arg12[%dma_wait3A_988, %dma_wait3A_989] : memref<10112x128xf32, #tpu.memory_space<vmem_shared>> -> memref<10112x128xf32, #tpu.memory_space<vmem_shared>>
      tpu.wait_indirect_dma semaphore(%arg16 : memref<!tpu.dma_semaphore, #tpu.memory_space<semaphore_mem>>) src(%arg10 : memref<64x128xf32, #tpu.memory_space<vmem>>) dst(%dma_wait3A_990 : memref<10112x128xf32, #tpu.memory_space<vmem_shared>>)
      %dma_start3A_991 = arith.constant 13 : i32
      %dma_start3A_992 = arith.constant 0 : i32
      %dma_start3A_993 = tpu.memref_slice %arg7[%dma_start3A_991, %dma_start3A_992] : memref<16x64xi32, #tpu.memory_space<vmem>> -> memref<1x64xi32, #tpu.memory_space<vmem>>
      %dma_start3A_994 = tpu.memref_squeeze %dma_start3A_993 : memref<1x64xi32, #tpu.memory_space<vmem>> -> memref<64xi32, #tpu.memory_space<vmem>>
      %dma_start3A_995 = arith.constant 0 : i32
      %dma_start3A_996 = arith.constant 0 : i32
      %dma_start3A_997 = tpu.memref_slice %arg2[%dma_start3A_995, %dma_start3A_996] : memref<10000x128xf32, #tpu.memory_space<hbm>> -> memref<10000x128xf32, #tpu.memory_space<hbm>>
      tpu.enqueue_indirect_dma source(%dma_start3A_997 : memref<10000x128xf32, #tpu.memory_space<hbm>>) target(%arg10 : memref<64x128xf32, #tpu.memory_space<vmem>>) offsets(%dma_start3A_994 : memref<64xi32, #tpu.memory_space<vmem>>) semaphore(%arg14 : memref<!tpu.dma_semaphore, #tpu.memory_space<semaphore_mem>>)
      %dma_wait3A_998 = arith.constant 12 : i32
      %dma_wait3A_999 = arith.constant 0 : i32
      %dma_wait3A_1000 = tpu.memref_slice %arg7[%dma_wait3A_998, %dma_wait3A_999] : memref<16x64xi32, #tpu.memory_space<vmem>> -> memref<1x64xi32, #tpu.memory_space<vmem>>
      %dma_wait3A_1001 = tpu.memref_squeeze %dma_wait3A_1000 : memref<1x64xi32, #tpu.memory_space<vmem>> -> memref<64xi32, #tpu.memory_space<vmem>>
      %dma_wait3A_1002 = arith.constant 0 : i32
      %dma_wait3A_1003 = arith.constant 0 : i32
      %dma_wait3A_1004 = tpu.memref_slice %arg2[%dma_wait3A_1002, %dma_wait3A_1003] : memref<10000x128xf32, #tpu.memory_space<hbm>> -> memref<10000x128xf32, #tpu.memory_space<hbm>>
      tpu.wait_indirect_dma semaphore(%arg13 : memref<!tpu.dma_semaphore, #tpu.memory_space<semaphore_mem>>) src(%dma_wait3A_1004 : memref<10000x128xf32, #tpu.memory_space<hbm>>) dst(%arg9 : memref<64x128xf32, #tpu.memory_space<vmem>>)
      %dma_start3A_1005 = arith.constant 12 : i32
      %dma_start3A_1006 = arith.constant 0 : i32
      %dma_start3A_1007 = tpu.memref_slice %arg8[%dma_start3A_1005, %dma_start3A_1006] : memref<16x64xi32, #tpu.memory_space<vmem>> -> memref<1x64xi32, #tpu.memory_space<vmem>>
      %dma_start3A_1008 = tpu.memref_squeeze %dma_start3A_1007 : memref<1x64xi32, #tpu.memory_space<vmem>> -> memref<64xi32, #tpu.memory_space<vmem>>
      %dma_start3A_1009 = arith.constant 0 : i32
      %dma_start3A_1010 = arith.constant 0 : i32
      %dma_start3A_1011 = tpu.memref_slice %arg12[%dma_start3A_1009, %dma_start3A_1010] : memref<10112x128xf32, #tpu.memory_space<vmem_shared>> -> memref<10112x128xf32, #tpu.memory_space<vmem_shared>>
      tpu.enqueue_indirect_dma source(%arg9 : memref<64x128xf32, #tpu.memory_space<vmem>>) target(%dma_start3A_1011 : memref<10112x128xf32, #tpu.memory_space<vmem_shared>>) offsets(%dma_start3A_1008 : memref<64xi32, #tpu.memory_space<vmem>>) semaphore(%arg15 : memref<!tpu.dma_semaphore, #tpu.memory_space<semaphore_mem>>) {add = true}
      %get3A_1012 = arith.constant 12 : i32
      %get3A_1013 = arith.index_cast %get3A_1012 : i32 to index
      %get3A_1014 = arith.constant 0 : index
      %get3A_1015 = tpu.vector_load %arg8[%get3A_1013, %get3A_1014] {strides = array<i32>} : memref<16x64xi32, #tpu.memory_space<vmem>>, vector<16xi32>,
      tpu.vector_store_idx %arg11[%get3A_1015], %broadcast_in_dim3A_43 {add = true} : memref<10112xf32, #tpu.memory_space<vmem>>[vector<16xi32>], vector<16xf32>,
      %get3A_1016 = arith.constant 12 : i32
      %get3A_1017 = arith.index_cast %get3A_1016 : i32 to index
      %get3A_1018 = arith.constant 16 : index
      %get3A_1019 = tpu.vector_load %arg8[%get3A_1017, %get3A_1018] {strides = array<i32>} : memref<16x64xi32, #tpu.memory_space<vmem>>, vector<16xi32>,
      tpu.vector_store_idx %arg11[%get3A_1019], %broadcast_in_dim3A_43 {add = true} : memref<10112xf32, #tpu.memory_space<vmem>>[vector<16xi32>], vector<16xf32>,
      %get3A_1020 = arith.constant 12 : i32
      %get3A_1021 = arith.index_cast %get3A_1020 : i32 to index
      %get3A_1022 = arith.constant 32 : index
      %get3A_1023 = tpu.vector_load %arg8[%get3A_1021, %get3A_1022] {strides = array<i32>} : memref<16x64xi32, #tpu.memory_space<vmem>>, vector<16xi32>,
      tpu.vector_store_idx %arg11[%get3A_1023], %broadcast_in_dim3A_43 {add = true} : memref<10112xf32, #tpu.memory_space<vmem>>[vector<16xi32>], vector<16xf32>,
      %get3A_1024 = arith.constant 12 : i32
      %get3A_1025 = arith.index_cast %get3A_1024 : i32 to index
      %get3A_1026 = arith.constant 48 : index
      %get3A_1027 = tpu.vector_load %arg8[%get3A_1025, %get3A_1026] {strides = array<i32>} : memref<16x64xi32, #tpu.memory_space<vmem>>, vector<16xi32>,
      tpu.vector_store_idx %arg11[%get3A_1027], %broadcast_in_dim3A_43 {add = true} : memref<10112xf32, #tpu.memory_space<vmem>>[vector<16xi32>], vector<16xf32>,
      %dma_wait3A_1028 = arith.constant 12 : i32
      %dma_wait3A_1029 = arith.constant 0 : i32
      %dma_wait3A_1030 = tpu.memref_slice %arg8[%dma_wait3A_1028, %dma_wait3A_1029] : memref<16x64xi32, #tpu.memory_space<vmem>> -> memref<1x64xi32, #tpu.memory_space<vmem>>
      %dma_wait3A_1031 = tpu.memref_squeeze %dma_wait3A_1030 : memref<1x64xi32, #tpu.memory_space<vmem>> -> memref<64xi32, #tpu.memory_space<vmem>>
      %dma_wait3A_1032 = arith.constant 0 : i32
      %dma_wait3A_1033 = arith.constant 0 : i32
      %dma_wait3A_1034 = tpu.memref_slice %arg12[%dma_wait3A_1032, %dma_wait3A_1033] : memref<10112x128xf32, #tpu.memory_space<vmem_shared>> -> memref<10112x128xf32, #tpu.memory_space<vmem_shared>>
      tpu.wait_indirect_dma semaphore(%arg15 : memref<!tpu.dma_semaphore, #tpu.memory_space<semaphore_mem>>) src(%arg9 : memref<64x128xf32, #tpu.memory_space<vmem>>) dst(%dma_wait3A_1034 : memref<10112x128xf32, #tpu.memory_space<vmem_shared>>)
      %dma_start3A_1035 = arith.constant 14 : i32
      %dma_start3A_1036 = arith.constant 0 : i32
      %dma_start3A_1037 = tpu.memref_slice %arg7[%dma_start3A_1035, %dma_start3A_1036] : memref<16x64xi32, #tpu.memory_space<vmem>> -> memref<1x64xi32, #tpu.memory_space<vmem>>
      %dma_start3A_1038 = tpu.memref_squeeze %dma_start3A_1037 : memref<1x64xi32, #tpu.memory_space<vmem>> -> memref<64xi32, #tpu.memory_space<vmem>>
      %dma_start3A_1039 = arith.constant 0 : i32
      %dma_start3A_1040 = arith.constant 0 : i32
      %dma_start3A_1041 = tpu.memref_slice %arg2[%dma_start3A_1039, %dma_start3A_1040] : memref<10000x128xf32, #tpu.memory_space<hbm>> -> memref<10000x128xf32, #tpu.memory_space<hbm>>
      tpu.enqueue_indirect_dma source(%dma_start3A_1041 : memref<10000x128xf32, #tpu.memory_space<hbm>>) target(%arg9 : memref<64x128xf32, #tpu.memory_space<vmem>>) offsets(%dma_start3A_1038 : memref<64xi32, #tpu.memory_space<vmem>>) semaphore(%arg13 : memref<!tpu.dma_semaphore, #tpu.memory_space<semaphore_mem>>)
      %dma_wait3A_1042 = arith.constant 13 : i32
      %dma_wait3A_1043 = arith.constant 0 : i32
      %dma_wait3A_1044 = tpu.memref_slice %arg7[%dma_wait3A_1042, %dma_wait3A_1043] : memref<16x64xi32, #tpu.memory_space<vmem>> -> memref<1x64xi32, #tpu.memory_space<vmem>>
      %dma_wait3A_1045 = tpu.memref_squeeze %dma_wait3A_1044 : memref<1x64xi32, #tpu.memory_space<vmem>> -> memref<64xi32, #tpu.memory_space<vmem>>
      %dma_wait3A_1046 = arith.constant 0 : i32
      %dma_wait3A_1047 = arith.constant 0 : i32
      %dma_wait3A_1048 = tpu.memref_slice %arg2[%dma_wait3A_1046, %dma_wait3A_1047] : memref<10000x128xf32, #tpu.memory_space<hbm>> -> memref<10000x128xf32, #tpu.memory_space<hbm>>
      tpu.wait_indirect_dma semaphore(%arg14 : memref<!tpu.dma_semaphore, #tpu.memory_space<semaphore_mem>>) src(%dma_wait3A_1048 : memref<10000x128xf32, #tpu.memory_space<hbm>>) dst(%arg10 : memref<64x128xf32, #tpu.memory_space<vmem>>)
      %dma_start3A_1049 = arith.constant 13 : i32
      %dma_start3A_1050 = arith.constant 0 : i32
      %dma_start3A_1051 = tpu.memref_slice %arg8[%dma_start3A_1049, %dma_start3A_1050] : memref<16x64xi32, #tpu.memory_space<vmem>> -> memref<1x64xi32, #tpu.memory_space<vmem>>
      %dma_start3A_1052 = tpu.memref_squeeze %dma_start3A_1051 : memref<1x64xi32, #tpu.memory_space<vmem>> -> memref<64xi32, #tpu.memory_space<vmem>>
      %dma_start3A_1053 = arith.constant 0 : i32
      %dma_start3A_1054 = arith.constant 0 : i32
      %dma_start3A_1055 = tpu.memref_slice %arg12[%dma_start3A_1053, %dma_start3A_1054] : memref<10112x128xf32, #tpu.memory_space<vmem_shared>> -> memref<10112x128xf32, #tpu.memory_space<vmem_shared>>
      tpu.enqueue_indirect_dma source(%arg10 : memref<64x128xf32, #tpu.memory_space<vmem>>) target(%dma_start3A_1055 : memref<10112x128xf32, #tpu.memory_space<vmem_shared>>) offsets(%dma_start3A_1052 : memref<64xi32, #tpu.memory_space<vmem>>) semaphore(%arg16 : memref<!tpu.dma_semaphore, #tpu.memory_space<semaphore_mem>>) {add = true}
      %get3A_1056 = arith.constant 13 : i32
      %get3A_1057 = arith.index_cast %get3A_1056 : i32 to index
      %get3A_1058 = arith.constant 0 : index
      %get3A_1059 = tpu.vector_load %arg8[%get3A_1057, %get3A_1058] {strides = array<i32>} : memref<16x64xi32, #tpu.memory_space<vmem>>, vector<16xi32>,
      tpu.vector_store_idx %arg11[%get3A_1059], %broadcast_in_dim3A_43 {add = true} : memref<10112xf32, #tpu.memory_space<vmem>>[vector<16xi32>], vector<16xf32>,
      %get3A_1060 = arith.constant 13 : i32
      %get3A_1061 = arith.index_cast %get3A_1060 : i32 to index
      %get3A_1062 = arith.constant 16 : index
      %get3A_1063 = tpu.vector_load %arg8[%get3A_1061, %get3A_1062] {strides = array<i32>} : memref<16x64xi32, #tpu.memory_space<vmem>>, vector<16xi32>,
      tpu.vector_store_idx %arg11[%get3A_1063], %broadcast_in_dim3A_43 {add = true} : memref<10112xf32, #tpu.memory_space<vmem>>[vector<16xi32>], vector<16xf32>,
      %get3A_1064 = arith.constant 13 : i32
      %get3A_1065 = arith.index_cast %get3A_1064 : i32 to index
      %get3A_1066 = arith.constant 32 : index
      %get3A_1067 = tpu.vector_load %arg8[%get3A_1065, %get3A_1066] {strides = array<i32>} : memref<16x64xi32, #tpu.memory_space<vmem>>, vector<16xi32>,
      tpu.vector_store_idx %arg11[%get3A_1067], %broadcast_in_dim3A_43 {add = true} : memref<10112xf32, #tpu.memory_space<vmem>>[vector<16xi32>], vector<16xf32>,
      %get3A_1068 = arith.constant 13 : i32
      %get3A_1069 = arith.index_cast %get3A_1068 : i32 to index
      %get3A_1070 = arith.constant 48 : index
      %get3A_1071 = tpu.vector_load %arg8[%get3A_1069, %get3A_1070] {strides = array<i32>} : memref<16x64xi32, #tpu.memory_space<vmem>>, vector<16xi32>,
      tpu.vector_store_idx %arg11[%get3A_1071], %broadcast_in_dim3A_43 {add = true} : memref<10112xf32, #tpu.memory_space<vmem>>[vector<16xi32>], vector<16xf32>,
      %dma_wait3A_1072 = arith.constant 13 : i32
      %dma_wait3A_1073 = arith.constant 0 : i32
      %dma_wait3A_1074 = tpu.memref_slice %arg8[%dma_wait3A_1072, %dma_wait3A_1073] : memref<16x64xi32, #tpu.memory_space<vmem>> -> memref<1x64xi32, #tpu.memory_space<vmem>>
      %dma_wait3A_1075 = tpu.memref_squeeze %dma_wait3A_1074 : memref<1x64xi32, #tpu.memory_space<vmem>> -> memref<64xi32, #tpu.memory_space<vmem>>
      %dma_wait3A_1076 = arith.constant 0 : i32
      %dma_wait3A_1077 = arith.constant 0 : i32
      %dma_wait3A_1078 = tpu.memref_slice %arg12[%dma_wait3A_1076, %dma_wait3A_1077] : memref<10112x128xf32, #tpu.memory_space<vmem_shared>> -> memref<10112x128xf32, #tpu.memory_space<vmem_shared>>
      tpu.wait_indirect_dma semaphore(%arg16 : memref<!tpu.dma_semaphore, #tpu.memory_space<semaphore_mem>>) src(%arg10 : memref<64x128xf32, #tpu.memory_space<vmem>>) dst(%dma_wait3A_1078 : memref<10112x128xf32, #tpu.memory_space<vmem_shared>>)
      %dma_start3A_1079 = arith.constant 15 : i32
      %dma_start3A_1080 = arith.constant 0 : i32
      %dma_start3A_1081 = tpu.memref_slice %arg7[%dma_start3A_1079, %dma_start3A_1080] : memref<16x64xi32, #tpu.memory_space<vmem>> -> memref<1x64xi32, #tpu.memory_space<vmem>>
      %dma_start3A_1082 = tpu.memref_squeeze %dma_start3A_1081 : memref<1x64xi32, #tpu.memory_space<vmem>> -> memref<64xi32, #tpu.memory_space<vmem>>
      %dma_start3A_1083 = arith.constant 0 : i32
      %dma_start3A_1084 = arith.constant 0 : i32
      %dma_start3A_1085 = tpu.memref_slice %arg2[%dma_start3A_1083, %dma_start3A_1084] : memref<10000x128xf32, #tpu.memory_space<hbm>> -> memref<10000x128xf32, #tpu.memory_space<hbm>>
      tpu.enqueue_indirect_dma source(%dma_start3A_1085 : memref<10000x128xf32, #tpu.memory_space<hbm>>) target(%arg10 : memref<64x128xf32, #tpu.memory_space<vmem>>) offsets(%dma_start3A_1082 : memref<64xi32, #tpu.memory_space<vmem>>) semaphore(%arg14 : memref<!tpu.dma_semaphore, #tpu.memory_space<semaphore_mem>>)
      %dma_wait3A_1086 = arith.constant 14 : i32
      %dma_wait3A_1087 = arith.constant 0 : i32
      %dma_wait3A_1088 = tpu.memref_slice %arg7[%dma_wait3A_1086, %dma_wait3A_1087] : memref<16x64xi32, #tpu.memory_space<vmem>> -> memref<1x64xi32, #tpu.memory_space<vmem>>
      %dma_wait3A_1089 = tpu.memref_squeeze %dma_wait3A_1088 : memref<1x64xi32, #tpu.memory_space<vmem>> -> memref<64xi32, #tpu.memory_space<vmem>>
      %dma_wait3A_1090 = arith.constant 0 : i32
      %dma_wait3A_1091 = arith.constant 0 : i32
      %dma_wait3A_1092 = tpu.memref_slice %arg2[%dma_wait3A_1090, %dma_wait3A_1091] : memref<10000x128xf32, #tpu.memory_space<hbm>> -> memref<10000x128xf32, #tpu.memory_space<hbm>>
      tpu.wait_indirect_dma semaphore(%arg13 : memref<!tpu.dma_semaphore, #tpu.memory_space<semaphore_mem>>) src(%dma_wait3A_1092 : memref<10000x128xf32, #tpu.memory_space<hbm>>) dst(%arg9 : memref<64x128xf32, #tpu.memory_space<vmem>>)
      %dma_start3A_1093 = arith.constant 14 : i32
      %dma_start3A_1094 = arith.constant 0 : i32
      %dma_start3A_1095 = tpu.memref_slice %arg8[%dma_start3A_1093, %dma_start3A_1094] : memref<16x64xi32, #tpu.memory_space<vmem>> -> memref<1x64xi32, #tpu.memory_space<vmem>>
      %dma_start3A_1096 = tpu.memref_squeeze %dma_start3A_1095 : memref<1x64xi32, #tpu.memory_space<vmem>> -> memref<64xi32, #tpu.memory_space<vmem>>
      %dma_start3A_1097 = arith.constant 0 : i32
      %dma_start3A_1098 = arith.constant 0 : i32
      %dma_start3A_1099 = tpu.memref_slice %arg12[%dma_start3A_1097, %dma_start3A_1098] : memref<10112x128xf32, #tpu.memory_space<vmem_shared>> -> memref<10112x128xf32, #tpu.memory_space<vmem_shared>>
      tpu.enqueue_indirect_dma source(%arg9 : memref<64x128xf32, #tpu.memory_space<vmem>>) target(%dma_start3A_1099 : memref<10112x128xf32, #tpu.memory_space<vmem_shared>>) offsets(%dma_start3A_1096 : memref<64xi32, #tpu.memory_space<vmem>>) semaphore(%arg15 : memref<!tpu.dma_semaphore, #tpu.memory_space<semaphore_mem>>) {add = true}
      %get3A_1100 = arith.constant 14 : i32
      %get3A_1101 = arith.index_cast %get3A_1100 : i32 to index
      %get3A_1102 = arith.constant 0 : index
      %get3A_1103 = tpu.vector_load %arg8[%get3A_1101, %get3A_1102] {strides = array<i32>} : memref<16x64xi32, #tpu.memory_space<vmem>>, vector<16xi32>,
      tpu.vector_store_idx %arg11[%get3A_1103], %broadcast_in_dim3A_43 {add = true} : memref<10112xf32, #tpu.memory_space<vmem>>[vector<16xi32>], vector<16xf32>,
      %get3A_1104 = arith.constant 14 : i32
      %get3A_1105 = arith.index_cast %get3A_1104 : i32 to index
      %get3A_1106 = arith.constant 16 : index
      %get3A_1107 = tpu.vector_load %arg8[%get3A_1105, %get3A_1106] {strides = array<i32>} : memref<16x64xi32, #tpu.memory_space<vmem>>, vector<16xi32>,
      tpu.vector_store_idx %arg11[%get3A_1107], %broadcast_in_dim3A_43 {add = true} : memref<10112xf32, #tpu.memory_space<vmem>>[vector<16xi32>], vector<16xf32>,
      %get3A_1108 = arith.constant 14 : i32
      %get3A_1109 = arith.index_cast %get3A_1108 : i32 to index
      %get3A_1110 = arith.constant 32 : index
      %get3A_1111 = tpu.vector_load %arg8[%get3A_1109, %get3A_1110] {strides = array<i32>} : memref<16x64xi32, #tpu.memory_space<vmem>>, vector<16xi32>,
      tpu.vector_store_idx %arg11[%get3A_1111], %broadcast_in_dim3A_43 {add = true} : memref<10112xf32, #tpu.memory_space<vmem>>[vector<16xi32>], vector<16xf32>,
      %get3A_1112 = arith.constant 14 : i32
      %get3A_1113 = arith.index_cast %get3A_1112 : i32 to index
      %get3A_1114 = arith.constant 48 : index
      %get3A_1115 = tpu.vector_load %arg8[%get3A_1113, %get3A_1114] {strides = array<i32>} : memref<16x64xi32, #tpu.memory_space<vmem>>, vector<16xi32>,
      tpu.vector_store_idx %arg11[%get3A_1115], %broadcast_in_dim3A_43 {add = true} : memref<10112xf32, #tpu.memory_space<vmem>>[vector<16xi32>], vector<16xf32>,
      %dma_wait3A_1116 = arith.constant 15 : i32
      %dma_wait3A_1117 = arith.constant 0 : i32
      %dma_wait3A_1118 = tpu.memref_slice %arg7[%dma_wait3A_1116, %dma_wait3A_1117] : memref<16x64xi32, #tpu.memory_space<vmem>> -> memref<1x64xi32, #tpu.memory_space<vmem>>
      %dma_wait3A_1119 = tpu.memref_squeeze %dma_wait3A_1118 : memref<1x64xi32, #tpu.memory_space<vmem>> -> memref<64xi32, #tpu.memory_space<vmem>>
      %dma_wait3A_1120 = arith.constant 0 : i32
      %dma_wait3A_1121 = arith.constant 0 : i32
      %dma_wait3A_1122 = tpu.memref_slice %arg2[%dma_wait3A_1120, %dma_wait3A_1121] : memref<10000x128xf32, #tpu.memory_space<hbm>> -> memref<10000x128xf32, #tpu.memory_space<hbm>>
      tpu.wait_indirect_dma semaphore(%arg14 : memref<!tpu.dma_semaphore, #tpu.memory_space<semaphore_mem>>) src(%dma_wait3A_1122 : memref<10000x128xf32, #tpu.memory_space<hbm>>) dst(%arg10 : memref<64x128xf32, #tpu.memory_space<vmem>>)
      %dma_start3A_1123 = arith.constant 15 : i32
      %dma_start3A_1124 = arith.constant 0 : i32
      %dma_start3A_1125 = tpu.memref_slice %arg8[%dma_start3A_1123, %dma_start3A_1124] : memref<16x64xi32, #tpu.memory_space<vmem>> -> memref<1x64xi32, #tpu.memory_space<vmem>>
      %dma_start3A_1126 = tpu.memref_squeeze %dma_start3A_1125 : memref<1x64xi32, #tpu.memory_space<vmem>> -> memref<64xi32, #tpu.memory_space<vmem>>
      %dma_start3A_1127 = arith.constant 0 : i32
      %dma_start3A_1128 = arith.constant 0 : i32
      %dma_start3A_1129 = tpu.memref_slice %arg12[%dma_start3A_1127, %dma_start3A_1128] : memref<10112x128xf32, #tpu.memory_space<vmem_shared>> -> memref<10112x128xf32, #tpu.memory_space<vmem_shared>>
      tpu.enqueue_indirect_dma source(%arg10 : memref<64x128xf32, #tpu.memory_space<vmem>>) target(%dma_start3A_1129 : memref<10112x128xf32, #tpu.memory_space<vmem_shared>>) offsets(%dma_start3A_1126 : memref<64xi32, #tpu.memory_space<vmem>>) semaphore(%arg16 : memref<!tpu.dma_semaphore, #tpu.memory_space<semaphore_mem>>) {add = true}
      %get3A_1130 = arith.constant 15 : i32
      %get3A_1131 = arith.index_cast %get3A_1130 : i32 to index
      %get3A_1132 = arith.constant 0 : index
      %get3A_1133 = tpu.vector_load %arg8[%get3A_1131, %get3A_1132] {strides = array<i32>} : memref<16x64xi32, #tpu.memory_space<vmem>>, vector<16xi32>,
      tpu.vector_store_idx %arg11[%get3A_1133], %broadcast_in_dim3A_43 {add = true} : memref<10112xf32, #tpu.memory_space<vmem>>[vector<16xi32>], vector<16xf32>,
      %get3A_1134 = arith.constant 15 : i32
      %get3A_1135 = arith.index_cast %get3A_1134 : i32 to index
      %get3A_1136 = arith.constant 16 : index
      %get3A_1137 = tpu.vector_load %arg8[%get3A_1135, %get3A_1136] {strides = array<i32>} : memref<16x64xi32, #tpu.memory_space<vmem>>, vector<16xi32>,
      tpu.vector_store_idx %arg11[%get3A_1137], %broadcast_in_dim3A_43 {add = true} : memref<10112xf32, #tpu.memory_space<vmem>>[vector<16xi32>], vector<16xf32>,
      %get3A_1138 = arith.constant 15 : i32
      %get3A_1139 = arith.index_cast %get3A_1138 : i32 to index
      %get3A_1140 = arith.constant 32 : index
      %get3A_1141 = tpu.vector_load %arg8[%get3A_1139, %get3A_1140] {strides = array<i32>} : memref<16x64xi32, #tpu.memory_space<vmem>>, vector<16xi32>,
      tpu.vector_store_idx %arg11[%get3A_1141], %broadcast_in_dim3A_43 {add = true} : memref<10112xf32, #tpu.memory_space<vmem>>[vector<16xi32>], vector<16xf32>,
      %get3A_1142 = arith.constant 15 : i32
      %get3A_1143 = arith.index_cast %get3A_1142 : i32 to index
      %get3A_1144 = arith.constant 48 : index
      %get3A_1145 = tpu.vector_load %arg8[%get3A_1143, %get3A_1144] {strides = array<i32>} : memref<16x64xi32, #tpu.memory_space<vmem>>, vector<16xi32>,
      tpu.vector_store_idx %arg11[%get3A_1145], %broadcast_in_dim3A_43 {add = true} : memref<10112xf32, #tpu.memory_space<vmem>>[vector<16xi32>], vector<16xf32>,
      %dma_wait3A_1146 = arith.constant 14 : i32
      %dma_wait3A_1147 = arith.constant 0 : i32
      %dma_wait3A_1148 = tpu.memref_slice %arg8[%dma_wait3A_1146, %dma_wait3A_1147] : memref<16x64xi32, #tpu.memory_space<vmem>> -> memref<1x64xi32, #tpu.memory_space<vmem>>
      %dma_wait3A_1149 = tpu.memref_squeeze %dma_wait3A_1148 : memref<1x64xi32, #tpu.memory_space<vmem>> -> memref<64xi32, #tpu.memory_space<vmem>>
      %dma_wait3A_1150 = arith.constant 0 : i32
      %dma_wait3A_1151 = arith.constant 0 : i32
      %dma_wait3A_1152 = tpu.memref_slice %arg12[%dma_wait3A_1150, %dma_wait3A_1151] : memref<10112x128xf32, #tpu.memory_space<vmem_shared>> -> memref<10112x128xf32, #tpu.memory_space<vmem_shared>>
      tpu.wait_indirect_dma semaphore(%arg15 : memref<!tpu.dma_semaphore, #tpu.memory_space<semaphore_mem>>) src(%arg9 : memref<64x128xf32, #tpu.memory_space<vmem>>) dst(%dma_wait3A_1152 : memref<10112x128xf32, #tpu.memory_space<vmem_shared>>)
      %dma_wait3A_1153 = arith.constant 15 : i32
      %dma_wait3A_1154 = arith.constant 0 : i32
      %dma_wait3A_1155 = tpu.memref_slice %arg8[%dma_wait3A_1153, %dma_wait3A_1154] : memref<16x64xi32, #tpu.memory_space<vmem>> -> memref<1x64xi32, #tpu.memory_space<vmem>>
      %dma_wait3A_1156 = tpu.memref_squeeze %dma_wait3A_1155 : memref<1x64xi32, #tpu.memory_space<vmem>> -> memref<64xi32, #tpu.memory_space<vmem>>
      %dma_wait3A_1157 = arith.constant 0 : i32
      %dma_wait3A_1158 = arith.constant 0 : i32
      %dma_wait3A_1159 = tpu.memref_slice %arg12[%dma_wait3A_1157, %dma_wait3A_1158] : memref<10112x128xf32, #tpu.memory_space<vmem_shared>> -> memref<10112x128xf32, #tpu.memory_space<vmem_shared>>
      tpu.wait_indirect_dma semaphore(%arg16 : memref<!tpu.dma_semaphore, #tpu.memory_space<semaphore_mem>>) src(%arg10 : memref<64x128xf32, #tpu.memory_space<vmem>>) dst(%dma_wait3A_1159 : memref<10112x128xf32, #tpu.memory_space<vmem_shared>>)
      %scan3A_1160 = arith.constant 0 : i32
      scf.yield %scan3A_1160 : i32
    }
    %scan3A_50 = arith.constant 10 : i32
    %barrier3A_51 = arith.constant 0 : index
    tpu.barrier barrier_id(%barrier3A_51)
    %add3A_52 = arith.constant 0 : i32
    %add3A_53 = arith.addi %mul3A_2, %add3A_52 : i32
    "tpu.region"() ({
      %run_scoped3A = tpu.sem_alloc : memref<!tpu.dma_semaphore, #tpu.memory_space<semaphore_mem>>
      %dma_start3A_450 = arith.constant 0 : i32
      %dma_start3A_451 = arith.constant 0 : i32
      %dma_start3A_452 = tpu.memref_slice %arg9[%dma_start3A_450, %dma_start3A_451] : memref<64x128xf32, #tpu.memory_space<vmem>> -> memref<64x128xf32, #tpu.memory_space<vmem>>
      %dma_start3A_453 = arith.constant 0 : i32
      %dma_start3A_454 = tpu.memref_slice %arg12[%add3A_53, %dma_start3A_453] : memref<10112x128xf32, #tpu.memory_space<vmem_shared>> -> memref<64x128xf32, #tpu.memory_space<vmem_shared>>
      %dma_start3A_455 = arith.constant 0 : i32
      %dma_start3A_456 = arith.constant 0 : i32
      %dma_start3A_457 = tpu.memref_slice %arg9[%dma_start3A_455, %dma_start3A_456] : memref<64x128xf32, #tpu.memory_space<vmem>> -> memref<64x128xf32, #tpu.memory_space<vmem>>
      %dma_start3A_458 = arith.constant 0 : i32
      %dma_start3A_459 = tpu.memref_slice %arg12[%add3A_53, %dma_start3A_458] : memref<10112x128xf32, #tpu.memory_space<vmem_shared>> -> memref<64x128xf32, #tpu.memory_space<vmem_shared>>
      tpu.enqueue_dma source(%dma_start3A_459 : memref<64x128xf32, #tpu.memory_space<vmem_shared>>) target(%dma_start3A_457 : memref<64x128xf32, #tpu.memory_space<vmem>>) target_semaphore(%run_scoped3A : memref<!tpu.dma_semaphore, #tpu.memory_space<semaphore_mem>>)
      %dma_wait3A_460 = arith.constant 0 : i32
      %dma_wait3A_461 = arith.constant 0 : i32
      %dma_wait3A_462 = tpu.memref_slice %arg9[%dma_wait3A_460, %dma_wait3A_461] : memref<64x128xf32, #tpu.memory_space<vmem>> -> memref<64x128xf32, #tpu.memory_space<vmem>>
      %dma_wait3A_463 = arith.constant 0 : i32
      %dma_wait3A_464 = tpu.memref_slice %arg12[%add3A_53, %dma_wait3A_463] : memref<10112x128xf32, #tpu.memory_space<vmem_shared>> -> memref<64x128xf32, #tpu.memory_space<vmem_shared>>
      %dma_wait3A_465 = arith.constant 0 : i32
      %dma_wait3A_466 = arith.constant 0 : i32
      %dma_wait3A_467 = tpu.memref_slice %arg9[%dma_wait3A_465, %dma_wait3A_466] : memref<64x128xf32, #tpu.memory_space<vmem>> -> memref<64x128xf32, #tpu.memory_space<vmem>>
      %dma_wait3A_468 = arith.constant 0 : i32
      %dma_wait3A_469 = tpu.memref_slice %arg12[%add3A_53, %dma_wait3A_468] : memref<10112x128xf32, #tpu.memory_space<vmem_shared>> -> memref<64x128xf32, #tpu.memory_space<vmem_shared>>
      tpu.wait_dma2 semaphore(%run_scoped3A : memref<!tpu.dma_semaphore, #tpu.memory_space<semaphore_mem>>) src(%dma_wait3A_469 : memref<64x128xf32, #tpu.memory_space<vmem_shared>>) dst(%dma_wait3A_467 : memref<64x128xf32, #tpu.memory_space<vmem>>)
      tpu.yield
    }) : () -> ()
    %add3A_54 = arith.constant 0 : i32
    %add3A_55 = arith.addi %mul3A_2, %add3A_54 : i32
    %dma_start3A = arith.constant 0 : i32
    %dma_start3A_56 = arith.constant 0 : i32
    %dma_start3A_57 = tpu.memref_slice %arg9[%dma_start3A, %dma_start3A_56] : memref<64x128xf32, #tpu.memory_space<vmem>> -> memref<64x128xf32, #tpu.memory_space<vmem>>
    %dma_start3A_58 = arith.constant 0 : i32
    %dma_start3A_59 = arith.constant 0 : i32
    %dma_start3A_60 = tpu.memref_slice %arg5[%arg0, %dma_start3A_58, %dma_start3A_59] : memref<2x10112x128xf32, #tpu.memory_space<hbm>> -> memref<1x10112x128xf32, #tpu.memory_space<hbm>>
    %dma_start3A_61 = tpu.memref_squeeze %dma_start3A_60 : memref<1x10112x128xf32, #tpu.memory_space<hbm>> -> memref<10112x128xf32, #tpu.memory_space<hbm>>
    %dma_start3A_62 = arith.constant 0 : i32
    %dma_start3A_63 = tpu.memref_slice %dma_start3A_61[%add3A_55, %dma_start3A_62] : memref<10112x128xf32, #tpu.memory_space<hbm>> -> memref<64x128xf32, #tpu.memory_space<hbm>>
    %dma_start3A_64 = arith.constant 0 : i32
    %dma_start3A_65 = arith.constant 0 : i32
    %dma_start3A_66 = tpu.memref_slice %arg5[%arg0, %dma_start3A_64, %dma_start3A_65] : memref<2x10112x128xf32, #tpu.memory_space<hbm>> -> memref<1x10112x128xf32, #tpu.memory_space<hbm>>
    %dma_start3A_67 = tpu.memref_squeeze %dma_start3A_66 : memref<1x10112x128xf32, #tpu.memory_space<hbm>> -> memref<10112x128xf32, #tpu.memory_space<hbm>>
    %dma_start3A_68 = arith.constant 0 : i32
    %dma_start3A_69 = tpu.memref_slice %dma_start3A_67[%add3A_55, %dma_start3A_68] : memref<10112x128xf32, #tpu.memory_space<hbm>> -> memref<64x128xf32, #tpu.memory_space<hbm>>
    %dma_start3A_70 = arith.constant 0 : i32
    %dma_start3A_71 = arith.constant 0 : i32
    %dma_start3A_72 = tpu.memref_slice %arg9[%dma_start3A_70, %dma_start3A_71] : memref<64x128xf32, #tpu.memory_space<vmem>> -> memref<64x128xf32, #tpu.memory_space<vmem>>
    tpu.enqueue_dma source(%dma_start3A_72 : memref<64x128xf32, #tpu.memory_space<vmem>>) target(%dma_start3A_69 : memref<64x128xf32, #tpu.memory_space<hbm>>) target_semaphore(%arg13 : memref<!tpu.dma_semaphore, #tpu.memory_space<semaphore_mem>>)
    %add3A_73 = arith.constant 64 : i32
    %add3A_74 = arith.addi %mul3A_2, %add3A_73 : i32
    "tpu.region"() ({
      %run_scoped3A = tpu.sem_alloc : memref<!tpu.dma_semaphore, #tpu.memory_space<semaphore_mem>>
      %dma_start3A_450 = arith.constant 0 : i32
      %dma_start3A_451 = arith.constant 0 : i32
      %dma_start3A_452 = tpu.memref_slice %arg10[%dma_start3A_450, %dma_start3A_451] : memref<64x128xf32, #tpu.memory_space<vmem>> -> memref<64x128xf32, #tpu.memory_space<vmem>>
      %dma_start3A_453 = arith.constant 0 : i32
      %dma_start3A_454 = tpu.memref_slice %arg12[%add3A_74, %dma_start3A_453] : memref<10112x128xf32, #tpu.memory_space<vmem_shared>> -> memref<64x128xf32, #tpu.memory_space<vmem_shared>>
      %dma_start3A_455 = arith.constant 0 : i32
      %dma_start3A_456 = arith.constant 0 : i32
      %dma_start3A_457 = tpu.memref_slice %arg10[%dma_start3A_455, %dma_start3A_456] : memref<64x128xf32, #tpu.memory_space<vmem>> -> memref<64x128xf32, #tpu.memory_space<vmem>>
      %dma_start3A_458 = arith.constant 0 : i32
      %dma_start3A_459 = tpu.memref_slice %arg12[%add3A_74, %dma_start3A_458] : memref<10112x128xf32, #tpu.memory_space<vmem_shared>> -> memref<64x128xf32, #tpu.memory_space<vmem_shared>>
      tpu.enqueue_dma source(%dma_start3A_459 : memref<64x128xf32, #tpu.memory_space<vmem_shared>>) target(%dma_start3A_457 : memref<64x128xf32, #tpu.memory_space<vmem>>) target_semaphore(%run_scoped3A : memref<!tpu.dma_semaphore, #tpu.memory_space<semaphore_mem>>)
      %dma_wait3A_460 = arith.constant 0 : i32
      %dma_wait3A_461 = arith.constant 0 : i32
      %dma_wait3A_462 = tpu.memref_slice %arg10[%dma_wait3A_460, %dma_wait3A_461] : memref<64x128xf32, #tpu.memory_space<vmem>> -> memref<64x128xf32, #tpu.memory_space<vmem>>
      %dma_wait3A_463 = arith.constant 0 : i32
      %dma_wait3A_464 = tpu.memref_slice %arg12[%add3A_74, %dma_wait3A_463] : memref<10112x128xf32, #tpu.memory_space<vmem_shared>> -> memref<64x128xf32, #tpu.memory_space<vmem_shared>>
      %dma_wait3A_465 = arith.constant 0 : i32
      %dma_wait3A_466 = arith.constant 0 : i32
      %dma_wait3A_467 = tpu.memref_slice %arg10[%dma_wait3A_465, %dma_wait3A_466] : memref<64x128xf32, #tpu.memory_space<vmem>> -> memref<64x128xf32, #tpu.memory_space<vmem>>
      %dma_wait3A_468 = arith.constant 0 : i32
      %dma_wait3A_469 = tpu.memref_slice %arg12[%add3A_74, %dma_wait3A_468] : memref<10112x128xf32, #tpu.memory_space<vmem_shared>> -> memref<64x128xf32, #tpu.memory_space<vmem_shared>>
      tpu.wait_dma2 semaphore(%run_scoped3A : memref<!tpu.dma_semaphore, #tpu.memory_space<semaphore_mem>>) src(%dma_wait3A_469 : memref<64x128xf32, #tpu.memory_space<vmem_shared>>) dst(%dma_wait3A_467 : memref<64x128xf32, #tpu.memory_space<vmem>>)
      tpu.yield
    }) : () -> ()
    %add3A_75 = arith.constant 64 : i32
    %add3A_76 = arith.addi %mul3A_2, %add3A_75 : i32
    %dma_start3A_77 = arith.constant 0 : i32
    %dma_start3A_78 = arith.constant 0 : i32
    %dma_start3A_79 = tpu.memref_slice %arg10[%dma_start3A_77, %dma_start3A_78] : memref<64x128xf32, #tpu.memory_space<vmem>> -> memref<64x128xf32, #tpu.memory_space<vmem>>
    %dma_start3A_80 = arith.constant 0 : i32
    %dma_start3A_81 = arith.constant 0 : i32
    %dma_start3A_82 = tpu.memref_slice %arg5[%arg0, %dma_start3A_80, %dma_start3A_81] : memref<2x10112x128xf32, #tpu.memory_space<hbm>> -> memref<1x10112x128xf32, #tpu.memory_space<hbm>>
    %dma_start3A_83 = tpu.memref_squeeze %dma_start3A_82 : memref<1x10112x128xf32, #tpu.memory_space<hbm>> -> memref<10112x128xf32, #tpu.memory_space<hbm>>
    %dma_start3A_84 = arith.constant 0 : i32
    %dma_start3A_85 = tpu.memref_slice %dma_start3A_83[%add3A_76, %dma_start3A_84] : memref<10112x128xf32, #tpu.memory_space<hbm>> -> memref<64x128xf32, #tpu.memory_space<hbm>>
    %dma_start3A_86 = arith.constant 0 : i32
    %dma_start3A_87 = arith.constant 0 : i32
    %dma_start3A_88 = tpu.memref_slice %arg5[%arg0, %dma_start3A_86, %dma_start3A_87] : memref<2x10112x128xf32, #tpu.memory_space<hbm>> -> memref<1x10112x128xf32, #tpu.memory_space<hbm>>
    %dma_start3A_89 = tpu.memref_squeeze %dma_start3A_88 : memref<1x10112x128xf32, #tpu.memory_space<hbm>> -> memref<10112x128xf32, #tpu.memory_space<hbm>>
    %dma_start3A_90 = arith.constant 0 : i32
    %dma_start3A_91 = tpu.memref_slice %dma_start3A_89[%add3A_76, %dma_start3A_90] : memref<10112x128xf32, #tpu.memory_space<hbm>> -> memref<64x128xf32, #tpu.memory_space<hbm>>
    %dma_start3A_92 = arith.constant 0 : i32
    %dma_start3A_93 = arith.constant 0 : i32
    %dma_start3A_94 = tpu.memref_slice %arg10[%dma_start3A_92, %dma_start3A_93] : memref<64x128xf32, #tpu.memory_space<vmem>> -> memref<64x128xf32, #tpu.memory_space<vmem>>
    tpu.enqueue_dma source(%dma_start3A_94 : memref<64x128xf32, #tpu.memory_space<vmem>>) target(%dma_start3A_91 : memref<64x128xf32, #tpu.memory_space<hbm>>) target_semaphore(%arg14 : memref<!tpu.dma_semaphore, #tpu.memory_space<semaphore_mem>>)
    %dma_wait3A = arith.constant 0 : i32
    %dma_wait3A_95 = arith.constant 0 : i32
    %dma_wait3A_96 = tpu.memref_slice %arg9[%dma_wait3A, %dma_wait3A_95] : memref<64x128xf32, #tpu.memory_space<vmem>> -> memref<64x128xf32, #tpu.memory_space<vmem>>
    %dma_wait3A_97 = arith.constant 0 : i32
    %dma_wait3A_98 = arith.constant 0 : i32
    %dma_wait3A_99 = tpu.memref_slice %arg5[%arg0, %dma_wait3A_97, %dma_wait3A_98] : memref<2x10112x128xf32, #tpu.memory_space<hbm>> -> memref<1x10112x128xf32, #tpu.memory_space<hbm>>
    %dma_wait3A_100 = tpu.memref_squeeze %dma_wait3A_99 : memref<1x10112x128xf32, #tpu.memory_space<hbm>> -> memref<10112x128xf32, #tpu.memory_space<hbm>>
    %dma_wait3A_101 = arith.constant 0 : i32
    %dma_wait3A_102 = tpu.memref_slice %dma_wait3A_100[%add3A_55, %dma_wait3A_101] : memref<10112x128xf32, #tpu.memory_space<hbm>> -> memref<64x128xf32, #tpu.memory_space<hbm>>
    %dma_wait3A_103 = arith.constant 0 : i32
    %dma_wait3A_104 = arith.constant 0 : i32
    %dma_wait3A_105 = tpu.memref_slice %arg5[%arg0, %dma_wait3A_103, %dma_wait3A_104] : memref<2x10112x128xf32, #tpu.memory_space<hbm>> -> memref<1x10112x128xf32, #tpu.memory_space<hbm>>
    %dma_wait3A_106 = tpu.memref_squeeze %dma_wait3A_105 : memref<1x10112x128xf32, #tpu.memory_space<hbm>> -> memref<10112x128xf32, #tpu.memory_space<hbm>>
    %dma_wait3A_107 = arith.constant 0 : i32
    %dma_wait3A_108 = tpu.memref_slice %dma_wait3A_106[%add3A_55, %dma_wait3A_107] : memref<10112x128xf32, #tpu.memory_space<hbm>> -> memref<64x128xf32, #tpu.memory_space<hbm>>
    %dma_wait3A_109 = arith.constant 0 : i32
    %dma_wait3A_110 = arith.constant 0 : i32
    %dma_wait3A_111 = tpu.memref_slice %arg9[%dma_wait3A_109, %dma_wait3A_110] : memref<64x128xf32, #tpu.memory_space<vmem>> -> memref<64x128xf32, #tpu.memory_space<vmem>>
    tpu.wait_dma2 semaphore(%arg13 : memref<!tpu.dma_semaphore, #tpu.memory_space<semaphore_mem>>) src(%dma_wait3A_111 : memref<64x128xf32, #tpu.memory_space<vmem>>) dst(%dma_wait3A_108 : memref<64x128xf32, #tpu.memory_space<hbm>>)
    %add3A_112 = arith.constant 128 : i32
    %add3A_113 = arith.addi %mul3A_2, %add3A_112 : i32
    "tpu.region"() ({
      %run_scoped3A = tpu.sem_alloc : memref<!tpu.dma_semaphore, #tpu.memory_space<semaphore_mem>>
      %dma_start3A_450 = arith.constant 0 : i32
      %dma_start3A_451 = arith.constant 0 : i32
      %dma_start3A_452 = tpu.memref_slice %arg9[%dma_start3A_450, %dma_start3A_451] : memref<64x128xf32, #tpu.memory_space<vmem>> -> memref<64x128xf32, #tpu.memory_space<vmem>>
      %dma_start3A_453 = arith.constant 0 : i32
      %dma_start3A_454 = tpu.memref_slice %arg12[%add3A_113, %dma_start3A_453] : memref<10112x128xf32, #tpu.memory_space<vmem_shared>> -> memref<64x128xf32, #tpu.memory_space<vmem_shared>>
      %dma_start3A_455 = arith.constant 0 : i32
      %dma_start3A_456 = arith.constant 0 : i32
      %dma_start3A_457 = tpu.memref_slice %arg9[%dma_start3A_455, %dma_start3A_456] : memref<64x128xf32, #tpu.memory_space<vmem>> -> memref<64x128xf32, #tpu.memory_space<vmem>>
      %dma_start3A_458 = arith.constant 0 : i32
      %dma_start3A_459 = tpu.memref_slice %arg12[%add3A_113, %dma_start3A_458] : memref<10112x128xf32, #tpu.memory_space<vmem_shared>> -> memref<64x128xf32, #tpu.memory_space<vmem_shared>>
      tpu.enqueue_dma source(%dma_start3A_459 : memref<64x128xf32, #tpu.memory_space<vmem_shared>>) target(%dma_start3A_457 : memref<64x128xf32, #tpu.memory_space<vmem>>) target_semaphore(%run_scoped3A : memref<!tpu.dma_semaphore, #tpu.memory_space<semaphore_mem>>)
      %dma_wait3A_460 = arith.constant 0 : i32
      %dma_wait3A_461 = arith.constant 0 : i32
      %dma_wait3A_462 = tpu.memref_slice %arg9[%dma_wait3A_460, %dma_wait3A_461] : memref<64x128xf32, #tpu.memory_space<vmem>> -> memref<64x128xf32, #tpu.memory_space<vmem>>
      %dma_wait3A_463 = arith.constant 0 : i32
      %dma_wait3A_464 = tpu.memref_slice %arg12[%add3A_113, %dma_wait3A_463] : memref<10112x128xf32, #tpu.memory_space<vmem_shared>> -> memref<64x128xf32, #tpu.memory_space<vmem_shared>>
      %dma_wait3A_465 = arith.constant 0 : i32
      %dma_wait3A_466 = arith.constant 0 : i32
      %dma_wait3A_467 = tpu.memref_slice %arg9[%dma_wait3A_465, %dma_wait3A_466] : memref<64x128xf32, #tpu.memory_space<vmem>> -> memref<64x128xf32, #tpu.memory_space<vmem>>
      %dma_wait3A_468 = arith.constant 0 : i32
      %dma_wait3A_469 = tpu.memref_slice %arg12[%add3A_113, %dma_wait3A_468] : memref<10112x128xf32, #tpu.memory_space<vmem_shared>> -> memref<64x128xf32, #tpu.memory_space<vmem_shared>>
      tpu.wait_dma2 semaphore(%run_scoped3A : memref<!tpu.dma_semaphore, #tpu.memory_space<semaphore_mem>>) src(%dma_wait3A_469 : memref<64x128xf32, #tpu.memory_space<vmem_shared>>) dst(%dma_wait3A_467 : memref<64x128xf32, #tpu.memory_space<vmem>>)
      tpu.yield
    }) : () -> ()
    %add3A_114 = arith.constant 128 : i32
    %add3A_115 = arith.addi %mul3A_2, %add3A_114 : i32
    %dma_start3A_116 = arith.constant 0 : i32
    %dma_start3A_117 = arith.constant 0 : i32
    %dma_start3A_118 = tpu.memref_slice %arg9[%dma_start3A_116, %dma_start3A_117] : memref<64x128xf32, #tpu.memory_space<vmem>> -> memref<64x128xf32, #tpu.memory_space<vmem>>
    %dma_start3A_119 = arith.constant 0 : i32
    %dma_start3A_120 = arith.constant 0 : i32
    %dma_start3A_121 = tpu.memref_slice %arg5[%arg0, %dma_start3A_119, %dma_start3A_120] : memref<2x10112x128xf32, #tpu.memory_space<hbm>> -> memref<1x10112x128xf32, #tpu.memory_space<hbm>>
    %dma_start3A_122 = tpu.memref_squeeze %dma_start3A_121 : memref<1x10112x128xf32, #tpu.memory_space<hbm>> -> memref<10112x128xf32, #tpu.memory_space<hbm>>
    %dma_start3A_123 = arith.constant 0 : i32
    %dma_start3A_124 = tpu.memref_slice %dma_start3A_122[%add3A_115, %dma_start3A_123] : memref<10112x128xf32, #tpu.memory_space<hbm>> -> memref<64x128xf32, #tpu.memory_space<hbm>>
    %dma_start3A_125 = arith.constant 0 : i32
    %dma_start3A_126 = arith.constant 0 : i32
    %dma_start3A_127 = tpu.memref_slice %arg5[%arg0, %dma_start3A_125, %dma_start3A_126] : memref<2x10112x128xf32, #tpu.memory_space<hbm>> -> memref<1x10112x128xf32, #tpu.memory_space<hbm>>
    %dma_start3A_128 = tpu.memref_squeeze %dma_start3A_127 : memref<1x10112x128xf32, #tpu.memory_space<hbm>> -> memref<10112x128xf32, #tpu.memory_space<hbm>>
    %dma_start3A_129 = arith.constant 0 : i32
    %dma_start3A_130 = tpu.memref_slice %dma_start3A_128[%add3A_115, %dma_start3A_129] : memref<10112x128xf32, #tpu.memory_space<hbm>> -> memref<64x128xf32, #tpu.memory_space<hbm>>
    %dma_start3A_131 = arith.constant 0 : i32
    %dma_start3A_132 = arith.constant 0 : i32
    %dma_start3A_133 = tpu.memref_slice %arg9[%dma_start3A_131, %dma_start3A_132] : memref<64x128xf32, #tpu.memory_space<vmem>> -> memref<64x128xf32, #tpu.memory_space<vmem>>
    tpu.enqueue_dma source(%dma_start3A_133 : memref<64x128xf32, #tpu.memory_space<vmem>>) target(%dma_start3A_130 : memref<64x128xf32, #tpu.memory_space<hbm>>) target_semaphore(%arg13 : memref<!tpu.dma_semaphore, #tpu.memory_space<semaphore_mem>>)
    %dma_wait3A_134 = arith.constant 0 : i32
    %dma_wait3A_135 = arith.constant 0 : i32
    %dma_wait3A_136 = tpu.memref_slice %arg10[%dma_wait3A_134, %dma_wait3A_135] : memref<64x128xf32, #tpu.memory_space<vmem>> -> memref<64x128xf32, #tpu.memory_space<vmem>>
    %dma_wait3A_137 = arith.constant 0 : i32
    %dma_wait3A_138 = arith.constant 0 : i32
    %dma_wait3A_139 = tpu.memref_slice %arg5[%arg0, %dma_wait3A_137, %dma_wait3A_138] : memref<2x10112x128xf32, #tpu.memory_space<hbm>> -> memref<1x10112x128xf32, #tpu.memory_space<hbm>>
    %dma_wait3A_140 = tpu.memref_squeeze %dma_wait3A_139 : memref<1x10112x128xf32, #tpu.memory_space<hbm>> -> memref<10112x128xf32, #tpu.memory_space<hbm>>
    %dma_wait3A_141 = arith.constant 0 : i32
    %dma_wait3A_142 = tpu.memref_slice %dma_wait3A_140[%add3A_76, %dma_wait3A_141] : memref<10112x128xf32, #tpu.memory_space<hbm>> -> memref<64x128xf32, #tpu.memory_space<hbm>>
    %dma_wait3A_143 = arith.constant 0 : i32
    %dma_wait3A_144 = arith.constant 0 : i32
    %dma_wait3A_145 = tpu.memref_slice %arg5[%arg0, %dma_wait3A_143, %dma_wait3A_144] : memref<2x10112x128xf32, #tpu.memory_space<hbm>> -> memref<1x10112x128xf32, #tpu.memory_space<hbm>>
    %dma_wait3A_146 = tpu.memref_squeeze %dma_wait3A_145 : memref<1x10112x128xf32, #tpu.memory_space<hbm>> -> memref<10112x128xf32, #tpu.memory_space<hbm>>
    %dma_wait3A_147 = arith.constant 0 : i32
    %dma_wait3A_148 = tpu.memref_slice %dma_wait3A_146[%add3A_76, %dma_wait3A_147] : memref<10112x128xf32, #tpu.memory_space<hbm>> -> memref<64x128xf32, #tpu.memory_space<hbm>>
    %dma_wait3A_149 = arith.constant 0 : i32
    %dma_wait3A_150 = arith.constant 0 : i32
    %dma_wait3A_151 = tpu.memref_slice %arg10[%dma_wait3A_149, %dma_wait3A_150] : memref<64x128xf32, #tpu.memory_space<vmem>> -> memref<64x128xf32, #tpu.memory_space<vmem>>
    tpu.wait_dma2 semaphore(%arg14 : memref<!tpu.dma_semaphore, #tpu.memory_space<semaphore_mem>>) src(%dma_wait3A_151 : memref<64x128xf32, #tpu.memory_space<vmem>>) dst(%dma_wait3A_148 : memref<64x128xf32, #tpu.memory_space<hbm>>)
    %add3A_152 = arith.constant 192 : i32
    %add3A_153 = arith.addi %mul3A_2, %add3A_152 : i32
    "tpu.region"() ({
      %run_scoped3A = tpu.sem_alloc : memref<!tpu.dma_semaphore, #tpu.memory_space<semaphore_mem>>
      %dma_start3A_450 = arith.constant 0 : i32
      %dma_start3A_451 = arith.constant 0 : i32
      %dma_start3A_452 = tpu.memref_slice %arg10[%dma_start3A_450, %dma_start3A_451] : memref<64x128xf32, #tpu.memory_space<vmem>> -> memref<64x128xf32, #tpu.memory_space<vmem>>
      %dma_start3A_453 = arith.constant 0 : i32
      %dma_start3A_454 = tpu.memref_slice %arg12[%add3A_153, %dma_start3A_453] : memref<10112x128xf32, #tpu.memory_space<vmem_shared>> -> memref<64x128xf32, #tpu.memory_space<vmem_shared>>
      %dma_start3A_455 = arith.constant 0 : i32
      %dma_start3A_456 = arith.constant 0 : i32
      %dma_start3A_457 = tpu.memref_slice %arg10[%dma_start3A_455, %dma_start3A_456] : memref<64x128xf32, #tpu.memory_space<vmem>> -> memref<64x128xf32, #tpu.memory_space<vmem>>
      %dma_start3A_458 = arith.constant 0 : i32
      %dma_start3A_459 = tpu.memref_slice %arg12[%add3A_153, %dma_start3A_458] : memref<10112x128xf32, #tpu.memory_space<vmem_shared>> -> memref<64x128xf32, #tpu.memory_space<vmem_shared>>
      tpu.enqueue_dma source(%dma_start3A_459 : memref<64x128xf32, #tpu.memory_space<vmem_shared>>) target(%dma_start3A_457 : memref<64x128xf32, #tpu.memory_space<vmem>>) target_semaphore(%run_scoped3A : memref<!tpu.dma_semaphore, #tpu.memory_space<semaphore_mem>>)
      %dma_wait3A_460 = arith.constant 0 : i32
      %dma_wait3A_461 = arith.constant 0 : i32
      %dma_wait3A_462 = tpu.memref_slice %arg10[%dma_wait3A_460, %dma_wait3A_461] : memref<64x128xf32, #tpu.memory_space<vmem>> -> memref<64x128xf32, #tpu.memory_space<vmem>>
      %dma_wait3A_463 = arith.constant 0 : i32
      %dma_wait3A_464 = tpu.memref_slice %arg12[%add3A_153, %dma_wait3A_463] : memref<10112x128xf32, #tpu.memory_space<vmem_shared>> -> memref<64x128xf32, #tpu.memory_space<vmem_shared>>
      %dma_wait3A_465 = arith.constant 0 : i32
      %dma_wait3A_466 = arith.constant 0 : i32
      %dma_wait3A_467 = tpu.memref_slice %arg10[%dma_wait3A_465, %dma_wait3A_466] : memref<64x128xf32, #tpu.memory_space<vmem>> -> memref<64x128xf32, #tpu.memory_space<vmem>>
      %dma_wait3A_468 = arith.constant 0 : i32
      %dma_wait3A_469 = tpu.memref_slice %arg12[%add3A_153, %dma_wait3A_468] : memref<10112x128xf32, #tpu.memory_space<vmem_shared>> -> memref<64x128xf32, #tpu.memory_space<vmem_shared>>
      tpu.wait_dma2 semaphore(%run_scoped3A : memref<!tpu.dma_semaphore, #tpu.memory_space<semaphore_mem>>) src(%dma_wait3A_469 : memref<64x128xf32, #tpu.memory_space<vmem_shared>>) dst(%dma_wait3A_467 : memref<64x128xf32, #tpu.memory_space<vmem>>)
      tpu.yield
    }) : () -> ()
    %add3A_154 = arith.constant 192 : i32
    %add3A_155 = arith.addi %mul3A_2, %add3A_154 : i32
    %dma_start3A_156 = arith.constant 0 : i32
    %dma_start3A_157 = arith.constant 0 : i32
    %dma_start3A_158 = tpu.memref_slice %arg10[%dma_start3A_156, %dma_start3A_157] : memref<64x128xf32, #tpu.memory_space<vmem>> -> memref<64x128xf32, #tpu.memory_space<vmem>>
    %dma_start3A_159 = arith.constant 0 : i32
    %dma_start3A_160 = arith.constant 0 : i32
    %dma_start3A_161 = tpu.memref_slice %arg5[%arg0, %dma_start3A_159, %dma_start3A_160] : memref<2x10112x128xf32, #tpu.memory_space<hbm>> -> memref<1x10112x128xf32, #tpu.memory_space<hbm>>
    %dma_start3A_162 = tpu.memref_squeeze %dma_start3A_161 : memref<1x10112x128xf32, #tpu.memory_space<hbm>> -> memref<10112x128xf32, #tpu.memory_space<hbm>>
    %dma_start3A_163 = arith.constant 0 : i32
    %dma_start3A_164 = tpu.memref_slice %dma_start3A_162[%add3A_155, %dma_start3A_163] : memref<10112x128xf32, #tpu.memory_space<hbm>> -> memref<64x128xf32, #tpu.memory_space<hbm>>
    %dma_start3A_165 = arith.constant 0 : i32
    %dma_start3A_166 = arith.constant 0 : i32
    %dma_start3A_167 = tpu.memref_slice %arg5[%arg0, %dma_start3A_165, %dma_start3A_166] : memref<2x10112x128xf32, #tpu.memory_space<hbm>> -> memref<1x10112x128xf32, #tpu.memory_space<hbm>>
    %dma_start3A_168 = tpu.memref_squeeze %dma_start3A_167 : memref<1x10112x128xf32, #tpu.memory_space<hbm>> -> memref<10112x128xf32, #tpu.memory_space<hbm>>
    %dma_start3A_169 = arith.constant 0 : i32
    %dma_start3A_170 = tpu.memref_slice %dma_start3A_168[%add3A_155, %dma_start3A_169] : memref<10112x128xf32, #tpu.memory_space<hbm>> -> memref<64x128xf32, #tpu.memory_space<hbm>>
    %dma_start3A_171 = arith.constant 0 : i32
    %dma_start3A_172 = arith.constant 0 : i32
    %dma_start3A_173 = tpu.memref_slice %arg10[%dma_start3A_171, %dma_start3A_172] : memref<64x128xf32, #tpu.memory_space<vmem>> -> memref<64x128xf32, #tpu.memory_space<vmem>>
    tpu.enqueue_dma source(%dma_start3A_173 : memref<64x128xf32, #tpu.memory_space<vmem>>) target(%dma_start3A_170 : memref<64x128xf32, #tpu.memory_space<hbm>>) target_semaphore(%arg14 : memref<!tpu.dma_semaphore, #tpu.memory_space<semaphore_mem>>)
    %dma_wait3A_174 = arith.constant 0 : i32
    %dma_wait3A_175 = arith.constant 0 : i32
    %dma_wait3A_176 = tpu.memref_slice %arg9[%dma_wait3A_174, %dma_wait3A_175] : memref<64x128xf32, #tpu.memory_space<vmem>> -> memref<64x128xf32, #tpu.memory_space<vmem>>
    %dma_wait3A_177 = arith.constant 0 : i32
    %dma_wait3A_178 = arith.constant 0 : i32
    %dma_wait3A_179 = tpu.memref_slice %arg5[%arg0, %dma_wait3A_177, %dma_wait3A_178] : memref<2x10112x128xf32, #tpu.memory_space<hbm>> -> memref<1x10112x128xf32, #tpu.memory_space<hbm>>
    %dma_wait3A_180 = tpu.memref_squeeze %dma_wait3A_179 : memref<1x10112x128xf32, #tpu.memory_space<hbm>> -> memref<10112x128xf32, #tpu.memory_space<hbm>>
    %dma_wait3A_181 = arith.constant 0 : i32
    %dma_wait3A_182 = tpu.memref_slice %dma_wait3A_180[%add3A_115, %dma_wait3A_181] : memref<10112x128xf32, #tpu.memory_space<hbm>> -> memref<64x128xf32, #tpu.memory_space<hbm>>
    %dma_wait3A_183 = arith.constant 0 : i32
    %dma_wait3A_184 = arith.constant 0 : i32
    %dma_wait3A_185 = tpu.memref_slice %arg5[%arg0, %dma_wait3A_183, %dma_wait3A_184] : memref<2x10112x128xf32, #tpu.memory_space<hbm>> -> memref<1x10112x128xf32, #tpu.memory_space<hbm>>
    %dma_wait3A_186 = tpu.memref_squeeze %dma_wait3A_185 : memref<1x10112x128xf32, #tpu.memory_space<hbm>> -> memref<10112x128xf32, #tpu.memory_space<hbm>>
    %dma_wait3A_187 = arith.constant 0 : i32
    %dma_wait3A_188 = tpu.memref_slice %dma_wait3A_186[%add3A_115, %dma_wait3A_187] : memref<10112x128xf32, #tpu.memory_space<hbm>> -> memref<64x128xf32, #tpu.memory_space<hbm>>
    %dma_wait3A_189 = arith.constant 0 : i32
    %dma_wait3A_190 = arith.constant 0 : i32
    %dma_wait3A_191 = tpu.memref_slice %arg9[%dma_wait3A_189, %dma_wait3A_190] : memref<64x128xf32, #tpu.memory_space<vmem>> -> memref<64x128xf32, #tpu.memory_space<vmem>>
    tpu.wait_dma2 semaphore(%arg13 : memref<!tpu.dma_semaphore, #tpu.memory_space<semaphore_mem>>) src(%dma_wait3A_191 : memref<64x128xf32, #tpu.memory_space<vmem>>) dst(%dma_wait3A_188 : memref<64x128xf32, #tpu.memory_space<hbm>>)
    %add3A_192 = arith.constant 256 : i32
    %add3A_193 = arith.addi %mul3A_2, %add3A_192 : i32
    "tpu.region"() ({
      %run_scoped3A = tpu.sem_alloc : memref<!tpu.dma_semaphore, #tpu.memory_space<semaphore_mem>>
      %dma_start3A_450 = arith.constant 0 : i32
      %dma_start3A_451 = arith.constant 0 : i32
      %dma_start3A_452 = tpu.memref_slice %arg9[%dma_start3A_450, %dma_start3A_451] : memref<64x128xf32, #tpu.memory_space<vmem>> -> memref<64x128xf32, #tpu.memory_space<vmem>>
      %dma_start3A_453 = arith.constant 0 : i32
      %dma_start3A_454 = tpu.memref_slice %arg12[%add3A_193, %dma_start3A_453] : memref<10112x128xf32, #tpu.memory_space<vmem_shared>> -> memref<64x128xf32, #tpu.memory_space<vmem_shared>>
      %dma_start3A_455 = arith.constant 0 : i32
      %dma_start3A_456 = arith.constant 0 : i32
      %dma_start3A_457 = tpu.memref_slice %arg9[%dma_start3A_455, %dma_start3A_456] : memref<64x128xf32, #tpu.memory_space<vmem>> -> memref<64x128xf32, #tpu.memory_space<vmem>>
      %dma_start3A_458 = arith.constant 0 : i32
      %dma_start3A_459 = tpu.memref_slice %arg12[%add3A_193, %dma_start3A_458] : memref<10112x128xf32, #tpu.memory_space<vmem_shared>> -> memref<64x128xf32, #tpu.memory_space<vmem_shared>>
      tpu.enqueue_dma source(%dma_start3A_459 : memref<64x128xf32, #tpu.memory_space<vmem_shared>>) target(%dma_start3A_457 : memref<64x128xf32, #tpu.memory_space<vmem>>) target_semaphore(%run_scoped3A : memref<!tpu.dma_semaphore, #tpu.memory_space<semaphore_mem>>)
      %dma_wait3A_460 = arith.constant 0 : i32
      %dma_wait3A_461 = arith.constant 0 : i32
      %dma_wait3A_462 = tpu.memref_slice %arg9[%dma_wait3A_460, %dma_wait3A_461] : memref<64x128xf32, #tpu.memory_space<vmem>> -> memref<64x128xf32, #tpu.memory_space<vmem>>
      %dma_wait3A_463 = arith.constant 0 : i32
      %dma_wait3A_464 = tpu.memref_slice %arg12[%add3A_193, %dma_wait3A_463] : memref<10112x128xf32, #tpu.memory_space<vmem_shared>> -> memref<64x128xf32, #tpu.memory_space<vmem_shared>>
      %dma_wait3A_465 = arith.constant 0 : i32
      %dma_wait3A_466 = arith.constant 0 : i32
      %dma_wait3A_467 = tpu.memref_slice %arg9[%dma_wait3A_465, %dma_wait3A_466] : memref<64x128xf32, #tpu.memory_space<vmem>> -> memref<64x128xf32, #tpu.memory_space<vmem>>
      %dma_wait3A_468 = arith.constant 0 : i32
      %dma_wait3A_469 = tpu.memref_slice %arg12[%add3A_193, %dma_wait3A_468] : memref<10112x128xf32, #tpu.memory_space<vmem_shared>> -> memref<64x128xf32, #tpu.memory_space<vmem_shared>>
      tpu.wait_dma2 semaphore(%run_scoped3A : memref<!tpu.dma_semaphore, #tpu.memory_space<semaphore_mem>>) src(%dma_wait3A_469 : memref<64x128xf32, #tpu.memory_space<vmem_shared>>) dst(%dma_wait3A_467 : memref<64x128xf32, #tpu.memory_space<vmem>>)
      tpu.yield
    }) : () -> ()
    %add3A_194 = arith.constant 256 : i32
    %add3A_195 = arith.addi %mul3A_2, %add3A_194 : i32
    %dma_start3A_196 = arith.constant 0 : i32
    %dma_start3A_197 = arith.constant 0 : i32
    %dma_start3A_198 = tpu.memref_slice %arg9[%dma_start3A_196, %dma_start3A_197] : memref<64x128xf32, #tpu.memory_space<vmem>> -> memref<64x128xf32, #tpu.memory_space<vmem>>
    %dma_start3A_199 = arith.constant 0 : i32
    %dma_start3A_200 = arith.constant 0 : i32
    %dma_start3A_201 = tpu.memref_slice %arg5[%arg0, %dma_start3A_199, %dma_start3A_200] : memref<2x10112x128xf32, #tpu.memory_space<hbm>> -> memref<1x10112x128xf32, #tpu.memory_space<hbm>>
    %dma_start3A_202 = tpu.memref_squeeze %dma_start3A_201 : memref<1x10112x128xf32, #tpu.memory_space<hbm>> -> memref<10112x128xf32, #tpu.memory_space<hbm>>
    %dma_start3A_203 = arith.constant 0 : i32
    %dma_start3A_204 = tpu.memref_slice %dma_start3A_202[%add3A_195, %dma_start3A_203] : memref<10112x128xf32, #tpu.memory_space<hbm>> -> memref<64x128xf32, #tpu.memory_space<hbm>>
    %dma_start3A_205 = arith.constant 0 : i32
    %dma_start3A_206 = arith.constant 0 : i32
    %dma_start3A_207 = tpu.memref_slice %arg5[%arg0, %dma_start3A_205, %dma_start3A_206] : memref<2x10112x128xf32, #tpu.memory_space<hbm>> -> memref<1x10112x128xf32, #tpu.memory_space<hbm>>
    %dma_start3A_208 = tpu.memref_squeeze %dma_start3A_207 : memref<1x10112x128xf32, #tpu.memory_space<hbm>> -> memref<10112x128xf32, #tpu.memory_space<hbm>>
    %dma_start3A_209 = arith.constant 0 : i32
    %dma_start3A_210 = tpu.memref_slice %dma_start3A_208[%add3A_195, %dma_start3A_209] : memref<10112x128xf32, #tpu.memory_space<hbm>> -> memref<64x128xf32, #tpu.memory_space<hbm>>
    %dma_start3A_211 = arith.constant 0 : i32
    %dma_start3A_212 = arith.constant 0 : i32
    %dma_start3A_213 = tpu.memref_slice %arg9[%dma_start3A_211, %dma_start3A_212] : memref<64x128xf32, #tpu.memory_space<vmem>> -> memref<64x128xf32, #tpu.memory_space<vmem>>
    tpu.enqueue_dma source(%dma_start3A_213 : memref<64x128xf32, #tpu.memory_space<vmem>>) target(%dma_start3A_210 : memref<64x128xf32, #tpu.memory_space<hbm>>) target_semaphore(%arg13 : memref<!tpu.dma_semaphore, #tpu.memory_space<semaphore_mem>>)
    %dma_wait3A_214 = arith.constant 0 : i32
    %dma_wait3A_215 = arith.constant 0 : i32
    %dma_wait3A_216 = tpu.memref_slice %arg10[%dma_wait3A_214, %dma_wait3A_215] : memref<64x128xf32, #tpu.memory_space<vmem>> -> memref<64x128xf32, #tpu.memory_space<vmem>>
    %dma_wait3A_217 = arith.constant 0 : i32
    %dma_wait3A_218 = arith.constant 0 : i32
    %dma_wait3A_219 = tpu.memref_slice %arg5[%arg0, %dma_wait3A_217, %dma_wait3A_218] : memref<2x10112x128xf32, #tpu.memory_space<hbm>> -> memref<1x10112x128xf32, #tpu.memory_space<hbm>>
    %dma_wait3A_220 = tpu.memref_squeeze %dma_wait3A_219 : memref<1x10112x128xf32, #tpu.memory_space<hbm>> -> memref<10112x128xf32, #tpu.memory_space<hbm>>
    %dma_wait3A_221 = arith.constant 0 : i32
    %dma_wait3A_222 = tpu.memref_slice %dma_wait3A_220[%add3A_155, %dma_wait3A_221] : memref<10112x128xf32, #tpu.memory_space<hbm>> -> memref<64x128xf32, #tpu.memory_space<hbm>>
    %dma_wait3A_223 = arith.constant 0 : i32
    %dma_wait3A_224 = arith.constant 0 : i32
    %dma_wait3A_225 = tpu.memref_slice %arg5[%arg0, %dma_wait3A_223, %dma_wait3A_224] : memref<2x10112x128xf32, #tpu.memory_space<hbm>> -> memref<1x10112x128xf32, #tpu.memory_space<hbm>>
    %dma_wait3A_226 = tpu.memref_squeeze %dma_wait3A_225 : memref<1x10112x128xf32, #tpu.memory_space<hbm>> -> memref<10112x128xf32, #tpu.memory_space<hbm>>
    %dma_wait3A_227 = arith.constant 0 : i32
    %dma_wait3A_228 = tpu.memref_slice %dma_wait3A_226[%add3A_155, %dma_wait3A_227] : memref<10112x128xf32, #tpu.memory_space<hbm>> -> memref<64x128xf32, #tpu.memory_space<hbm>>
    %dma_wait3A_229 = arith.constant 0 : i32
    %dma_wait3A_230 = arith.constant 0 : i32
    %dma_wait3A_231 = tpu.memref_slice %arg10[%dma_wait3A_229, %dma_wait3A_230] : memref<64x128xf32, #tpu.memory_space<vmem>> -> memref<64x128xf32, #tpu.memory_space<vmem>>
    tpu.wait_dma2 semaphore(%arg14 : memref<!tpu.dma_semaphore, #tpu.memory_space<semaphore_mem>>) src(%dma_wait3A_231 : memref<64x128xf32, #tpu.memory_space<vmem>>) dst(%dma_wait3A_228 : memref<64x128xf32, #tpu.memory_space<hbm>>)
    %add3A_232 = arith.constant 320 : i32
    %add3A_233 = arith.addi %mul3A_2, %add3A_232 : i32
    "tpu.region"() ({
      %run_scoped3A = tpu.sem_alloc : memref<!tpu.dma_semaphore, #tpu.memory_space<semaphore_mem>>
      %dma_start3A_450 = arith.constant 0 : i32
      %dma_start3A_451 = arith.constant 0 : i32
      %dma_start3A_452 = tpu.memref_slice %arg10[%dma_start3A_450, %dma_start3A_451] : memref<64x128xf32, #tpu.memory_space<vmem>> -> memref<64x128xf32, #tpu.memory_space<vmem>>
      %dma_start3A_453 = arith.constant 0 : i32
      %dma_start3A_454 = tpu.memref_slice %arg12[%add3A_233, %dma_start3A_453] : memref<10112x128xf32, #tpu.memory_space<vmem_shared>> -> memref<64x128xf32, #tpu.memory_space<vmem_shared>>
      %dma_start3A_455 = arith.constant 0 : i32
      %dma_start3A_456 = arith.constant 0 : i32
      %dma_start3A_457 = tpu.memref_slice %arg10[%dma_start3A_455, %dma_start3A_456] : memref<64x128xf32, #tpu.memory_space<vmem>> -> memref<64x128xf32, #tpu.memory_space<vmem>>
      %dma_start3A_458 = arith.constant 0 : i32
      %dma_start3A_459 = tpu.memref_slice %arg12[%add3A_233, %dma_start3A_458] : memref<10112x128xf32, #tpu.memory_space<vmem_shared>> -> memref<64x128xf32, #tpu.memory_space<vmem_shared>>
      tpu.enqueue_dma source(%dma_start3A_459 : memref<64x128xf32, #tpu.memory_space<vmem_shared>>) target(%dma_start3A_457 : memref<64x128xf32, #tpu.memory_space<vmem>>) target_semaphore(%run_scoped3A : memref<!tpu.dma_semaphore, #tpu.memory_space<semaphore_mem>>)
      %dma_wait3A_460 = arith.constant 0 : i32
      %dma_wait3A_461 = arith.constant 0 : i32
      %dma_wait3A_462 = tpu.memref_slice %arg10[%dma_wait3A_460, %dma_wait3A_461] : memref<64x128xf32, #tpu.memory_space<vmem>> -> memref<64x128xf32, #tpu.memory_space<vmem>>
      %dma_wait3A_463 = arith.constant 0 : i32
      %dma_wait3A_464 = tpu.memref_slice %arg12[%add3A_233, %dma_wait3A_463] : memref<10112x128xf32, #tpu.memory_space<vmem_shared>> -> memref<64x128xf32, #tpu.memory_space<vmem_shared>>
      %dma_wait3A_465 = arith.constant 0 : i32
      %dma_wait3A_466 = arith.constant 0 : i32
      %dma_wait3A_467 = tpu.memref_slice %arg10[%dma_wait3A_465, %dma_wait3A_466] : memref<64x128xf32, #tpu.memory_space<vmem>> -> memref<64x128xf32, #tpu.memory_space<vmem>>
      %dma_wait3A_468 = arith.constant 0 : i32
      %dma_wait3A_469 = tpu.memref_slice %arg12[%add3A_233, %dma_wait3A_468] : memref<10112x128xf32, #tpu.memory_space<vmem_shared>> -> memref<64x128xf32, #tpu.memory_space<vmem_shared>>
      tpu.wait_dma2 semaphore(%run_scoped3A : memref<!tpu.dma_semaphore, #tpu.memory_space<semaphore_mem>>) src(%dma_wait3A_469 : memref<64x128xf32, #tpu.memory_space<vmem_shared>>) dst(%dma_wait3A_467 : memref<64x128xf32, #tpu.memory_space<vmem>>)
      tpu.yield
    }) : () -> ()
    %add3A_234 = arith.constant 320 : i32
    %add3A_235 = arith.addi %mul3A_2, %add3A_234 : i32
    %dma_start3A_236 = arith.constant 0 : i32
    %dma_start3A_237 = arith.constant 0 : i32
    %dma_start3A_238 = tpu.memref_slice %arg10[%dma_start3A_236, %dma_start3A_237] : memref<64x128xf32, #tpu.memory_space<vmem>> -> memref<64x128xf32, #tpu.memory_space<vmem>>
    %dma_start3A_239 = arith.constant 0 : i32
    %dma_start3A_240 = arith.constant 0 : i32
    %dma_start3A_241 = tpu.memref_slice %arg5[%arg0, %dma_start3A_239, %dma_start3A_240] : memref<2x10112x128xf32, #tpu.memory_space<hbm>> -> memref<1x10112x128xf32, #tpu.memory_space<hbm>>
    %dma_start3A_242 = tpu.memref_squeeze %dma_start3A_241 : memref<1x10112x128xf32, #tpu.memory_space<hbm>> -> memref<10112x128xf32, #tpu.memory_space<hbm>>
    %dma_start3A_243 = arith.constant 0 : i32
    %dma_start3A_244 = tpu.memref_slice %dma_start3A_242[%add3A_235, %dma_start3A_243] : memref<10112x128xf32, #tpu.memory_space<hbm>> -> memref<64x128xf32, #tpu.memory_space<hbm>>
    %dma_start3A_245 = arith.constant 0 : i32
    %dma_start3A_246 = arith.constant 0 : i32
    %dma_start3A_247 = tpu.memref_slice %arg5[%arg0, %dma_start3A_245, %dma_start3A_246] : memref<2x10112x128xf32, #tpu.memory_space<hbm>> -> memref<1x10112x128xf32, #tpu.memory_space<hbm>>
    %dma_start3A_248 = tpu.memref_squeeze %dma_start3A_247 : memref<1x10112x128xf32, #tpu.memory_space<hbm>> -> memref<10112x128xf32, #tpu.memory_space<hbm>>
    %dma_start3A_249 = arith.constant 0 : i32
    %dma_start3A_250 = tpu.memref_slice %dma_start3A_248[%add3A_235, %dma_start3A_249] : memref<10112x128xf32, #tpu.memory_space<hbm>> -> memref<64x128xf32, #tpu.memory_space<hbm>>
    %dma_start3A_251 = arith.constant 0 : i32
    %dma_start3A_252 = arith.constant 0 : i32
    %dma_start3A_253 = tpu.memref_slice %arg10[%dma_start3A_251, %dma_start3A_252] : memref<64x128xf32, #tpu.memory_space<vmem>> -> memref<64x128xf32, #tpu.memory_space<vmem>>
    tpu.enqueue_dma source(%dma_start3A_253 : memref<64x128xf32, #tpu.memory_space<vmem>>) target(%dma_start3A_250 : memref<64x128xf32, #tpu.memory_space<hbm>>) target_semaphore(%arg14 : memref<!tpu.dma_semaphore, #tpu.memory_space<semaphore_mem>>)
    %dma_wait3A_254 = arith.constant 0 : i32
    %dma_wait3A_255 = arith.constant 0 : i32
    %dma_wait3A_256 = tpu.memref_slice %arg9[%dma_wait3A_254, %dma_wait3A_255] : memref<64x128xf32, #tpu.memory_space<vmem>> -> memref<64x128xf32, #tpu.memory_space<vmem>>
    %dma_wait3A_257 = arith.constant 0 : i32
    %dma_wait3A_258 = arith.constant 0 : i32
    %dma_wait3A_259 = tpu.memref_slice %arg5[%arg0, %dma_wait3A_257, %dma_wait3A_258] : memref<2x10112x128xf32, #tpu.memory_space<hbm>> -> memref<1x10112x128xf32, #tpu.memory_space<hbm>>
    %dma_wait3A_260 = tpu.memref_squeeze %dma_wait3A_259 : memref<1x10112x128xf32, #tpu.memory_space<hbm>> -> memref<10112x128xf32, #tpu.memory_space<hbm>>
    %dma_wait3A_261 = arith.constant 0 : i32
    %dma_wait3A_262 = tpu.memref_slice %dma_wait3A_260[%add3A_195, %dma_wait3A_261] : memref<10112x128xf32, #tpu.memory_space<hbm>> -> memref<64x128xf32, #tpu.memory_space<hbm>>
    %dma_wait3A_263 = arith.constant 0 : i32
    %dma_wait3A_264 = arith.constant 0 : i32
    %dma_wait3A_265 = tpu.memref_slice %arg5[%arg0, %dma_wait3A_263, %dma_wait3A_264] : memref<2x10112x128xf32, #tpu.memory_space<hbm>> -> memref<1x10112x128xf32, #tpu.memory_space<hbm>>
    %dma_wait3A_266 = tpu.memref_squeeze %dma_wait3A_265 : memref<1x10112x128xf32, #tpu.memory_space<hbm>> -> memref<10112x128xf32, #tpu.memory_space<hbm>>
    %dma_wait3A_267 = arith.constant 0 : i32
    %dma_wait3A_268 = tpu.memref_slice %dma_wait3A_266[%add3A_195, %dma_wait3A_267] : memref<10112x128xf32, #tpu.memory_space<hbm>> -> memref<64x128xf32, #tpu.memory_space<hbm>>
    %dma_wait3A_269 = arith.constant 0 : i32
    %dma_wait3A_270 = arith.constant 0 : i32
    %dma_wait3A_271 = tpu.memref_slice %arg9[%dma_wait3A_269, %dma_wait3A_270] : memref<64x128xf32, #tpu.memory_space<vmem>> -> memref<64x128xf32, #tpu.memory_space<vmem>>
    tpu.wait_dma2 semaphore(%arg13 : memref<!tpu.dma_semaphore, #tpu.memory_space<semaphore_mem>>) src(%dma_wait3A_271 : memref<64x128xf32, #tpu.memory_space<vmem>>) dst(%dma_wait3A_268 : memref<64x128xf32, #tpu.memory_space<hbm>>)
    %add3A_272 = arith.constant 384 : i32
    %add3A_273 = arith.addi %mul3A_2, %add3A_272 : i32
    "tpu.region"() ({
      %run_scoped3A = tpu.sem_alloc : memref<!tpu.dma_semaphore, #tpu.memory_space<semaphore_mem>>
      %dma_start3A_450 = arith.constant 0 : i32
      %dma_start3A_451 = arith.constant 0 : i32
      %dma_start3A_452 = tpu.memref_slice %arg9[%dma_start3A_450, %dma_start3A_451] : memref<64x128xf32, #tpu.memory_space<vmem>> -> memref<64x128xf32, #tpu.memory_space<vmem>>
      %dma_start3A_453 = arith.constant 0 : i32
      %dma_start3A_454 = tpu.memref_slice %arg12[%add3A_273, %dma_start3A_453] : memref<10112x128xf32, #tpu.memory_space<vmem_shared>> -> memref<64x128xf32, #tpu.memory_space<vmem_shared>>
      %dma_start3A_455 = arith.constant 0 : i32
      %dma_start3A_456 = arith.constant 0 : i32
      %dma_start3A_457 = tpu.memref_slice %arg9[%dma_start3A_455, %dma_start3A_456] : memref<64x128xf32, #tpu.memory_space<vmem>> -> memref<64x128xf32, #tpu.memory_space<vmem>>
      %dma_start3A_458 = arith.constant 0 : i32
      %dma_start3A_459 = tpu.memref_slice %arg12[%add3A_273, %dma_start3A_458] : memref<10112x128xf32, #tpu.memory_space<vmem_shared>> -> memref<64x128xf32, #tpu.memory_space<vmem_shared>>
      tpu.enqueue_dma source(%dma_start3A_459 : memref<64x128xf32, #tpu.memory_space<vmem_shared>>) target(%dma_start3A_457 : memref<64x128xf32, #tpu.memory_space<vmem>>) target_semaphore(%run_scoped3A : memref<!tpu.dma_semaphore, #tpu.memory_space<semaphore_mem>>)
      %dma_wait3A_460 = arith.constant 0 : i32
      %dma_wait3A_461 = arith.constant 0 : i32
      %dma_wait3A_462 = tpu.memref_slice %arg9[%dma_wait3A_460, %dma_wait3A_461] : memref<64x128xf32, #tpu.memory_space<vmem>> -> memref<64x128xf32, #tpu.memory_space<vmem>>
      %dma_wait3A_463 = arith.constant 0 : i32
      %dma_wait3A_464 = tpu.memref_slice %arg12[%add3A_273, %dma_wait3A_463] : memref<10112x128xf32, #tpu.memory_space<vmem_shared>> -> memref<64x128xf32, #tpu.memory_space<vmem_shared>>
      %dma_wait3A_465 = arith.constant 0 : i32
      %dma_wait3A_466 = arith.constant 0 : i32
      %dma_wait3A_467 = tpu.memref_slice %arg9[%dma_wait3A_465, %dma_wait3A_466] : memref<64x128xf32, #tpu.memory_space<vmem>> -> memref<64x128xf32, #tpu.memory_space<vmem>>
      %dma_wait3A_468 = arith.constant 0 : i32
      %dma_wait3A_469 = tpu.memref_slice %arg12[%add3A_273, %dma_wait3A_468] : memref<10112x128xf32, #tpu.memory_space<vmem_shared>> -> memref<64x128xf32, #tpu.memory_space<vmem_shared>>
      tpu.wait_dma2 semaphore(%run_scoped3A : memref<!tpu.dma_semaphore, #tpu.memory_space<semaphore_mem>>) src(%dma_wait3A_469 : memref<64x128xf32, #tpu.memory_space<vmem_shared>>) dst(%dma_wait3A_467 : memref<64x128xf32, #tpu.memory_space<vmem>>)
      tpu.yield
    }) : () -> ()
    %add3A_274 = arith.constant 384 : i32
    %add3A_275 = arith.addi %mul3A_2, %add3A_274 : i32
    %dma_start3A_276 = arith.constant 0 : i32
    %dma_start3A_277 = arith.constant 0 : i32
    %dma_start3A_278 = tpu.memref_slice %arg9[%dma_start3A_276, %dma_start3A_277] : memref<64x128xf32, #tpu.memory_space<vmem>> -> memref<64x128xf32, #tpu.memory_space<vmem>>
    %dma_start3A_279 = arith.constant 0 : i32
    %dma_start3A_280 = arith.constant 0 : i32
    %dma_start3A_281 = tpu.memref_slice %arg5[%arg0, %dma_start3A_279, %dma_start3A_280] : memref<2x10112x128xf32, #tpu.memory_space<hbm>> -> memref<1x10112x128xf32, #tpu.memory_space<hbm>>
    %dma_start3A_282 = tpu.memref_squeeze %dma_start3A_281 : memref<1x10112x128xf32, #tpu.memory_space<hbm>> -> memref<10112x128xf32, #tpu.memory_space<hbm>>
    %dma_start3A_283 = arith.constant 0 : i32
    %dma_start3A_284 = tpu.memref_slice %dma_start3A_282[%add3A_275, %dma_start3A_283] : memref<10112x128xf32, #tpu.memory_space<hbm>> -> memref<64x128xf32, #tpu.memory_space<hbm>>
    %dma_start3A_285 = arith.constant 0 : i32
    %dma_start3A_286 = arith.constant 0 : i32
    %dma_start3A_287 = tpu.memref_slice %arg5[%arg0, %dma_start3A_285, %dma_start3A_286] : memref<2x10112x128xf32, #tpu.memory_space<hbm>> -> memref<1x10112x128xf32, #tpu.memory_space<hbm>>
    %dma_start3A_288 = tpu.memref_squeeze %dma_start3A_287 : memref<1x10112x128xf32, #tpu.memory_space<hbm>> -> memref<10112x128xf32, #tpu.memory_space<hbm>>
    %dma_start3A_289 = arith.constant 0 : i32
    %dma_start3A_290 = tpu.memref_slice %dma_start3A_288[%add3A_275, %dma_start3A_289] : memref<10112x128xf32, #tpu.memory_space<hbm>> -> memref<64x128xf32, #tpu.memory_space<hbm>>
    %dma_start3A_291 = arith.constant 0 : i32
    %dma_start3A_292 = arith.constant 0 : i32
    %dma_start3A_293 = tpu.memref_slice %arg9[%dma_start3A_291, %dma_start3A_292] : memref<64x128xf32, #tpu.memory_space<vmem>> -> memref<64x128xf32, #tpu.memory_space<vmem>>
    tpu.enqueue_dma source(%dma_start3A_293 : memref<64x128xf32, #tpu.memory_space<vmem>>) target(%dma_start3A_290 : memref<64x128xf32, #tpu.memory_space<hbm>>) target_semaphore(%arg13 : memref<!tpu.dma_semaphore, #tpu.memory_space<semaphore_mem>>)
    %dma_wait3A_294 = arith.constant 0 : i32
    %dma_wait3A_295 = arith.constant 0 : i32
    %dma_wait3A_296 = tpu.memref_slice %arg10[%dma_wait3A_294, %dma_wait3A_295] : memref<64x128xf32, #tpu.memory_space<vmem>> -> memref<64x128xf32, #tpu.memory_space<vmem>>
    %dma_wait3A_297 = arith.constant 0 : i32
    %dma_wait3A_298 = arith.constant 0 : i32
    %dma_wait3A_299 = tpu.memref_slice %arg5[%arg0, %dma_wait3A_297, %dma_wait3A_298] : memref<2x10112x128xf32, #tpu.memory_space<hbm>> -> memref<1x10112x128xf32, #tpu.memory_space<hbm>>
    %dma_wait3A_300 = tpu.memref_squeeze %dma_wait3A_299 : memref<1x10112x128xf32, #tpu.memory_space<hbm>> -> memref<10112x128xf32, #tpu.memory_space<hbm>>
    %dma_wait3A_301 = arith.constant 0 : i32
    %dma_wait3A_302 = tpu.memref_slice %dma_wait3A_300[%add3A_235, %dma_wait3A_301] : memref<10112x128xf32, #tpu.memory_space<hbm>> -> memref<64x128xf32, #tpu.memory_space<hbm>>
    %dma_wait3A_303 = arith.constant 0 : i32
    %dma_wait3A_304 = arith.constant 0 : i32
    %dma_wait3A_305 = tpu.memref_slice %arg5[%arg0, %dma_wait3A_303, %dma_wait3A_304] : memref<2x10112x128xf32, #tpu.memory_space<hbm>> -> memref<1x10112x128xf32, #tpu.memory_space<hbm>>
    %dma_wait3A_306 = tpu.memref_squeeze %dma_wait3A_305 : memref<1x10112x128xf32, #tpu.memory_space<hbm>> -> memref<10112x128xf32, #tpu.memory_space<hbm>>
    %dma_wait3A_307 = arith.constant 0 : i32
    %dma_wait3A_308 = tpu.memref_slice %dma_wait3A_306[%add3A_235, %dma_wait3A_307] : memref<10112x128xf32, #tpu.memory_space<hbm>> -> memref<64x128xf32, #tpu.memory_space<hbm>>
    %dma_wait3A_309 = arith.constant 0 : i32
    %dma_wait3A_310 = arith.constant 0 : i32
    %dma_wait3A_311 = tpu.memref_slice %arg10[%dma_wait3A_309, %dma_wait3A_310] : memref<64x128xf32, #tpu.memory_space<vmem>> -> memref<64x128xf32, #tpu.memory_space<vmem>>
    tpu.wait_dma2 semaphore(%arg14 : memref<!tpu.dma_semaphore, #tpu.memory_space<semaphore_mem>>) src(%dma_wait3A_311 : memref<64x128xf32, #tpu.memory_space<vmem>>) dst(%dma_wait3A_308 : memref<64x128xf32, #tpu.memory_space<hbm>>)
    %add3A_312 = arith.constant 448 : i32
    %add3A_313 = arith.addi %mul3A_2, %add3A_312 : i32
    "tpu.region"() ({
      %run_scoped3A = tpu.sem_alloc : memref<!tpu.dma_semaphore, #tpu.memory_space<semaphore_mem>>
      %dma_start3A_450 = arith.constant 0 : i32
      %dma_start3A_451 = arith.constant 0 : i32
      %dma_start3A_452 = tpu.memref_slice %arg10[%dma_start3A_450, %dma_start3A_451] : memref<64x128xf32, #tpu.memory_space<vmem>> -> memref<64x128xf32, #tpu.memory_space<vmem>>
      %dma_start3A_453 = arith.constant 0 : i32
      %dma_start3A_454 = tpu.memref_slice %arg12[%add3A_313, %dma_start3A_453] : memref<10112x128xf32, #tpu.memory_space<vmem_shared>> -> memref<64x128xf32, #tpu.memory_space<vmem_shared>>
      %dma_start3A_455 = arith.constant 0 : i32
      %dma_start3A_456 = arith.constant 0 : i32
      %dma_start3A_457 = tpu.memref_slice %arg10[%dma_start3A_455, %dma_start3A_456] : memref<64x128xf32, #tpu.memory_space<vmem>> -> memref<64x128xf32, #tpu.memory_space<vmem>>
      %dma_start3A_458 = arith.constant 0 : i32
      %dma_start3A_459 = tpu.memref_slice %arg12[%add3A_313, %dma_start3A_458] : memref<10112x128xf32, #tpu.memory_space<vmem_shared>> -> memref<64x128xf32, #tpu.memory_space<vmem_shared>>
      tpu.enqueue_dma source(%dma_start3A_459 : memref<64x128xf32, #tpu.memory_space<vmem_shared>>) target(%dma_start3A_457 : memref<64x128xf32, #tpu.memory_space<vmem>>) target_semaphore(%run_scoped3A : memref<!tpu.dma_semaphore, #tpu.memory_space<semaphore_mem>>)
      %dma_wait3A_460 = arith.constant 0 : i32
      %dma_wait3A_461 = arith.constant 0 : i32
      %dma_wait3A_462 = tpu.memref_slice %arg10[%dma_wait3A_460, %dma_wait3A_461] : memref<64x128xf32, #tpu.memory_space<vmem>> -> memref<64x128xf32, #tpu.memory_space<vmem>>
      %dma_wait3A_463 = arith.constant 0 : i32
      %dma_wait3A_464 = tpu.memref_slice %arg12[%add3A_313, %dma_wait3A_463] : memref<10112x128xf32, #tpu.memory_space<vmem_shared>> -> memref<64x128xf32, #tpu.memory_space<vmem_shared>>
      %dma_wait3A_465 = arith.constant 0 : i32
      %dma_wait3A_466 = arith.constant 0 : i32
      %dma_wait3A_467 = tpu.memref_slice %arg10[%dma_wait3A_465, %dma_wait3A_466] : memref<64x128xf32, #tpu.memory_space<vmem>> -> memref<64x128xf32, #tpu.memory_space<vmem>>
      %dma_wait3A_468 = arith.constant 0 : i32
      %dma_wait3A_469 = tpu.memref_slice %arg12[%add3A_313, %dma_wait3A_468] : memref<10112x128xf32, #tpu.memory_space<vmem_shared>> -> memref<64x128xf32, #tpu.memory_space<vmem_shared>>
      tpu.wait_dma2 semaphore(%run_scoped3A : memref<!tpu.dma_semaphore, #tpu.memory_space<semaphore_mem>>) src(%dma_wait3A_469 : memref<64x128xf32, #tpu.memory_space<vmem_shared>>) dst(%dma_wait3A_467 : memref<64x128xf32, #tpu.memory_space<vmem>>)
      tpu.yield
    }) : () -> ()
    %add3A_314 = arith.constant 448 : i32
    %add3A_315 = arith.addi %mul3A_2, %add3A_314 : i32
    %dma_start3A_316 = arith.constant 0 : i32
    %dma_start3A_317 = arith.constant 0 : i32
    %dma_start3A_318 = tpu.memref_slice %arg10[%dma_start3A_316, %dma_start3A_317] : memref<64x128xf32, #tpu.memory_space<vmem>> -> memref<64x128xf32, #tpu.memory_space<vmem>>
    %dma_start3A_319 = arith.constant 0 : i32
    %dma_start3A_320 = arith.constant 0 : i32
    %dma_start3A_321 = tpu.memref_slice %arg5[%arg0, %dma_start3A_319, %dma_start3A_320] : memref<2x10112x128xf32, #tpu.memory_space<hbm>> -> memref<1x10112x128xf32, #tpu.memory_space<hbm>>
    %dma_start3A_322 = tpu.memref_squeeze %dma_start3A_321 : memref<1x10112x128xf32, #tpu.memory_space<hbm>> -> memref<10112x128xf32, #tpu.memory_space<hbm>>
    %dma_start3A_323 = arith.constant 0 : i32
    %dma_start3A_324 = tpu.memref_slice %dma_start3A_322[%add3A_315, %dma_start3A_323] : memref<10112x128xf32, #tpu.memory_space<hbm>> -> memref<64x128xf32, #tpu.memory_space<hbm>>
    %dma_start3A_325 = arith.constant 0 : i32
    %dma_start3A_326 = arith.constant 0 : i32
    %dma_start3A_327 = tpu.memref_slice %arg5[%arg0, %dma_start3A_325, %dma_start3A_326] : memref<2x10112x128xf32, #tpu.memory_space<hbm>> -> memref<1x10112x128xf32, #tpu.memory_space<hbm>>
    %dma_start3A_328 = tpu.memref_squeeze %dma_start3A_327 : memref<1x10112x128xf32, #tpu.memory_space<hbm>> -> memref<10112x128xf32, #tpu.memory_space<hbm>>
    %dma_start3A_329 = arith.constant 0 : i32
    %dma_start3A_330 = tpu.memref_slice %dma_start3A_328[%add3A_315, %dma_start3A_329] : memref<10112x128xf32, #tpu.memory_space<hbm>> -> memref<64x128xf32, #tpu.memory_space<hbm>>
    %dma_start3A_331 = arith.constant 0 : i32
    %dma_start3A_332 = arith.constant 0 : i32
    %dma_start3A_333 = tpu.memref_slice %arg10[%dma_start3A_331, %dma_start3A_332] : memref<64x128xf32, #tpu.memory_space<vmem>> -> memref<64x128xf32, #tpu.memory_space<vmem>>
    tpu.enqueue_dma source(%dma_start3A_333 : memref<64x128xf32, #tpu.memory_space<vmem>>) target(%dma_start3A_330 : memref<64x128xf32, #tpu.memory_space<hbm>>) target_semaphore(%arg14 : memref<!tpu.dma_semaphore, #tpu.memory_space<semaphore_mem>>)
    %dma_wait3A_334 = arith.constant 0 : i32
    %dma_wait3A_335 = arith.constant 0 : i32
    %dma_wait3A_336 = tpu.memref_slice %arg9[%dma_wait3A_334, %dma_wait3A_335] : memref<64x128xf32, #tpu.memory_space<vmem>> -> memref<64x128xf32, #tpu.memory_space<vmem>>
    %dma_wait3A_337 = arith.constant 0 : i32
    %dma_wait3A_338 = arith.constant 0 : i32
    %dma_wait3A_339 = tpu.memref_slice %arg5[%arg0, %dma_wait3A_337, %dma_wait3A_338] : memref<2x10112x128xf32, #tpu.memory_space<hbm>> -> memref<1x10112x128xf32, #tpu.memory_space<hbm>>
    %dma_wait3A_340 = tpu.memref_squeeze %dma_wait3A_339 : memref<1x10112x128xf32, #tpu.memory_space<hbm>> -> memref<10112x128xf32, #tpu.memory_space<hbm>>
    %dma_wait3A_341 = arith.constant 0 : i32
    %dma_wait3A_342 = tpu.memref_slice %dma_wait3A_340[%add3A_275, %dma_wait3A_341] : memref<10112x128xf32, #tpu.memory_space<hbm>> -> memref<64x128xf32, #tpu.memory_space<hbm>>
    %dma_wait3A_343 = arith.constant 0 : i32
    %dma_wait3A_344 = arith.constant 0 : i32
    %dma_wait3A_345 = tpu.memref_slice %arg5[%arg0, %dma_wait3A_343, %dma_wait3A_344] : memref<2x10112x128xf32, #tpu.memory_space<hbm>> -> memref<1x10112x128xf32, #tpu.memory_space<hbm>>
    %dma_wait3A_346 = tpu.memref_squeeze %dma_wait3A_345 : memref<1x10112x128xf32, #tpu.memory_space<hbm>> -> memref<10112x128xf32, #tpu.memory_space<hbm>>
    %dma_wait3A_347 = arith.constant 0 : i32
    %dma_wait3A_348 = tpu.memref_slice %dma_wait3A_346[%add3A_275, %dma_wait3A_347] : memref<10112x128xf32, #tpu.memory_space<hbm>> -> memref<64x128xf32, #tpu.memory_space<hbm>>
    %dma_wait3A_349 = arith.constant 0 : i32
    %dma_wait3A_350 = arith.constant 0 : i32
    %dma_wait3A_351 = tpu.memref_slice %arg9[%dma_wait3A_349, %dma_wait3A_350] : memref<64x128xf32, #tpu.memory_space<vmem>> -> memref<64x128xf32, #tpu.memory_space<vmem>>
    tpu.wait_dma2 semaphore(%arg13 : memref<!tpu.dma_semaphore, #tpu.memory_space<semaphore_mem>>) src(%dma_wait3A_351 : memref<64x128xf32, #tpu.memory_space<vmem>>) dst(%dma_wait3A_348 : memref<64x128xf32, #tpu.memory_space<hbm>>)
    %add3A_352 = arith.constant 512 : i32
    %add3A_353 = arith.addi %mul3A_2, %add3A_352 : i32
    "tpu.region"() ({
      %run_scoped3A = tpu.sem_alloc : memref<!tpu.dma_semaphore, #tpu.memory_space<semaphore_mem>>
      %dma_start3A_450 = arith.constant 0 : i32
      %dma_start3A_451 = arith.constant 0 : i32
      %dma_start3A_452 = tpu.memref_slice %arg9[%dma_start3A_450, %dma_start3A_451] : memref<64x128xf32, #tpu.memory_space<vmem>> -> memref<64x128xf32, #tpu.memory_space<vmem>>
      %dma_start3A_453 = arith.constant 0 : i32
      %dma_start3A_454 = tpu.memref_slice %arg12[%add3A_353, %dma_start3A_453] : memref<10112x128xf32, #tpu.memory_space<vmem_shared>> -> memref<64x128xf32, #tpu.memory_space<vmem_shared>>
      %dma_start3A_455 = arith.constant 0 : i32
      %dma_start3A_456 = arith.constant 0 : i32
      %dma_start3A_457 = tpu.memref_slice %arg9[%dma_start3A_455, %dma_start3A_456] : memref<64x128xf32, #tpu.memory_space<vmem>> -> memref<64x128xf32, #tpu.memory_space<vmem>>
      %dma_start3A_458 = arith.constant 0 : i32
      %dma_start3A_459 = tpu.memref_slice %arg12[%add3A_353, %dma_start3A_458] : memref<10112x128xf32, #tpu.memory_space<vmem_shared>> -> memref<64x128xf32, #tpu.memory_space<vmem_shared>>
      tpu.enqueue_dma source(%dma_start3A_459 : memref<64x128xf32, #tpu.memory_space<vmem_shared>>) target(%dma_start3A_457 : memref<64x128xf32, #tpu.memory_space<vmem>>) target_semaphore(%run_scoped3A : memref<!tpu.dma_semaphore, #tpu.memory_space<semaphore_mem>>)
      %dma_wait3A_460 = arith.constant 0 : i32
      %dma_wait3A_461 = arith.constant 0 : i32
      %dma_wait3A_462 = tpu.memref_slice %arg9[%dma_wait3A_460, %dma_wait3A_461] : memref<64x128xf32, #tpu.memory_space<vmem>> -> memref<64x128xf32, #tpu.memory_space<vmem>>
      %dma_wait3A_463 = arith.constant 0 : i32
      %dma_wait3A_464 = tpu.memref_slice %arg12[%add3A_353, %dma_wait3A_463] : memref<10112x128xf32, #tpu.memory_space<vmem_shared>> -> memref<64x128xf32, #tpu.memory_space<vmem_shared>>
      %dma_wait3A_465 = arith.constant 0 : i32
      %dma_wait3A_466 = arith.constant 0 : i32
      %dma_wait3A_467 = tpu.memref_slice %arg9[%dma_wait3A_465, %dma_wait3A_466] : memref<64x128xf32, #tpu.memory_space<vmem>> -> memref<64x128xf32, #tpu.memory_space<vmem>>
      %dma_wait3A_468 = arith.constant 0 : i32
      %dma_wait3A_469 = tpu.memref_slice %arg12[%add3A_353, %dma_wait3A_468] : memref<10112x128xf32, #tpu.memory_space<vmem_shared>> -> memref<64x128xf32, #tpu.memory_space<vmem_shared>>
      tpu.wait_dma2 semaphore(%run_scoped3A : memref<!tpu.dma_semaphore, #tpu.memory_space<semaphore_mem>>) src(%dma_wait3A_469 : memref<64x128xf32, #tpu.memory_space<vmem_shared>>) dst(%dma_wait3A_467 : memref<64x128xf32, #tpu.memory_space<vmem>>)
      tpu.yield
    }) : () -> ()
    %add3A_354 = arith.constant 512 : i32
    %add3A_355 = arith.addi %mul3A_2, %add3A_354 : i32
    %dma_start3A_356 = arith.constant 0 : i32
    %dma_start3A_357 = arith.constant 0 : i32
    %dma_start3A_358 = tpu.memref_slice %arg9[%dma_start3A_356, %dma_start3A_357] : memref<64x128xf32, #tpu.memory_space<vmem>> -> memref<64x128xf32, #tpu.memory_space<vmem>>
    %dma_start3A_359 = arith.constant 0 : i32
    %dma_start3A_360 = arith.constant 0 : i32
    %dma_start3A_361 = tpu.memref_slice %arg5[%arg0, %dma_start3A_359, %dma_start3A_360] : memref<2x10112x128xf32, #tpu.memory_space<hbm>> -> memref<1x10112x128xf32, #tpu.memory_space<hbm>>
    %dma_start3A_362 = tpu.memref_squeeze %dma_start3A_361 : memref<1x10112x128xf32, #tpu.memory_space<hbm>> -> memref<10112x128xf32, #tpu.memory_space<hbm>>
    %dma_start3A_363 = arith.constant 0 : i32
    %dma_start3A_364 = tpu.memref_slice %dma_start3A_362[%add3A_355, %dma_start3A_363] : memref<10112x128xf32, #tpu.memory_space<hbm>> -> memref<64x128xf32, #tpu.memory_space<hbm>>
    %dma_start3A_365 = arith.constant 0 : i32
    %dma_start3A_366 = arith.constant 0 : i32
    %dma_start3A_367 = tpu.memref_slice %arg5[%arg0, %dma_start3A_365, %dma_start3A_366] : memref<2x10112x128xf32, #tpu.memory_space<hbm>> -> memref<1x10112x128xf32, #tpu.memory_space<hbm>>
    %dma_start3A_368 = tpu.memref_squeeze %dma_start3A_367 : memref<1x10112x128xf32, #tpu.memory_space<hbm>> -> memref<10112x128xf32, #tpu.memory_space<hbm>>
    %dma_start3A_369 = arith.constant 0 : i32
    %dma_start3A_370 = tpu.memref_slice %dma_start3A_368[%add3A_355, %dma_start3A_369] : memref<10112x128xf32, #tpu.memory_space<hbm>> -> memref<64x128xf32, #tpu.memory_space<hbm>>
    %dma_start3A_371 = arith.constant 0 : i32
    %dma_start3A_372 = arith.constant 0 : i32
    %dma_start3A_373 = tpu.memref_slice %arg9[%dma_start3A_371, %dma_start3A_372] : memref<64x128xf32, #tpu.memory_space<vmem>> -> memref<64x128xf32, #tpu.memory_space<vmem>>
    tpu.enqueue_dma source(%dma_start3A_373 : memref<64x128xf32, #tpu.memory_space<vmem>>) target(%dma_start3A_370 : memref<64x128xf32, #tpu.memory_space<hbm>>) target_semaphore(%arg13 : memref<!tpu.dma_semaphore, #tpu.memory_space<semaphore_mem>>)
    %dma_wait3A_374 = arith.constant 0 : i32
    %dma_wait3A_375 = arith.constant 0 : i32
    %dma_wait3A_376 = tpu.memref_slice %arg10[%dma_wait3A_374, %dma_wait3A_375] : memref<64x128xf32, #tpu.memory_space<vmem>> -> memref<64x128xf32, #tpu.memory_space<vmem>>
    %dma_wait3A_377 = arith.constant 0 : i32
    %dma_wait3A_378 = arith.constant 0 : i32
    %dma_wait3A_379 = tpu.memref_slice %arg5[%arg0, %dma_wait3A_377, %dma_wait3A_378] : memref<2x10112x128xf32, #tpu.memory_space<hbm>> -> memref<1x10112x128xf32, #tpu.memory_space<hbm>>
    %dma_wait3A_380 = tpu.memref_squeeze %dma_wait3A_379 : memref<1x10112x128xf32, #tpu.memory_space<hbm>> -> memref<10112x128xf32, #tpu.memory_space<hbm>>
    %dma_wait3A_381 = arith.constant 0 : i32
    %dma_wait3A_382 = tpu.memref_slice %dma_wait3A_380[%add3A_315, %dma_wait3A_381] : memref<10112x128xf32, #tpu.memory_space<hbm>> -> memref<64x128xf32, #tpu.memory_space<hbm>>
    %dma_wait3A_383 = arith.constant 0 : i32
    %dma_wait3A_384 = arith.constant 0 : i32
    %dma_wait3A_385 = tpu.memref_slice %arg5[%arg0, %dma_wait3A_383, %dma_wait3A_384] : memref<2x10112x128xf32, #tpu.memory_space<hbm>> -> memref<1x10112x128xf32, #tpu.memory_space<hbm>>
    %dma_wait3A_386 = tpu.memref_squeeze %dma_wait3A_385 : memref<1x10112x128xf32, #tpu.memory_space<hbm>> -> memref<10112x128xf32, #tpu.memory_space<hbm>>
    %dma_wait3A_387 = arith.constant 0 : i32
    %dma_wait3A_388 = tpu.memref_slice %dma_wait3A_386[%add3A_315, %dma_wait3A_387] : memref<10112x128xf32, #tpu.memory_space<hbm>> -> memref<64x128xf32, #tpu.memory_space<hbm>>
    %dma_wait3A_389 = arith.constant 0 : i32
    %dma_wait3A_390 = arith.constant 0 : i32
    %dma_wait3A_391 = tpu.memref_slice %arg10[%dma_wait3A_389, %dma_wait3A_390] : memref<64x128xf32, #tpu.memory_space<vmem>> -> memref<64x128xf32, #tpu.memory_space<vmem>>
    tpu.wait_dma2 semaphore(%arg14 : memref<!tpu.dma_semaphore, #tpu.memory_space<semaphore_mem>>) src(%dma_wait3A_391 : memref<64x128xf32, #tpu.memory_space<vmem>>) dst(%dma_wait3A_388 : memref<64x128xf32, #tpu.memory_space<hbm>>)
    %add3A_392 = arith.constant 576 : i32
    %add3A_393 = arith.addi %mul3A_2, %add3A_392 : i32
    "tpu.region"() ({
      %run_scoped3A = tpu.sem_alloc : memref<!tpu.dma_semaphore, #tpu.memory_space<semaphore_mem>>
      %dma_start3A_450 = arith.constant 0 : i32
      %dma_start3A_451 = arith.constant 0 : i32
      %dma_start3A_452 = tpu.memref_slice %arg10[%dma_start3A_450, %dma_start3A_451] : memref<64x128xf32, #tpu.memory_space<vmem>> -> memref<56x128xf32, #tpu.memory_space<vmem>>
      %dma_start3A_453 = arith.constant 0 : i32
      %dma_start3A_454 = tpu.memref_slice %arg12[%add3A_393, %dma_start3A_453] : memref<10112x128xf32, #tpu.memory_space<vmem_shared>> -> memref<56x128xf32, #tpu.memory_space<vmem_shared>>
      %dma_start3A_455 = arith.constant 0 : i32
      %dma_start3A_456 = arith.constant 0 : i32
      %dma_start3A_457 = tpu.memref_slice %arg10[%dma_start3A_455, %dma_start3A_456] : memref<64x128xf32, #tpu.memory_space<vmem>> -> memref<56x128xf32, #tpu.memory_space<vmem>>
      %dma_start3A_458 = arith.constant 0 : i32
      %dma_start3A_459 = tpu.memref_slice %arg12[%add3A_393, %dma_start3A_458] : memref<10112x128xf32, #tpu.memory_space<vmem_shared>> -> memref<56x128xf32, #tpu.memory_space<vmem_shared>>
      tpu.enqueue_dma source(%dma_start3A_459 : memref<56x128xf32, #tpu.memory_space<vmem_shared>>) target(%dma_start3A_457 : memref<56x128xf32, #tpu.memory_space<vmem>>) target_semaphore(%run_scoped3A : memref<!tpu.dma_semaphore, #tpu.memory_space<semaphore_mem>>)
      %dma_wait3A_460 = arith.constant 0 : i32
      %dma_wait3A_461 = arith.constant 0 : i32
      %dma_wait3A_462 = tpu.memref_slice %arg10[%dma_wait3A_460, %dma_wait3A_461] : memref<64x128xf32, #tpu.memory_space<vmem>> -> memref<56x128xf32, #tpu.memory_space<vmem>>
      %dma_wait3A_463 = arith.constant 0 : i32
      %dma_wait3A_464 = tpu.memref_slice %arg12[%add3A_393, %dma_wait3A_463] : memref<10112x128xf32, #tpu.memory_space<vmem_shared>> -> memref<56x128xf32, #tpu.memory_space<vmem_shared>>
      %dma_wait3A_465 = arith.constant 0 : i32
      %dma_wait3A_466 = arith.constant 0 : i32
      %dma_wait3A_467 = tpu.memref_slice %arg10[%dma_wait3A_465, %dma_wait3A_466] : memref<64x128xf32, #tpu.memory_space<vmem>> -> memref<56x128xf32, #tpu.memory_space<vmem>>
      %dma_wait3A_468 = arith.constant 0 : i32
      %dma_wait3A_469 = tpu.memref_slice %arg12[%add3A_393, %dma_wait3A_468] : memref<10112x128xf32, #tpu.memory_space<vmem_shared>> -> memref<56x128xf32, #tpu.memory_space<vmem_shared>>
      tpu.wait_dma2 semaphore(%run_scoped3A : memref<!tpu.dma_semaphore, #tpu.memory_space<semaphore_mem>>) src(%dma_wait3A_469 : memref<56x128xf32, #tpu.memory_space<vmem_shared>>) dst(%dma_wait3A_467 : memref<56x128xf32, #tpu.memory_space<vmem>>)
      tpu.yield
    }) : () -> ()
    %add3A_394 = arith.constant 576 : i32
    %add3A_395 = arith.addi %mul3A_2, %add3A_394 : i32
    %dma_start3A_396 = arith.constant 0 : i32
    %dma_start3A_397 = arith.constant 0 : i32
    %dma_start3A_398 = tpu.memref_slice %arg10[%dma_start3A_396, %dma_start3A_397] : memref<64x128xf32, #tpu.memory_space<vmem>> -> memref<56x128xf32, #tpu.memory_space<vmem>>
    %dma_start3A_399 = arith.constant 0 : i32
    %dma_start3A_400 = arith.constant 0 : i32
    %dma_start3A_401 = tpu.memref_slice %arg5[%arg0, %dma_start3A_399, %dma_start3A_400] : memref<2x10112x128xf32, #tpu.memory_space<hbm>> -> memref<1x10112x128xf32, #tpu.memory_space<hbm>>
    %dma_start3A_402 = tpu.memref_squeeze %dma_start3A_401 : memref<1x10112x128xf32, #tpu.memory_space<hbm>> -> memref<10112x128xf32, #tpu.memory_space<hbm>>
    %dma_start3A_403 = arith.constant 0 : i32
    %dma_start3A_404 = tpu.memref_slice %dma_start3A_402[%add3A_395, %dma_start3A_403] : memref<10112x128xf32, #tpu.memory_space<hbm>> -> memref<56x128xf32, #tpu.memory_space<hbm>>
    %dma_start3A_405 = arith.constant 0 : i32
    %dma_start3A_406 = arith.constant 0 : i32
    %dma_start3A_407 = tpu.memref_slice %arg5[%arg0, %dma_start3A_405, %dma_start3A_406] : memref<2x10112x128xf32, #tpu.memory_space<hbm>> -> memref<1x10112x128xf32, #tpu.memory_space<hbm>>
    %dma_start3A_408 = tpu.memref_squeeze %dma_start3A_407 : memref<1x10112x128xf32, #tpu.memory_space<hbm>> -> memref<10112x128xf32, #tpu.memory_space<hbm>>
    %dma_start3A_409 = arith.constant 0 : i32
    %dma_start3A_410 = tpu.memref_slice %dma_start3A_408[%add3A_395, %dma_start3A_409] : memref<10112x128xf32, #tpu.memory_space<hbm>> -> memref<56x128xf32, #tpu.memory_space<hbm>>
    %dma_start3A_411 = arith.constant 0 : i32
    %dma_start3A_412 = arith.constant 0 : i32
    %dma_start3A_413 = tpu.memref_slice %arg10[%dma_start3A_411, %dma_start3A_412] : memref<64x128xf32, #tpu.memory_space<vmem>> -> memref<56x128xf32, #tpu.memory_space<vmem>>
    tpu.enqueue_dma source(%dma_start3A_413 : memref<56x128xf32, #tpu.memory_space<vmem>>) target(%dma_start3A_410 : memref<56x128xf32, #tpu.memory_space<hbm>>) target_semaphore(%arg14 : memref<!tpu.dma_semaphore, #tpu.memory_space<semaphore_mem>>)
    %dma_wait3A_414 = arith.constant 0 : i32
    %dma_wait3A_415 = arith.constant 0 : i32
    %dma_wait3A_416 = tpu.memref_slice %arg9[%dma_wait3A_414, %dma_wait3A_415] : memref<64x128xf32, #tpu.memory_space<vmem>> -> memref<64x128xf32, #tpu.memory_space<vmem>>
    %dma_wait3A_417 = arith.constant 0 : i32
    %dma_wait3A_418 = arith.constant 0 : i32
    %dma_wait3A_419 = tpu.memref_slice %arg5[%arg0, %dma_wait3A_417, %dma_wait3A_418] : memref<2x10112x128xf32, #tpu.memory_space<hbm>> -> memref<1x10112x128xf32, #tpu.memory_space<hbm>>
    %dma_wait3A_420 = tpu.memref_squeeze %dma_wait3A_419 : memref<1x10112x128xf32, #tpu.memory_space<hbm>> -> memref<10112x128xf32, #tpu.memory_space<hbm>>
    %dma_wait3A_421 = arith.constant 0 : i32
    %dma_wait3A_422 = tpu.memref_slice %dma_wait3A_420[%add3A_355, %dma_wait3A_421] : memref<10112x128xf32, #tpu.memory_space<hbm>> -> memref<64x128xf32, #tpu.memory_space<hbm>>
    %dma_wait3A_423 = arith.constant 0 : i32
    %dma_wait3A_424 = arith.constant 0 : i32
    %dma_wait3A_425 = tpu.memref_slice %arg5[%arg0, %dma_wait3A_423, %dma_wait3A_424] : memref<2x10112x128xf32, #tpu.memory_space<hbm>> -> memref<1x10112x128xf32, #tpu.memory_space<hbm>>
    %dma_wait3A_426 = tpu.memref_squeeze %dma_wait3A_425 : memref<1x10112x128xf32, #tpu.memory_space<hbm>> -> memref<10112x128xf32, #tpu.memory_space<hbm>>
    %dma_wait3A_427 = arith.constant 0 : i32
    %dma_wait3A_428 = tpu.memref_slice %dma_wait3A_426[%add3A_355, %dma_wait3A_427] : memref<10112x128xf32, #tpu.memory_space<hbm>> -> memref<64x128xf32, #tpu.memory_space<hbm>>
    %dma_wait3A_429 = arith.constant 0 : i32
    %dma_wait3A_430 = arith.constant 0 : i32
    %dma_wait3A_431 = tpu.memref_slice %arg9[%dma_wait3A_429, %dma_wait3A_430] : memref<64x128xf32, #tpu.memory_space<vmem>> -> memref<64x128xf32, #tpu.memory_space<vmem>>
    tpu.wait_dma2 semaphore(%arg13 : memref<!tpu.dma_semaphore, #tpu.memory_space<semaphore_mem>>) src(%dma_wait3A_431 : memref<64x128xf32, #tpu.memory_space<vmem>>) dst(%dma_wait3A_428 : memref<64x128xf32, #tpu.memory_space<hbm>>)
    %dma_wait3A_432 = arith.constant 0 : i32
    %dma_wait3A_433 = arith.constant 0 : i32
    %dma_wait3A_434 = tpu.memref_slice %arg10[%dma_wait3A_432, %dma_wait3A_433] : memref<64x128xf32, #tpu.memory_space<vmem>> -> memref<56x128xf32, #tpu.memory_space<vmem>>
    %dma_wait3A_435 = arith.constant 0 : i32
    %dma_wait3A_436 = arith.constant 0 : i32
    %dma_wait3A_437 = tpu.memref_slice %arg5[%arg0, %dma_wait3A_435, %dma_wait3A_436] : memref<2x10112x128xf32, #tpu.memory_space<hbm>> -> memref<1x10112x128xf32, #tpu.memory_space<hbm>>
    %dma_wait3A_438 = tpu.memref_squeeze %dma_wait3A_437 : memref<1x10112x128xf32, #tpu.memory_space<hbm>> -> memref<10112x128xf32, #tpu.memory_space<hbm>>
    %dma_wait3A_439 = arith.constant 0 : i32
    %dma_wait3A_440 = tpu.memref_slice %dma_wait3A_438[%add3A_395, %dma_wait3A_439] : memref<10112x128xf32, #tpu.memory_space<hbm>> -> memref<56x128xf32, #tpu.memory_space<hbm>>
    %dma_wait3A_441 = arith.constant 0 : i32
    %dma_wait3A_442 = arith.constant 0 : i32
    %dma_wait3A_443 = tpu.memref_slice %arg5[%arg0, %dma_wait3A_441, %dma_wait3A_442] : memref<2x10112x128xf32, #tpu.memory_space<hbm>> -> memref<1x10112x128xf32, #tpu.memory_space<hbm>>
    %dma_wait3A_444 = tpu.memref_squeeze %dma_wait3A_443 : memref<1x10112x128xf32, #tpu.memory_space<hbm>> -> memref<10112x128xf32, #tpu.memory_space<hbm>>
    %dma_wait3A_445 = arith.constant 0 : i32
    %dma_wait3A_446 = tpu.memref_slice %dma_wait3A_444[%add3A_395, %dma_wait3A_445] : memref<10112x128xf32, #tpu.memory_space<hbm>> -> memref<56x128xf32, #tpu.memory_space<hbm>>
    %dma_wait3A_447 = arith.constant 0 : i32
    %dma_wait3A_448 = arith.constant 0 : i32
    %dma_wait3A_449 = tpu.memref_slice %arg10[%dma_wait3A_447, %dma_wait3A_448] : memref<64x128xf32, #tpu.memory_space<vmem>> -> memref<56x128xf32, #tpu.memory_space<vmem>>
    tpu.wait_dma2 semaphore(%arg14 : memref<!tpu.dma_semaphore, #tpu.memory_space<semaphore_mem>>) src(%dma_wait3A_449 : memref<56x128xf32, #tpu.memory_space<vmem>>) dst(%dma_wait3A_446 : memref<56x128xf32, #tpu.memory_space<hbm>>)
    "tpu.region"() ({
      %run_scoped3A = tpu.sem_alloc : memref<!tpu.dma_semaphore, #tpu.memory_space<semaphore_mem>>
      %dma_start3A_450 = arith.constant 0 : i32
      %dma_start3A_451 = tpu.memref_slice %arg6[%arg0, %arg1, %dma_start3A_450] : memref<2x16x10112xf32, #tpu.memory_space<hbm>> -> memref<1x1x10112xf32, #tpu.memory_space<hbm>>
      %dma_start3A_452 = tpu.memref_squeeze %dma_start3A_451 : memref<1x1x10112xf32, #tpu.memory_space<hbm>> -> memref<10112xf32, #tpu.memory_space<hbm>>
      %dma_start3A_453 = arith.constant 0 : i32
      %dma_start3A_454 = tpu.memref_slice %arg6[%arg0, %arg1, %dma_start3A_453] : memref<2x16x10112xf32, #tpu.memory_space<hbm>> -> memref<1x1x10112xf32, #tpu.memory_space<hbm>>
      %dma_start3A_455 = tpu.memref_squeeze %dma_start3A_454 : memref<1x1x10112xf32, #tpu.memory_space<hbm>> -> memref<10112xf32, #tpu.memory_space<hbm>>
      tpu.enqueue_dma source(%arg11 : memref<10112xf32, #tpu.memory_space<vmem>>) target(%dma_start3A_455 : memref<10112xf32, #tpu.memory_space<hbm>>) target_semaphore(%run_scoped3A : memref<!tpu.dma_semaphore, #tpu.memory_space<semaphore_mem>>)
      %dma_wait3A_456 = arith.constant 0 : i32
      %dma_wait3A_457 = tpu.memref_slice %arg6[%arg0, %arg1, %dma_wait3A_456] : memref<2x16x10112xf32, #tpu.memory_space<hbm>> -> memref<1x1x10112xf32, #tpu.memory_space<hbm>>
      %dma_wait3A_458 = tpu.memref_squeeze %dma_wait3A_457 : memref<1x1x10112xf32, #tpu.memory_space<hbm>> -> memref<10112xf32, #tpu.memory_space<hbm>>
      %dma_wait3A_459 = arith.constant 0 : i32
      %dma_wait3A_460 = tpu.memref_slice %arg6[%arg0, %arg1, %dma_wait3A_459] : memref<2x16x10112xf32, #tpu.memory_space<hbm>> -> memref<1x1x10112xf32, #tpu.memory_space<hbm>>
      %dma_wait3A_461 = tpu.memref_squeeze %dma_wait3A_460 : memref<1x1x10112xf32, #tpu.memory_space<hbm>> -> memref<10112xf32, #tpu.memory_space<hbm>>
      tpu.wait_dma2 semaphore(%run_scoped3A : memref<!tpu.dma_semaphore, #tpu.memory_space<semaphore_mem>>) src(%arg11 : memref<10112xf32, #tpu.memory_space<vmem>>) dst(%dma_wait3A_461 : memref<10112xf32, #tpu.memory_space<hbm>>)
      tpu.yield
    }) : () -> ()
    return
  }
}

#map = affine_map<(d0, d1) -> (0, 0)>
#map1 = affine_map<(d0, d1) -> (0, 0, 0)>
module attributes {stable_mosaic.version = 14 : i64} {
  func.func @_sc_agg2_body(%arg0: i32, %arg1: i32, %arg2: memref<20000x128xf32, #tpu.memory_space<hbm>>, %arg3: memref<5120x64xi32, #tpu.memory_space<hbm>>, %arg4: memref<5120x64xi32, #tpu.memory_space<hbm>>, %arg5: memref<2x10112x128xf32, #tpu.memory_space<hbm>>, %arg6: memref<16x64xi32, #tpu.memory_space<vmem>>, %arg7: memref<16x64xi32, #tpu.memory_space<vmem>>, %arg8: memref<64xi32, #tpu.memory_space<vmem>>, %arg9: memref<64xi32, #tpu.memory_space<vmem>>, %arg10: memref<64x128xf32, #tpu.memory_space<vmem>>, %arg11: memref<64x128xf32, #tpu.memory_space<vmem>>, %arg12: memref<10112x128xf32, #tpu.memory_space<vmem_shared>>, %arg13: memref<!tpu.dma_semaphore, #tpu.memory_space<semaphore_mem>>, %arg14: memref<!tpu.dma_semaphore, #tpu.memory_space<semaphore_mem>>, %arg15: memref<!tpu.dma_semaphore, #tpu.memory_space<semaphore_mem>>, %arg16: memref<!tpu.dma_semaphore, #tpu.memory_space<semaphore_mem>>) attributes {dimension_semantics = [#tpu.dimension_semantics<core_parallel>, #tpu.dimension_semantics<subcore_parallel>], iteration_bounds = array<i64: 2, 16>, scalar_prefetch = 0 : i64, scratch_operands = 11 : i64, tpu.core_type = #tpu.core_type<sc_vector_subcore>, window_params = [{transform_indices = #map}, {transform_indices = #map}, {transform_indices = #map}, {transform_indices = #map1}]} {
    %mul3A = arith.constant 632 : i32
    %mul3A_0 = arith.muli %arg1, %mul3A : i32
    %scan3A = arith.constant 0 : i32
    %scan3A_1 = arith.constant 0 : i32
    %scan3A_2 = arith.constant 512 : i32
    %scan3A_3 = arith.addi %scan3A_1, %scan3A_2 : i32
    %scan3A_4 = arith.constant 1 : i32
    %scan3A_5 = scf.for %scan3A_439 = %scan3A_1 to %scan3A_3 step %scan3A_4 iter_args(%scan3A_440 = %scan3A) -> (i32)  : i32 {
      %broadcast_in_dim3A = arith.constant 0.000000e+00 : f32
      %broadcast_in_dim3A_441 = vector.broadcast %broadcast_in_dim3A : f32 to vector<16xf32>
      %jit3A = arith.constant 8 : i32
      %div3A = arith.divsi %scan3A_439, %jit3A : i32
      %sign3A = arith.constant 0 : i32
      %sign3A_442 = arith.cmpi sgt, %scan3A_439, %sign3A : i32
      %sign3A_443 = arith.extui %sign3A_442 : i1 to i32
      %sign3A_444 = arith.constant 0 : i32
      %sign3A_445 = arith.cmpi slt, %scan3A_439, %sign3A_444 : i32
      %sign3A_446 = arith.extui %sign3A_445 : i1 to i32
      %sign3A_447 = arith.subi %sign3A_443, %sign3A_446 : i32
      %sign3A_448 = arith.constant 0 : i32
      %sign3A_449 = arith.cmpi sgt, %jit3A, %sign3A_448 : i32
      %sign3A_450 = arith.extui %sign3A_449 : i1 to i32
      %sign3A_451 = arith.constant 0 : i32
      %sign3A_452 = arith.cmpi slt, %jit3A, %sign3A_451 : i32
      %sign3A_453 = arith.extui %sign3A_452 : i1 to i32
      %sign3A_454 = arith.subi %sign3A_450, %sign3A_453 : i32
      %ne3A = arith.cmpi ne, %sign3A_447, %sign3A_454 : i32
      %rem3A = arith.remsi %scan3A_439, %jit3A : i32
      %ne3A_455 = arith.constant 0 : i32
      %ne3A_456 = arith.cmpi ne, %rem3A, %ne3A_455 : i32
      %and3A = arith.andi %ne3A, %ne3A_456 : i1
      %sub3A = arith.constant 1 : i32
      %sub3A_457 = arith.subi %div3A, %sub3A : i32
      %select_n3A = arith.select %and3A, %sub3A_457, %div3A : i32
      %jit3A_458 = arith.constant 8 : i32
      %eq3A = arith.constant 0 : i32
      %eq3A_459 = arith.cmpi eq, %jit3A_458, %eq3A : i32
      %jit3A_460 = arith.constant 1 : i32
      %select_n3A_461 = arith.select %eq3A_459, %jit3A_460, %jit3A_458 : i32
      %rem3A_462 = arith.remsi %scan3A_439, %select_n3A_461 : i32
      %ne3A_463 = arith.constant 0 : i32
      %ne3A_464 = arith.cmpi ne, %rem3A_462, %ne3A_463 : i32
      %lt3A = arith.constant 0 : i32
      %lt3A_465 = arith.cmpi slt, %rem3A_462, %lt3A : i32
      %lt3A_466 = arith.constant 0 : i32
      %lt3A_467 = arith.cmpi slt, %select_n3A_461, %lt3A_466 : i32
      %ne3A_468 = arith.xori %lt3A_465, %lt3A_467 : i1
      %and3A_469 = arith.andi %ne3A_468, %ne3A_464 : i1
      %add3A_470 = arith.addi %rem3A_462, %select_n3A_461 : i32
      %select_n3A_471 = arith.select %and3A_469, %add3A_470, %rem3A_462 : i32
      %mul3A_472 = arith.constant 16 : i32
      %mul3A_473 = arith.muli %select_n3A_471, %mul3A_472 : i32
      %swap3A = arith.index_cast %select_n3A : i32 to index
      %swap3A_474 = arith.index_cast %mul3A_473 : i32 to index
      %swap3A_475 = tpu.vector_load %arg10[%swap3A, %swap3A_474] {strides = array<i32>} : memref<64x128xf32, #tpu.memory_space<vmem>>, vector<16xf32>,
      tpu.vector_store %arg10[%swap3A, %swap3A_474], %broadcast_in_dim3A_441 {strides = array<i32>} : memref<64x128xf32, #tpu.memory_space<vmem>>, vector<16xf32>,
      %scan3A_476 = arith.constant 0 : i32
      scf.yield %scan3A_476 : i32
    }
    %scan3A_6 = arith.constant 512 : i32
    %scan3A_7 = arith.constant 0 : i32
    %scan3A_8 = arith.constant 0 : i32
    %scan3A_9 = arith.constant 512 : i32
    %scan3A_10 = arith.addi %scan3A_8, %scan3A_9 : i32
    %scan3A_11 = arith.constant 1 : i32
    %scan3A_12 = scf.for %scan3A_439 = %scan3A_8 to %scan3A_10 step %scan3A_11 iter_args(%scan3A_440 = %scan3A_7) -> (i32)  : i32 {
      %broadcast_in_dim3A = arith.constant 0.000000e+00 : f32
      %broadcast_in_dim3A_441 = vector.broadcast %broadcast_in_dim3A : f32 to vector<16xf32>
      %jit3A = arith.constant 8 : i32
      %div3A = arith.divsi %scan3A_439, %jit3A : i32
      %sign3A = arith.constant 0 : i32
      %sign3A_442 = arith.cmpi sgt, %scan3A_439, %sign3A : i32
      %sign3A_443 = arith.extui %sign3A_442 : i1 to i32
      %sign3A_444 = arith.constant 0 : i32
      %sign3A_445 = arith.cmpi slt, %scan3A_439, %sign3A_444 : i32
      %sign3A_446 = arith.extui %sign3A_445 : i1 to i32
      %sign3A_447 = arith.subi %sign3A_443, %sign3A_446 : i32
      %sign3A_448 = arith.constant 0 : i32
      %sign3A_449 = arith.cmpi sgt, %jit3A, %sign3A_448 : i32
      %sign3A_450 = arith.extui %sign3A_449 : i1 to i32
      %sign3A_451 = arith.constant 0 : i32
      %sign3A_452 = arith.cmpi slt, %jit3A, %sign3A_451 : i32
      %sign3A_453 = arith.extui %sign3A_452 : i1 to i32
      %sign3A_454 = arith.subi %sign3A_450, %sign3A_453 : i32
      %ne3A = arith.cmpi ne, %sign3A_447, %sign3A_454 : i32
      %rem3A = arith.remsi %scan3A_439, %jit3A : i32
      %ne3A_455 = arith.constant 0 : i32
      %ne3A_456 = arith.cmpi ne, %rem3A, %ne3A_455 : i32
      %and3A = arith.andi %ne3A, %ne3A_456 : i1
      %sub3A = arith.constant 1 : i32
      %sub3A_457 = arith.subi %div3A, %sub3A : i32
      %select_n3A = arith.select %and3A, %sub3A_457, %div3A : i32
      %jit3A_458 = arith.constant 8 : i32
      %eq3A = arith.constant 0 : i32
      %eq3A_459 = arith.cmpi eq, %jit3A_458, %eq3A : i32
      %jit3A_460 = arith.constant 1 : i32
      %select_n3A_461 = arith.select %eq3A_459, %jit3A_460, %jit3A_458 : i32
      %rem3A_462 = arith.remsi %scan3A_439, %select_n3A_461 : i32
      %ne3A_463 = arith.constant 0 : i32
      %ne3A_464 = arith.cmpi ne, %rem3A_462, %ne3A_463 : i32
      %lt3A = arith.constant 0 : i32
      %lt3A_465 = arith.cmpi slt, %rem3A_462, %lt3A : i32
      %lt3A_466 = arith.constant 0 : i32
      %lt3A_467 = arith.cmpi slt, %select_n3A_461, %lt3A_466 : i32
      %ne3A_468 = arith.xori %lt3A_465, %lt3A_467 : i1
      %and3A_469 = arith.andi %ne3A_468, %ne3A_464 : i1
      %add3A_470 = arith.addi %rem3A_462, %select_n3A_461 : i32
      %select_n3A_471 = arith.select %and3A_469, %add3A_470, %rem3A_462 : i32
      %mul3A_472 = arith.constant 16 : i32
      %mul3A_473 = arith.muli %select_n3A_471, %mul3A_472 : i32
      %swap3A = arith.index_cast %select_n3A : i32 to index
      %swap3A_474 = arith.index_cast %mul3A_473 : i32 to index
      %swap3A_475 = tpu.vector_load %arg11[%swap3A, %swap3A_474] {strides = array<i32>} : memref<64x128xf32, #tpu.memory_space<vmem>>, vector<16xf32>,
      tpu.vector_store %arg11[%swap3A, %swap3A_474], %broadcast_in_dim3A_441 {strides = array<i32>} : memref<64x128xf32, #tpu.memory_space<vmem>>, vector<16xf32>,
      %scan3A_476 = arith.constant 0 : i32
      scf.yield %scan3A_476 : i32
    }
    %scan3A_13 = arith.constant 512 : i32
    %add3A = arith.constant 0 : i32
    %add3A_14 = arith.addi %mul3A_0, %add3A : i32
    "tpu.region"() ({
      %run_scoped3A = tpu.sem_alloc : memref<!tpu.dma_semaphore, #tpu.memory_space<semaphore_mem>>
      %dma_start3A_439 = arith.constant 0 : i32
      %dma_start3A_440 = arith.constant 0 : i32
      %dma_start3A_441 = tpu.memref_slice %arg10[%dma_start3A_439, %dma_start3A_440] : memref<64x128xf32, #tpu.memory_space<vmem>> -> memref<64x128xf32, #tpu.memory_space<vmem>>
      %dma_start3A_442 = arith.constant 0 : i32
      %dma_start3A_443 = tpu.memref_slice %arg12[%add3A_14, %dma_start3A_442] : memref<10112x128xf32, #tpu.memory_space<vmem_shared>> -> memref<64x128xf32, #tpu.memory_space<vmem_shared>>
      %dma_start3A_444 = arith.constant 0 : i32
      %dma_start3A_445 = tpu.memref_slice %arg12[%add3A_14, %dma_start3A_444] : memref<10112x128xf32, #tpu.memory_space<vmem_shared>> -> memref<64x128xf32, #tpu.memory_space<vmem_shared>>
      %dma_start3A_446 = arith.constant 0 : i32
      %dma_start3A_447 = arith.constant 0 : i32
      %dma_start3A_448 = tpu.memref_slice %arg10[%dma_start3A_446, %dma_start3A_447] : memref<64x128xf32, #tpu.memory_space<vmem>> -> memref<64x128xf32, #tpu.memory_space<vmem>>
      tpu.enqueue_dma source(%dma_start3A_448 : memref<64x128xf32, #tpu.memory_space<vmem>>) target(%dma_start3A_445 : memref<64x128xf32, #tpu.memory_space<vmem_shared>>) target_semaphore(%run_scoped3A : memref<!tpu.dma_semaphore, #tpu.memory_space<semaphore_mem>>)
      %dma_wait3A_449 = arith.constant 0 : i32
      %dma_wait3A_450 = arith.constant 0 : i32
      %dma_wait3A_451 = tpu.memref_slice %arg10[%dma_wait3A_449, %dma_wait3A_450] : memref<64x128xf32, #tpu.memory_space<vmem>> -> memref<64x128xf32, #tpu.memory_space<vmem>>
      %dma_wait3A_452 = arith.constant 0 : i32
      %dma_wait3A_453 = tpu.memref_slice %arg12[%add3A_14, %dma_wait3A_452] : memref<10112x128xf32, #tpu.memory_space<vmem_shared>> -> memref<64x128xf32, #tpu.memory_space<vmem_shared>>
      %dma_wait3A_454 = arith.constant 0 : i32
      %dma_wait3A_455 = tpu.memref_slice %arg12[%add3A_14, %dma_wait3A_454] : memref<10112x128xf32, #tpu.memory_space<vmem_shared>> -> memref<64x128xf32, #tpu.memory_space<vmem_shared>>
      %dma_wait3A_456 = arith.constant 0 : i32
      %dma_wait3A_457 = arith.constant 0 : i32
      %dma_wait3A_458 = tpu.memref_slice %arg10[%dma_wait3A_456, %dma_wait3A_457] : memref<64x128xf32, #tpu.memory_space<vmem>> -> memref<64x128xf32, #tpu.memory_space<vmem>>
      tpu.wait_dma2 semaphore(%run_scoped3A : memref<!tpu.dma_semaphore, #tpu.memory_space<semaphore_mem>>) src(%dma_wait3A_458 : memref<64x128xf32, #tpu.memory_space<vmem>>) dst(%dma_wait3A_455 : memref<64x128xf32, #tpu.memory_space<vmem_shared>>)
      tpu.yield
    }) : () -> ()
    %add3A_15 = arith.constant 64 : i32
    %add3A_16 = arith.addi %mul3A_0, %add3A_15 : i32
    "tpu.region"() ({
      %run_scoped3A = tpu.sem_alloc : memref<!tpu.dma_semaphore, #tpu.memory_space<semaphore_mem>>
      %dma_start3A_439 = arith.constant 0 : i32
      %dma_start3A_440 = arith.constant 0 : i32
      %dma_start3A_441 = tpu.memref_slice %arg10[%dma_start3A_439, %dma_start3A_440] : memref<64x128xf32, #tpu.memory_space<vmem>> -> memref<64x128xf32, #tpu.memory_space<vmem>>
      %dma_start3A_442 = arith.constant 0 : i32
      %dma_start3A_443 = tpu.memref_slice %arg12[%add3A_16, %dma_start3A_442] : memref<10112x128xf32, #tpu.memory_space<vmem_shared>> -> memref<64x128xf32, #tpu.memory_space<vmem_shared>>
      %dma_start3A_444 = arith.constant 0 : i32
      %dma_start3A_445 = tpu.memref_slice %arg12[%add3A_16, %dma_start3A_444] : memref<10112x128xf32, #tpu.memory_space<vmem_shared>> -> memref<64x128xf32, #tpu.memory_space<vmem_shared>>
      %dma_start3A_446 = arith.constant 0 : i32
      %dma_start3A_447 = arith.constant 0 : i32
      %dma_start3A_448 = tpu.memref_slice %arg10[%dma_start3A_446, %dma_start3A_447] : memref<64x128xf32, #tpu.memory_space<vmem>> -> memref<64x128xf32, #tpu.memory_space<vmem>>
      tpu.enqueue_dma source(%dma_start3A_448 : memref<64x128xf32, #tpu.memory_space<vmem>>) target(%dma_start3A_445 : memref<64x128xf32, #tpu.memory_space<vmem_shared>>) target_semaphore(%run_scoped3A : memref<!tpu.dma_semaphore, #tpu.memory_space<semaphore_mem>>)
      %dma_wait3A_449 = arith.constant 0 : i32
      %dma_wait3A_450 = arith.constant 0 : i32
      %dma_wait3A_451 = tpu.memref_slice %arg10[%dma_wait3A_449, %dma_wait3A_450] : memref<64x128xf32, #tpu.memory_space<vmem>> -> memref<64x128xf32, #tpu.memory_space<vmem>>
      %dma_wait3A_452 = arith.constant 0 : i32
      %dma_wait3A_453 = tpu.memref_slice %arg12[%add3A_16, %dma_wait3A_452] : memref<10112x128xf32, #tpu.memory_space<vmem_shared>> -> memref<64x128xf32, #tpu.memory_space<vmem_shared>>
      %dma_wait3A_454 = arith.constant 0 : i32
      %dma_wait3A_455 = tpu.memref_slice %arg12[%add3A_16, %dma_wait3A_454] : memref<10112x128xf32, #tpu.memory_space<vmem_shared>> -> memref<64x128xf32, #tpu.memory_space<vmem_shared>>
      %dma_wait3A_456 = arith.constant 0 : i32
      %dma_wait3A_457 = arith.constant 0 : i32
      %dma_wait3A_458 = tpu.memref_slice %arg10[%dma_wait3A_456, %dma_wait3A_457] : memref<64x128xf32, #tpu.memory_space<vmem>> -> memref<64x128xf32, #tpu.memory_space<vmem>>
      tpu.wait_dma2 semaphore(%run_scoped3A : memref<!tpu.dma_semaphore, #tpu.memory_space<semaphore_mem>>) src(%dma_wait3A_458 : memref<64x128xf32, #tpu.memory_space<vmem>>) dst(%dma_wait3A_455 : memref<64x128xf32, #tpu.memory_space<vmem_shared>>)
      tpu.yield
    }) : () -> ()
    %add3A_17 = arith.constant 128 : i32
    %add3A_18 = arith.addi %mul3A_0, %add3A_17 : i32
    "tpu.region"() ({
      %run_scoped3A = tpu.sem_alloc : memref<!tpu.dma_semaphore, #tpu.memory_space<semaphore_mem>>
      %dma_start3A_439 = arith.constant 0 : i32
      %dma_start3A_440 = arith.constant 0 : i32
      %dma_start3A_441 = tpu.memref_slice %arg10[%dma_start3A_439, %dma_start3A_440] : memref<64x128xf32, #tpu.memory_space<vmem>> -> memref<64x128xf32, #tpu.memory_space<vmem>>
      %dma_start3A_442 = arith.constant 0 : i32
      %dma_start3A_443 = tpu.memref_slice %arg12[%add3A_18, %dma_start3A_442] : memref<10112x128xf32, #tpu.memory_space<vmem_shared>> -> memref<64x128xf32, #tpu.memory_space<vmem_shared>>
      %dma_start3A_444 = arith.constant 0 : i32
      %dma_start3A_445 = tpu.memref_slice %arg12[%add3A_18, %dma_start3A_444] : memref<10112x128xf32, #tpu.memory_space<vmem_shared>> -> memref<64x128xf32, #tpu.memory_space<vmem_shared>>
      %dma_start3A_446 = arith.constant 0 : i32
      %dma_start3A_447 = arith.constant 0 : i32
      %dma_start3A_448 = tpu.memref_slice %arg10[%dma_start3A_446, %dma_start3A_447] : memref<64x128xf32, #tpu.memory_space<vmem>> -> memref<64x128xf32, #tpu.memory_space<vmem>>
      tpu.enqueue_dma source(%dma_start3A_448 : memref<64x128xf32, #tpu.memory_space<vmem>>) target(%dma_start3A_445 : memref<64x128xf32, #tpu.memory_space<vmem_shared>>) target_semaphore(%run_scoped3A : memref<!tpu.dma_semaphore, #tpu.memory_space<semaphore_mem>>)
      %dma_wait3A_449 = arith.constant 0 : i32
      %dma_wait3A_450 = arith.constant 0 : i32
      %dma_wait3A_451 = tpu.memref_slice %arg10[%dma_wait3A_449, %dma_wait3A_450] : memref<64x128xf32, #tpu.memory_space<vmem>> -> memref<64x128xf32, #tpu.memory_space<vmem>>
      %dma_wait3A_452 = arith.constant 0 : i32
      %dma_wait3A_453 = tpu.memref_slice %arg12[%add3A_18, %dma_wait3A_452] : memref<10112x128xf32, #tpu.memory_space<vmem_shared>> -> memref<64x128xf32, #tpu.memory_space<vmem_shared>>
      %dma_wait3A_454 = arith.constant 0 : i32
      %dma_wait3A_455 = tpu.memref_slice %arg12[%add3A_18, %dma_wait3A_454] : memref<10112x128xf32, #tpu.memory_space<vmem_shared>> -> memref<64x128xf32, #tpu.memory_space<vmem_shared>>
      %dma_wait3A_456 = arith.constant 0 : i32
      %dma_wait3A_457 = arith.constant 0 : i32
      %dma_wait3A_458 = tpu.memref_slice %arg10[%dma_wait3A_456, %dma_wait3A_457] : memref<64x128xf32, #tpu.memory_space<vmem>> -> memref<64x128xf32, #tpu.memory_space<vmem>>
      tpu.wait_dma2 semaphore(%run_scoped3A : memref<!tpu.dma_semaphore, #tpu.memory_space<semaphore_mem>>) src(%dma_wait3A_458 : memref<64x128xf32, #tpu.memory_space<vmem>>) dst(%dma_wait3A_455 : memref<64x128xf32, #tpu.memory_space<vmem_shared>>)
      tpu.yield
    }) : () -> ()
    %add3A_19 = arith.constant 192 : i32
    %add3A_20 = arith.addi %mul3A_0, %add3A_19 : i32
    "tpu.region"() ({
      %run_scoped3A = tpu.sem_alloc : memref<!tpu.dma_semaphore, #tpu.memory_space<semaphore_mem>>
      %dma_start3A_439 = arith.constant 0 : i32
      %dma_start3A_440 = arith.constant 0 : i32
      %dma_start3A_441 = tpu.memref_slice %arg10[%dma_start3A_439, %dma_start3A_440] : memref<64x128xf32, #tpu.memory_space<vmem>> -> memref<64x128xf32, #tpu.memory_space<vmem>>
      %dma_start3A_442 = arith.constant 0 : i32
      %dma_start3A_443 = tpu.memref_slice %arg12[%add3A_20, %dma_start3A_442] : memref<10112x128xf32, #tpu.memory_space<vmem_shared>> -> memref<64x128xf32, #tpu.memory_space<vmem_shared>>
      %dma_start3A_444 = arith.constant 0 : i32
      %dma_start3A_445 = tpu.memref_slice %arg12[%add3A_20, %dma_start3A_444] : memref<10112x128xf32, #tpu.memory_space<vmem_shared>> -> memref<64x128xf32, #tpu.memory_space<vmem_shared>>
      %dma_start3A_446 = arith.constant 0 : i32
      %dma_start3A_447 = arith.constant 0 : i32
      %dma_start3A_448 = tpu.memref_slice %arg10[%dma_start3A_446, %dma_start3A_447] : memref<64x128xf32, #tpu.memory_space<vmem>> -> memref<64x128xf32, #tpu.memory_space<vmem>>
      tpu.enqueue_dma source(%dma_start3A_448 : memref<64x128xf32, #tpu.memory_space<vmem>>) target(%dma_start3A_445 : memref<64x128xf32, #tpu.memory_space<vmem_shared>>) target_semaphore(%run_scoped3A : memref<!tpu.dma_semaphore, #tpu.memory_space<semaphore_mem>>)
      %dma_wait3A_449 = arith.constant 0 : i32
      %dma_wait3A_450 = arith.constant 0 : i32
      %dma_wait3A_451 = tpu.memref_slice %arg10[%dma_wait3A_449, %dma_wait3A_450] : memref<64x128xf32, #tpu.memory_space<vmem>> -> memref<64x128xf32, #tpu.memory_space<vmem>>
      %dma_wait3A_452 = arith.constant 0 : i32
      %dma_wait3A_453 = tpu.memref_slice %arg12[%add3A_20, %dma_wait3A_452] : memref<10112x128xf32, #tpu.memory_space<vmem_shared>> -> memref<64x128xf32, #tpu.memory_space<vmem_shared>>
      %dma_wait3A_454 = arith.constant 0 : i32
      %dma_wait3A_455 = tpu.memref_slice %arg12[%add3A_20, %dma_wait3A_454] : memref<10112x128xf32, #tpu.memory_space<vmem_shared>> -> memref<64x128xf32, #tpu.memory_space<vmem_shared>>
      %dma_wait3A_456 = arith.constant 0 : i32
      %dma_wait3A_457 = arith.constant 0 : i32
      %dma_wait3A_458 = tpu.memref_slice %arg10[%dma_wait3A_456, %dma_wait3A_457] : memref<64x128xf32, #tpu.memory_space<vmem>> -> memref<64x128xf32, #tpu.memory_space<vmem>>
      tpu.wait_dma2 semaphore(%run_scoped3A : memref<!tpu.dma_semaphore, #tpu.memory_space<semaphore_mem>>) src(%dma_wait3A_458 : memref<64x128xf32, #tpu.memory_space<vmem>>) dst(%dma_wait3A_455 : memref<64x128xf32, #tpu.memory_space<vmem_shared>>)
      tpu.yield
    }) : () -> ()
    %add3A_21 = arith.constant 256 : i32
    %add3A_22 = arith.addi %mul3A_0, %add3A_21 : i32
    "tpu.region"() ({
      %run_scoped3A = tpu.sem_alloc : memref<!tpu.dma_semaphore, #tpu.memory_space<semaphore_mem>>
      %dma_start3A_439 = arith.constant 0 : i32
      %dma_start3A_440 = arith.constant 0 : i32
      %dma_start3A_441 = tpu.memref_slice %arg10[%dma_start3A_439, %dma_start3A_440] : memref<64x128xf32, #tpu.memory_space<vmem>> -> memref<64x128xf32, #tpu.memory_space<vmem>>
      %dma_start3A_442 = arith.constant 0 : i32
      %dma_start3A_443 = tpu.memref_slice %arg12[%add3A_22, %dma_start3A_442] : memref<10112x128xf32, #tpu.memory_space<vmem_shared>> -> memref<64x128xf32, #tpu.memory_space<vmem_shared>>
      %dma_start3A_444 = arith.constant 0 : i32
      %dma_start3A_445 = tpu.memref_slice %arg12[%add3A_22, %dma_start3A_444] : memref<10112x128xf32, #tpu.memory_space<vmem_shared>> -> memref<64x128xf32, #tpu.memory_space<vmem_shared>>
      %dma_start3A_446 = arith.constant 0 : i32
      %dma_start3A_447 = arith.constant 0 : i32
      %dma_start3A_448 = tpu.memref_slice %arg10[%dma_start3A_446, %dma_start3A_447] : memref<64x128xf32, #tpu.memory_space<vmem>> -> memref<64x128xf32, #tpu.memory_space<vmem>>
      tpu.enqueue_dma source(%dma_start3A_448 : memref<64x128xf32, #tpu.memory_space<vmem>>) target(%dma_start3A_445 : memref<64x128xf32, #tpu.memory_space<vmem_shared>>) target_semaphore(%run_scoped3A : memref<!tpu.dma_semaphore, #tpu.memory_space<semaphore_mem>>)
      %dma_wait3A_449 = arith.constant 0 : i32
      %dma_wait3A_450 = arith.constant 0 : i32
      %dma_wait3A_451 = tpu.memref_slice %arg10[%dma_wait3A_449, %dma_wait3A_450] : memref<64x128xf32, #tpu.memory_space<vmem>> -> memref<64x128xf32, #tpu.memory_space<vmem>>
      %dma_wait3A_452 = arith.constant 0 : i32
      %dma_wait3A_453 = tpu.memref_slice %arg12[%add3A_22, %dma_wait3A_452] : memref<10112x128xf32, #tpu.memory_space<vmem_shared>> -> memref<64x128xf32, #tpu.memory_space<vmem_shared>>
      %dma_wait3A_454 = arith.constant 0 : i32
      %dma_wait3A_455 = tpu.memref_slice %arg12[%add3A_22, %dma_wait3A_454] : memref<10112x128xf32, #tpu.memory_space<vmem_shared>> -> memref<64x128xf32, #tpu.memory_space<vmem_shared>>
      %dma_wait3A_456 = arith.constant 0 : i32
      %dma_wait3A_457 = arith.constant 0 : i32
      %dma_wait3A_458 = tpu.memref_slice %arg10[%dma_wait3A_456, %dma_wait3A_457] : memref<64x128xf32, #tpu.memory_space<vmem>> -> memref<64x128xf32, #tpu.memory_space<vmem>>
      tpu.wait_dma2 semaphore(%run_scoped3A : memref<!tpu.dma_semaphore, #tpu.memory_space<semaphore_mem>>) src(%dma_wait3A_458 : memref<64x128xf32, #tpu.memory_space<vmem>>) dst(%dma_wait3A_455 : memref<64x128xf32, #tpu.memory_space<vmem_shared>>)
      tpu.yield
    }) : () -> ()
    %add3A_23 = arith.constant 320 : i32
    %add3A_24 = arith.addi %mul3A_0, %add3A_23 : i32
    "tpu.region"() ({
      %run_scoped3A = tpu.sem_alloc : memref<!tpu.dma_semaphore, #tpu.memory_space<semaphore_mem>>
      %dma_start3A_439 = arith.constant 0 : i32
      %dma_start3A_440 = arith.constant 0 : i32
      %dma_start3A_441 = tpu.memref_slice %arg10[%dma_start3A_439, %dma_start3A_440] : memref<64x128xf32, #tpu.memory_space<vmem>> -> memref<64x128xf32, #tpu.memory_space<vmem>>
      %dma_start3A_442 = arith.constant 0 : i32
      %dma_start3A_443 = tpu.memref_slice %arg12[%add3A_24, %dma_start3A_442] : memref<10112x128xf32, #tpu.memory_space<vmem_shared>> -> memref<64x128xf32, #tpu.memory_space<vmem_shared>>
      %dma_start3A_444 = arith.constant 0 : i32
      %dma_start3A_445 = tpu.memref_slice %arg12[%add3A_24, %dma_start3A_444] : memref<10112x128xf32, #tpu.memory_space<vmem_shared>> -> memref<64x128xf32, #tpu.memory_space<vmem_shared>>
      %dma_start3A_446 = arith.constant 0 : i32
      %dma_start3A_447 = arith.constant 0 : i32
      %dma_start3A_448 = tpu.memref_slice %arg10[%dma_start3A_446, %dma_start3A_447] : memref<64x128xf32, #tpu.memory_space<vmem>> -> memref<64x128xf32, #tpu.memory_space<vmem>>
      tpu.enqueue_dma source(%dma_start3A_448 : memref<64x128xf32, #tpu.memory_space<vmem>>) target(%dma_start3A_445 : memref<64x128xf32, #tpu.memory_space<vmem_shared>>) target_semaphore(%run_scoped3A : memref<!tpu.dma_semaphore, #tpu.memory_space<semaphore_mem>>)
      %dma_wait3A_449 = arith.constant 0 : i32
      %dma_wait3A_450 = arith.constant 0 : i32
      %dma_wait3A_451 = tpu.memref_slice %arg10[%dma_wait3A_449, %dma_wait3A_450] : memref<64x128xf32, #tpu.memory_space<vmem>> -> memref<64x128xf32, #tpu.memory_space<vmem>>
      %dma_wait3A_452 = arith.constant 0 : i32
      %dma_wait3A_453 = tpu.memref_slice %arg12[%add3A_24, %dma_wait3A_452] : memref<10112x128xf32, #tpu.memory_space<vmem_shared>> -> memref<64x128xf32, #tpu.memory_space<vmem_shared>>
      %dma_wait3A_454 = arith.constant 0 : i32
      %dma_wait3A_455 = tpu.memref_slice %arg12[%add3A_24, %dma_wait3A_454] : memref<10112x128xf32, #tpu.memory_space<vmem_shared>> -> memref<64x128xf32, #tpu.memory_space<vmem_shared>>
      %dma_wait3A_456 = arith.constant 0 : i32
      %dma_wait3A_457 = arith.constant 0 : i32
      %dma_wait3A_458 = tpu.memref_slice %arg10[%dma_wait3A_456, %dma_wait3A_457] : memref<64x128xf32, #tpu.memory_space<vmem>> -> memref<64x128xf32, #tpu.memory_space<vmem>>
      tpu.wait_dma2 semaphore(%run_scoped3A : memref<!tpu.dma_semaphore, #tpu.memory_space<semaphore_mem>>) src(%dma_wait3A_458 : memref<64x128xf32, #tpu.memory_space<vmem>>) dst(%dma_wait3A_455 : memref<64x128xf32, #tpu.memory_space<vmem_shared>>)
      tpu.yield
    }) : () -> ()
    %add3A_25 = arith.constant 384 : i32
    %add3A_26 = arith.addi %mul3A_0, %add3A_25 : i32
    "tpu.region"() ({
      %run_scoped3A = tpu.sem_alloc : memref<!tpu.dma_semaphore, #tpu.memory_space<semaphore_mem>>
      %dma_start3A_439 = arith.constant 0 : i32
      %dma_start3A_440 = arith.constant 0 : i32
      %dma_start3A_441 = tpu.memref_slice %arg10[%dma_start3A_439, %dma_start3A_440] : memref<64x128xf32, #tpu.memory_space<vmem>> -> memref<64x128xf32, #tpu.memory_space<vmem>>
      %dma_start3A_442 = arith.constant 0 : i32
      %dma_start3A_443 = tpu.memref_slice %arg12[%add3A_26, %dma_start3A_442] : memref<10112x128xf32, #tpu.memory_space<vmem_shared>> -> memref<64x128xf32, #tpu.memory_space<vmem_shared>>
      %dma_start3A_444 = arith.constant 0 : i32
      %dma_start3A_445 = tpu.memref_slice %arg12[%add3A_26, %dma_start3A_444] : memref<10112x128xf32, #tpu.memory_space<vmem_shared>> -> memref<64x128xf32, #tpu.memory_space<vmem_shared>>
      %dma_start3A_446 = arith.constant 0 : i32
      %dma_start3A_447 = arith.constant 0 : i32
      %dma_start3A_448 = tpu.memref_slice %arg10[%dma_start3A_446, %dma_start3A_447] : memref<64x128xf32, #tpu.memory_space<vmem>> -> memref<64x128xf32, #tpu.memory_space<vmem>>
      tpu.enqueue_dma source(%dma_start3A_448 : memref<64x128xf32, #tpu.memory_space<vmem>>) target(%dma_start3A_445 : memref<64x128xf32, #tpu.memory_space<vmem_shared>>) target_semaphore(%run_scoped3A : memref<!tpu.dma_semaphore, #tpu.memory_space<semaphore_mem>>)
      %dma_wait3A_449 = arith.constant 0 : i32
      %dma_wait3A_450 = arith.constant 0 : i32
      %dma_wait3A_451 = tpu.memref_slice %arg10[%dma_wait3A_449, %dma_wait3A_450] : memref<64x128xf32, #tpu.memory_space<vmem>> -> memref<64x128xf32, #tpu.memory_space<vmem>>
      %dma_wait3A_452 = arith.constant 0 : i32
      %dma_wait3A_453 = tpu.memref_slice %arg12[%add3A_26, %dma_wait3A_452] : memref<10112x128xf32, #tpu.memory_space<vmem_shared>> -> memref<64x128xf32, #tpu.memory_space<vmem_shared>>
      %dma_wait3A_454 = arith.constant 0 : i32
      %dma_wait3A_455 = tpu.memref_slice %arg12[%add3A_26, %dma_wait3A_454] : memref<10112x128xf32, #tpu.memory_space<vmem_shared>> -> memref<64x128xf32, #tpu.memory_space<vmem_shared>>
      %dma_wait3A_456 = arith.constant 0 : i32
      %dma_wait3A_457 = arith.constant 0 : i32
      %dma_wait3A_458 = tpu.memref_slice %arg10[%dma_wait3A_456, %dma_wait3A_457] : memref<64x128xf32, #tpu.memory_space<vmem>> -> memref<64x128xf32, #tpu.memory_space<vmem>>
      tpu.wait_dma2 semaphore(%run_scoped3A : memref<!tpu.dma_semaphore, #tpu.memory_space<semaphore_mem>>) src(%dma_wait3A_458 : memref<64x128xf32, #tpu.memory_space<vmem>>) dst(%dma_wait3A_455 : memref<64x128xf32, #tpu.memory_space<vmem_shared>>)
      tpu.yield
    }) : () -> ()
    %add3A_27 = arith.constant 448 : i32
    %add3A_28 = arith.addi %mul3A_0, %add3A_27 : i32
    "tpu.region"() ({
      %run_scoped3A = tpu.sem_alloc : memref<!tpu.dma_semaphore, #tpu.memory_space<semaphore_mem>>
      %dma_start3A_439 = arith.constant 0 : i32
      %dma_start3A_440 = arith.constant 0 : i32
      %dma_start3A_441 = tpu.memref_slice %arg10[%dma_start3A_439, %dma_start3A_440] : memref<64x128xf32, #tpu.memory_space<vmem>> -> memref<64x128xf32, #tpu.memory_space<vmem>>
      %dma_start3A_442 = arith.constant 0 : i32
      %dma_start3A_443 = tpu.memref_slice %arg12[%add3A_28, %dma_start3A_442] : memref<10112x128xf32, #tpu.memory_space<vmem_shared>> -> memref<64x128xf32, #tpu.memory_space<vmem_shared>>
      %dma_start3A_444 = arith.constant 0 : i32
      %dma_start3A_445 = tpu.memref_slice %arg12[%add3A_28, %dma_start3A_444] : memref<10112x128xf32, #tpu.memory_space<vmem_shared>> -> memref<64x128xf32, #tpu.memory_space<vmem_shared>>
      %dma_start3A_446 = arith.constant 0 : i32
      %dma_start3A_447 = arith.constant 0 : i32
      %dma_start3A_448 = tpu.memref_slice %arg10[%dma_start3A_446, %dma_start3A_447] : memref<64x128xf32, #tpu.memory_space<vmem>> -> memref<64x128xf32, #tpu.memory_space<vmem>>
      tpu.enqueue_dma source(%dma_start3A_448 : memref<64x128xf32, #tpu.memory_space<vmem>>) target(%dma_start3A_445 : memref<64x128xf32, #tpu.memory_space<vmem_shared>>) target_semaphore(%run_scoped3A : memref<!tpu.dma_semaphore, #tpu.memory_space<semaphore_mem>>)
      %dma_wait3A_449 = arith.constant 0 : i32
      %dma_wait3A_450 = arith.constant 0 : i32
      %dma_wait3A_451 = tpu.memref_slice %arg10[%dma_wait3A_449, %dma_wait3A_450] : memref<64x128xf32, #tpu.memory_space<vmem>> -> memref<64x128xf32, #tpu.memory_space<vmem>>
      %dma_wait3A_452 = arith.constant 0 : i32
      %dma_wait3A_453 = tpu.memref_slice %arg12[%add3A_28, %dma_wait3A_452] : memref<10112x128xf32, #tpu.memory_space<vmem_shared>> -> memref<64x128xf32, #tpu.memory_space<vmem_shared>>
      %dma_wait3A_454 = arith.constant 0 : i32
      %dma_wait3A_455 = tpu.memref_slice %arg12[%add3A_28, %dma_wait3A_454] : memref<10112x128xf32, #tpu.memory_space<vmem_shared>> -> memref<64x128xf32, #tpu.memory_space<vmem_shared>>
      %dma_wait3A_456 = arith.constant 0 : i32
      %dma_wait3A_457 = arith.constant 0 : i32
      %dma_wait3A_458 = tpu.memref_slice %arg10[%dma_wait3A_456, %dma_wait3A_457] : memref<64x128xf32, #tpu.memory_space<vmem>> -> memref<64x128xf32, #tpu.memory_space<vmem>>
      tpu.wait_dma2 semaphore(%run_scoped3A : memref<!tpu.dma_semaphore, #tpu.memory_space<semaphore_mem>>) src(%dma_wait3A_458 : memref<64x128xf32, #tpu.memory_space<vmem>>) dst(%dma_wait3A_455 : memref<64x128xf32, #tpu.memory_space<vmem_shared>>)
      tpu.yield
    }) : () -> ()
    %add3A_29 = arith.constant 512 : i32
    %add3A_30 = arith.addi %mul3A_0, %add3A_29 : i32
    "tpu.region"() ({
      %run_scoped3A = tpu.sem_alloc : memref<!tpu.dma_semaphore, #tpu.memory_space<semaphore_mem>>
      %dma_start3A_439 = arith.constant 0 : i32
      %dma_start3A_440 = arith.constant 0 : i32
      %dma_start3A_441 = tpu.memref_slice %arg10[%dma_start3A_439, %dma_start3A_440] : memref<64x128xf32, #tpu.memory_space<vmem>> -> memref<64x128xf32, #tpu.memory_space<vmem>>
      %dma_start3A_442 = arith.constant 0 : i32
      %dma_start3A_443 = tpu.memref_slice %arg12[%add3A_30, %dma_start3A_442] : memref<10112x128xf32, #tpu.memory_space<vmem_shared>> -> memref<64x128xf32, #tpu.memory_space<vmem_shared>>
      %dma_start3A_444 = arith.constant 0 : i32
      %dma_start3A_445 = tpu.memref_slice %arg12[%add3A_30, %dma_start3A_444] : memref<10112x128xf32, #tpu.memory_space<vmem_shared>> -> memref<64x128xf32, #tpu.memory_space<vmem_shared>>
      %dma_start3A_446 = arith.constant 0 : i32
      %dma_start3A_447 = arith.constant 0 : i32
      %dma_start3A_448 = tpu.memref_slice %arg10[%dma_start3A_446, %dma_start3A_447] : memref<64x128xf32, #tpu.memory_space<vmem>> -> memref<64x128xf32, #tpu.memory_space<vmem>>
      tpu.enqueue_dma source(%dma_start3A_448 : memref<64x128xf32, #tpu.memory_space<vmem>>) target(%dma_start3A_445 : memref<64x128xf32, #tpu.memory_space<vmem_shared>>) target_semaphore(%run_scoped3A : memref<!tpu.dma_semaphore, #tpu.memory_space<semaphore_mem>>)
      %dma_wait3A_449 = arith.constant 0 : i32
      %dma_wait3A_450 = arith.constant 0 : i32
      %dma_wait3A_451 = tpu.memref_slice %arg10[%dma_wait3A_449, %dma_wait3A_450] : memref<64x128xf32, #tpu.memory_space<vmem>> -> memref<64x128xf32, #tpu.memory_space<vmem>>
      %dma_wait3A_452 = arith.constant 0 : i32
      %dma_wait3A_453 = tpu.memref_slice %arg12[%add3A_30, %dma_wait3A_452] : memref<10112x128xf32, #tpu.memory_space<vmem_shared>> -> memref<64x128xf32, #tpu.memory_space<vmem_shared>>
      %dma_wait3A_454 = arith.constant 0 : i32
      %dma_wait3A_455 = tpu.memref_slice %arg12[%add3A_30, %dma_wait3A_454] : memref<10112x128xf32, #tpu.memory_space<vmem_shared>> -> memref<64x128xf32, #tpu.memory_space<vmem_shared>>
      %dma_wait3A_456 = arith.constant 0 : i32
      %dma_wait3A_457 = arith.constant 0 : i32
      %dma_wait3A_458 = tpu.memref_slice %arg10[%dma_wait3A_456, %dma_wait3A_457] : memref<64x128xf32, #tpu.memory_space<vmem>> -> memref<64x128xf32, #tpu.memory_space<vmem>>
      tpu.wait_dma2 semaphore(%run_scoped3A : memref<!tpu.dma_semaphore, #tpu.memory_space<semaphore_mem>>) src(%dma_wait3A_458 : memref<64x128xf32, #tpu.memory_space<vmem>>) dst(%dma_wait3A_455 : memref<64x128xf32, #tpu.memory_space<vmem_shared>>)
      tpu.yield
    }) : () -> ()
    %add3A_31 = arith.constant 576 : i32
    %add3A_32 = arith.addi %mul3A_0, %add3A_31 : i32
    "tpu.region"() ({
      %run_scoped3A = tpu.sem_alloc : memref<!tpu.dma_semaphore, #tpu.memory_space<semaphore_mem>>
      %dma_start3A_439 = arith.constant 0 : i32
      %dma_start3A_440 = arith.constant 0 : i32
      %dma_start3A_441 = tpu.memref_slice %arg10[%dma_start3A_439, %dma_start3A_440] : memref<64x128xf32, #tpu.memory_space<vmem>> -> memref<56x128xf32, #tpu.memory_space<vmem>>
      %dma_start3A_442 = arith.constant 0 : i32
      %dma_start3A_443 = tpu.memref_slice %arg12[%add3A_32, %dma_start3A_442] : memref<10112x128xf32, #tpu.memory_space<vmem_shared>> -> memref<56x128xf32, #tpu.memory_space<vmem_shared>>
      %dma_start3A_444 = arith.constant 0 : i32
      %dma_start3A_445 = tpu.memref_slice %arg12[%add3A_32, %dma_start3A_444] : memref<10112x128xf32, #tpu.memory_space<vmem_shared>> -> memref<56x128xf32, #tpu.memory_space<vmem_shared>>
      %dma_start3A_446 = arith.constant 0 : i32
      %dma_start3A_447 = arith.constant 0 : i32
      %dma_start3A_448 = tpu.memref_slice %arg10[%dma_start3A_446, %dma_start3A_447] : memref<64x128xf32, #tpu.memory_space<vmem>> -> memref<56x128xf32, #tpu.memory_space<vmem>>
      tpu.enqueue_dma source(%dma_start3A_448 : memref<56x128xf32, #tpu.memory_space<vmem>>) target(%dma_start3A_445 : memref<56x128xf32, #tpu.memory_space<vmem_shared>>) target_semaphore(%run_scoped3A : memref<!tpu.dma_semaphore, #tpu.memory_space<semaphore_mem>>)
      %dma_wait3A_449 = arith.constant 0 : i32
      %dma_wait3A_450 = arith.constant 0 : i32
      %dma_wait3A_451 = tpu.memref_slice %arg10[%dma_wait3A_449, %dma_wait3A_450] : memref<64x128xf32, #tpu.memory_space<vmem>> -> memref<56x128xf32, #tpu.memory_space<vmem>>
      %dma_wait3A_452 = arith.constant 0 : i32
      %dma_wait3A_453 = tpu.memref_slice %arg12[%add3A_32, %dma_wait3A_452] : memref<10112x128xf32, #tpu.memory_space<vmem_shared>> -> memref<56x128xf32, #tpu.memory_space<vmem_shared>>
      %dma_wait3A_454 = arith.constant 0 : i32
      %dma_wait3A_455 = tpu.memref_slice %arg12[%add3A_32, %dma_wait3A_454] : memref<10112x128xf32, #tpu.memory_space<vmem_shared>> -> memref<56x128xf32, #tpu.memory_space<vmem_shared>>
      %dma_wait3A_456 = arith.constant 0 : i32
      %dma_wait3A_457 = arith.constant 0 : i32
      %dma_wait3A_458 = tpu.memref_slice %arg10[%dma_wait3A_456, %dma_wait3A_457] : memref<64x128xf32, #tpu.memory_space<vmem>> -> memref<56x128xf32, #tpu.memory_space<vmem>>
      tpu.wait_dma2 semaphore(%run_scoped3A : memref<!tpu.dma_semaphore, #tpu.memory_space<semaphore_mem>>) src(%dma_wait3A_458 : memref<56x128xf32, #tpu.memory_space<vmem>>) dst(%dma_wait3A_455 : memref<56x128xf32, #tpu.memory_space<vmem_shared>>)
      tpu.yield
    }) : () -> ()
    %barrier3A = arith.constant 0 : index
    tpu.barrier barrier_id(%barrier3A)
    %scan3A_33 = arith.constant 0 : i32
    %scan3A_34 = arith.constant 0 : i32
    %scan3A_35 = arith.constant 20 : i32
    %scan3A_36 = arith.addi %scan3A_34, %scan3A_35 : i32
    %scan3A_37 = arith.constant 1 : i32
    %scan3A_38 = scf.for %scan3A_439 = %scan3A_34 to %scan3A_36 step %scan3A_37 iter_args(%scan3A_440 = %scan3A_33) -> (i32)  : i32 {
      %mul3A_441 = arith.constant 320 : i32
      %mul3A_442 = arith.muli %arg1, %mul3A_441 : i32
      %mul3A_443 = arith.constant 16 : i32
      %mul3A_444 = arith.muli %scan3A_439, %mul3A_443 : i32
      %add3A_445 = arith.addi %mul3A_442, %mul3A_444 : i32
      "tpu.region"() ({
        %run_scoped3A = tpu.sem_alloc : memref<!tpu.dma_semaphore, #tpu.memory_space<semaphore_mem>>
        %dma_start3A_879 = arith.constant 0 : i32
        %dma_start3A_880 = tpu.memref_slice %arg3[%add3A_445, %dma_start3A_879] : memref<5120x64xi32, #tpu.memory_space<hbm>> -> memref<16x64xi32, #tpu.memory_space<hbm>>
        %dma_start3A_881 = arith.constant 0 : i32
        %dma_start3A_882 = tpu.memref_slice %arg3[%add3A_445, %dma_start3A_881] : memref<5120x64xi32, #tpu.memory_space<hbm>> -> memref<16x64xi32, #tpu.memory_space<hbm>>
        tpu.enqueue_dma source(%dma_start3A_882 : memref<16x64xi32, #tpu.memory_space<hbm>>) target(%arg6 : memref<16x64xi32, #tpu.memory_space<vmem>>) target_semaphore(%run_scoped3A : memref<!tpu.dma_semaphore, #tpu.memory_space<semaphore_mem>>)
        %dma_wait3A_883 = arith.constant 0 : i32
        %dma_wait3A_884 = tpu.memref_slice %arg3[%add3A_445, %dma_wait3A_883] : memref<5120x64xi32, #tpu.memory_space<hbm>> -> memref<16x64xi32, #tpu.memory_space<hbm>>
        %dma_wait3A_885 = arith.constant 0 : i32
        %dma_wait3A_886 = tpu.memref_slice %arg3[%add3A_445, %dma_wait3A_885] : memref<5120x64xi32, #tpu.memory_space<hbm>> -> memref<16x64xi32, #tpu.memory_space<hbm>>
        tpu.wait_dma2 semaphore(%run_scoped3A : memref<!tpu.dma_semaphore, #tpu.memory_space<semaphore_mem>>) src(%dma_wait3A_886 : memref<16x64xi32, #tpu.memory_space<hbm>>) dst(%arg6 : memref<16x64xi32, #tpu.memory_space<vmem>>)
        tpu.yield
      }) : () -> ()
      "tpu.region"() ({
        %run_scoped3A = tpu.sem_alloc : memref<!tpu.dma_semaphore, #tpu.memory_space<semaphore_mem>>
        %dma_start3A_879 = arith.constant 0 : i32
        %dma_start3A_880 = tpu.memref_slice %arg4[%add3A_445, %dma_start3A_879] : memref<5120x64xi32, #tpu.memory_space<hbm>> -> memref<16x64xi32, #tpu.memory_space<hbm>>
        %dma_start3A_881 = arith.constant 0 : i32
        %dma_start3A_882 = tpu.memref_slice %arg4[%add3A_445, %dma_start3A_881] : memref<5120x64xi32, #tpu.memory_space<hbm>> -> memref<16x64xi32, #tpu.memory_space<hbm>>
        tpu.enqueue_dma source(%dma_start3A_882 : memref<16x64xi32, #tpu.memory_space<hbm>>) target(%arg7 : memref<16x64xi32, #tpu.memory_space<vmem>>) target_semaphore(%run_scoped3A : memref<!tpu.dma_semaphore, #tpu.memory_space<semaphore_mem>>)
        %dma_wait3A_883 = arith.constant 0 : i32
        %dma_wait3A_884 = tpu.memref_slice %arg4[%add3A_445, %dma_wait3A_883] : memref<5120x64xi32, #tpu.memory_space<hbm>> -> memref<16x64xi32, #tpu.memory_space<hbm>>
        %dma_wait3A_885 = arith.constant 0 : i32
        %dma_wait3A_886 = tpu.memref_slice %arg4[%add3A_445, %dma_wait3A_885] : memref<5120x64xi32, #tpu.memory_space<hbm>> -> memref<16x64xi32, #tpu.memory_space<hbm>>
        tpu.wait_dma2 semaphore(%run_scoped3A : memref<!tpu.dma_semaphore, #tpu.memory_space<semaphore_mem>>) src(%dma_wait3A_886 : memref<16x64xi32, #tpu.memory_space<hbm>>) dst(%arg7 : memref<16x64xi32, #tpu.memory_space<vmem>>)
        tpu.yield
      }) : () -> ()
      %scan3A_446 = arith.constant 0 : i32
      %scan3A_447 = arith.constant 0 : i32
      %scan3A_448 = arith.constant 4 : i32
      %scan3A_449 = arith.addi %scan3A_447, %scan3A_448 : i32
      %scan3A_450 = arith.constant 1 : i32
      %scan3A_451 = scf.for %scan3A_879 = %scan3A_447 to %scan3A_449 step %scan3A_450 iter_args(%scan3A_880 = %scan3A_446) -> (i32)  : i32 {
        %mul3A_881 = arith.constant 16 : i32
        %mul3A_882 = arith.muli %scan3A_879, %mul3A_881 : i32
        %get3A = arith.constant 0 : i32
        %get3A_883 = arith.index_cast %get3A : i32 to index
        %get3A_884 = arith.index_cast %mul3A_882 : i32 to index
        %get3A_885 = tpu.vector_load %arg6[%get3A_883, %get3A_884] {strides = array<i32>} : memref<16x64xi32, #tpu.memory_space<vmem>>, vector<16xi32>,
        %mul3A_886 = arith.constant 2 : i32
        %mul3A_887 = vector.broadcast %mul3A_886 : i32 to vector<16xi32>
        %mul3A_888 = arith.muli %get3A_885, %mul3A_887 : vector<16xi32>
        %add3A_889 = vector.broadcast %arg0 : i32 to vector<16xi32>
        %add3A_890 = arith.addi %mul3A_888, %add3A_889 : vector<16xi32>
        %mul3A_891 = arith.constant 16 : i32
        %mul3A_892 = arith.muli %scan3A_879, %mul3A_891 : i32
        %swap3A = arith.index_cast %mul3A_892 : i32 to index
        %swap3A_893 = tpu.vector_load %arg8[%swap3A] {strides = array<i32>} : memref<64xi32, #tpu.memory_space<vmem>>, vector<16xi32>,
        tpu.vector_store %arg8[%swap3A], %add3A_890 {strides = array<i32>} : memref<64xi32, #tpu.memory_space<vmem>>, vector<16xi32>,
        %scan3A_894 = arith.constant 0 : i32
        scf.yield %scan3A_894 : i32
      }
      %scan3A_452 = arith.constant 4 : i32
      %dma_start3A_453 = arith.constant 0 : i32
      %dma_start3A_454 = arith.constant 0 : i32
      %dma_start3A_455 = tpu.memref_slice %arg2[%dma_start3A_453, %dma_start3A_454] : memref<20000x128xf32, #tpu.memory_space<hbm>> -> memref<20000x128xf32, #tpu.memory_space<hbm>>
      tpu.enqueue_indirect_dma source(%dma_start3A_455 : memref<20000x128xf32, #tpu.memory_space<hbm>>) target(%arg10 : memref<64x128xf32, #tpu.memory_space<vmem>>) offsets(%arg8 : memref<64xi32, #tpu.memory_space<vmem>>) semaphore(%arg13 : memref<!tpu.dma_semaphore, #tpu.memory_space<semaphore_mem>>)
      %scan3A_456 = arith.constant 0 : i32
      %scan3A_457 = arith.constant 0 : i32
      %scan3A_458 = arith.constant 4 : i32
      %scan3A_459 = arith.addi %scan3A_457, %scan3A_458 : i32
      %scan3A_460 = arith.constant 1 : i32
      %scan3A_461 = scf.for %scan3A_879 = %scan3A_457 to %scan3A_459 step %scan3A_460 iter_args(%scan3A_880 = %scan3A_456) -> (i32)  : i32 {
        %mul3A_881 = arith.constant 16 : i32
        %mul3A_882 = arith.muli %scan3A_879, %mul3A_881 : i32
        %get3A = arith.constant 1 : i32
        %get3A_883 = arith.index_cast %get3A : i32 to index
        %get3A_884 = arith.index_cast %mul3A_882 : i32 to index
        %get3A_885 = tpu.vector_load %arg6[%get3A_883, %get3A_884] {strides = array<i32>} : memref<16x64xi32, #tpu.memory_space<vmem>>, vector<16xi32>,
        %mul3A_886 = arith.constant 2 : i32
        %mul3A_887 = vector.broadcast %mul3A_886 : i32 to vector<16xi32>
        %mul3A_888 = arith.muli %get3A_885, %mul3A_887 : vector<16xi32>
        %add3A_889 = vector.broadcast %arg0 : i32 to vector<16xi32>
        %add3A_890 = arith.addi %mul3A_888, %add3A_889 : vector<16xi32>
        %mul3A_891 = arith.constant 16 : i32
        %mul3A_892 = arith.muli %scan3A_879, %mul3A_891 : i32
        %swap3A = arith.index_cast %mul3A_892 : i32 to index
        %swap3A_893 = tpu.vector_load %arg9[%swap3A] {strides = array<i32>} : memref<64xi32, #tpu.memory_space<vmem>>, vector<16xi32>,
        tpu.vector_store %arg9[%swap3A], %add3A_890 {strides = array<i32>} : memref<64xi32, #tpu.memory_space<vmem>>, vector<16xi32>,
        %scan3A_894 = arith.constant 0 : i32
        scf.yield %scan3A_894 : i32
      }
      %scan3A_462 = arith.constant 4 : i32
      %dma_start3A_463 = arith.constant 0 : i32
      %dma_start3A_464 = arith.constant 0 : i32
      %dma_start3A_465 = tpu.memref_slice %arg2[%dma_start3A_463, %dma_start3A_464] : memref<20000x128xf32, #tpu.memory_space<hbm>> -> memref<20000x128xf32, #tpu.memory_space<hbm>>
      tpu.enqueue_indirect_dma source(%dma_start3A_465 : memref<20000x128xf32, #tpu.memory_space<hbm>>) target(%arg11 : memref<64x128xf32, #tpu.memory_space<vmem>>) offsets(%arg9 : memref<64xi32, #tpu.memory_space<vmem>>) semaphore(%arg14 : memref<!tpu.dma_semaphore, #tpu.memory_space<semaphore_mem>>)
      %dma_wait3A_466 = arith.constant 0 : i32
      %dma_wait3A_467 = arith.constant 0 : i32
      %dma_wait3A_468 = tpu.memref_slice %arg2[%dma_wait3A_466, %dma_wait3A_467] : memref<20000x128xf32, #tpu.memory_space<hbm>> -> memref<20000x128xf32, #tpu.memory_space<hbm>>
      tpu.wait_indirect_dma semaphore(%arg13 : memref<!tpu.dma_semaphore, #tpu.memory_space<semaphore_mem>>) src(%dma_wait3A_468 : memref<20000x128xf32, #tpu.memory_space<hbm>>) dst(%arg10 : memref<64x128xf32, #tpu.memory_space<vmem>>)
      %dma_start3A_469 = arith.constant 0 : i32
      %dma_start3A_470 = arith.constant 0 : i32
      %dma_start3A_471 = tpu.memref_slice %arg7[%dma_start3A_469, %dma_start3A_470] : memref<16x64xi32, #tpu.memory_space<vmem>> -> memref<1x64xi32, #tpu.memory_space<vmem>>
      %dma_start3A_472 = tpu.memref_squeeze %dma_start3A_471 : memref<1x64xi32, #tpu.memory_space<vmem>> -> memref<64xi32, #tpu.memory_space<vmem>>
      %dma_start3A_473 = arith.constant 0 : i32
      %dma_start3A_474 = arith.constant 0 : i32
      %dma_start3A_475 = tpu.memref_slice %arg12[%dma_start3A_473, %dma_start3A_474] : memref<10112x128xf32, #tpu.memory_space<vmem_shared>> -> memref<10112x128xf32, #tpu.memory_space<vmem_shared>>
      tpu.enqueue_indirect_dma source(%arg10 : memref<64x128xf32, #tpu.memory_space<vmem>>) target(%dma_start3A_475 : memref<10112x128xf32, #tpu.memory_space<vmem_shared>>) offsets(%dma_start3A_472 : memref<64xi32, #tpu.memory_space<vmem>>) semaphore(%arg15 : memref<!tpu.dma_semaphore, #tpu.memory_space<semaphore_mem>>) {add = true}
      %dma_wait3A_476 = arith.constant 0 : i32
      %dma_wait3A_477 = arith.constant 0 : i32
      %dma_wait3A_478 = tpu.memref_slice %arg7[%dma_wait3A_476, %dma_wait3A_477] : memref<16x64xi32, #tpu.memory_space<vmem>> -> memref<1x64xi32, #tpu.memory_space<vmem>>
      %dma_wait3A_479 = tpu.memref_squeeze %dma_wait3A_478 : memref<1x64xi32, #tpu.memory_space<vmem>> -> memref<64xi32, #tpu.memory_space<vmem>>
      %dma_wait3A_480 = arith.constant 0 : i32
      %dma_wait3A_481 = arith.constant 0 : i32
      %dma_wait3A_482 = tpu.memref_slice %arg12[%dma_wait3A_480, %dma_wait3A_481] : memref<10112x128xf32, #tpu.memory_space<vmem_shared>> -> memref<10112x128xf32, #tpu.memory_space<vmem_shared>>
      tpu.wait_indirect_dma semaphore(%arg15 : memref<!tpu.dma_semaphore, #tpu.memory_space<semaphore_mem>>) src(%arg10 : memref<64x128xf32, #tpu.memory_space<vmem>>) dst(%dma_wait3A_482 : memref<10112x128xf32, #tpu.memory_space<vmem_shared>>)
      %scan3A_483 = arith.constant 0 : i32
      %scan3A_484 = arith.constant 0 : i32
      %scan3A_485 = arith.constant 4 : i32
      %scan3A_486 = arith.addi %scan3A_484, %scan3A_485 : i32
      %scan3A_487 = arith.constant 1 : i32
      %scan3A_488 = scf.for %scan3A_879 = %scan3A_484 to %scan3A_486 step %scan3A_487 iter_args(%scan3A_880 = %scan3A_483) -> (i32)  : i32 {
        %mul3A_881 = arith.constant 16 : i32
        %mul3A_882 = arith.muli %scan3A_879, %mul3A_881 : i32
        %get3A = arith.constant 2 : i32
        %get3A_883 = arith.index_cast %get3A : i32 to index
        %get3A_884 = arith.index_cast %mul3A_882 : i32 to index
        %get3A_885 = tpu.vector_load %arg6[%get3A_883, %get3A_884] {strides = array<i32>} : memref<16x64xi32, #tpu.memory_space<vmem>>, vector<16xi32>,
        %mul3A_886 = arith.constant 2 : i32
        %mul3A_887 = vector.broadcast %mul3A_886 : i32 to vector<16xi32>
        %mul3A_888 = arith.muli %get3A_885, %mul3A_887 : vector<16xi32>
        %add3A_889 = vector.broadcast %arg0 : i32 to vector<16xi32>
        %add3A_890 = arith.addi %mul3A_888, %add3A_889 : vector<16xi32>
        %mul3A_891 = arith.constant 16 : i32
        %mul3A_892 = arith.muli %scan3A_879, %mul3A_891 : i32
        %swap3A = arith.index_cast %mul3A_892 : i32 to index
        %swap3A_893 = tpu.vector_load %arg8[%swap3A] {strides = array<i32>} : memref<64xi32, #tpu.memory_space<vmem>>, vector<16xi32>,
        tpu.vector_store %arg8[%swap3A], %add3A_890 {strides = array<i32>} : memref<64xi32, #tpu.memory_space<vmem>>, vector<16xi32>,
        %scan3A_894 = arith.constant 0 : i32
        scf.yield %scan3A_894 : i32
      }
      %scan3A_489 = arith.constant 4 : i32
      %dma_start3A_490 = arith.constant 0 : i32
      %dma_start3A_491 = arith.constant 0 : i32
      %dma_start3A_492 = tpu.memref_slice %arg2[%dma_start3A_490, %dma_start3A_491] : memref<20000x128xf32, #tpu.memory_space<hbm>> -> memref<20000x128xf32, #tpu.memory_space<hbm>>
      tpu.enqueue_indirect_dma source(%dma_start3A_492 : memref<20000x128xf32, #tpu.memory_space<hbm>>) target(%arg10 : memref<64x128xf32, #tpu.memory_space<vmem>>) offsets(%arg8 : memref<64xi32, #tpu.memory_space<vmem>>) semaphore(%arg13 : memref<!tpu.dma_semaphore, #tpu.memory_space<semaphore_mem>>)
      %dma_wait3A_493 = arith.constant 0 : i32
      %dma_wait3A_494 = arith.constant 0 : i32
      %dma_wait3A_495 = tpu.memref_slice %arg2[%dma_wait3A_493, %dma_wait3A_494] : memref<20000x128xf32, #tpu.memory_space<hbm>> -> memref<20000x128xf32, #tpu.memory_space<hbm>>
      tpu.wait_indirect_dma semaphore(%arg14 : memref<!tpu.dma_semaphore, #tpu.memory_space<semaphore_mem>>) src(%dma_wait3A_495 : memref<20000x128xf32, #tpu.memory_space<hbm>>) dst(%arg11 : memref<64x128xf32, #tpu.memory_space<vmem>>)
      %dma_start3A_496 = arith.constant 1 : i32
      %dma_start3A_497 = arith.constant 0 : i32
      %dma_start3A_498 = tpu.memref_slice %arg7[%dma_start3A_496, %dma_start3A_497] : memref<16x64xi32, #tpu.memory_space<vmem>> -> memref<1x64xi32, #tpu.memory_space<vmem>>
      %dma_start3A_499 = tpu.memref_squeeze %dma_start3A_498 : memref<1x64xi32, #tpu.memory_space<vmem>> -> memref<64xi32, #tpu.memory_space<vmem>>
      %dma_start3A_500 = arith.constant 0 : i32
      %dma_start3A_501 = arith.constant 0 : i32
      %dma_start3A_502 = tpu.memref_slice %arg12[%dma_start3A_500, %dma_start3A_501] : memref<10112x128xf32, #tpu.memory_space<vmem_shared>> -> memref<10112x128xf32, #tpu.memory_space<vmem_shared>>
      tpu.enqueue_indirect_dma source(%arg11 : memref<64x128xf32, #tpu.memory_space<vmem>>) target(%dma_start3A_502 : memref<10112x128xf32, #tpu.memory_space<vmem_shared>>) offsets(%dma_start3A_499 : memref<64xi32, #tpu.memory_space<vmem>>) semaphore(%arg16 : memref<!tpu.dma_semaphore, #tpu.memory_space<semaphore_mem>>) {add = true}
      %dma_wait3A_503 = arith.constant 1 : i32
      %dma_wait3A_504 = arith.constant 0 : i32
      %dma_wait3A_505 = tpu.memref_slice %arg7[%dma_wait3A_503, %dma_wait3A_504] : memref<16x64xi32, #tpu.memory_space<vmem>> -> memref<1x64xi32, #tpu.memory_space<vmem>>
      %dma_wait3A_506 = tpu.memref_squeeze %dma_wait3A_505 : memref<1x64xi32, #tpu.memory_space<vmem>> -> memref<64xi32, #tpu.memory_space<vmem>>
      %dma_wait3A_507 = arith.constant 0 : i32
      %dma_wait3A_508 = arith.constant 0 : i32
      %dma_wait3A_509 = tpu.memref_slice %arg12[%dma_wait3A_507, %dma_wait3A_508] : memref<10112x128xf32, #tpu.memory_space<vmem_shared>> -> memref<10112x128xf32, #tpu.memory_space<vmem_shared>>
      tpu.wait_indirect_dma semaphore(%arg16 : memref<!tpu.dma_semaphore, #tpu.memory_space<semaphore_mem>>) src(%arg11 : memref<64x128xf32, #tpu.memory_space<vmem>>) dst(%dma_wait3A_509 : memref<10112x128xf32, #tpu.memory_space<vmem_shared>>)
      %scan3A_510 = arith.constant 0 : i32
      %scan3A_511 = arith.constant 0 : i32
      %scan3A_512 = arith.constant 4 : i32
      %scan3A_513 = arith.addi %scan3A_511, %scan3A_512 : i32
      %scan3A_514 = arith.constant 1 : i32
      %scan3A_515 = scf.for %scan3A_879 = %scan3A_511 to %scan3A_513 step %scan3A_514 iter_args(%scan3A_880 = %scan3A_510) -> (i32)  : i32 {
        %mul3A_881 = arith.constant 16 : i32
        %mul3A_882 = arith.muli %scan3A_879, %mul3A_881 : i32
        %get3A = arith.constant 3 : i32
        %get3A_883 = arith.index_cast %get3A : i32 to index
        %get3A_884 = arith.index_cast %mul3A_882 : i32 to index
        %get3A_885 = tpu.vector_load %arg6[%get3A_883, %get3A_884] {strides = array<i32>} : memref<16x64xi32, #tpu.memory_space<vmem>>, vector<16xi32>,
        %mul3A_886 = arith.constant 2 : i32
        %mul3A_887 = vector.broadcast %mul3A_886 : i32 to vector<16xi32>
        %mul3A_888 = arith.muli %get3A_885, %mul3A_887 : vector<16xi32>
        %add3A_889 = vector.broadcast %arg0 : i32 to vector<16xi32>
        %add3A_890 = arith.addi %mul3A_888, %add3A_889 : vector<16xi32>
        %mul3A_891 = arith.constant 16 : i32
        %mul3A_892 = arith.muli %scan3A_879, %mul3A_891 : i32
        %swap3A = arith.index_cast %mul3A_892 : i32 to index
        %swap3A_893 = tpu.vector_load %arg9[%swap3A] {strides = array<i32>} : memref<64xi32, #tpu.memory_space<vmem>>, vector<16xi32>,
        tpu.vector_store %arg9[%swap3A], %add3A_890 {strides = array<i32>} : memref<64xi32, #tpu.memory_space<vmem>>, vector<16xi32>,
        %scan3A_894 = arith.constant 0 : i32
        scf.yield %scan3A_894 : i32
      }
      %scan3A_516 = arith.constant 4 : i32
      %dma_start3A_517 = arith.constant 0 : i32
      %dma_start3A_518 = arith.constant 0 : i32
      %dma_start3A_519 = tpu.memref_slice %arg2[%dma_start3A_517, %dma_start3A_518] : memref<20000x128xf32, #tpu.memory_space<hbm>> -> memref<20000x128xf32, #tpu.memory_space<hbm>>
      tpu.enqueue_indirect_dma source(%dma_start3A_519 : memref<20000x128xf32, #tpu.memory_space<hbm>>) target(%arg11 : memref<64x128xf32, #tpu.memory_space<vmem>>) offsets(%arg9 : memref<64xi32, #tpu.memory_space<vmem>>) semaphore(%arg14 : memref<!tpu.dma_semaphore, #tpu.memory_space<semaphore_mem>>)
      %dma_wait3A_520 = arith.constant 0 : i32
      %dma_wait3A_521 = arith.constant 0 : i32
      %dma_wait3A_522 = tpu.memref_slice %arg2[%dma_wait3A_520, %dma_wait3A_521] : memref<20000x128xf32, #tpu.memory_space<hbm>> -> memref<20000x128xf32, #tpu.memory_space<hbm>>
      tpu.wait_indirect_dma semaphore(%arg13 : memref<!tpu.dma_semaphore, #tpu.memory_space<semaphore_mem>>) src(%dma_wait3A_522 : memref<20000x128xf32, #tpu.memory_space<hbm>>) dst(%arg10 : memref<64x128xf32, #tpu.memory_space<vmem>>)
      %dma_start3A_523 = arith.constant 2 : i32
      %dma_start3A_524 = arith.constant 0 : i32
      %dma_start3A_525 = tpu.memref_slice %arg7[%dma_start3A_523, %dma_start3A_524] : memref<16x64xi32, #tpu.memory_space<vmem>> -> memref<1x64xi32, #tpu.memory_space<vmem>>
      %dma_start3A_526 = tpu.memref_squeeze %dma_start3A_525 : memref<1x64xi32, #tpu.memory_space<vmem>> -> memref<64xi32, #tpu.memory_space<vmem>>
      %dma_start3A_527 = arith.constant 0 : i32
      %dma_start3A_528 = arith.constant 0 : i32
      %dma_start3A_529 = tpu.memref_slice %arg12[%dma_start3A_527, %dma_start3A_528] : memref<10112x128xf32, #tpu.memory_space<vmem_shared>> -> memref<10112x128xf32, #tpu.memory_space<vmem_shared>>
      tpu.enqueue_indirect_dma source(%arg10 : memref<64x128xf32, #tpu.memory_space<vmem>>) target(%dma_start3A_529 : memref<10112x128xf32, #tpu.memory_space<vmem_shared>>) offsets(%dma_start3A_526 : memref<64xi32, #tpu.memory_space<vmem>>) semaphore(%arg15 : memref<!tpu.dma_semaphore, #tpu.memory_space<semaphore_mem>>) {add = true}
      %dma_wait3A_530 = arith.constant 2 : i32
      %dma_wait3A_531 = arith.constant 0 : i32
      %dma_wait3A_532 = tpu.memref_slice %arg7[%dma_wait3A_530, %dma_wait3A_531] : memref<16x64xi32, #tpu.memory_space<vmem>> -> memref<1x64xi32, #tpu.memory_space<vmem>>
      %dma_wait3A_533 = tpu.memref_squeeze %dma_wait3A_532 : memref<1x64xi32, #tpu.memory_space<vmem>> -> memref<64xi32, #tpu.memory_space<vmem>>
      %dma_wait3A_534 = arith.constant 0 : i32
      %dma_wait3A_535 = arith.constant 0 : i32
      %dma_wait3A_536 = tpu.memref_slice %arg12[%dma_wait3A_534, %dma_wait3A_535] : memref<10112x128xf32, #tpu.memory_space<vmem_shared>> -> memref<10112x128xf32, #tpu.memory_space<vmem_shared>>
      tpu.wait_indirect_dma semaphore(%arg15 : memref<!tpu.dma_semaphore, #tpu.memory_space<semaphore_mem>>) src(%arg10 : memref<64x128xf32, #tpu.memory_space<vmem>>) dst(%dma_wait3A_536 : memref<10112x128xf32, #tpu.memory_space<vmem_shared>>)
      %scan3A_537 = arith.constant 0 : i32
      %scan3A_538 = arith.constant 0 : i32
      %scan3A_539 = arith.constant 4 : i32
      %scan3A_540 = arith.addi %scan3A_538, %scan3A_539 : i32
      %scan3A_541 = arith.constant 1 : i32
      %scan3A_542 = scf.for %scan3A_879 = %scan3A_538 to %scan3A_540 step %scan3A_541 iter_args(%scan3A_880 = %scan3A_537) -> (i32)  : i32 {
        %mul3A_881 = arith.constant 16 : i32
        %mul3A_882 = arith.muli %scan3A_879, %mul3A_881 : i32
        %get3A = arith.constant 4 : i32
        %get3A_883 = arith.index_cast %get3A : i32 to index
        %get3A_884 = arith.index_cast %mul3A_882 : i32 to index
        %get3A_885 = tpu.vector_load %arg6[%get3A_883, %get3A_884] {strides = array<i32>} : memref<16x64xi32, #tpu.memory_space<vmem>>, vector<16xi32>,
        %mul3A_886 = arith.constant 2 : i32
        %mul3A_887 = vector.broadcast %mul3A_886 : i32 to vector<16xi32>
        %mul3A_888 = arith.muli %get3A_885, %mul3A_887 : vector<16xi32>
        %add3A_889 = vector.broadcast %arg0 : i32 to vector<16xi32>
        %add3A_890 = arith.addi %mul3A_888, %add3A_889 : vector<16xi32>
        %mul3A_891 = arith.constant 16 : i32
        %mul3A_892 = arith.muli %scan3A_879, %mul3A_891 : i32
        %swap3A = arith.index_cast %mul3A_892 : i32 to index
        %swap3A_893 = tpu.vector_load %arg8[%swap3A] {strides = array<i32>} : memref<64xi32, #tpu.memory_space<vmem>>, vector<16xi32>,
        tpu.vector_store %arg8[%swap3A], %add3A_890 {strides = array<i32>} : memref<64xi32, #tpu.memory_space<vmem>>, vector<16xi32>,
        %scan3A_894 = arith.constant 0 : i32
        scf.yield %scan3A_894 : i32
      }
      %scan3A_543 = arith.constant 4 : i32
      %dma_start3A_544 = arith.constant 0 : i32
      %dma_start3A_545 = arith.constant 0 : i32
      %dma_start3A_546 = tpu.memref_slice %arg2[%dma_start3A_544, %dma_start3A_545] : memref<20000x128xf32, #tpu.memory_space<hbm>> -> memref<20000x128xf32, #tpu.memory_space<hbm>>
      tpu.enqueue_indirect_dma source(%dma_start3A_546 : memref<20000x128xf32, #tpu.memory_space<hbm>>) target(%arg10 : memref<64x128xf32, #tpu.memory_space<vmem>>) offsets(%arg8 : memref<64xi32, #tpu.memory_space<vmem>>) semaphore(%arg13 : memref<!tpu.dma_semaphore, #tpu.memory_space<semaphore_mem>>)
      %dma_wait3A_547 = arith.constant 0 : i32
      %dma_wait3A_548 = arith.constant 0 : i32
      %dma_wait3A_549 = tpu.memref_slice %arg2[%dma_wait3A_547, %dma_wait3A_548] : memref<20000x128xf32, #tpu.memory_space<hbm>> -> memref<20000x128xf32, #tpu.memory_space<hbm>>
      tpu.wait_indirect_dma semaphore(%arg14 : memref<!tpu.dma_semaphore, #tpu.memory_space<semaphore_mem>>) src(%dma_wait3A_549 : memref<20000x128xf32, #tpu.memory_space<hbm>>) dst(%arg11 : memref<64x128xf32, #tpu.memory_space<vmem>>)
      %dma_start3A_550 = arith.constant 3 : i32
      %dma_start3A_551 = arith.constant 0 : i32
      %dma_start3A_552 = tpu.memref_slice %arg7[%dma_start3A_550, %dma_start3A_551] : memref<16x64xi32, #tpu.memory_space<vmem>> -> memref<1x64xi32, #tpu.memory_space<vmem>>
      %dma_start3A_553 = tpu.memref_squeeze %dma_start3A_552 : memref<1x64xi32, #tpu.memory_space<vmem>> -> memref<64xi32, #tpu.memory_space<vmem>>
      %dma_start3A_554 = arith.constant 0 : i32
      %dma_start3A_555 = arith.constant 0 : i32
      %dma_start3A_556 = tpu.memref_slice %arg12[%dma_start3A_554, %dma_start3A_555] : memref<10112x128xf32, #tpu.memory_space<vmem_shared>> -> memref<10112x128xf32, #tpu.memory_space<vmem_shared>>
      tpu.enqueue_indirect_dma source(%arg11 : memref<64x128xf32, #tpu.memory_space<vmem>>) target(%dma_start3A_556 : memref<10112x128xf32, #tpu.memory_space<vmem_shared>>) offsets(%dma_start3A_553 : memref<64xi32, #tpu.memory_space<vmem>>) semaphore(%arg16 : memref<!tpu.dma_semaphore, #tpu.memory_space<semaphore_mem>>) {add = true}
      %dma_wait3A_557 = arith.constant 3 : i32
      %dma_wait3A_558 = arith.constant 0 : i32
      %dma_wait3A_559 = tpu.memref_slice %arg7[%dma_wait3A_557, %dma_wait3A_558] : memref<16x64xi32, #tpu.memory_space<vmem>> -> memref<1x64xi32, #tpu.memory_space<vmem>>
      %dma_wait3A_560 = tpu.memref_squeeze %dma_wait3A_559 : memref<1x64xi32, #tpu.memory_space<vmem>> -> memref<64xi32, #tpu.memory_space<vmem>>
      %dma_wait3A_561 = arith.constant 0 : i32
      %dma_wait3A_562 = arith.constant 0 : i32
      %dma_wait3A_563 = tpu.memref_slice %arg12[%dma_wait3A_561, %dma_wait3A_562] : memref<10112x128xf32, #tpu.memory_space<vmem_shared>> -> memref<10112x128xf32, #tpu.memory_space<vmem_shared>>
      tpu.wait_indirect_dma semaphore(%arg16 : memref<!tpu.dma_semaphore, #tpu.memory_space<semaphore_mem>>) src(%arg11 : memref<64x128xf32, #tpu.memory_space<vmem>>) dst(%dma_wait3A_563 : memref<10112x128xf32, #tpu.memory_space<vmem_shared>>)
      %scan3A_564 = arith.constant 0 : i32
      %scan3A_565 = arith.constant 0 : i32
      %scan3A_566 = arith.constant 4 : i32
      %scan3A_567 = arith.addi %scan3A_565, %scan3A_566 : i32
      %scan3A_568 = arith.constant 1 : i32
      %scan3A_569 = scf.for %scan3A_879 = %scan3A_565 to %scan3A_567 step %scan3A_568 iter_args(%scan3A_880 = %scan3A_564) -> (i32)  : i32 {
        %mul3A_881 = arith.constant 16 : i32
        %mul3A_882 = arith.muli %scan3A_879, %mul3A_881 : i32
        %get3A = arith.constant 5 : i32
        %get3A_883 = arith.index_cast %get3A : i32 to index
        %get3A_884 = arith.index_cast %mul3A_882 : i32 to index
        %get3A_885 = tpu.vector_load %arg6[%get3A_883, %get3A_884] {strides = array<i32>} : memref<16x64xi32, #tpu.memory_space<vmem>>, vector<16xi32>,
        %mul3A_886 = arith.constant 2 : i32
        %mul3A_887 = vector.broadcast %mul3A_886 : i32 to vector<16xi32>
        %mul3A_888 = arith.muli %get3A_885, %mul3A_887 : vector<16xi32>
        %add3A_889 = vector.broadcast %arg0 : i32 to vector<16xi32>
        %add3A_890 = arith.addi %mul3A_888, %add3A_889 : vector<16xi32>
        %mul3A_891 = arith.constant 16 : i32
        %mul3A_892 = arith.muli %scan3A_879, %mul3A_891 : i32
        %swap3A = arith.index_cast %mul3A_892 : i32 to index
        %swap3A_893 = tpu.vector_load %arg9[%swap3A] {strides = array<i32>} : memref<64xi32, #tpu.memory_space<vmem>>, vector<16xi32>,
        tpu.vector_store %arg9[%swap3A], %add3A_890 {strides = array<i32>} : memref<64xi32, #tpu.memory_space<vmem>>, vector<16xi32>,
        %scan3A_894 = arith.constant 0 : i32
        scf.yield %scan3A_894 : i32
      }
      %scan3A_570 = arith.constant 4 : i32
      %dma_start3A_571 = arith.constant 0 : i32
      %dma_start3A_572 = arith.constant 0 : i32
      %dma_start3A_573 = tpu.memref_slice %arg2[%dma_start3A_571, %dma_start3A_572] : memref<20000x128xf32, #tpu.memory_space<hbm>> -> memref<20000x128xf32, #tpu.memory_space<hbm>>
      tpu.enqueue_indirect_dma source(%dma_start3A_573 : memref<20000x128xf32, #tpu.memory_space<hbm>>) target(%arg11 : memref<64x128xf32, #tpu.memory_space<vmem>>) offsets(%arg9 : memref<64xi32, #tpu.memory_space<vmem>>) semaphore(%arg14 : memref<!tpu.dma_semaphore, #tpu.memory_space<semaphore_mem>>)
      %dma_wait3A_574 = arith.constant 0 : i32
      %dma_wait3A_575 = arith.constant 0 : i32
      %dma_wait3A_576 = tpu.memref_slice %arg2[%dma_wait3A_574, %dma_wait3A_575] : memref<20000x128xf32, #tpu.memory_space<hbm>> -> memref<20000x128xf32, #tpu.memory_space<hbm>>
      tpu.wait_indirect_dma semaphore(%arg13 : memref<!tpu.dma_semaphore, #tpu.memory_space<semaphore_mem>>) src(%dma_wait3A_576 : memref<20000x128xf32, #tpu.memory_space<hbm>>) dst(%arg10 : memref<64x128xf32, #tpu.memory_space<vmem>>)
      %dma_start3A_577 = arith.constant 4 : i32
      %dma_start3A_578 = arith.constant 0 : i32
      %dma_start3A_579 = tpu.memref_slice %arg7[%dma_start3A_577, %dma_start3A_578] : memref<16x64xi32, #tpu.memory_space<vmem>> -> memref<1x64xi32, #tpu.memory_space<vmem>>
      %dma_start3A_580 = tpu.memref_squeeze %dma_start3A_579 : memref<1x64xi32, #tpu.memory_space<vmem>> -> memref<64xi32, #tpu.memory_space<vmem>>
      %dma_start3A_581 = arith.constant 0 : i32
      %dma_start3A_582 = arith.constant 0 : i32
      %dma_start3A_583 = tpu.memref_slice %arg12[%dma_start3A_581, %dma_start3A_582] : memref<10112x128xf32, #tpu.memory_space<vmem_shared>> -> memref<10112x128xf32, #tpu.memory_space<vmem_shared>>
      tpu.enqueue_indirect_dma source(%arg10 : memref<64x128xf32, #tpu.memory_space<vmem>>) target(%dma_start3A_583 : memref<10112x128xf32, #tpu.memory_space<vmem_shared>>) offsets(%dma_start3A_580 : memref<64xi32, #tpu.memory_space<vmem>>) semaphore(%arg15 : memref<!tpu.dma_semaphore, #tpu.memory_space<semaphore_mem>>) {add = true}
      %dma_wait3A_584 = arith.constant 4 : i32
      %dma_wait3A_585 = arith.constant 0 : i32
      %dma_wait3A_586 = tpu.memref_slice %arg7[%dma_wait3A_584, %dma_wait3A_585] : memref<16x64xi32, #tpu.memory_space<vmem>> -> memref<1x64xi32, #tpu.memory_space<vmem>>
      %dma_wait3A_587 = tpu.memref_squeeze %dma_wait3A_586 : memref<1x64xi32, #tpu.memory_space<vmem>> -> memref<64xi32, #tpu.memory_space<vmem>>
      %dma_wait3A_588 = arith.constant 0 : i32
      %dma_wait3A_589 = arith.constant 0 : i32
      %dma_wait3A_590 = tpu.memref_slice %arg12[%dma_wait3A_588, %dma_wait3A_589] : memref<10112x128xf32, #tpu.memory_space<vmem_shared>> -> memref<10112x128xf32, #tpu.memory_space<vmem_shared>>
      tpu.wait_indirect_dma semaphore(%arg15 : memref<!tpu.dma_semaphore, #tpu.memory_space<semaphore_mem>>) src(%arg10 : memref<64x128xf32, #tpu.memory_space<vmem>>) dst(%dma_wait3A_590 : memref<10112x128xf32, #tpu.memory_space<vmem_shared>>)
      %scan3A_591 = arith.constant 0 : i32
      %scan3A_592 = arith.constant 0 : i32
      %scan3A_593 = arith.constant 4 : i32
      %scan3A_594 = arith.addi %scan3A_592, %scan3A_593 : i32
      %scan3A_595 = arith.constant 1 : i32
      %scan3A_596 = scf.for %scan3A_879 = %scan3A_592 to %scan3A_594 step %scan3A_595 iter_args(%scan3A_880 = %scan3A_591) -> (i32)  : i32 {
        %mul3A_881 = arith.constant 16 : i32
        %mul3A_882 = arith.muli %scan3A_879, %mul3A_881 : i32
        %get3A = arith.constant 6 : i32
        %get3A_883 = arith.index_cast %get3A : i32 to index
        %get3A_884 = arith.index_cast %mul3A_882 : i32 to index
        %get3A_885 = tpu.vector_load %arg6[%get3A_883, %get3A_884] {strides = array<i32>} : memref<16x64xi32, #tpu.memory_space<vmem>>, vector<16xi32>,
        %mul3A_886 = arith.constant 2 : i32
        %mul3A_887 = vector.broadcast %mul3A_886 : i32 to vector<16xi32>
        %mul3A_888 = arith.muli %get3A_885, %mul3A_887 : vector<16xi32>
        %add3A_889 = vector.broadcast %arg0 : i32 to vector<16xi32>
        %add3A_890 = arith.addi %mul3A_888, %add3A_889 : vector<16xi32>
        %mul3A_891 = arith.constant 16 : i32
        %mul3A_892 = arith.muli %scan3A_879, %mul3A_891 : i32
        %swap3A = arith.index_cast %mul3A_892 : i32 to index
        %swap3A_893 = tpu.vector_load %arg8[%swap3A] {strides = array<i32>} : memref<64xi32, #tpu.memory_space<vmem>>, vector<16xi32>,
        tpu.vector_store %arg8[%swap3A], %add3A_890 {strides = array<i32>} : memref<64xi32, #tpu.memory_space<vmem>>, vector<16xi32>,
        %scan3A_894 = arith.constant 0 : i32
        scf.yield %scan3A_894 : i32
      }
      %scan3A_597 = arith.constant 4 : i32
      %dma_start3A_598 = arith.constant 0 : i32
      %dma_start3A_599 = arith.constant 0 : i32
      %dma_start3A_600 = tpu.memref_slice %arg2[%dma_start3A_598, %dma_start3A_599] : memref<20000x128xf32, #tpu.memory_space<hbm>> -> memref<20000x128xf32, #tpu.memory_space<hbm>>
      tpu.enqueue_indirect_dma source(%dma_start3A_600 : memref<20000x128xf32, #tpu.memory_space<hbm>>) target(%arg10 : memref<64x128xf32, #tpu.memory_space<vmem>>) offsets(%arg8 : memref<64xi32, #tpu.memory_space<vmem>>) semaphore(%arg13 : memref<!tpu.dma_semaphore, #tpu.memory_space<semaphore_mem>>)
      %dma_wait3A_601 = arith.constant 0 : i32
      %dma_wait3A_602 = arith.constant 0 : i32
      %dma_wait3A_603 = tpu.memref_slice %arg2[%dma_wait3A_601, %dma_wait3A_602] : memref<20000x128xf32, #tpu.memory_space<hbm>> -> memref<20000x128xf32, #tpu.memory_space<hbm>>
      tpu.wait_indirect_dma semaphore(%arg14 : memref<!tpu.dma_semaphore, #tpu.memory_space<semaphore_mem>>) src(%dma_wait3A_603 : memref<20000x128xf32, #tpu.memory_space<hbm>>) dst(%arg11 : memref<64x128xf32, #tpu.memory_space<vmem>>)
      %dma_start3A_604 = arith.constant 5 : i32
      %dma_start3A_605 = arith.constant 0 : i32
      %dma_start3A_606 = tpu.memref_slice %arg7[%dma_start3A_604, %dma_start3A_605] : memref<16x64xi32, #tpu.memory_space<vmem>> -> memref<1x64xi32, #tpu.memory_space<vmem>>
      %dma_start3A_607 = tpu.memref_squeeze %dma_start3A_606 : memref<1x64xi32, #tpu.memory_space<vmem>> -> memref<64xi32, #tpu.memory_space<vmem>>
      %dma_start3A_608 = arith.constant 0 : i32
      %dma_start3A_609 = arith.constant 0 : i32
      %dma_start3A_610 = tpu.memref_slice %arg12[%dma_start3A_608, %dma_start3A_609] : memref<10112x128xf32, #tpu.memory_space<vmem_shared>> -> memref<10112x128xf32, #tpu.memory_space<vmem_shared>>
      tpu.enqueue_indirect_dma source(%arg11 : memref<64x128xf32, #tpu.memory_space<vmem>>) target(%dma_start3A_610 : memref<10112x128xf32, #tpu.memory_space<vmem_shared>>) offsets(%dma_start3A_607 : memref<64xi32, #tpu.memory_space<vmem>>) semaphore(%arg16 : memref<!tpu.dma_semaphore, #tpu.memory_space<semaphore_mem>>) {add = true}
      %dma_wait3A_611 = arith.constant 5 : i32
      %dma_wait3A_612 = arith.constant 0 : i32
      %dma_wait3A_613 = tpu.memref_slice %arg7[%dma_wait3A_611, %dma_wait3A_612] : memref<16x64xi32, #tpu.memory_space<vmem>> -> memref<1x64xi32, #tpu.memory_space<vmem>>
      %dma_wait3A_614 = tpu.memref_squeeze %dma_wait3A_613 : memref<1x64xi32, #tpu.memory_space<vmem>> -> memref<64xi32, #tpu.memory_space<vmem>>
      %dma_wait3A_615 = arith.constant 0 : i32
      %dma_wait3A_616 = arith.constant 0 : i32
      %dma_wait3A_617 = tpu.memref_slice %arg12[%dma_wait3A_615, %dma_wait3A_616] : memref<10112x128xf32, #tpu.memory_space<vmem_shared>> -> memref<10112x128xf32, #tpu.memory_space<vmem_shared>>
      tpu.wait_indirect_dma semaphore(%arg16 : memref<!tpu.dma_semaphore, #tpu.memory_space<semaphore_mem>>) src(%arg11 : memref<64x128xf32, #tpu.memory_space<vmem>>) dst(%dma_wait3A_617 : memref<10112x128xf32, #tpu.memory_space<vmem_shared>>)
      %scan3A_618 = arith.constant 0 : i32
      %scan3A_619 = arith.constant 0 : i32
      %scan3A_620 = arith.constant 4 : i32
      %scan3A_621 = arith.addi %scan3A_619, %scan3A_620 : i32
      %scan3A_622 = arith.constant 1 : i32
      %scan3A_623 = scf.for %scan3A_879 = %scan3A_619 to %scan3A_621 step %scan3A_622 iter_args(%scan3A_880 = %scan3A_618) -> (i32)  : i32 {
        %mul3A_881 = arith.constant 16 : i32
        %mul3A_882 = arith.muli %scan3A_879, %mul3A_881 : i32
        %get3A = arith.constant 7 : i32
        %get3A_883 = arith.index_cast %get3A : i32 to index
        %get3A_884 = arith.index_cast %mul3A_882 : i32 to index
        %get3A_885 = tpu.vector_load %arg6[%get3A_883, %get3A_884] {strides = array<i32>} : memref<16x64xi32, #tpu.memory_space<vmem>>, vector<16xi32>,
        %mul3A_886 = arith.constant 2 : i32
        %mul3A_887 = vector.broadcast %mul3A_886 : i32 to vector<16xi32>
        %mul3A_888 = arith.muli %get3A_885, %mul3A_887 : vector<16xi32>
        %add3A_889 = vector.broadcast %arg0 : i32 to vector<16xi32>
        %add3A_890 = arith.addi %mul3A_888, %add3A_889 : vector<16xi32>
        %mul3A_891 = arith.constant 16 : i32
        %mul3A_892 = arith.muli %scan3A_879, %mul3A_891 : i32
        %swap3A = arith.index_cast %mul3A_892 : i32 to index
        %swap3A_893 = tpu.vector_load %arg9[%swap3A] {strides = array<i32>} : memref<64xi32, #tpu.memory_space<vmem>>, vector<16xi32>,
        tpu.vector_store %arg9[%swap3A], %add3A_890 {strides = array<i32>} : memref<64xi32, #tpu.memory_space<vmem>>, vector<16xi32>,
        %scan3A_894 = arith.constant 0 : i32
        scf.yield %scan3A_894 : i32
      }
      %scan3A_624 = arith.constant 4 : i32
      %dma_start3A_625 = arith.constant 0 : i32
      %dma_start3A_626 = arith.constant 0 : i32
      %dma_start3A_627 = tpu.memref_slice %arg2[%dma_start3A_625, %dma_start3A_626] : memref<20000x128xf32, #tpu.memory_space<hbm>> -> memref<20000x128xf32, #tpu.memory_space<hbm>>
      tpu.enqueue_indirect_dma source(%dma_start3A_627 : memref<20000x128xf32, #tpu.memory_space<hbm>>) target(%arg11 : memref<64x128xf32, #tpu.memory_space<vmem>>) offsets(%arg9 : memref<64xi32, #tpu.memory_space<vmem>>) semaphore(%arg14 : memref<!tpu.dma_semaphore, #tpu.memory_space<semaphore_mem>>)
      %dma_wait3A_628 = arith.constant 0 : i32
      %dma_wait3A_629 = arith.constant 0 : i32
      %dma_wait3A_630 = tpu.memref_slice %arg2[%dma_wait3A_628, %dma_wait3A_629] : memref<20000x128xf32, #tpu.memory_space<hbm>> -> memref<20000x128xf32, #tpu.memory_space<hbm>>
      tpu.wait_indirect_dma semaphore(%arg13 : memref<!tpu.dma_semaphore, #tpu.memory_space<semaphore_mem>>) src(%dma_wait3A_630 : memref<20000x128xf32, #tpu.memory_space<hbm>>) dst(%arg10 : memref<64x128xf32, #tpu.memory_space<vmem>>)
      %dma_start3A_631 = arith.constant 6 : i32
      %dma_start3A_632 = arith.constant 0 : i32
      %dma_start3A_633 = tpu.memref_slice %arg7[%dma_start3A_631, %dma_start3A_632] : memref<16x64xi32, #tpu.memory_space<vmem>> -> memref<1x64xi32, #tpu.memory_space<vmem>>
      %dma_start3A_634 = tpu.memref_squeeze %dma_start3A_633 : memref<1x64xi32, #tpu.memory_space<vmem>> -> memref<64xi32, #tpu.memory_space<vmem>>
      %dma_start3A_635 = arith.constant 0 : i32
      %dma_start3A_636 = arith.constant 0 : i32
      %dma_start3A_637 = tpu.memref_slice %arg12[%dma_start3A_635, %dma_start3A_636] : memref<10112x128xf32, #tpu.memory_space<vmem_shared>> -> memref<10112x128xf32, #tpu.memory_space<vmem_shared>>
      tpu.enqueue_indirect_dma source(%arg10 : memref<64x128xf32, #tpu.memory_space<vmem>>) target(%dma_start3A_637 : memref<10112x128xf32, #tpu.memory_space<vmem_shared>>) offsets(%dma_start3A_634 : memref<64xi32, #tpu.memory_space<vmem>>) semaphore(%arg15 : memref<!tpu.dma_semaphore, #tpu.memory_space<semaphore_mem>>) {add = true}
      %dma_wait3A_638 = arith.constant 6 : i32
      %dma_wait3A_639 = arith.constant 0 : i32
      %dma_wait3A_640 = tpu.memref_slice %arg7[%dma_wait3A_638, %dma_wait3A_639] : memref<16x64xi32, #tpu.memory_space<vmem>> -> memref<1x64xi32, #tpu.memory_space<vmem>>
      %dma_wait3A_641 = tpu.memref_squeeze %dma_wait3A_640 : memref<1x64xi32, #tpu.memory_space<vmem>> -> memref<64xi32, #tpu.memory_space<vmem>>
      %dma_wait3A_642 = arith.constant 0 : i32
      %dma_wait3A_643 = arith.constant 0 : i32
      %dma_wait3A_644 = tpu.memref_slice %arg12[%dma_wait3A_642, %dma_wait3A_643] : memref<10112x128xf32, #tpu.memory_space<vmem_shared>> -> memref<10112x128xf32, #tpu.memory_space<vmem_shared>>
      tpu.wait_indirect_dma semaphore(%arg15 : memref<!tpu.dma_semaphore, #tpu.memory_space<semaphore_mem>>) src(%arg10 : memref<64x128xf32, #tpu.memory_space<vmem>>) dst(%dma_wait3A_644 : memref<10112x128xf32, #tpu.memory_space<vmem_shared>>)
      %scan3A_645 = arith.constant 0 : i32
      %scan3A_646 = arith.constant 0 : i32
      %scan3A_647 = arith.constant 4 : i32
      %scan3A_648 = arith.addi %scan3A_646, %scan3A_647 : i32
      %scan3A_649 = arith.constant 1 : i32
      %scan3A_650 = scf.for %scan3A_879 = %scan3A_646 to %scan3A_648 step %scan3A_649 iter_args(%scan3A_880 = %scan3A_645) -> (i32)  : i32 {
        %mul3A_881 = arith.constant 16 : i32
        %mul3A_882 = arith.muli %scan3A_879, %mul3A_881 : i32
        %get3A = arith.constant 8 : i32
        %get3A_883 = arith.index_cast %get3A : i32 to index
        %get3A_884 = arith.index_cast %mul3A_882 : i32 to index
        %get3A_885 = tpu.vector_load %arg6[%get3A_883, %get3A_884] {strides = array<i32>} : memref<16x64xi32, #tpu.memory_space<vmem>>, vector<16xi32>,
        %mul3A_886 = arith.constant 2 : i32
        %mul3A_887 = vector.broadcast %mul3A_886 : i32 to vector<16xi32>
        %mul3A_888 = arith.muli %get3A_885, %mul3A_887 : vector<16xi32>
        %add3A_889 = vector.broadcast %arg0 : i32 to vector<16xi32>
        %add3A_890 = arith.addi %mul3A_888, %add3A_889 : vector<16xi32>
        %mul3A_891 = arith.constant 16 : i32
        %mul3A_892 = arith.muli %scan3A_879, %mul3A_891 : i32
        %swap3A = arith.index_cast %mul3A_892 : i32 to index
        %swap3A_893 = tpu.vector_load %arg8[%swap3A] {strides = array<i32>} : memref<64xi32, #tpu.memory_space<vmem>>, vector<16xi32>,
        tpu.vector_store %arg8[%swap3A], %add3A_890 {strides = array<i32>} : memref<64xi32, #tpu.memory_space<vmem>>, vector<16xi32>,
        %scan3A_894 = arith.constant 0 : i32
        scf.yield %scan3A_894 : i32
      }
      %scan3A_651 = arith.constant 4 : i32
      %dma_start3A_652 = arith.constant 0 : i32
      %dma_start3A_653 = arith.constant 0 : i32
      %dma_start3A_654 = tpu.memref_slice %arg2[%dma_start3A_652, %dma_start3A_653] : memref<20000x128xf32, #tpu.memory_space<hbm>> -> memref<20000x128xf32, #tpu.memory_space<hbm>>
      tpu.enqueue_indirect_dma source(%dma_start3A_654 : memref<20000x128xf32, #tpu.memory_space<hbm>>) target(%arg10 : memref<64x128xf32, #tpu.memory_space<vmem>>) offsets(%arg8 : memref<64xi32, #tpu.memory_space<vmem>>) semaphore(%arg13 : memref<!tpu.dma_semaphore, #tpu.memory_space<semaphore_mem>>)
      %dma_wait3A_655 = arith.constant 0 : i32
      %dma_wait3A_656 = arith.constant 0 : i32
      %dma_wait3A_657 = tpu.memref_slice %arg2[%dma_wait3A_655, %dma_wait3A_656] : memref<20000x128xf32, #tpu.memory_space<hbm>> -> memref<20000x128xf32, #tpu.memory_space<hbm>>
      tpu.wait_indirect_dma semaphore(%arg14 : memref<!tpu.dma_semaphore, #tpu.memory_space<semaphore_mem>>) src(%dma_wait3A_657 : memref<20000x128xf32, #tpu.memory_space<hbm>>) dst(%arg11 : memref<64x128xf32, #tpu.memory_space<vmem>>)
      %dma_start3A_658 = arith.constant 7 : i32
      %dma_start3A_659 = arith.constant 0 : i32
      %dma_start3A_660 = tpu.memref_slice %arg7[%dma_start3A_658, %dma_start3A_659] : memref<16x64xi32, #tpu.memory_space<vmem>> -> memref<1x64xi32, #tpu.memory_space<vmem>>
      %dma_start3A_661 = tpu.memref_squeeze %dma_start3A_660 : memref<1x64xi32, #tpu.memory_space<vmem>> -> memref<64xi32, #tpu.memory_space<vmem>>
      %dma_start3A_662 = arith.constant 0 : i32
      %dma_start3A_663 = arith.constant 0 : i32
      %dma_start3A_664 = tpu.memref_slice %arg12[%dma_start3A_662, %dma_start3A_663] : memref<10112x128xf32, #tpu.memory_space<vmem_shared>> -> memref<10112x128xf32, #tpu.memory_space<vmem_shared>>
      tpu.enqueue_indirect_dma source(%arg11 : memref<64x128xf32, #tpu.memory_space<vmem>>) target(%dma_start3A_664 : memref<10112x128xf32, #tpu.memory_space<vmem_shared>>) offsets(%dma_start3A_661 : memref<64xi32, #tpu.memory_space<vmem>>) semaphore(%arg16 : memref<!tpu.dma_semaphore, #tpu.memory_space<semaphore_mem>>) {add = true}
      %dma_wait3A_665 = arith.constant 7 : i32
      %dma_wait3A_666 = arith.constant 0 : i32
      %dma_wait3A_667 = tpu.memref_slice %arg7[%dma_wait3A_665, %dma_wait3A_666] : memref<16x64xi32, #tpu.memory_space<vmem>> -> memref<1x64xi32, #tpu.memory_space<vmem>>
      %dma_wait3A_668 = tpu.memref_squeeze %dma_wait3A_667 : memref<1x64xi32, #tpu.memory_space<vmem>> -> memref<64xi32, #tpu.memory_space<vmem>>
      %dma_wait3A_669 = arith.constant 0 : i32
      %dma_wait3A_670 = arith.constant 0 : i32
      %dma_wait3A_671 = tpu.memref_slice %arg12[%dma_wait3A_669, %dma_wait3A_670] : memref<10112x128xf32, #tpu.memory_space<vmem_shared>> -> memref<10112x128xf32, #tpu.memory_space<vmem_shared>>
      tpu.wait_indirect_dma semaphore(%arg16 : memref<!tpu.dma_semaphore, #tpu.memory_space<semaphore_mem>>) src(%arg11 : memref<64x128xf32, #tpu.memory_space<vmem>>) dst(%dma_wait3A_671 : memref<10112x128xf32, #tpu.memory_space<vmem_shared>>)
      %scan3A_672 = arith.constant 0 : i32
      %scan3A_673 = arith.constant 0 : i32
      %scan3A_674 = arith.constant 4 : i32
      %scan3A_675 = arith.addi %scan3A_673, %scan3A_674 : i32
      %scan3A_676 = arith.constant 1 : i32
      %scan3A_677 = scf.for %scan3A_879 = %scan3A_673 to %scan3A_675 step %scan3A_676 iter_args(%scan3A_880 = %scan3A_672) -> (i32)  : i32 {
        %mul3A_881 = arith.constant 16 : i32
        %mul3A_882 = arith.muli %scan3A_879, %mul3A_881 : i32
        %get3A = arith.constant 9 : i32
        %get3A_883 = arith.index_cast %get3A : i32 to index
        %get3A_884 = arith.index_cast %mul3A_882 : i32 to index
        %get3A_885 = tpu.vector_load %arg6[%get3A_883, %get3A_884] {strides = array<i32>} : memref<16x64xi32, #tpu.memory_space<vmem>>, vector<16xi32>,
        %mul3A_886 = arith.constant 2 : i32
        %mul3A_887 = vector.broadcast %mul3A_886 : i32 to vector<16xi32>
        %mul3A_888 = arith.muli %get3A_885, %mul3A_887 : vector<16xi32>
        %add3A_889 = vector.broadcast %arg0 : i32 to vector<16xi32>
        %add3A_890 = arith.addi %mul3A_888, %add3A_889 : vector<16xi32>
        %mul3A_891 = arith.constant 16 : i32
        %mul3A_892 = arith.muli %scan3A_879, %mul3A_891 : i32
        %swap3A = arith.index_cast %mul3A_892 : i32 to index
        %swap3A_893 = tpu.vector_load %arg9[%swap3A] {strides = array<i32>} : memref<64xi32, #tpu.memory_space<vmem>>, vector<16xi32>,
        tpu.vector_store %arg9[%swap3A], %add3A_890 {strides = array<i32>} : memref<64xi32, #tpu.memory_space<vmem>>, vector<16xi32>,
        %scan3A_894 = arith.constant 0 : i32
        scf.yield %scan3A_894 : i32
      }
      %scan3A_678 = arith.constant 4 : i32
      %dma_start3A_679 = arith.constant 0 : i32
      %dma_start3A_680 = arith.constant 0 : i32
      %dma_start3A_681 = tpu.memref_slice %arg2[%dma_start3A_679, %dma_start3A_680] : memref<20000x128xf32, #tpu.memory_space<hbm>> -> memref<20000x128xf32, #tpu.memory_space<hbm>>
      tpu.enqueue_indirect_dma source(%dma_start3A_681 : memref<20000x128xf32, #tpu.memory_space<hbm>>) target(%arg11 : memref<64x128xf32, #tpu.memory_space<vmem>>) offsets(%arg9 : memref<64xi32, #tpu.memory_space<vmem>>) semaphore(%arg14 : memref<!tpu.dma_semaphore, #tpu.memory_space<semaphore_mem>>)
      %dma_wait3A_682 = arith.constant 0 : i32
      %dma_wait3A_683 = arith.constant 0 : i32
      %dma_wait3A_684 = tpu.memref_slice %arg2[%dma_wait3A_682, %dma_wait3A_683] : memref<20000x128xf32, #tpu.memory_space<hbm>> -> memref<20000x128xf32, #tpu.memory_space<hbm>>
      tpu.wait_indirect_dma semaphore(%arg13 : memref<!tpu.dma_semaphore, #tpu.memory_space<semaphore_mem>>) src(%dma_wait3A_684 : memref<20000x128xf32, #tpu.memory_space<hbm>>) dst(%arg10 : memref<64x128xf32, #tpu.memory_space<vmem>>)
      %dma_start3A_685 = arith.constant 8 : i32
      %dma_start3A_686 = arith.constant 0 : i32
      %dma_start3A_687 = tpu.memref_slice %arg7[%dma_start3A_685, %dma_start3A_686] : memref<16x64xi32, #tpu.memory_space<vmem>> -> memref<1x64xi32, #tpu.memory_space<vmem>>
      %dma_start3A_688 = tpu.memref_squeeze %dma_start3A_687 : memref<1x64xi32, #tpu.memory_space<vmem>> -> memref<64xi32, #tpu.memory_space<vmem>>
      %dma_start3A_689 = arith.constant 0 : i32
      %dma_start3A_690 = arith.constant 0 : i32
      %dma_start3A_691 = tpu.memref_slice %arg12[%dma_start3A_689, %dma_start3A_690] : memref<10112x128xf32, #tpu.memory_space<vmem_shared>> -> memref<10112x128xf32, #tpu.memory_space<vmem_shared>>
      tpu.enqueue_indirect_dma source(%arg10 : memref<64x128xf32, #tpu.memory_space<vmem>>) target(%dma_start3A_691 : memref<10112x128xf32, #tpu.memory_space<vmem_shared>>) offsets(%dma_start3A_688 : memref<64xi32, #tpu.memory_space<vmem>>) semaphore(%arg15 : memref<!tpu.dma_semaphore, #tpu.memory_space<semaphore_mem>>) {add = true}
      %dma_wait3A_692 = arith.constant 8 : i32
      %dma_wait3A_693 = arith.constant 0 : i32
      %dma_wait3A_694 = tpu.memref_slice %arg7[%dma_wait3A_692, %dma_wait3A_693] : memref<16x64xi32, #tpu.memory_space<vmem>> -> memref<1x64xi32, #tpu.memory_space<vmem>>
      %dma_wait3A_695 = tpu.memref_squeeze %dma_wait3A_694 : memref<1x64xi32, #tpu.memory_space<vmem>> -> memref<64xi32, #tpu.memory_space<vmem>>
      %dma_wait3A_696 = arith.constant 0 : i32
      %dma_wait3A_697 = arith.constant 0 : i32
      %dma_wait3A_698 = tpu.memref_slice %arg12[%dma_wait3A_696, %dma_wait3A_697] : memref<10112x128xf32, #tpu.memory_space<vmem_shared>> -> memref<10112x128xf32, #tpu.memory_space<vmem_shared>>
      tpu.wait_indirect_dma semaphore(%arg15 : memref<!tpu.dma_semaphore, #tpu.memory_space<semaphore_mem>>) src(%arg10 : memref<64x128xf32, #tpu.memory_space<vmem>>) dst(%dma_wait3A_698 : memref<10112x128xf32, #tpu.memory_space<vmem_shared>>)
      %scan3A_699 = arith.constant 0 : i32
      %scan3A_700 = arith.constant 0 : i32
      %scan3A_701 = arith.constant 4 : i32
      %scan3A_702 = arith.addi %scan3A_700, %scan3A_701 : i32
      %scan3A_703 = arith.constant 1 : i32
      %scan3A_704 = scf.for %scan3A_879 = %scan3A_700 to %scan3A_702 step %scan3A_703 iter_args(%scan3A_880 = %scan3A_699) -> (i32)  : i32 {
        %mul3A_881 = arith.constant 16 : i32
        %mul3A_882 = arith.muli %scan3A_879, %mul3A_881 : i32
        %get3A = arith.constant 10 : i32
        %get3A_883 = arith.index_cast %get3A : i32 to index
        %get3A_884 = arith.index_cast %mul3A_882 : i32 to index
        %get3A_885 = tpu.vector_load %arg6[%get3A_883, %get3A_884] {strides = array<i32>} : memref<16x64xi32, #tpu.memory_space<vmem>>, vector<16xi32>,
        %mul3A_886 = arith.constant 2 : i32
        %mul3A_887 = vector.broadcast %mul3A_886 : i32 to vector<16xi32>
        %mul3A_888 = arith.muli %get3A_885, %mul3A_887 : vector<16xi32>
        %add3A_889 = vector.broadcast %arg0 : i32 to vector<16xi32>
        %add3A_890 = arith.addi %mul3A_888, %add3A_889 : vector<16xi32>
        %mul3A_891 = arith.constant 16 : i32
        %mul3A_892 = arith.muli %scan3A_879, %mul3A_891 : i32
        %swap3A = arith.index_cast %mul3A_892 : i32 to index
        %swap3A_893 = tpu.vector_load %arg8[%swap3A] {strides = array<i32>} : memref<64xi32, #tpu.memory_space<vmem>>, vector<16xi32>,
        tpu.vector_store %arg8[%swap3A], %add3A_890 {strides = array<i32>} : memref<64xi32, #tpu.memory_space<vmem>>, vector<16xi32>,
        %scan3A_894 = arith.constant 0 : i32
        scf.yield %scan3A_894 : i32
      }
      %scan3A_705 = arith.constant 4 : i32
      %dma_start3A_706 = arith.constant 0 : i32
      %dma_start3A_707 = arith.constant 0 : i32
      %dma_start3A_708 = tpu.memref_slice %arg2[%dma_start3A_706, %dma_start3A_707] : memref<20000x128xf32, #tpu.memory_space<hbm>> -> memref<20000x128xf32, #tpu.memory_space<hbm>>
      tpu.enqueue_indirect_dma source(%dma_start3A_708 : memref<20000x128xf32, #tpu.memory_space<hbm>>) target(%arg10 : memref<64x128xf32, #tpu.memory_space<vmem>>) offsets(%arg8 : memref<64xi32, #tpu.memory_space<vmem>>) semaphore(%arg13 : memref<!tpu.dma_semaphore, #tpu.memory_space<semaphore_mem>>)
      %dma_wait3A_709 = arith.constant 0 : i32
      %dma_wait3A_710 = arith.constant 0 : i32
      %dma_wait3A_711 = tpu.memref_slice %arg2[%dma_wait3A_709, %dma_wait3A_710] : memref<20000x128xf32, #tpu.memory_space<hbm>> -> memref<20000x128xf32, #tpu.memory_space<hbm>>
      tpu.wait_indirect_dma semaphore(%arg14 : memref<!tpu.dma_semaphore, #tpu.memory_space<semaphore_mem>>) src(%dma_wait3A_711 : memref<20000x128xf32, #tpu.memory_space<hbm>>) dst(%arg11 : memref<64x128xf32, #tpu.memory_space<vmem>>)
      %dma_start3A_712 = arith.constant 9 : i32
      %dma_start3A_713 = arith.constant 0 : i32
      %dma_start3A_714 = tpu.memref_slice %arg7[%dma_start3A_712, %dma_start3A_713] : memref<16x64xi32, #tpu.memory_space<vmem>> -> memref<1x64xi32, #tpu.memory_space<vmem>>
      %dma_start3A_715 = tpu.memref_squeeze %dma_start3A_714 : memref<1x64xi32, #tpu.memory_space<vmem>> -> memref<64xi32, #tpu.memory_space<vmem>>
      %dma_start3A_716 = arith.constant 0 : i32
      %dma_start3A_717 = arith.constant 0 : i32
      %dma_start3A_718 = tpu.memref_slice %arg12[%dma_start3A_716, %dma_start3A_717] : memref<10112x128xf32, #tpu.memory_space<vmem_shared>> -> memref<10112x128xf32, #tpu.memory_space<vmem_shared>>
      tpu.enqueue_indirect_dma source(%arg11 : memref<64x128xf32, #tpu.memory_space<vmem>>) target(%dma_start3A_718 : memref<10112x128xf32, #tpu.memory_space<vmem_shared>>) offsets(%dma_start3A_715 : memref<64xi32, #tpu.memory_space<vmem>>) semaphore(%arg16 : memref<!tpu.dma_semaphore, #tpu.memory_space<semaphore_mem>>) {add = true}
      %dma_wait3A_719 = arith.constant 9 : i32
      %dma_wait3A_720 = arith.constant 0 : i32
      %dma_wait3A_721 = tpu.memref_slice %arg7[%dma_wait3A_719, %dma_wait3A_720] : memref<16x64xi32, #tpu.memory_space<vmem>> -> memref<1x64xi32, #tpu.memory_space<vmem>>
      %dma_wait3A_722 = tpu.memref_squeeze %dma_wait3A_721 : memref<1x64xi32, #tpu.memory_space<vmem>> -> memref<64xi32, #tpu.memory_space<vmem>>
      %dma_wait3A_723 = arith.constant 0 : i32
      %dma_wait3A_724 = arith.constant 0 : i32
      %dma_wait3A_725 = tpu.memref_slice %arg12[%dma_wait3A_723, %dma_wait3A_724] : memref<10112x128xf32, #tpu.memory_space<vmem_shared>> -> memref<10112x128xf32, #tpu.memory_space<vmem_shared>>
      tpu.wait_indirect_dma semaphore(%arg16 : memref<!tpu.dma_semaphore, #tpu.memory_space<semaphore_mem>>) src(%arg11 : memref<64x128xf32, #tpu.memory_space<vmem>>) dst(%dma_wait3A_725 : memref<10112x128xf32, #tpu.memory_space<vmem_shared>>)
      %scan3A_726 = arith.constant 0 : i32
      %scan3A_727 = arith.constant 0 : i32
      %scan3A_728 = arith.constant 4 : i32
      %scan3A_729 = arith.addi %scan3A_727, %scan3A_728 : i32
      %scan3A_730 = arith.constant 1 : i32
      %scan3A_731 = scf.for %scan3A_879 = %scan3A_727 to %scan3A_729 step %scan3A_730 iter_args(%scan3A_880 = %scan3A_726) -> (i32)  : i32 {
        %mul3A_881 = arith.constant 16 : i32
        %mul3A_882 = arith.muli %scan3A_879, %mul3A_881 : i32
        %get3A = arith.constant 11 : i32
        %get3A_883 = arith.index_cast %get3A : i32 to index
        %get3A_884 = arith.index_cast %mul3A_882 : i32 to index
        %get3A_885 = tpu.vector_load %arg6[%get3A_883, %get3A_884] {strides = array<i32>} : memref<16x64xi32, #tpu.memory_space<vmem>>, vector<16xi32>,
        %mul3A_886 = arith.constant 2 : i32
        %mul3A_887 = vector.broadcast %mul3A_886 : i32 to vector<16xi32>
        %mul3A_888 = arith.muli %get3A_885, %mul3A_887 : vector<16xi32>
        %add3A_889 = vector.broadcast %arg0 : i32 to vector<16xi32>
        %add3A_890 = arith.addi %mul3A_888, %add3A_889 : vector<16xi32>
        %mul3A_891 = arith.constant 16 : i32
        %mul3A_892 = arith.muli %scan3A_879, %mul3A_891 : i32
        %swap3A = arith.index_cast %mul3A_892 : i32 to index
        %swap3A_893 = tpu.vector_load %arg9[%swap3A] {strides = array<i32>} : memref<64xi32, #tpu.memory_space<vmem>>, vector<16xi32>,
        tpu.vector_store %arg9[%swap3A], %add3A_890 {strides = array<i32>} : memref<64xi32, #tpu.memory_space<vmem>>, vector<16xi32>,
        %scan3A_894 = arith.constant 0 : i32
        scf.yield %scan3A_894 : i32
      }
      %scan3A_732 = arith.constant 4 : i32
      %dma_start3A_733 = arith.constant 0 : i32
      %dma_start3A_734 = arith.constant 0 : i32
      %dma_start3A_735 = tpu.memref_slice %arg2[%dma_start3A_733, %dma_start3A_734] : memref<20000x128xf32, #tpu.memory_space<hbm>> -> memref<20000x128xf32, #tpu.memory_space<hbm>>
      tpu.enqueue_indirect_dma source(%dma_start3A_735 : memref<20000x128xf32, #tpu.memory_space<hbm>>) target(%arg11 : memref<64x128xf32, #tpu.memory_space<vmem>>) offsets(%arg9 : memref<64xi32, #tpu.memory_space<vmem>>) semaphore(%arg14 : memref<!tpu.dma_semaphore, #tpu.memory_space<semaphore_mem>>)
      %dma_wait3A_736 = arith.constant 0 : i32
      %dma_wait3A_737 = arith.constant 0 : i32
      %dma_wait3A_738 = tpu.memref_slice %arg2[%dma_wait3A_736, %dma_wait3A_737] : memref<20000x128xf32, #tpu.memory_space<hbm>> -> memref<20000x128xf32, #tpu.memory_space<hbm>>
      tpu.wait_indirect_dma semaphore(%arg13 : memref<!tpu.dma_semaphore, #tpu.memory_space<semaphore_mem>>) src(%dma_wait3A_738 : memref<20000x128xf32, #tpu.memory_space<hbm>>) dst(%arg10 : memref<64x128xf32, #tpu.memory_space<vmem>>)
      %dma_start3A_739 = arith.constant 10 : i32
      %dma_start3A_740 = arith.constant 0 : i32
      %dma_start3A_741 = tpu.memref_slice %arg7[%dma_start3A_739, %dma_start3A_740] : memref<16x64xi32, #tpu.memory_space<vmem>> -> memref<1x64xi32, #tpu.memory_space<vmem>>
      %dma_start3A_742 = tpu.memref_squeeze %dma_start3A_741 : memref<1x64xi32, #tpu.memory_space<vmem>> -> memref<64xi32, #tpu.memory_space<vmem>>
      %dma_start3A_743 = arith.constant 0 : i32
      %dma_start3A_744 = arith.constant 0 : i32
      %dma_start3A_745 = tpu.memref_slice %arg12[%dma_start3A_743, %dma_start3A_744] : memref<10112x128xf32, #tpu.memory_space<vmem_shared>> -> memref<10112x128xf32, #tpu.memory_space<vmem_shared>>
      tpu.enqueue_indirect_dma source(%arg10 : memref<64x128xf32, #tpu.memory_space<vmem>>) target(%dma_start3A_745 : memref<10112x128xf32, #tpu.memory_space<vmem_shared>>) offsets(%dma_start3A_742 : memref<64xi32, #tpu.memory_space<vmem>>) semaphore(%arg15 : memref<!tpu.dma_semaphore, #tpu.memory_space<semaphore_mem>>) {add = true}
      %dma_wait3A_746 = arith.constant 10 : i32
      %dma_wait3A_747 = arith.constant 0 : i32
      %dma_wait3A_748 = tpu.memref_slice %arg7[%dma_wait3A_746, %dma_wait3A_747] : memref<16x64xi32, #tpu.memory_space<vmem>> -> memref<1x64xi32, #tpu.memory_space<vmem>>
      %dma_wait3A_749 = tpu.memref_squeeze %dma_wait3A_748 : memref<1x64xi32, #tpu.memory_space<vmem>> -> memref<64xi32, #tpu.memory_space<vmem>>
      %dma_wait3A_750 = arith.constant 0 : i32
      %dma_wait3A_751 = arith.constant 0 : i32
      %dma_wait3A_752 = tpu.memref_slice %arg12[%dma_wait3A_750, %dma_wait3A_751] : memref<10112x128xf32, #tpu.memory_space<vmem_shared>> -> memref<10112x128xf32, #tpu.memory_space<vmem_shared>>
      tpu.wait_indirect_dma semaphore(%arg15 : memref<!tpu.dma_semaphore, #tpu.memory_space<semaphore_mem>>) src(%arg10 : memref<64x128xf32, #tpu.memory_space<vmem>>) dst(%dma_wait3A_752 : memref<10112x128xf32, #tpu.memory_space<vmem_shared>>)
      %scan3A_753 = arith.constant 0 : i32
      %scan3A_754 = arith.constant 0 : i32
      %scan3A_755 = arith.constant 4 : i32
      %scan3A_756 = arith.addi %scan3A_754, %scan3A_755 : i32
      %scan3A_757 = arith.constant 1 : i32
      %scan3A_758 = scf.for %scan3A_879 = %scan3A_754 to %scan3A_756 step %scan3A_757 iter_args(%scan3A_880 = %scan3A_753) -> (i32)  : i32 {
        %mul3A_881 = arith.constant 16 : i32
        %mul3A_882 = arith.muli %scan3A_879, %mul3A_881 : i32
        %get3A = arith.constant 12 : i32
        %get3A_883 = arith.index_cast %get3A : i32 to index
        %get3A_884 = arith.index_cast %mul3A_882 : i32 to index
        %get3A_885 = tpu.vector_load %arg6[%get3A_883, %get3A_884] {strides = array<i32>} : memref<16x64xi32, #tpu.memory_space<vmem>>, vector<16xi32>,
        %mul3A_886 = arith.constant 2 : i32
        %mul3A_887 = vector.broadcast %mul3A_886 : i32 to vector<16xi32>
        %mul3A_888 = arith.muli %get3A_885, %mul3A_887 : vector<16xi32>
        %add3A_889 = vector.broadcast %arg0 : i32 to vector<16xi32>
        %add3A_890 = arith.addi %mul3A_888, %add3A_889 : vector<16xi32>
        %mul3A_891 = arith.constant 16 : i32
        %mul3A_892 = arith.muli %scan3A_879, %mul3A_891 : i32
        %swap3A = arith.index_cast %mul3A_892 : i32 to index
        %swap3A_893 = tpu.vector_load %arg8[%swap3A] {strides = array<i32>} : memref<64xi32, #tpu.memory_space<vmem>>, vector<16xi32>,
        tpu.vector_store %arg8[%swap3A], %add3A_890 {strides = array<i32>} : memref<64xi32, #tpu.memory_space<vmem>>, vector<16xi32>,
        %scan3A_894 = arith.constant 0 : i32
        scf.yield %scan3A_894 : i32
      }
      %scan3A_759 = arith.constant 4 : i32
      %dma_start3A_760 = arith.constant 0 : i32
      %dma_start3A_761 = arith.constant 0 : i32
      %dma_start3A_762 = tpu.memref_slice %arg2[%dma_start3A_760, %dma_start3A_761] : memref<20000x128xf32, #tpu.memory_space<hbm>> -> memref<20000x128xf32, #tpu.memory_space<hbm>>
      tpu.enqueue_indirect_dma source(%dma_start3A_762 : memref<20000x128xf32, #tpu.memory_space<hbm>>) target(%arg10 : memref<64x128xf32, #tpu.memory_space<vmem>>) offsets(%arg8 : memref<64xi32, #tpu.memory_space<vmem>>) semaphore(%arg13 : memref<!tpu.dma_semaphore, #tpu.memory_space<semaphore_mem>>)
      %dma_wait3A_763 = arith.constant 0 : i32
      %dma_wait3A_764 = arith.constant 0 : i32
      %dma_wait3A_765 = tpu.memref_slice %arg2[%dma_wait3A_763, %dma_wait3A_764] : memref<20000x128xf32, #tpu.memory_space<hbm>> -> memref<20000x128xf32, #tpu.memory_space<hbm>>
      tpu.wait_indirect_dma semaphore(%arg14 : memref<!tpu.dma_semaphore, #tpu.memory_space<semaphore_mem>>) src(%dma_wait3A_765 : memref<20000x128xf32, #tpu.memory_space<hbm>>) dst(%arg11 : memref<64x128xf32, #tpu.memory_space<vmem>>)
      %dma_start3A_766 = arith.constant 11 : i32
      %dma_start3A_767 = arith.constant 0 : i32
      %dma_start3A_768 = tpu.memref_slice %arg7[%dma_start3A_766, %dma_start3A_767] : memref<16x64xi32, #tpu.memory_space<vmem>> -> memref<1x64xi32, #tpu.memory_space<vmem>>
      %dma_start3A_769 = tpu.memref_squeeze %dma_start3A_768 : memref<1x64xi32, #tpu.memory_space<vmem>> -> memref<64xi32, #tpu.memory_space<vmem>>
      %dma_start3A_770 = arith.constant 0 : i32
      %dma_start3A_771 = arith.constant 0 : i32
      %dma_start3A_772 = tpu.memref_slice %arg12[%dma_start3A_770, %dma_start3A_771] : memref<10112x128xf32, #tpu.memory_space<vmem_shared>> -> memref<10112x128xf32, #tpu.memory_space<vmem_shared>>
      tpu.enqueue_indirect_dma source(%arg11 : memref<64x128xf32, #tpu.memory_space<vmem>>) target(%dma_start3A_772 : memref<10112x128xf32, #tpu.memory_space<vmem_shared>>) offsets(%dma_start3A_769 : memref<64xi32, #tpu.memory_space<vmem>>) semaphore(%arg16 : memref<!tpu.dma_semaphore, #tpu.memory_space<semaphore_mem>>) {add = true}
      %dma_wait3A_773 = arith.constant 11 : i32
      %dma_wait3A_774 = arith.constant 0 : i32
      %dma_wait3A_775 = tpu.memref_slice %arg7[%dma_wait3A_773, %dma_wait3A_774] : memref<16x64xi32, #tpu.memory_space<vmem>> -> memref<1x64xi32, #tpu.memory_space<vmem>>
      %dma_wait3A_776 = tpu.memref_squeeze %dma_wait3A_775 : memref<1x64xi32, #tpu.memory_space<vmem>> -> memref<64xi32, #tpu.memory_space<vmem>>
      %dma_wait3A_777 = arith.constant 0 : i32
      %dma_wait3A_778 = arith.constant 0 : i32
      %dma_wait3A_779 = tpu.memref_slice %arg12[%dma_wait3A_777, %dma_wait3A_778] : memref<10112x128xf32, #tpu.memory_space<vmem_shared>> -> memref<10112x128xf32, #tpu.memory_space<vmem_shared>>
      tpu.wait_indirect_dma semaphore(%arg16 : memref<!tpu.dma_semaphore, #tpu.memory_space<semaphore_mem>>) src(%arg11 : memref<64x128xf32, #tpu.memory_space<vmem>>) dst(%dma_wait3A_779 : memref<10112x128xf32, #tpu.memory_space<vmem_shared>>)
      %scan3A_780 = arith.constant 0 : i32
      %scan3A_781 = arith.constant 0 : i32
      %scan3A_782 = arith.constant 4 : i32
      %scan3A_783 = arith.addi %scan3A_781, %scan3A_782 : i32
      %scan3A_784 = arith.constant 1 : i32
      %scan3A_785 = scf.for %scan3A_879 = %scan3A_781 to %scan3A_783 step %scan3A_784 iter_args(%scan3A_880 = %scan3A_780) -> (i32)  : i32 {
        %mul3A_881 = arith.constant 16 : i32
        %mul3A_882 = arith.muli %scan3A_879, %mul3A_881 : i32
        %get3A = arith.constant 13 : i32
        %get3A_883 = arith.index_cast %get3A : i32 to index
        %get3A_884 = arith.index_cast %mul3A_882 : i32 to index
        %get3A_885 = tpu.vector_load %arg6[%get3A_883, %get3A_884] {strides = array<i32>} : memref<16x64xi32, #tpu.memory_space<vmem>>, vector<16xi32>,
        %mul3A_886 = arith.constant 2 : i32
        %mul3A_887 = vector.broadcast %mul3A_886 : i32 to vector<16xi32>
        %mul3A_888 = arith.muli %get3A_885, %mul3A_887 : vector<16xi32>
        %add3A_889 = vector.broadcast %arg0 : i32 to vector<16xi32>
        %add3A_890 = arith.addi %mul3A_888, %add3A_889 : vector<16xi32>
        %mul3A_891 = arith.constant 16 : i32
        %mul3A_892 = arith.muli %scan3A_879, %mul3A_891 : i32
        %swap3A = arith.index_cast %mul3A_892 : i32 to index
        %swap3A_893 = tpu.vector_load %arg9[%swap3A] {strides = array<i32>} : memref<64xi32, #tpu.memory_space<vmem>>, vector<16xi32>,
        tpu.vector_store %arg9[%swap3A], %add3A_890 {strides = array<i32>} : memref<64xi32, #tpu.memory_space<vmem>>, vector<16xi32>,
        %scan3A_894 = arith.constant 0 : i32
        scf.yield %scan3A_894 : i32
      }
      %scan3A_786 = arith.constant 4 : i32
      %dma_start3A_787 = arith.constant 0 : i32
      %dma_start3A_788 = arith.constant 0 : i32
      %dma_start3A_789 = tpu.memref_slice %arg2[%dma_start3A_787, %dma_start3A_788] : memref<20000x128xf32, #tpu.memory_space<hbm>> -> memref<20000x128xf32, #tpu.memory_space<hbm>>
      tpu.enqueue_indirect_dma source(%dma_start3A_789 : memref<20000x128xf32, #tpu.memory_space<hbm>>) target(%arg11 : memref<64x128xf32, #tpu.memory_space<vmem>>) offsets(%arg9 : memref<64xi32, #tpu.memory_space<vmem>>) semaphore(%arg14 : memref<!tpu.dma_semaphore, #tpu.memory_space<semaphore_mem>>)
      %dma_wait3A_790 = arith.constant 0 : i32
      %dma_wait3A_791 = arith.constant 0 : i32
      %dma_wait3A_792 = tpu.memref_slice %arg2[%dma_wait3A_790, %dma_wait3A_791] : memref<20000x128xf32, #tpu.memory_space<hbm>> -> memref<20000x128xf32, #tpu.memory_space<hbm>>
      tpu.wait_indirect_dma semaphore(%arg13 : memref<!tpu.dma_semaphore, #tpu.memory_space<semaphore_mem>>) src(%dma_wait3A_792 : memref<20000x128xf32, #tpu.memory_space<hbm>>) dst(%arg10 : memref<64x128xf32, #tpu.memory_space<vmem>>)
      %dma_start3A_793 = arith.constant 12 : i32
      %dma_start3A_794 = arith.constant 0 : i32
      %dma_start3A_795 = tpu.memref_slice %arg7[%dma_start3A_793, %dma_start3A_794] : memref<16x64xi32, #tpu.memory_space<vmem>> -> memref<1x64xi32, #tpu.memory_space<vmem>>
      %dma_start3A_796 = tpu.memref_squeeze %dma_start3A_795 : memref<1x64xi32, #tpu.memory_space<vmem>> -> memref<64xi32, #tpu.memory_space<vmem>>
      %dma_start3A_797 = arith.constant 0 : i32
      %dma_start3A_798 = arith.constant 0 : i32
      %dma_start3A_799 = tpu.memref_slice %arg12[%dma_start3A_797, %dma_start3A_798] : memref<10112x128xf32, #tpu.memory_space<vmem_shared>> -> memref<10112x128xf32, #tpu.memory_space<vmem_shared>>
      tpu.enqueue_indirect_dma source(%arg10 : memref<64x128xf32, #tpu.memory_space<vmem>>) target(%dma_start3A_799 : memref<10112x128xf32, #tpu.memory_space<vmem_shared>>) offsets(%dma_start3A_796 : memref<64xi32, #tpu.memory_space<vmem>>) semaphore(%arg15 : memref<!tpu.dma_semaphore, #tpu.memory_space<semaphore_mem>>) {add = true}
      %dma_wait3A_800 = arith.constant 12 : i32
      %dma_wait3A_801 = arith.constant 0 : i32
      %dma_wait3A_802 = tpu.memref_slice %arg7[%dma_wait3A_800, %dma_wait3A_801] : memref<16x64xi32, #tpu.memory_space<vmem>> -> memref<1x64xi32, #tpu.memory_space<vmem>>
      %dma_wait3A_803 = tpu.memref_squeeze %dma_wait3A_802 : memref<1x64xi32, #tpu.memory_space<vmem>> -> memref<64xi32, #tpu.memory_space<vmem>>
      %dma_wait3A_804 = arith.constant 0 : i32
      %dma_wait3A_805 = arith.constant 0 : i32
      %dma_wait3A_806 = tpu.memref_slice %arg12[%dma_wait3A_804, %dma_wait3A_805] : memref<10112x128xf32, #tpu.memory_space<vmem_shared>> -> memref<10112x128xf32, #tpu.memory_space<vmem_shared>>
      tpu.wait_indirect_dma semaphore(%arg15 : memref<!tpu.dma_semaphore, #tpu.memory_space<semaphore_mem>>) src(%arg10 : memref<64x128xf32, #tpu.memory_space<vmem>>) dst(%dma_wait3A_806 : memref<10112x128xf32, #tpu.memory_space<vmem_shared>>)
      %scan3A_807 = arith.constant 0 : i32
      %scan3A_808 = arith.constant 0 : i32
      %scan3A_809 = arith.constant 4 : i32
      %scan3A_810 = arith.addi %scan3A_808, %scan3A_809 : i32
      %scan3A_811 = arith.constant 1 : i32
      %scan3A_812 = scf.for %scan3A_879 = %scan3A_808 to %scan3A_810 step %scan3A_811 iter_args(%scan3A_880 = %scan3A_807) -> (i32)  : i32 {
        %mul3A_881 = arith.constant 16 : i32
        %mul3A_882 = arith.muli %scan3A_879, %mul3A_881 : i32
        %get3A = arith.constant 14 : i32
        %get3A_883 = arith.index_cast %get3A : i32 to index
        %get3A_884 = arith.index_cast %mul3A_882 : i32 to index
        %get3A_885 = tpu.vector_load %arg6[%get3A_883, %get3A_884] {strides = array<i32>} : memref<16x64xi32, #tpu.memory_space<vmem>>, vector<16xi32>,
        %mul3A_886 = arith.constant 2 : i32
        %mul3A_887 = vector.broadcast %mul3A_886 : i32 to vector<16xi32>
        %mul3A_888 = arith.muli %get3A_885, %mul3A_887 : vector<16xi32>
        %add3A_889 = vector.broadcast %arg0 : i32 to vector<16xi32>
        %add3A_890 = arith.addi %mul3A_888, %add3A_889 : vector<16xi32>
        %mul3A_891 = arith.constant 16 : i32
        %mul3A_892 = arith.muli %scan3A_879, %mul3A_891 : i32
        %swap3A = arith.index_cast %mul3A_892 : i32 to index
        %swap3A_893 = tpu.vector_load %arg8[%swap3A] {strides = array<i32>} : memref<64xi32, #tpu.memory_space<vmem>>, vector<16xi32>,
        tpu.vector_store %arg8[%swap3A], %add3A_890 {strides = array<i32>} : memref<64xi32, #tpu.memory_space<vmem>>, vector<16xi32>,
        %scan3A_894 = arith.constant 0 : i32
        scf.yield %scan3A_894 : i32
      }
      %scan3A_813 = arith.constant 4 : i32
      %dma_start3A_814 = arith.constant 0 : i32
      %dma_start3A_815 = arith.constant 0 : i32
      %dma_start3A_816 = tpu.memref_slice %arg2[%dma_start3A_814, %dma_start3A_815] : memref<20000x128xf32, #tpu.memory_space<hbm>> -> memref<20000x128xf32, #tpu.memory_space<hbm>>
      tpu.enqueue_indirect_dma source(%dma_start3A_816 : memref<20000x128xf32, #tpu.memory_space<hbm>>) target(%arg10 : memref<64x128xf32, #tpu.memory_space<vmem>>) offsets(%arg8 : memref<64xi32, #tpu.memory_space<vmem>>) semaphore(%arg13 : memref<!tpu.dma_semaphore, #tpu.memory_space<semaphore_mem>>)
      %dma_wait3A_817 = arith.constant 0 : i32
      %dma_wait3A_818 = arith.constant 0 : i32
      %dma_wait3A_819 = tpu.memref_slice %arg2[%dma_wait3A_817, %dma_wait3A_818] : memref<20000x128xf32, #tpu.memory_space<hbm>> -> memref<20000x128xf32, #tpu.memory_space<hbm>>
      tpu.wait_indirect_dma semaphore(%arg14 : memref<!tpu.dma_semaphore, #tpu.memory_space<semaphore_mem>>) src(%dma_wait3A_819 : memref<20000x128xf32, #tpu.memory_space<hbm>>) dst(%arg11 : memref<64x128xf32, #tpu.memory_space<vmem>>)
      %dma_start3A_820 = arith.constant 13 : i32
      %dma_start3A_821 = arith.constant 0 : i32
      %dma_start3A_822 = tpu.memref_slice %arg7[%dma_start3A_820, %dma_start3A_821] : memref<16x64xi32, #tpu.memory_space<vmem>> -> memref<1x64xi32, #tpu.memory_space<vmem>>
      %dma_start3A_823 = tpu.memref_squeeze %dma_start3A_822 : memref<1x64xi32, #tpu.memory_space<vmem>> -> memref<64xi32, #tpu.memory_space<vmem>>
      %dma_start3A_824 = arith.constant 0 : i32
      %dma_start3A_825 = arith.constant 0 : i32
      %dma_start3A_826 = tpu.memref_slice %arg12[%dma_start3A_824, %dma_start3A_825] : memref<10112x128xf32, #tpu.memory_space<vmem_shared>> -> memref<10112x128xf32, #tpu.memory_space<vmem_shared>>
      tpu.enqueue_indirect_dma source(%arg11 : memref<64x128xf32, #tpu.memory_space<vmem>>) target(%dma_start3A_826 : memref<10112x128xf32, #tpu.memory_space<vmem_shared>>) offsets(%dma_start3A_823 : memref<64xi32, #tpu.memory_space<vmem>>) semaphore(%arg16 : memref<!tpu.dma_semaphore, #tpu.memory_space<semaphore_mem>>) {add = true}
      %dma_wait3A_827 = arith.constant 13 : i32
      %dma_wait3A_828 = arith.constant 0 : i32
      %dma_wait3A_829 = tpu.memref_slice %arg7[%dma_wait3A_827, %dma_wait3A_828] : memref<16x64xi32, #tpu.memory_space<vmem>> -> memref<1x64xi32, #tpu.memory_space<vmem>>
      %dma_wait3A_830 = tpu.memref_squeeze %dma_wait3A_829 : memref<1x64xi32, #tpu.memory_space<vmem>> -> memref<64xi32, #tpu.memory_space<vmem>>
      %dma_wait3A_831 = arith.constant 0 : i32
      %dma_wait3A_832 = arith.constant 0 : i32
      %dma_wait3A_833 = tpu.memref_slice %arg12[%dma_wait3A_831, %dma_wait3A_832] : memref<10112x128xf32, #tpu.memory_space<vmem_shared>> -> memref<10112x128xf32, #tpu.memory_space<vmem_shared>>
      tpu.wait_indirect_dma semaphore(%arg16 : memref<!tpu.dma_semaphore, #tpu.memory_space<semaphore_mem>>) src(%arg11 : memref<64x128xf32, #tpu.memory_space<vmem>>) dst(%dma_wait3A_833 : memref<10112x128xf32, #tpu.memory_space<vmem_shared>>)
      %scan3A_834 = arith.constant 0 : i32
      %scan3A_835 = arith.constant 0 : i32
      %scan3A_836 = arith.constant 4 : i32
      %scan3A_837 = arith.addi %scan3A_835, %scan3A_836 : i32
      %scan3A_838 = arith.constant 1 : i32
      %scan3A_839 = scf.for %scan3A_879 = %scan3A_835 to %scan3A_837 step %scan3A_838 iter_args(%scan3A_880 = %scan3A_834) -> (i32)  : i32 {
        %mul3A_881 = arith.constant 16 : i32
        %mul3A_882 = arith.muli %scan3A_879, %mul3A_881 : i32
        %get3A = arith.constant 15 : i32
        %get3A_883 = arith.index_cast %get3A : i32 to index
        %get3A_884 = arith.index_cast %mul3A_882 : i32 to index
        %get3A_885 = tpu.vector_load %arg6[%get3A_883, %get3A_884] {strides = array<i32>} : memref<16x64xi32, #tpu.memory_space<vmem>>, vector<16xi32>,
        %mul3A_886 = arith.constant 2 : i32
        %mul3A_887 = vector.broadcast %mul3A_886 : i32 to vector<16xi32>
        %mul3A_888 = arith.muli %get3A_885, %mul3A_887 : vector<16xi32>
        %add3A_889 = vector.broadcast %arg0 : i32 to vector<16xi32>
        %add3A_890 = arith.addi %mul3A_888, %add3A_889 : vector<16xi32>
        %mul3A_891 = arith.constant 16 : i32
        %mul3A_892 = arith.muli %scan3A_879, %mul3A_891 : i32
        %swap3A = arith.index_cast %mul3A_892 : i32 to index
        %swap3A_893 = tpu.vector_load %arg9[%swap3A] {strides = array<i32>} : memref<64xi32, #tpu.memory_space<vmem>>, vector<16xi32>,
        tpu.vector_store %arg9[%swap3A], %add3A_890 {strides = array<i32>} : memref<64xi32, #tpu.memory_space<vmem>>, vector<16xi32>,
        %scan3A_894 = arith.constant 0 : i32
        scf.yield %scan3A_894 : i32
      }
      %scan3A_840 = arith.constant 4 : i32
      %dma_start3A_841 = arith.constant 0 : i32
      %dma_start3A_842 = arith.constant 0 : i32
      %dma_start3A_843 = tpu.memref_slice %arg2[%dma_start3A_841, %dma_start3A_842] : memref<20000x128xf32, #tpu.memory_space<hbm>> -> memref<20000x128xf32, #tpu.memory_space<hbm>>
      tpu.enqueue_indirect_dma source(%dma_start3A_843 : memref<20000x128xf32, #tpu.memory_space<hbm>>) target(%arg11 : memref<64x128xf32, #tpu.memory_space<vmem>>) offsets(%arg9 : memref<64xi32, #tpu.memory_space<vmem>>) semaphore(%arg14 : memref<!tpu.dma_semaphore, #tpu.memory_space<semaphore_mem>>)
      %dma_wait3A_844 = arith.constant 0 : i32
      %dma_wait3A_845 = arith.constant 0 : i32
      %dma_wait3A_846 = tpu.memref_slice %arg2[%dma_wait3A_844, %dma_wait3A_845] : memref<20000x128xf32, #tpu.memory_space<hbm>> -> memref<20000x128xf32, #tpu.memory_space<hbm>>
      tpu.wait_indirect_dma semaphore(%arg13 : memref<!tpu.dma_semaphore, #tpu.memory_space<semaphore_mem>>) src(%dma_wait3A_846 : memref<20000x128xf32, #tpu.memory_space<hbm>>) dst(%arg10 : memref<64x128xf32, #tpu.memory_space<vmem>>)
      %dma_start3A_847 = arith.constant 14 : i32
      %dma_start3A_848 = arith.constant 0 : i32
      %dma_start3A_849 = tpu.memref_slice %arg7[%dma_start3A_847, %dma_start3A_848] : memref<16x64xi32, #tpu.memory_space<vmem>> -> memref<1x64xi32, #tpu.memory_space<vmem>>
      %dma_start3A_850 = tpu.memref_squeeze %dma_start3A_849 : memref<1x64xi32, #tpu.memory_space<vmem>> -> memref<64xi32, #tpu.memory_space<vmem>>
      %dma_start3A_851 = arith.constant 0 : i32
      %dma_start3A_852 = arith.constant 0 : i32
      %dma_start3A_853 = tpu.memref_slice %arg12[%dma_start3A_851, %dma_start3A_852] : memref<10112x128xf32, #tpu.memory_space<vmem_shared>> -> memref<10112x128xf32, #tpu.memory_space<vmem_shared>>
      tpu.enqueue_indirect_dma source(%arg10 : memref<64x128xf32, #tpu.memory_space<vmem>>) target(%dma_start3A_853 : memref<10112x128xf32, #tpu.memory_space<vmem_shared>>) offsets(%dma_start3A_850 : memref<64xi32, #tpu.memory_space<vmem>>) semaphore(%arg15 : memref<!tpu.dma_semaphore, #tpu.memory_space<semaphore_mem>>) {add = true}
      %dma_wait3A_854 = arith.constant 0 : i32
      %dma_wait3A_855 = arith.constant 0 : i32
      %dma_wait3A_856 = tpu.memref_slice %arg2[%dma_wait3A_854, %dma_wait3A_855] : memref<20000x128xf32, #tpu.memory_space<hbm>> -> memref<20000x128xf32, #tpu.memory_space<hbm>>
      tpu.wait_indirect_dma semaphore(%arg14 : memref<!tpu.dma_semaphore, #tpu.memory_space<semaphore_mem>>) src(%dma_wait3A_856 : memref<20000x128xf32, #tpu.memory_space<hbm>>) dst(%arg11 : memref<64x128xf32, #tpu.memory_space<vmem>>)
      %dma_start3A_857 = arith.constant 15 : i32
      %dma_start3A_858 = arith.constant 0 : i32
      %dma_start3A_859 = tpu.memref_slice %arg7[%dma_start3A_857, %dma_start3A_858] : memref<16x64xi32, #tpu.memory_space<vmem>> -> memref<1x64xi32, #tpu.memory_space<vmem>>
      %dma_start3A_860 = tpu.memref_squeeze %dma_start3A_859 : memref<1x64xi32, #tpu.memory_space<vmem>> -> memref<64xi32, #tpu.memory_space<vmem>>
      %dma_start3A_861 = arith.constant 0 : i32
      %dma_start3A_862 = arith.constant 0 : i32
      %dma_start3A_863 = tpu.memref_slice %arg12[%dma_start3A_861, %dma_start3A_862] : memref<10112x128xf32, #tpu.memory_space<vmem_shared>> -> memref<10112x128xf32, #tpu.memory_space<vmem_shared>>
      tpu.enqueue_indirect_dma source(%arg11 : memref<64x128xf32, #tpu.memory_space<vmem>>) target(%dma_start3A_863 : memref<10112x128xf32, #tpu.memory_space<vmem_shared>>) offsets(%dma_start3A_860 : memref<64xi32, #tpu.memory_space<vmem>>) semaphore(%arg16 : memref<!tpu.dma_semaphore, #tpu.memory_space<semaphore_mem>>) {add = true}
      %dma_wait3A_864 = arith.constant 14 : i32
      %dma_wait3A_865 = arith.constant 0 : i32
      %dma_wait3A_866 = tpu.memref_slice %arg7[%dma_wait3A_864, %dma_wait3A_865] : memref<16x64xi32, #tpu.memory_space<vmem>> -> memref<1x64xi32, #tpu.memory_space<vmem>>
      %dma_wait3A_867 = tpu.memref_squeeze %dma_wait3A_866 : memref<1x64xi32, #tpu.memory_space<vmem>> -> memref<64xi32, #tpu.memory_space<vmem>>
      %dma_wait3A_868 = arith.constant 0 : i32
      %dma_wait3A_869 = arith.constant 0 : i32
      %dma_wait3A_870 = tpu.memref_slice %arg12[%dma_wait3A_868, %dma_wait3A_869] : memref<10112x128xf32, #tpu.memory_space<vmem_shared>> -> memref<10112x128xf32, #tpu.memory_space<vmem_shared>>
      tpu.wait_indirect_dma semaphore(%arg15 : memref<!tpu.dma_semaphore, #tpu.memory_space<semaphore_mem>>) src(%arg10 : memref<64x128xf32, #tpu.memory_space<vmem>>) dst(%dma_wait3A_870 : memref<10112x128xf32, #tpu.memory_space<vmem_shared>>)
      %dma_wait3A_871 = arith.constant 15 : i32
      %dma_wait3A_872 = arith.constant 0 : i32
      %dma_wait3A_873 = tpu.memref_slice %arg7[%dma_wait3A_871, %dma_wait3A_872] : memref<16x64xi32, #tpu.memory_space<vmem>> -> memref<1x64xi32, #tpu.memory_space<vmem>>
      %dma_wait3A_874 = tpu.memref_squeeze %dma_wait3A_873 : memref<1x64xi32, #tpu.memory_space<vmem>> -> memref<64xi32, #tpu.memory_space<vmem>>
      %dma_wait3A_875 = arith.constant 0 : i32
      %dma_wait3A_876 = arith.constant 0 : i32
      %dma_wait3A_877 = tpu.memref_slice %arg12[%dma_wait3A_875, %dma_wait3A_876] : memref<10112x128xf32, #tpu.memory_space<vmem_shared>> -> memref<10112x128xf32, #tpu.memory_space<vmem_shared>>
      tpu.wait_indirect_dma semaphore(%arg16 : memref<!tpu.dma_semaphore, #tpu.memory_space<semaphore_mem>>) src(%arg11 : memref<64x128xf32, #tpu.memory_space<vmem>>) dst(%dma_wait3A_877 : memref<10112x128xf32, #tpu.memory_space<vmem_shared>>)
      %scan3A_878 = arith.constant 0 : i32
      scf.yield %scan3A_878 : i32
    }
    %scan3A_39 = arith.constant 20 : i32
    %barrier3A_40 = arith.constant 0 : index
    tpu.barrier barrier_id(%barrier3A_40)
    %add3A_41 = arith.constant 0 : i32
    %add3A_42 = arith.addi %mul3A_0, %add3A_41 : i32
    "tpu.region"() ({
      %run_scoped3A = tpu.sem_alloc : memref<!tpu.dma_semaphore, #tpu.memory_space<semaphore_mem>>
      %dma_start3A_439 = arith.constant 0 : i32
      %dma_start3A_440 = arith.constant 0 : i32
      %dma_start3A_441 = tpu.memref_slice %arg10[%dma_start3A_439, %dma_start3A_440] : memref<64x128xf32, #tpu.memory_space<vmem>> -> memref<64x128xf32, #tpu.memory_space<vmem>>
      %dma_start3A_442 = arith.constant 0 : i32
      %dma_start3A_443 = tpu.memref_slice %arg12[%add3A_42, %dma_start3A_442] : memref<10112x128xf32, #tpu.memory_space<vmem_shared>> -> memref<64x128xf32, #tpu.memory_space<vmem_shared>>
      %dma_start3A_444 = arith.constant 0 : i32
      %dma_start3A_445 = arith.constant 0 : i32
      %dma_start3A_446 = tpu.memref_slice %arg10[%dma_start3A_444, %dma_start3A_445] : memref<64x128xf32, #tpu.memory_space<vmem>> -> memref<64x128xf32, #tpu.memory_space<vmem>>
      %dma_start3A_447 = arith.constant 0 : i32
      %dma_start3A_448 = tpu.memref_slice %arg12[%add3A_42, %dma_start3A_447] : memref<10112x128xf32, #tpu.memory_space<vmem_shared>> -> memref<64x128xf32, #tpu.memory_space<vmem_shared>>
      tpu.enqueue_dma source(%dma_start3A_448 : memref<64x128xf32, #tpu.memory_space<vmem_shared>>) target(%dma_start3A_446 : memref<64x128xf32, #tpu.memory_space<vmem>>) target_semaphore(%run_scoped3A : memref<!tpu.dma_semaphore, #tpu.memory_space<semaphore_mem>>)
      %dma_wait3A_449 = arith.constant 0 : i32
      %dma_wait3A_450 = arith.constant 0 : i32
      %dma_wait3A_451 = tpu.memref_slice %arg10[%dma_wait3A_449, %dma_wait3A_450] : memref<64x128xf32, #tpu.memory_space<vmem>> -> memref<64x128xf32, #tpu.memory_space<vmem>>
      %dma_wait3A_452 = arith.constant 0 : i32
      %dma_wait3A_453 = tpu.memref_slice %arg12[%add3A_42, %dma_wait3A_452] : memref<10112x128xf32, #tpu.memory_space<vmem_shared>> -> memref<64x128xf32, #tpu.memory_space<vmem_shared>>
      %dma_wait3A_454 = arith.constant 0 : i32
      %dma_wait3A_455 = arith.constant 0 : i32
      %dma_wait3A_456 = tpu.memref_slice %arg10[%dma_wait3A_454, %dma_wait3A_455] : memref<64x128xf32, #tpu.memory_space<vmem>> -> memref<64x128xf32, #tpu.memory_space<vmem>>
      %dma_wait3A_457 = arith.constant 0 : i32
      %dma_wait3A_458 = tpu.memref_slice %arg12[%add3A_42, %dma_wait3A_457] : memref<10112x128xf32, #tpu.memory_space<vmem_shared>> -> memref<64x128xf32, #tpu.memory_space<vmem_shared>>
      tpu.wait_dma2 semaphore(%run_scoped3A : memref<!tpu.dma_semaphore, #tpu.memory_space<semaphore_mem>>) src(%dma_wait3A_458 : memref<64x128xf32, #tpu.memory_space<vmem_shared>>) dst(%dma_wait3A_456 : memref<64x128xf32, #tpu.memory_space<vmem>>)
      tpu.yield
    }) : () -> ()
    %add3A_43 = arith.constant 0 : i32
    %add3A_44 = arith.addi %mul3A_0, %add3A_43 : i32
    %dma_start3A = arith.constant 0 : i32
    %dma_start3A_45 = arith.constant 0 : i32
    %dma_start3A_46 = tpu.memref_slice %arg10[%dma_start3A, %dma_start3A_45] : memref<64x128xf32, #tpu.memory_space<vmem>> -> memref<64x128xf32, #tpu.memory_space<vmem>>
    %dma_start3A_47 = arith.constant 0 : i32
    %dma_start3A_48 = arith.constant 0 : i32
    %dma_start3A_49 = tpu.memref_slice %arg5[%arg0, %dma_start3A_47, %dma_start3A_48] : memref<2x10112x128xf32, #tpu.memory_space<hbm>> -> memref<1x10112x128xf32, #tpu.memory_space<hbm>>
    %dma_start3A_50 = tpu.memref_squeeze %dma_start3A_49 : memref<1x10112x128xf32, #tpu.memory_space<hbm>> -> memref<10112x128xf32, #tpu.memory_space<hbm>>
    %dma_start3A_51 = arith.constant 0 : i32
    %dma_start3A_52 = tpu.memref_slice %dma_start3A_50[%add3A_44, %dma_start3A_51] : memref<10112x128xf32, #tpu.memory_space<hbm>> -> memref<64x128xf32, #tpu.memory_space<hbm>>
    %dma_start3A_53 = arith.constant 0 : i32
    %dma_start3A_54 = arith.constant 0 : i32
    %dma_start3A_55 = tpu.memref_slice %arg5[%arg0, %dma_start3A_53, %dma_start3A_54] : memref<2x10112x128xf32, #tpu.memory_space<hbm>> -> memref<1x10112x128xf32, #tpu.memory_space<hbm>>
    %dma_start3A_56 = tpu.memref_squeeze %dma_start3A_55 : memref<1x10112x128xf32, #tpu.memory_space<hbm>> -> memref<10112x128xf32, #tpu.memory_space<hbm>>
    %dma_start3A_57 = arith.constant 0 : i32
    %dma_start3A_58 = tpu.memref_slice %dma_start3A_56[%add3A_44, %dma_start3A_57] : memref<10112x128xf32, #tpu.memory_space<hbm>> -> memref<64x128xf32, #tpu.memory_space<hbm>>
    %dma_start3A_59 = arith.constant 0 : i32
    %dma_start3A_60 = arith.constant 0 : i32
    %dma_start3A_61 = tpu.memref_slice %arg10[%dma_start3A_59, %dma_start3A_60] : memref<64x128xf32, #tpu.memory_space<vmem>> -> memref<64x128xf32, #tpu.memory_space<vmem>>
    tpu.enqueue_dma source(%dma_start3A_61 : memref<64x128xf32, #tpu.memory_space<vmem>>) target(%dma_start3A_58 : memref<64x128xf32, #tpu.memory_space<hbm>>) target_semaphore(%arg13 : memref<!tpu.dma_semaphore, #tpu.memory_space<semaphore_mem>>)
    %add3A_62 = arith.constant 64 : i32
    %add3A_63 = arith.addi %mul3A_0, %add3A_62 : i32
    "tpu.region"() ({
      %run_scoped3A = tpu.sem_alloc : memref<!tpu.dma_semaphore, #tpu.memory_space<semaphore_mem>>
      %dma_start3A_439 = arith.constant 0 : i32
      %dma_start3A_440 = arith.constant 0 : i32
      %dma_start3A_441 = tpu.memref_slice %arg11[%dma_start3A_439, %dma_start3A_440] : memref<64x128xf32, #tpu.memory_space<vmem>> -> memref<64x128xf32, #tpu.memory_space<vmem>>
      %dma_start3A_442 = arith.constant 0 : i32
      %dma_start3A_443 = tpu.memref_slice %arg12[%add3A_63, %dma_start3A_442] : memref<10112x128xf32, #tpu.memory_space<vmem_shared>> -> memref<64x128xf32, #tpu.memory_space<vmem_shared>>
      %dma_start3A_444 = arith.constant 0 : i32
      %dma_start3A_445 = arith.constant 0 : i32
      %dma_start3A_446 = tpu.memref_slice %arg11[%dma_start3A_444, %dma_start3A_445] : memref<64x128xf32, #tpu.memory_space<vmem>> -> memref<64x128xf32, #tpu.memory_space<vmem>>
      %dma_start3A_447 = arith.constant 0 : i32
      %dma_start3A_448 = tpu.memref_slice %arg12[%add3A_63, %dma_start3A_447] : memref<10112x128xf32, #tpu.memory_space<vmem_shared>> -> memref<64x128xf32, #tpu.memory_space<vmem_shared>>
      tpu.enqueue_dma source(%dma_start3A_448 : memref<64x128xf32, #tpu.memory_space<vmem_shared>>) target(%dma_start3A_446 : memref<64x128xf32, #tpu.memory_space<vmem>>) target_semaphore(%run_scoped3A : memref<!tpu.dma_semaphore, #tpu.memory_space<semaphore_mem>>)
      %dma_wait3A_449 = arith.constant 0 : i32
      %dma_wait3A_450 = arith.constant 0 : i32
      %dma_wait3A_451 = tpu.memref_slice %arg11[%dma_wait3A_449, %dma_wait3A_450] : memref<64x128xf32, #tpu.memory_space<vmem>> -> memref<64x128xf32, #tpu.memory_space<vmem>>
      %dma_wait3A_452 = arith.constant 0 : i32
      %dma_wait3A_453 = tpu.memref_slice %arg12[%add3A_63, %dma_wait3A_452] : memref<10112x128xf32, #tpu.memory_space<vmem_shared>> -> memref<64x128xf32, #tpu.memory_space<vmem_shared>>
      %dma_wait3A_454 = arith.constant 0 : i32
      %dma_wait3A_455 = arith.constant 0 : i32
      %dma_wait3A_456 = tpu.memref_slice %arg11[%dma_wait3A_454, %dma_wait3A_455] : memref<64x128xf32, #tpu.memory_space<vmem>> -> memref<64x128xf32, #tpu.memory_space<vmem>>
      %dma_wait3A_457 = arith.constant 0 : i32
      %dma_wait3A_458 = tpu.memref_slice %arg12[%add3A_63, %dma_wait3A_457] : memref<10112x128xf32, #tpu.memory_space<vmem_shared>> -> memref<64x128xf32, #tpu.memory_space<vmem_shared>>
      tpu.wait_dma2 semaphore(%run_scoped3A : memref<!tpu.dma_semaphore, #tpu.memory_space<semaphore_mem>>) src(%dma_wait3A_458 : memref<64x128xf32, #tpu.memory_space<vmem_shared>>) dst(%dma_wait3A_456 : memref<64x128xf32, #tpu.memory_space<vmem>>)
      tpu.yield
    }) : () -> ()
    %add3A_64 = arith.constant 64 : i32
    %add3A_65 = arith.addi %mul3A_0, %add3A_64 : i32
    %dma_start3A_66 = arith.constant 0 : i32
    %dma_start3A_67 = arith.constant 0 : i32
    %dma_start3A_68 = tpu.memref_slice %arg11[%dma_start3A_66, %dma_start3A_67] : memref<64x128xf32, #tpu.memory_space<vmem>> -> memref<64x128xf32, #tpu.memory_space<vmem>>
    %dma_start3A_69 = arith.constant 0 : i32
    %dma_start3A_70 = arith.constant 0 : i32
    %dma_start3A_71 = tpu.memref_slice %arg5[%arg0, %dma_start3A_69, %dma_start3A_70] : memref<2x10112x128xf32, #tpu.memory_space<hbm>> -> memref<1x10112x128xf32, #tpu.memory_space<hbm>>
    %dma_start3A_72 = tpu.memref_squeeze %dma_start3A_71 : memref<1x10112x128xf32, #tpu.memory_space<hbm>> -> memref<10112x128xf32, #tpu.memory_space<hbm>>
    %dma_start3A_73 = arith.constant 0 : i32
    %dma_start3A_74 = tpu.memref_slice %dma_start3A_72[%add3A_65, %dma_start3A_73] : memref<10112x128xf32, #tpu.memory_space<hbm>> -> memref<64x128xf32, #tpu.memory_space<hbm>>
    %dma_start3A_75 = arith.constant 0 : i32
    %dma_start3A_76 = arith.constant 0 : i32
    %dma_start3A_77 = tpu.memref_slice %arg5[%arg0, %dma_start3A_75, %dma_start3A_76] : memref<2x10112x128xf32, #tpu.memory_space<hbm>> -> memref<1x10112x128xf32, #tpu.memory_space<hbm>>
    %dma_start3A_78 = tpu.memref_squeeze %dma_start3A_77 : memref<1x10112x128xf32, #tpu.memory_space<hbm>> -> memref<10112x128xf32, #tpu.memory_space<hbm>>
    %dma_start3A_79 = arith.constant 0 : i32
    %dma_start3A_80 = tpu.memref_slice %dma_start3A_78[%add3A_65, %dma_start3A_79] : memref<10112x128xf32, #tpu.memory_space<hbm>> -> memref<64x128xf32, #tpu.memory_space<hbm>>
    %dma_start3A_81 = arith.constant 0 : i32
    %dma_start3A_82 = arith.constant 0 : i32
    %dma_start3A_83 = tpu.memref_slice %arg11[%dma_start3A_81, %dma_start3A_82] : memref<64x128xf32, #tpu.memory_space<vmem>> -> memref<64x128xf32, #tpu.memory_space<vmem>>
    tpu.enqueue_dma source(%dma_start3A_83 : memref<64x128xf32, #tpu.memory_space<vmem>>) target(%dma_start3A_80 : memref<64x128xf32, #tpu.memory_space<hbm>>) target_semaphore(%arg14 : memref<!tpu.dma_semaphore, #tpu.memory_space<semaphore_mem>>)
    %dma_wait3A = arith.constant 0 : i32
    %dma_wait3A_84 = arith.constant 0 : i32
    %dma_wait3A_85 = tpu.memref_slice %arg10[%dma_wait3A, %dma_wait3A_84] : memref<64x128xf32, #tpu.memory_space<vmem>> -> memref<64x128xf32, #tpu.memory_space<vmem>>
    %dma_wait3A_86 = arith.constant 0 : i32
    %dma_wait3A_87 = arith.constant 0 : i32
    %dma_wait3A_88 = tpu.memref_slice %arg5[%arg0, %dma_wait3A_86, %dma_wait3A_87] : memref<2x10112x128xf32, #tpu.memory_space<hbm>> -> memref<1x10112x128xf32, #tpu.memory_space<hbm>>
    %dma_wait3A_89 = tpu.memref_squeeze %dma_wait3A_88 : memref<1x10112x128xf32, #tpu.memory_space<hbm>> -> memref<10112x128xf32, #tpu.memory_space<hbm>>
    %dma_wait3A_90 = arith.constant 0 : i32
    %dma_wait3A_91 = tpu.memref_slice %dma_wait3A_89[%add3A_44, %dma_wait3A_90] : memref<10112x128xf32, #tpu.memory_space<hbm>> -> memref<64x128xf32, #tpu.memory_space<hbm>>
    %dma_wait3A_92 = arith.constant 0 : i32
    %dma_wait3A_93 = arith.constant 0 : i32
    %dma_wait3A_94 = tpu.memref_slice %arg5[%arg0, %dma_wait3A_92, %dma_wait3A_93] : memref<2x10112x128xf32, #tpu.memory_space<hbm>> -> memref<1x10112x128xf32, #tpu.memory_space<hbm>>
    %dma_wait3A_95 = tpu.memref_squeeze %dma_wait3A_94 : memref<1x10112x128xf32, #tpu.memory_space<hbm>> -> memref<10112x128xf32, #tpu.memory_space<hbm>>
    %dma_wait3A_96 = arith.constant 0 : i32
    %dma_wait3A_97 = tpu.memref_slice %dma_wait3A_95[%add3A_44, %dma_wait3A_96] : memref<10112x128xf32, #tpu.memory_space<hbm>> -> memref<64x128xf32, #tpu.memory_space<hbm>>
    %dma_wait3A_98 = arith.constant 0 : i32
    %dma_wait3A_99 = arith.constant 0 : i32
    %dma_wait3A_100 = tpu.memref_slice %arg10[%dma_wait3A_98, %dma_wait3A_99] : memref<64x128xf32, #tpu.memory_space<vmem>> -> memref<64x128xf32, #tpu.memory_space<vmem>>
    tpu.wait_dma2 semaphore(%arg13 : memref<!tpu.dma_semaphore, #tpu.memory_space<semaphore_mem>>) src(%dma_wait3A_100 : memref<64x128xf32, #tpu.memory_space<vmem>>) dst(%dma_wait3A_97 : memref<64x128xf32, #tpu.memory_space<hbm>>)
    %add3A_101 = arith.constant 128 : i32
    %add3A_102 = arith.addi %mul3A_0, %add3A_101 : i32
    "tpu.region"() ({
      %run_scoped3A = tpu.sem_alloc : memref<!tpu.dma_semaphore, #tpu.memory_space<semaphore_mem>>
      %dma_start3A_439 = arith.constant 0 : i32
      %dma_start3A_440 = arith.constant 0 : i32
      %dma_start3A_441 = tpu.memref_slice %arg10[%dma_start3A_439, %dma_start3A_440] : memref<64x128xf32, #tpu.memory_space<vmem>> -> memref<64x128xf32, #tpu.memory_space<vmem>>
      %dma_start3A_442 = arith.constant 0 : i32
      %dma_start3A_443 = tpu.memref_slice %arg12[%add3A_102, %dma_start3A_442] : memref<10112x128xf32, #tpu.memory_space<vmem_shared>> -> memref<64x128xf32, #tpu.memory_space<vmem_shared>>
      %dma_start3A_444 = arith.constant 0 : i32
      %dma_start3A_445 = arith.constant 0 : i32
      %dma_start3A_446 = tpu.memref_slice %arg10[%dma_start3A_444, %dma_start3A_445] : memref<64x128xf32, #tpu.memory_space<vmem>> -> memref<64x128xf32, #tpu.memory_space<vmem>>
      %dma_start3A_447 = arith.constant 0 : i32
      %dma_start3A_448 = tpu.memref_slice %arg12[%add3A_102, %dma_start3A_447] : memref<10112x128xf32, #tpu.memory_space<vmem_shared>> -> memref<64x128xf32, #tpu.memory_space<vmem_shared>>
      tpu.enqueue_dma source(%dma_start3A_448 : memref<64x128xf32, #tpu.memory_space<vmem_shared>>) target(%dma_start3A_446 : memref<64x128xf32, #tpu.memory_space<vmem>>) target_semaphore(%run_scoped3A : memref<!tpu.dma_semaphore, #tpu.memory_space<semaphore_mem>>)
      %dma_wait3A_449 = arith.constant 0 : i32
      %dma_wait3A_450 = arith.constant 0 : i32
      %dma_wait3A_451 = tpu.memref_slice %arg10[%dma_wait3A_449, %dma_wait3A_450] : memref<64x128xf32, #tpu.memory_space<vmem>> -> memref<64x128xf32, #tpu.memory_space<vmem>>
      %dma_wait3A_452 = arith.constant 0 : i32
      %dma_wait3A_453 = tpu.memref_slice %arg12[%add3A_102, %dma_wait3A_452] : memref<10112x128xf32, #tpu.memory_space<vmem_shared>> -> memref<64x128xf32, #tpu.memory_space<vmem_shared>>
      %dma_wait3A_454 = arith.constant 0 : i32
      %dma_wait3A_455 = arith.constant 0 : i32
      %dma_wait3A_456 = tpu.memref_slice %arg10[%dma_wait3A_454, %dma_wait3A_455] : memref<64x128xf32, #tpu.memory_space<vmem>> -> memref<64x128xf32, #tpu.memory_space<vmem>>
      %dma_wait3A_457 = arith.constant 0 : i32
      %dma_wait3A_458 = tpu.memref_slice %arg12[%add3A_102, %dma_wait3A_457] : memref<10112x128xf32, #tpu.memory_space<vmem_shared>> -> memref<64x128xf32, #tpu.memory_space<vmem_shared>>
      tpu.wait_dma2 semaphore(%run_scoped3A : memref<!tpu.dma_semaphore, #tpu.memory_space<semaphore_mem>>) src(%dma_wait3A_458 : memref<64x128xf32, #tpu.memory_space<vmem_shared>>) dst(%dma_wait3A_456 : memref<64x128xf32, #tpu.memory_space<vmem>>)
      tpu.yield
    }) : () -> ()
    %add3A_103 = arith.constant 128 : i32
    %add3A_104 = arith.addi %mul3A_0, %add3A_103 : i32
    %dma_start3A_105 = arith.constant 0 : i32
    %dma_start3A_106 = arith.constant 0 : i32
    %dma_start3A_107 = tpu.memref_slice %arg10[%dma_start3A_105, %dma_start3A_106] : memref<64x128xf32, #tpu.memory_space<vmem>> -> memref<64x128xf32, #tpu.memory_space<vmem>>
    %dma_start3A_108 = arith.constant 0 : i32
    %dma_start3A_109 = arith.constant 0 : i32
    %dma_start3A_110 = tpu.memref_slice %arg5[%arg0, %dma_start3A_108, %dma_start3A_109] : memref<2x10112x128xf32, #tpu.memory_space<hbm>> -> memref<1x10112x128xf32, #tpu.memory_space<hbm>>
    %dma_start3A_111 = tpu.memref_squeeze %dma_start3A_110 : memref<1x10112x128xf32, #tpu.memory_space<hbm>> -> memref<10112x128xf32, #tpu.memory_space<hbm>>
    %dma_start3A_112 = arith.constant 0 : i32
    %dma_start3A_113 = tpu.memref_slice %dma_start3A_111[%add3A_104, %dma_start3A_112] : memref<10112x128xf32, #tpu.memory_space<hbm>> -> memref<64x128xf32, #tpu.memory_space<hbm>>
    %dma_start3A_114 = arith.constant 0 : i32
    %dma_start3A_115 = arith.constant 0 : i32
    %dma_start3A_116 = tpu.memref_slice %arg5[%arg0, %dma_start3A_114, %dma_start3A_115] : memref<2x10112x128xf32, #tpu.memory_space<hbm>> -> memref<1x10112x128xf32, #tpu.memory_space<hbm>>
    %dma_start3A_117 = tpu.memref_squeeze %dma_start3A_116 : memref<1x10112x128xf32, #tpu.memory_space<hbm>> -> memref<10112x128xf32, #tpu.memory_space<hbm>>
    %dma_start3A_118 = arith.constant 0 : i32
    %dma_start3A_119 = tpu.memref_slice %dma_start3A_117[%add3A_104, %dma_start3A_118] : memref<10112x128xf32, #tpu.memory_space<hbm>> -> memref<64x128xf32, #tpu.memory_space<hbm>>
    %dma_start3A_120 = arith.constant 0 : i32
    %dma_start3A_121 = arith.constant 0 : i32
    %dma_start3A_122 = tpu.memref_slice %arg10[%dma_start3A_120, %dma_start3A_121] : memref<64x128xf32, #tpu.memory_space<vmem>> -> memref<64x128xf32, #tpu.memory_space<vmem>>
    tpu.enqueue_dma source(%dma_start3A_122 : memref<64x128xf32, #tpu.memory_space<vmem>>) target(%dma_start3A_119 : memref<64x128xf32, #tpu.memory_space<hbm>>) target_semaphore(%arg13 : memref<!tpu.dma_semaphore, #tpu.memory_space<semaphore_mem>>)
    %dma_wait3A_123 = arith.constant 0 : i32
    %dma_wait3A_124 = arith.constant 0 : i32
    %dma_wait3A_125 = tpu.memref_slice %arg11[%dma_wait3A_123, %dma_wait3A_124] : memref<64x128xf32, #tpu.memory_space<vmem>> -> memref<64x128xf32, #tpu.memory_space<vmem>>
    %dma_wait3A_126 = arith.constant 0 : i32
    %dma_wait3A_127 = arith.constant 0 : i32
    %dma_wait3A_128 = tpu.memref_slice %arg5[%arg0, %dma_wait3A_126, %dma_wait3A_127] : memref<2x10112x128xf32, #tpu.memory_space<hbm>> -> memref<1x10112x128xf32, #tpu.memory_space<hbm>>
    %dma_wait3A_129 = tpu.memref_squeeze %dma_wait3A_128 : memref<1x10112x128xf32, #tpu.memory_space<hbm>> -> memref<10112x128xf32, #tpu.memory_space<hbm>>
    %dma_wait3A_130 = arith.constant 0 : i32
    %dma_wait3A_131 = tpu.memref_slice %dma_wait3A_129[%add3A_65, %dma_wait3A_130] : memref<10112x128xf32, #tpu.memory_space<hbm>> -> memref<64x128xf32, #tpu.memory_space<hbm>>
    %dma_wait3A_132 = arith.constant 0 : i32
    %dma_wait3A_133 = arith.constant 0 : i32
    %dma_wait3A_134 = tpu.memref_slice %arg5[%arg0, %dma_wait3A_132, %dma_wait3A_133] : memref<2x10112x128xf32, #tpu.memory_space<hbm>> -> memref<1x10112x128xf32, #tpu.memory_space<hbm>>
    %dma_wait3A_135 = tpu.memref_squeeze %dma_wait3A_134 : memref<1x10112x128xf32, #tpu.memory_space<hbm>> -> memref<10112x128xf32, #tpu.memory_space<hbm>>
    %dma_wait3A_136 = arith.constant 0 : i32
    %dma_wait3A_137 = tpu.memref_slice %dma_wait3A_135[%add3A_65, %dma_wait3A_136] : memref<10112x128xf32, #tpu.memory_space<hbm>> -> memref<64x128xf32, #tpu.memory_space<hbm>>
    %dma_wait3A_138 = arith.constant 0 : i32
    %dma_wait3A_139 = arith.constant 0 : i32
    %dma_wait3A_140 = tpu.memref_slice %arg11[%dma_wait3A_138, %dma_wait3A_139] : memref<64x128xf32, #tpu.memory_space<vmem>> -> memref<64x128xf32, #tpu.memory_space<vmem>>
    tpu.wait_dma2 semaphore(%arg14 : memref<!tpu.dma_semaphore, #tpu.memory_space<semaphore_mem>>) src(%dma_wait3A_140 : memref<64x128xf32, #tpu.memory_space<vmem>>) dst(%dma_wait3A_137 : memref<64x128xf32, #tpu.memory_space<hbm>>)
    %add3A_141 = arith.constant 192 : i32
    %add3A_142 = arith.addi %mul3A_0, %add3A_141 : i32
    "tpu.region"() ({
      %run_scoped3A = tpu.sem_alloc : memref<!tpu.dma_semaphore, #tpu.memory_space<semaphore_mem>>
      %dma_start3A_439 = arith.constant 0 : i32
      %dma_start3A_440 = arith.constant 0 : i32
      %dma_start3A_441 = tpu.memref_slice %arg11[%dma_start3A_439, %dma_start3A_440] : memref<64x128xf32, #tpu.memory_space<vmem>> -> memref<64x128xf32, #tpu.memory_space<vmem>>
      %dma_start3A_442 = arith.constant 0 : i32
      %dma_start3A_443 = tpu.memref_slice %arg12[%add3A_142, %dma_start3A_442] : memref<10112x128xf32, #tpu.memory_space<vmem_shared>> -> memref<64x128xf32, #tpu.memory_space<vmem_shared>>
      %dma_start3A_444 = arith.constant 0 : i32
      %dma_start3A_445 = arith.constant 0 : i32
      %dma_start3A_446 = tpu.memref_slice %arg11[%dma_start3A_444, %dma_start3A_445] : memref<64x128xf32, #tpu.memory_space<vmem>> -> memref<64x128xf32, #tpu.memory_space<vmem>>
      %dma_start3A_447 = arith.constant 0 : i32
      %dma_start3A_448 = tpu.memref_slice %arg12[%add3A_142, %dma_start3A_447] : memref<10112x128xf32, #tpu.memory_space<vmem_shared>> -> memref<64x128xf32, #tpu.memory_space<vmem_shared>>
      tpu.enqueue_dma source(%dma_start3A_448 : memref<64x128xf32, #tpu.memory_space<vmem_shared>>) target(%dma_start3A_446 : memref<64x128xf32, #tpu.memory_space<vmem>>) target_semaphore(%run_scoped3A : memref<!tpu.dma_semaphore, #tpu.memory_space<semaphore_mem>>)
      %dma_wait3A_449 = arith.constant 0 : i32
      %dma_wait3A_450 = arith.constant 0 : i32
      %dma_wait3A_451 = tpu.memref_slice %arg11[%dma_wait3A_449, %dma_wait3A_450] : memref<64x128xf32, #tpu.memory_space<vmem>> -> memref<64x128xf32, #tpu.memory_space<vmem>>
      %dma_wait3A_452 = arith.constant 0 : i32
      %dma_wait3A_453 = tpu.memref_slice %arg12[%add3A_142, %dma_wait3A_452] : memref<10112x128xf32, #tpu.memory_space<vmem_shared>> -> memref<64x128xf32, #tpu.memory_space<vmem_shared>>
      %dma_wait3A_454 = arith.constant 0 : i32
      %dma_wait3A_455 = arith.constant 0 : i32
      %dma_wait3A_456 = tpu.memref_slice %arg11[%dma_wait3A_454, %dma_wait3A_455] : memref<64x128xf32, #tpu.memory_space<vmem>> -> memref<64x128xf32, #tpu.memory_space<vmem>>
      %dma_wait3A_457 = arith.constant 0 : i32
      %dma_wait3A_458 = tpu.memref_slice %arg12[%add3A_142, %dma_wait3A_457] : memref<10112x128xf32, #tpu.memory_space<vmem_shared>> -> memref<64x128xf32, #tpu.memory_space<vmem_shared>>
      tpu.wait_dma2 semaphore(%run_scoped3A : memref<!tpu.dma_semaphore, #tpu.memory_space<semaphore_mem>>) src(%dma_wait3A_458 : memref<64x128xf32, #tpu.memory_space<vmem_shared>>) dst(%dma_wait3A_456 : memref<64x128xf32, #tpu.memory_space<vmem>>)
      tpu.yield
    }) : () -> ()
    %add3A_143 = arith.constant 192 : i32
    %add3A_144 = arith.addi %mul3A_0, %add3A_143 : i32
    %dma_start3A_145 = arith.constant 0 : i32
    %dma_start3A_146 = arith.constant 0 : i32
    %dma_start3A_147 = tpu.memref_slice %arg11[%dma_start3A_145, %dma_start3A_146] : memref<64x128xf32, #tpu.memory_space<vmem>> -> memref<64x128xf32, #tpu.memory_space<vmem>>
    %dma_start3A_148 = arith.constant 0 : i32
    %dma_start3A_149 = arith.constant 0 : i32
    %dma_start3A_150 = tpu.memref_slice %arg5[%arg0, %dma_start3A_148, %dma_start3A_149] : memref<2x10112x128xf32, #tpu.memory_space<hbm>> -> memref<1x10112x128xf32, #tpu.memory_space<hbm>>
    %dma_start3A_151 = tpu.memref_squeeze %dma_start3A_150 : memref<1x10112x128xf32, #tpu.memory_space<hbm>> -> memref<10112x128xf32, #tpu.memory_space<hbm>>
    %dma_start3A_152 = arith.constant 0 : i32
    %dma_start3A_153 = tpu.memref_slice %dma_start3A_151[%add3A_144, %dma_start3A_152] : memref<10112x128xf32, #tpu.memory_space<hbm>> -> memref<64x128xf32, #tpu.memory_space<hbm>>
    %dma_start3A_154 = arith.constant 0 : i32
    %dma_start3A_155 = arith.constant 0 : i32
    %dma_start3A_156 = tpu.memref_slice %arg5[%arg0, %dma_start3A_154, %dma_start3A_155] : memref<2x10112x128xf32, #tpu.memory_space<hbm>> -> memref<1x10112x128xf32, #tpu.memory_space<hbm>>
    %dma_start3A_157 = tpu.memref_squeeze %dma_start3A_156 : memref<1x10112x128xf32, #tpu.memory_space<hbm>> -> memref<10112x128xf32, #tpu.memory_space<hbm>>
    %dma_start3A_158 = arith.constant 0 : i32
    %dma_start3A_159 = tpu.memref_slice %dma_start3A_157[%add3A_144, %dma_start3A_158] : memref<10112x128xf32, #tpu.memory_space<hbm>> -> memref<64x128xf32, #tpu.memory_space<hbm>>
    %dma_start3A_160 = arith.constant 0 : i32
    %dma_start3A_161 = arith.constant 0 : i32
    %dma_start3A_162 = tpu.memref_slice %arg11[%dma_start3A_160, %dma_start3A_161] : memref<64x128xf32, #tpu.memory_space<vmem>> -> memref<64x128xf32, #tpu.memory_space<vmem>>
    tpu.enqueue_dma source(%dma_start3A_162 : memref<64x128xf32, #tpu.memory_space<vmem>>) target(%dma_start3A_159 : memref<64x128xf32, #tpu.memory_space<hbm>>) target_semaphore(%arg14 : memref<!tpu.dma_semaphore, #tpu.memory_space<semaphore_mem>>)
    %dma_wait3A_163 = arith.constant 0 : i32
    %dma_wait3A_164 = arith.constant 0 : i32
    %dma_wait3A_165 = tpu.memref_slice %arg10[%dma_wait3A_163, %dma_wait3A_164] : memref<64x128xf32, #tpu.memory_space<vmem>> -> memref<64x128xf32, #tpu.memory_space<vmem>>
    %dma_wait3A_166 = arith.constant 0 : i32
    %dma_wait3A_167 = arith.constant 0 : i32
    %dma_wait3A_168 = tpu.memref_slice %arg5[%arg0, %dma_wait3A_166, %dma_wait3A_167] : memref<2x10112x128xf32, #tpu.memory_space<hbm>> -> memref<1x10112x128xf32, #tpu.memory_space<hbm>>
    %dma_wait3A_169 = tpu.memref_squeeze %dma_wait3A_168 : memref<1x10112x128xf32, #tpu.memory_space<hbm>> -> memref<10112x128xf32, #tpu.memory_space<hbm>>
    %dma_wait3A_170 = arith.constant 0 : i32
    %dma_wait3A_171 = tpu.memref_slice %dma_wait3A_169[%add3A_104, %dma_wait3A_170] : memref<10112x128xf32, #tpu.memory_space<hbm>> -> memref<64x128xf32, #tpu.memory_space<hbm>>
    %dma_wait3A_172 = arith.constant 0 : i32
    %dma_wait3A_173 = arith.constant 0 : i32
    %dma_wait3A_174 = tpu.memref_slice %arg5[%arg0, %dma_wait3A_172, %dma_wait3A_173] : memref<2x10112x128xf32, #tpu.memory_space<hbm>> -> memref<1x10112x128xf32, #tpu.memory_space<hbm>>
    %dma_wait3A_175 = tpu.memref_squeeze %dma_wait3A_174 : memref<1x10112x128xf32, #tpu.memory_space<hbm>> -> memref<10112x128xf32, #tpu.memory_space<hbm>>
    %dma_wait3A_176 = arith.constant 0 : i32
    %dma_wait3A_177 = tpu.memref_slice %dma_wait3A_175[%add3A_104, %dma_wait3A_176] : memref<10112x128xf32, #tpu.memory_space<hbm>> -> memref<64x128xf32, #tpu.memory_space<hbm>>
    %dma_wait3A_178 = arith.constant 0 : i32
    %dma_wait3A_179 = arith.constant 0 : i32
    %dma_wait3A_180 = tpu.memref_slice %arg10[%dma_wait3A_178, %dma_wait3A_179] : memref<64x128xf32, #tpu.memory_space<vmem>> -> memref<64x128xf32, #tpu.memory_space<vmem>>
    tpu.wait_dma2 semaphore(%arg13 : memref<!tpu.dma_semaphore, #tpu.memory_space<semaphore_mem>>) src(%dma_wait3A_180 : memref<64x128xf32, #tpu.memory_space<vmem>>) dst(%dma_wait3A_177 : memref<64x128xf32, #tpu.memory_space<hbm>>)
    %add3A_181 = arith.constant 256 : i32
    %add3A_182 = arith.addi %mul3A_0, %add3A_181 : i32
    "tpu.region"() ({
      %run_scoped3A = tpu.sem_alloc : memref<!tpu.dma_semaphore, #tpu.memory_space<semaphore_mem>>
      %dma_start3A_439 = arith.constant 0 : i32
      %dma_start3A_440 = arith.constant 0 : i32
      %dma_start3A_441 = tpu.memref_slice %arg10[%dma_start3A_439, %dma_start3A_440] : memref<64x128xf32, #tpu.memory_space<vmem>> -> memref<64x128xf32, #tpu.memory_space<vmem>>
      %dma_start3A_442 = arith.constant 0 : i32
      %dma_start3A_443 = tpu.memref_slice %arg12[%add3A_182, %dma_start3A_442] : memref<10112x128xf32, #tpu.memory_space<vmem_shared>> -> memref<64x128xf32, #tpu.memory_space<vmem_shared>>
      %dma_start3A_444 = arith.constant 0 : i32
      %dma_start3A_445 = arith.constant 0 : i32
      %dma_start3A_446 = tpu.memref_slice %arg10[%dma_start3A_444, %dma_start3A_445] : memref<64x128xf32, #tpu.memory_space<vmem>> -> memref<64x128xf32, #tpu.memory_space<vmem>>
      %dma_start3A_447 = arith.constant 0 : i32
      %dma_start3A_448 = tpu.memref_slice %arg12[%add3A_182, %dma_start3A_447] : memref<10112x128xf32, #tpu.memory_space<vmem_shared>> -> memref<64x128xf32, #tpu.memory_space<vmem_shared>>
      tpu.enqueue_dma source(%dma_start3A_448 : memref<64x128xf32, #tpu.memory_space<vmem_shared>>) target(%dma_start3A_446 : memref<64x128xf32, #tpu.memory_space<vmem>>) target_semaphore(%run_scoped3A : memref<!tpu.dma_semaphore, #tpu.memory_space<semaphore_mem>>)
      %dma_wait3A_449 = arith.constant 0 : i32
      %dma_wait3A_450 = arith.constant 0 : i32
      %dma_wait3A_451 = tpu.memref_slice %arg10[%dma_wait3A_449, %dma_wait3A_450] : memref<64x128xf32, #tpu.memory_space<vmem>> -> memref<64x128xf32, #tpu.memory_space<vmem>>
      %dma_wait3A_452 = arith.constant 0 : i32
      %dma_wait3A_453 = tpu.memref_slice %arg12[%add3A_182, %dma_wait3A_452] : memref<10112x128xf32, #tpu.memory_space<vmem_shared>> -> memref<64x128xf32, #tpu.memory_space<vmem_shared>>
      %dma_wait3A_454 = arith.constant 0 : i32
      %dma_wait3A_455 = arith.constant 0 : i32
      %dma_wait3A_456 = tpu.memref_slice %arg10[%dma_wait3A_454, %dma_wait3A_455] : memref<64x128xf32, #tpu.memory_space<vmem>> -> memref<64x128xf32, #tpu.memory_space<vmem>>
      %dma_wait3A_457 = arith.constant 0 : i32
      %dma_wait3A_458 = tpu.memref_slice %arg12[%add3A_182, %dma_wait3A_457] : memref<10112x128xf32, #tpu.memory_space<vmem_shared>> -> memref<64x128xf32, #tpu.memory_space<vmem_shared>>
      tpu.wait_dma2 semaphore(%run_scoped3A : memref<!tpu.dma_semaphore, #tpu.memory_space<semaphore_mem>>) src(%dma_wait3A_458 : memref<64x128xf32, #tpu.memory_space<vmem_shared>>) dst(%dma_wait3A_456 : memref<64x128xf32, #tpu.memory_space<vmem>>)
      tpu.yield
    }) : () -> ()
    %add3A_183 = arith.constant 256 : i32
    %add3A_184 = arith.addi %mul3A_0, %add3A_183 : i32
    %dma_start3A_185 = arith.constant 0 : i32
    %dma_start3A_186 = arith.constant 0 : i32
    %dma_start3A_187 = tpu.memref_slice %arg10[%dma_start3A_185, %dma_start3A_186] : memref<64x128xf32, #tpu.memory_space<vmem>> -> memref<64x128xf32, #tpu.memory_space<vmem>>
    %dma_start3A_188 = arith.constant 0 : i32
    %dma_start3A_189 = arith.constant 0 : i32
    %dma_start3A_190 = tpu.memref_slice %arg5[%arg0, %dma_start3A_188, %dma_start3A_189] : memref<2x10112x128xf32, #tpu.memory_space<hbm>> -> memref<1x10112x128xf32, #tpu.memory_space<hbm>>
    %dma_start3A_191 = tpu.memref_squeeze %dma_start3A_190 : memref<1x10112x128xf32, #tpu.memory_space<hbm>> -> memref<10112x128xf32, #tpu.memory_space<hbm>>
    %dma_start3A_192 = arith.constant 0 : i32
    %dma_start3A_193 = tpu.memref_slice %dma_start3A_191[%add3A_184, %dma_start3A_192] : memref<10112x128xf32, #tpu.memory_space<hbm>> -> memref<64x128xf32, #tpu.memory_space<hbm>>
    %dma_start3A_194 = arith.constant 0 : i32
    %dma_start3A_195 = arith.constant 0 : i32
    %dma_start3A_196 = tpu.memref_slice %arg5[%arg0, %dma_start3A_194, %dma_start3A_195] : memref<2x10112x128xf32, #tpu.memory_space<hbm>> -> memref<1x10112x128xf32, #tpu.memory_space<hbm>>
    %dma_start3A_197 = tpu.memref_squeeze %dma_start3A_196 : memref<1x10112x128xf32, #tpu.memory_space<hbm>> -> memref<10112x128xf32, #tpu.memory_space<hbm>>
    %dma_start3A_198 = arith.constant 0 : i32
    %dma_start3A_199 = tpu.memref_slice %dma_start3A_197[%add3A_184, %dma_start3A_198] : memref<10112x128xf32, #tpu.memory_space<hbm>> -> memref<64x128xf32, #tpu.memory_space<hbm>>
    %dma_start3A_200 = arith.constant 0 : i32
    %dma_start3A_201 = arith.constant 0 : i32
    %dma_start3A_202 = tpu.memref_slice %arg10[%dma_start3A_200, %dma_start3A_201] : memref<64x128xf32, #tpu.memory_space<vmem>> -> memref<64x128xf32, #tpu.memory_space<vmem>>
    tpu.enqueue_dma source(%dma_start3A_202 : memref<64x128xf32, #tpu.memory_space<vmem>>) target(%dma_start3A_199 : memref<64x128xf32, #tpu.memory_space<hbm>>) target_semaphore(%arg13 : memref<!tpu.dma_semaphore, #tpu.memory_space<semaphore_mem>>)
    %dma_wait3A_203 = arith.constant 0 : i32
    %dma_wait3A_204 = arith.constant 0 : i32
    %dma_wait3A_205 = tpu.memref_slice %arg11[%dma_wait3A_203, %dma_wait3A_204] : memref<64x128xf32, #tpu.memory_space<vmem>> -> memref<64x128xf32, #tpu.memory_space<vmem>>
    %dma_wait3A_206 = arith.constant 0 : i32
    %dma_wait3A_207 = arith.constant 0 : i32
    %dma_wait3A_208 = tpu.memref_slice %arg5[%arg0, %dma_wait3A_206, %dma_wait3A_207] : memref<2x10112x128xf32, #tpu.memory_space<hbm>> -> memref<1x10112x128xf32, #tpu.memory_space<hbm>>
    %dma_wait3A_209 = tpu.memref_squeeze %dma_wait3A_208 : memref<1x10112x128xf32, #tpu.memory_space<hbm>> -> memref<10112x128xf32, #tpu.memory_space<hbm>>
    %dma_wait3A_210 = arith.constant 0 : i32
    %dma_wait3A_211 = tpu.memref_slice %dma_wait3A_209[%add3A_144, %dma_wait3A_210] : memref<10112x128xf32, #tpu.memory_space<hbm>> -> memref<64x128xf32, #tpu.memory_space<hbm>>
    %dma_wait3A_212 = arith.constant 0 : i32
    %dma_wait3A_213 = arith.constant 0 : i32
    %dma_wait3A_214 = tpu.memref_slice %arg5[%arg0, %dma_wait3A_212, %dma_wait3A_213] : memref<2x10112x128xf32, #tpu.memory_space<hbm>> -> memref<1x10112x128xf32, #tpu.memory_space<hbm>>
    %dma_wait3A_215 = tpu.memref_squeeze %dma_wait3A_214 : memref<1x10112x128xf32, #tpu.memory_space<hbm>> -> memref<10112x128xf32, #tpu.memory_space<hbm>>
    %dma_wait3A_216 = arith.constant 0 : i32
    %dma_wait3A_217 = tpu.memref_slice %dma_wait3A_215[%add3A_144, %dma_wait3A_216] : memref<10112x128xf32, #tpu.memory_space<hbm>> -> memref<64x128xf32, #tpu.memory_space<hbm>>
    %dma_wait3A_218 = arith.constant 0 : i32
    %dma_wait3A_219 = arith.constant 0 : i32
    %dma_wait3A_220 = tpu.memref_slice %arg11[%dma_wait3A_218, %dma_wait3A_219] : memref<64x128xf32, #tpu.memory_space<vmem>> -> memref<64x128xf32, #tpu.memory_space<vmem>>
    tpu.wait_dma2 semaphore(%arg14 : memref<!tpu.dma_semaphore, #tpu.memory_space<semaphore_mem>>) src(%dma_wait3A_220 : memref<64x128xf32, #tpu.memory_space<vmem>>) dst(%dma_wait3A_217 : memref<64x128xf32, #tpu.memory_space<hbm>>)
    %add3A_221 = arith.constant 320 : i32
    %add3A_222 = arith.addi %mul3A_0, %add3A_221 : i32
    "tpu.region"() ({
      %run_scoped3A = tpu.sem_alloc : memref<!tpu.dma_semaphore, #tpu.memory_space<semaphore_mem>>
      %dma_start3A_439 = arith.constant 0 : i32
      %dma_start3A_440 = arith.constant 0 : i32
      %dma_start3A_441 = tpu.memref_slice %arg11[%dma_start3A_439, %dma_start3A_440] : memref<64x128xf32, #tpu.memory_space<vmem>> -> memref<64x128xf32, #tpu.memory_space<vmem>>
      %dma_start3A_442 = arith.constant 0 : i32
      %dma_start3A_443 = tpu.memref_slice %arg12[%add3A_222, %dma_start3A_442] : memref<10112x128xf32, #tpu.memory_space<vmem_shared>> -> memref<64x128xf32, #tpu.memory_space<vmem_shared>>
      %dma_start3A_444 = arith.constant 0 : i32
      %dma_start3A_445 = arith.constant 0 : i32
      %dma_start3A_446 = tpu.memref_slice %arg11[%dma_start3A_444, %dma_start3A_445] : memref<64x128xf32, #tpu.memory_space<vmem>> -> memref<64x128xf32, #tpu.memory_space<vmem>>
      %dma_start3A_447 = arith.constant 0 : i32
      %dma_start3A_448 = tpu.memref_slice %arg12[%add3A_222, %dma_start3A_447] : memref<10112x128xf32, #tpu.memory_space<vmem_shared>> -> memref<64x128xf32, #tpu.memory_space<vmem_shared>>
      tpu.enqueue_dma source(%dma_start3A_448 : memref<64x128xf32, #tpu.memory_space<vmem_shared>>) target(%dma_start3A_446 : memref<64x128xf32, #tpu.memory_space<vmem>>) target_semaphore(%run_scoped3A : memref<!tpu.dma_semaphore, #tpu.memory_space<semaphore_mem>>)
      %dma_wait3A_449 = arith.constant 0 : i32
      %dma_wait3A_450 = arith.constant 0 : i32
      %dma_wait3A_451 = tpu.memref_slice %arg11[%dma_wait3A_449, %dma_wait3A_450] : memref<64x128xf32, #tpu.memory_space<vmem>> -> memref<64x128xf32, #tpu.memory_space<vmem>>
      %dma_wait3A_452 = arith.constant 0 : i32
      %dma_wait3A_453 = tpu.memref_slice %arg12[%add3A_222, %dma_wait3A_452] : memref<10112x128xf32, #tpu.memory_space<vmem_shared>> -> memref<64x128xf32, #tpu.memory_space<vmem_shared>>
      %dma_wait3A_454 = arith.constant 0 : i32
      %dma_wait3A_455 = arith.constant 0 : i32
      %dma_wait3A_456 = tpu.memref_slice %arg11[%dma_wait3A_454, %dma_wait3A_455] : memref<64x128xf32, #tpu.memory_space<vmem>> -> memref<64x128xf32, #tpu.memory_space<vmem>>
      %dma_wait3A_457 = arith.constant 0 : i32
      %dma_wait3A_458 = tpu.memref_slice %arg12[%add3A_222, %dma_wait3A_457] : memref<10112x128xf32, #tpu.memory_space<vmem_shared>> -> memref<64x128xf32, #tpu.memory_space<vmem_shared>>
      tpu.wait_dma2 semaphore(%run_scoped3A : memref<!tpu.dma_semaphore, #tpu.memory_space<semaphore_mem>>) src(%dma_wait3A_458 : memref<64x128xf32, #tpu.memory_space<vmem_shared>>) dst(%dma_wait3A_456 : memref<64x128xf32, #tpu.memory_space<vmem>>)
      tpu.yield
    }) : () -> ()
    %add3A_223 = arith.constant 320 : i32
    %add3A_224 = arith.addi %mul3A_0, %add3A_223 : i32
    %dma_start3A_225 = arith.constant 0 : i32
    %dma_start3A_226 = arith.constant 0 : i32
    %dma_start3A_227 = tpu.memref_slice %arg11[%dma_start3A_225, %dma_start3A_226] : memref<64x128xf32, #tpu.memory_space<vmem>> -> memref<64x128xf32, #tpu.memory_space<vmem>>
    %dma_start3A_228 = arith.constant 0 : i32
    %dma_start3A_229 = arith.constant 0 : i32
    %dma_start3A_230 = tpu.memref_slice %arg5[%arg0, %dma_start3A_228, %dma_start3A_229] : memref<2x10112x128xf32, #tpu.memory_space<hbm>> -> memref<1x10112x128xf32, #tpu.memory_space<hbm>>
    %dma_start3A_231 = tpu.memref_squeeze %dma_start3A_230 : memref<1x10112x128xf32, #tpu.memory_space<hbm>> -> memref<10112x128xf32, #tpu.memory_space<hbm>>
    %dma_start3A_232 = arith.constant 0 : i32
    %dma_start3A_233 = tpu.memref_slice %dma_start3A_231[%add3A_224, %dma_start3A_232] : memref<10112x128xf32, #tpu.memory_space<hbm>> -> memref<64x128xf32, #tpu.memory_space<hbm>>
    %dma_start3A_234 = arith.constant 0 : i32
    %dma_start3A_235 = arith.constant 0 : i32
    %dma_start3A_236 = tpu.memref_slice %arg5[%arg0, %dma_start3A_234, %dma_start3A_235] : memref<2x10112x128xf32, #tpu.memory_space<hbm>> -> memref<1x10112x128xf32, #tpu.memory_space<hbm>>
    %dma_start3A_237 = tpu.memref_squeeze %dma_start3A_236 : memref<1x10112x128xf32, #tpu.memory_space<hbm>> -> memref<10112x128xf32, #tpu.memory_space<hbm>>
    %dma_start3A_238 = arith.constant 0 : i32
    %dma_start3A_239 = tpu.memref_slice %dma_start3A_237[%add3A_224, %dma_start3A_238] : memref<10112x128xf32, #tpu.memory_space<hbm>> -> memref<64x128xf32, #tpu.memory_space<hbm>>
    %dma_start3A_240 = arith.constant 0 : i32
    %dma_start3A_241 = arith.constant 0 : i32
    %dma_start3A_242 = tpu.memref_slice %arg11[%dma_start3A_240, %dma_start3A_241] : memref<64x128xf32, #tpu.memory_space<vmem>> -> memref<64x128xf32, #tpu.memory_space<vmem>>
    tpu.enqueue_dma source(%dma_start3A_242 : memref<64x128xf32, #tpu.memory_space<vmem>>) target(%dma_start3A_239 : memref<64x128xf32, #tpu.memory_space<hbm>>) target_semaphore(%arg14 : memref<!tpu.dma_semaphore, #tpu.memory_space<semaphore_mem>>)
    %dma_wait3A_243 = arith.constant 0 : i32
    %dma_wait3A_244 = arith.constant 0 : i32
    %dma_wait3A_245 = tpu.memref_slice %arg10[%dma_wait3A_243, %dma_wait3A_244] : memref<64x128xf32, #tpu.memory_space<vmem>> -> memref<64x128xf32, #tpu.memory_space<vmem>>
    %dma_wait3A_246 = arith.constant 0 : i32
    %dma_wait3A_247 = arith.constant 0 : i32
    %dma_wait3A_248 = tpu.memref_slice %arg5[%arg0, %dma_wait3A_246, %dma_wait3A_247] : memref<2x10112x128xf32, #tpu.memory_space<hbm>> -> memref<1x10112x128xf32, #tpu.memory_space<hbm>>
    %dma_wait3A_249 = tpu.memref_squeeze %dma_wait3A_248 : memref<1x10112x128xf32, #tpu.memory_space<hbm>> -> memref<10112x128xf32, #tpu.memory_space<hbm>>
    %dma_wait3A_250 = arith.constant 0 : i32
    %dma_wait3A_251 = tpu.memref_slice %dma_wait3A_249[%add3A_184, %dma_wait3A_250] : memref<10112x128xf32, #tpu.memory_space<hbm>> -> memref<64x128xf32, #tpu.memory_space<hbm>>
    %dma_wait3A_252 = arith.constant 0 : i32
    %dma_wait3A_253 = arith.constant 0 : i32
    %dma_wait3A_254 = tpu.memref_slice %arg5[%arg0, %dma_wait3A_252, %dma_wait3A_253] : memref<2x10112x128xf32, #tpu.memory_space<hbm>> -> memref<1x10112x128xf32, #tpu.memory_space<hbm>>
    %dma_wait3A_255 = tpu.memref_squeeze %dma_wait3A_254 : memref<1x10112x128xf32, #tpu.memory_space<hbm>> -> memref<10112x128xf32, #tpu.memory_space<hbm>>
    %dma_wait3A_256 = arith.constant 0 : i32
    %dma_wait3A_257 = tpu.memref_slice %dma_wait3A_255[%add3A_184, %dma_wait3A_256] : memref<10112x128xf32, #tpu.memory_space<hbm>> -> memref<64x128xf32, #tpu.memory_space<hbm>>
    %dma_wait3A_258 = arith.constant 0 : i32
    %dma_wait3A_259 = arith.constant 0 : i32
    %dma_wait3A_260 = tpu.memref_slice %arg10[%dma_wait3A_258, %dma_wait3A_259] : memref<64x128xf32, #tpu.memory_space<vmem>> -> memref<64x128xf32, #tpu.memory_space<vmem>>
    tpu.wait_dma2 semaphore(%arg13 : memref<!tpu.dma_semaphore, #tpu.memory_space<semaphore_mem>>) src(%dma_wait3A_260 : memref<64x128xf32, #tpu.memory_space<vmem>>) dst(%dma_wait3A_257 : memref<64x128xf32, #tpu.memory_space<hbm>>)
    %add3A_261 = arith.constant 384 : i32
    %add3A_262 = arith.addi %mul3A_0, %add3A_261 : i32
    "tpu.region"() ({
      %run_scoped3A = tpu.sem_alloc : memref<!tpu.dma_semaphore, #tpu.memory_space<semaphore_mem>>
      %dma_start3A_439 = arith.constant 0 : i32
      %dma_start3A_440 = arith.constant 0 : i32
      %dma_start3A_441 = tpu.memref_slice %arg10[%dma_start3A_439, %dma_start3A_440] : memref<64x128xf32, #tpu.memory_space<vmem>> -> memref<64x128xf32, #tpu.memory_space<vmem>>
      %dma_start3A_442 = arith.constant 0 : i32
      %dma_start3A_443 = tpu.memref_slice %arg12[%add3A_262, %dma_start3A_442] : memref<10112x128xf32, #tpu.memory_space<vmem_shared>> -> memref<64x128xf32, #tpu.memory_space<vmem_shared>>
      %dma_start3A_444 = arith.constant 0 : i32
      %dma_start3A_445 = arith.constant 0 : i32
      %dma_start3A_446 = tpu.memref_slice %arg10[%dma_start3A_444, %dma_start3A_445] : memref<64x128xf32, #tpu.memory_space<vmem>> -> memref<64x128xf32, #tpu.memory_space<vmem>>
      %dma_start3A_447 = arith.constant 0 : i32
      %dma_start3A_448 = tpu.memref_slice %arg12[%add3A_262, %dma_start3A_447] : memref<10112x128xf32, #tpu.memory_space<vmem_shared>> -> memref<64x128xf32, #tpu.memory_space<vmem_shared>>
      tpu.enqueue_dma source(%dma_start3A_448 : memref<64x128xf32, #tpu.memory_space<vmem_shared>>) target(%dma_start3A_446 : memref<64x128xf32, #tpu.memory_space<vmem>>) target_semaphore(%run_scoped3A : memref<!tpu.dma_semaphore, #tpu.memory_space<semaphore_mem>>)
      %dma_wait3A_449 = arith.constant 0 : i32
      %dma_wait3A_450 = arith.constant 0 : i32
      %dma_wait3A_451 = tpu.memref_slice %arg10[%dma_wait3A_449, %dma_wait3A_450] : memref<64x128xf32, #tpu.memory_space<vmem>> -> memref<64x128xf32, #tpu.memory_space<vmem>>
      %dma_wait3A_452 = arith.constant 0 : i32
      %dma_wait3A_453 = tpu.memref_slice %arg12[%add3A_262, %dma_wait3A_452] : memref<10112x128xf32, #tpu.memory_space<vmem_shared>> -> memref<64x128xf32, #tpu.memory_space<vmem_shared>>
      %dma_wait3A_454 = arith.constant 0 : i32
      %dma_wait3A_455 = arith.constant 0 : i32
      %dma_wait3A_456 = tpu.memref_slice %arg10[%dma_wait3A_454, %dma_wait3A_455] : memref<64x128xf32, #tpu.memory_space<vmem>> -> memref<64x128xf32, #tpu.memory_space<vmem>>
      %dma_wait3A_457 = arith.constant 0 : i32
      %dma_wait3A_458 = tpu.memref_slice %arg12[%add3A_262, %dma_wait3A_457] : memref<10112x128xf32, #tpu.memory_space<vmem_shared>> -> memref<64x128xf32, #tpu.memory_space<vmem_shared>>
      tpu.wait_dma2 semaphore(%run_scoped3A : memref<!tpu.dma_semaphore, #tpu.memory_space<semaphore_mem>>) src(%dma_wait3A_458 : memref<64x128xf32, #tpu.memory_space<vmem_shared>>) dst(%dma_wait3A_456 : memref<64x128xf32, #tpu.memory_space<vmem>>)
      tpu.yield
    }) : () -> ()
    %add3A_263 = arith.constant 384 : i32
    %add3A_264 = arith.addi %mul3A_0, %add3A_263 : i32
    %dma_start3A_265 = arith.constant 0 : i32
    %dma_start3A_266 = arith.constant 0 : i32
    %dma_start3A_267 = tpu.memref_slice %arg10[%dma_start3A_265, %dma_start3A_266] : memref<64x128xf32, #tpu.memory_space<vmem>> -> memref<64x128xf32, #tpu.memory_space<vmem>>
    %dma_start3A_268 = arith.constant 0 : i32
    %dma_start3A_269 = arith.constant 0 : i32
    %dma_start3A_270 = tpu.memref_slice %arg5[%arg0, %dma_start3A_268, %dma_start3A_269] : memref<2x10112x128xf32, #tpu.memory_space<hbm>> -> memref<1x10112x128xf32, #tpu.memory_space<hbm>>
    %dma_start3A_271 = tpu.memref_squeeze %dma_start3A_270 : memref<1x10112x128xf32, #tpu.memory_space<hbm>> -> memref<10112x128xf32, #tpu.memory_space<hbm>>
    %dma_start3A_272 = arith.constant 0 : i32
    %dma_start3A_273 = tpu.memref_slice %dma_start3A_271[%add3A_264, %dma_start3A_272] : memref<10112x128xf32, #tpu.memory_space<hbm>> -> memref<64x128xf32, #tpu.memory_space<hbm>>
    %dma_start3A_274 = arith.constant 0 : i32
    %dma_start3A_275 = arith.constant 0 : i32
    %dma_start3A_276 = tpu.memref_slice %arg5[%arg0, %dma_start3A_274, %dma_start3A_275] : memref<2x10112x128xf32, #tpu.memory_space<hbm>> -> memref<1x10112x128xf32, #tpu.memory_space<hbm>>
    %dma_start3A_277 = tpu.memref_squeeze %dma_start3A_276 : memref<1x10112x128xf32, #tpu.memory_space<hbm>> -> memref<10112x128xf32, #tpu.memory_space<hbm>>
    %dma_start3A_278 = arith.constant 0 : i32
    %dma_start3A_279 = tpu.memref_slice %dma_start3A_277[%add3A_264, %dma_start3A_278] : memref<10112x128xf32, #tpu.memory_space<hbm>> -> memref<64x128xf32, #tpu.memory_space<hbm>>
    %dma_start3A_280 = arith.constant 0 : i32
    %dma_start3A_281 = arith.constant 0 : i32
    %dma_start3A_282 = tpu.memref_slice %arg10[%dma_start3A_280, %dma_start3A_281] : memref<64x128xf32, #tpu.memory_space<vmem>> -> memref<64x128xf32, #tpu.memory_space<vmem>>
    tpu.enqueue_dma source(%dma_start3A_282 : memref<64x128xf32, #tpu.memory_space<vmem>>) target(%dma_start3A_279 : memref<64x128xf32, #tpu.memory_space<hbm>>) target_semaphore(%arg13 : memref<!tpu.dma_semaphore, #tpu.memory_space<semaphore_mem>>)
    %dma_wait3A_283 = arith.constant 0 : i32
    %dma_wait3A_284 = arith.constant 0 : i32
    %dma_wait3A_285 = tpu.memref_slice %arg11[%dma_wait3A_283, %dma_wait3A_284] : memref<64x128xf32, #tpu.memory_space<vmem>> -> memref<64x128xf32, #tpu.memory_space<vmem>>
    %dma_wait3A_286 = arith.constant 0 : i32
    %dma_wait3A_287 = arith.constant 0 : i32
    %dma_wait3A_288 = tpu.memref_slice %arg5[%arg0, %dma_wait3A_286, %dma_wait3A_287] : memref<2x10112x128xf32, #tpu.memory_space<hbm>> -> memref<1x10112x128xf32, #tpu.memory_space<hbm>>
    %dma_wait3A_289 = tpu.memref_squeeze %dma_wait3A_288 : memref<1x10112x128xf32, #tpu.memory_space<hbm>> -> memref<10112x128xf32, #tpu.memory_space<hbm>>
    %dma_wait3A_290 = arith.constant 0 : i32
    %dma_wait3A_291 = tpu.memref_slice %dma_wait3A_289[%add3A_224, %dma_wait3A_290] : memref<10112x128xf32, #tpu.memory_space<hbm>> -> memref<64x128xf32, #tpu.memory_space<hbm>>
    %dma_wait3A_292 = arith.constant 0 : i32
    %dma_wait3A_293 = arith.constant 0 : i32
    %dma_wait3A_294 = tpu.memref_slice %arg5[%arg0, %dma_wait3A_292, %dma_wait3A_293] : memref<2x10112x128xf32, #tpu.memory_space<hbm>> -> memref<1x10112x128xf32, #tpu.memory_space<hbm>>
    %dma_wait3A_295 = tpu.memref_squeeze %dma_wait3A_294 : memref<1x10112x128xf32, #tpu.memory_space<hbm>> -> memref<10112x128xf32, #tpu.memory_space<hbm>>
    %dma_wait3A_296 = arith.constant 0 : i32
    %dma_wait3A_297 = tpu.memref_slice %dma_wait3A_295[%add3A_224, %dma_wait3A_296] : memref<10112x128xf32, #tpu.memory_space<hbm>> -> memref<64x128xf32, #tpu.memory_space<hbm>>
    %dma_wait3A_298 = arith.constant 0 : i32
    %dma_wait3A_299 = arith.constant 0 : i32
    %dma_wait3A_300 = tpu.memref_slice %arg11[%dma_wait3A_298, %dma_wait3A_299] : memref<64x128xf32, #tpu.memory_space<vmem>> -> memref<64x128xf32, #tpu.memory_space<vmem>>
    tpu.wait_dma2 semaphore(%arg14 : memref<!tpu.dma_semaphore, #tpu.memory_space<semaphore_mem>>) src(%dma_wait3A_300 : memref<64x128xf32, #tpu.memory_space<vmem>>) dst(%dma_wait3A_297 : memref<64x128xf32, #tpu.memory_space<hbm>>)
    %add3A_301 = arith.constant 448 : i32
    %add3A_302 = arith.addi %mul3A_0, %add3A_301 : i32
    "tpu.region"() ({
      %run_scoped3A = tpu.sem_alloc : memref<!tpu.dma_semaphore, #tpu.memory_space<semaphore_mem>>
      %dma_start3A_439 = arith.constant 0 : i32
      %dma_start3A_440 = arith.constant 0 : i32
      %dma_start3A_441 = tpu.memref_slice %arg11[%dma_start3A_439, %dma_start3A_440] : memref<64x128xf32, #tpu.memory_space<vmem>> -> memref<64x128xf32, #tpu.memory_space<vmem>>
      %dma_start3A_442 = arith.constant 0 : i32
      %dma_start3A_443 = tpu.memref_slice %arg12[%add3A_302, %dma_start3A_442] : memref<10112x128xf32, #tpu.memory_space<vmem_shared>> -> memref<64x128xf32, #tpu.memory_space<vmem_shared>>
      %dma_start3A_444 = arith.constant 0 : i32
      %dma_start3A_445 = arith.constant 0 : i32
      %dma_start3A_446 = tpu.memref_slice %arg11[%dma_start3A_444, %dma_start3A_445] : memref<64x128xf32, #tpu.memory_space<vmem>> -> memref<64x128xf32, #tpu.memory_space<vmem>>
      %dma_start3A_447 = arith.constant 0 : i32
      %dma_start3A_448 = tpu.memref_slice %arg12[%add3A_302, %dma_start3A_447] : memref<10112x128xf32, #tpu.memory_space<vmem_shared>> -> memref<64x128xf32, #tpu.memory_space<vmem_shared>>
      tpu.enqueue_dma source(%dma_start3A_448 : memref<64x128xf32, #tpu.memory_space<vmem_shared>>) target(%dma_start3A_446 : memref<64x128xf32, #tpu.memory_space<vmem>>) target_semaphore(%run_scoped3A : memref<!tpu.dma_semaphore, #tpu.memory_space<semaphore_mem>>)
      %dma_wait3A_449 = arith.constant 0 : i32
      %dma_wait3A_450 = arith.constant 0 : i32
      %dma_wait3A_451 = tpu.memref_slice %arg11[%dma_wait3A_449, %dma_wait3A_450] : memref<64x128xf32, #tpu.memory_space<vmem>> -> memref<64x128xf32, #tpu.memory_space<vmem>>
      %dma_wait3A_452 = arith.constant 0 : i32
      %dma_wait3A_453 = tpu.memref_slice %arg12[%add3A_302, %dma_wait3A_452] : memref<10112x128xf32, #tpu.memory_space<vmem_shared>> -> memref<64x128xf32, #tpu.memory_space<vmem_shared>>
      %dma_wait3A_454 = arith.constant 0 : i32
      %dma_wait3A_455 = arith.constant 0 : i32
      %dma_wait3A_456 = tpu.memref_slice %arg11[%dma_wait3A_454, %dma_wait3A_455] : memref<64x128xf32, #tpu.memory_space<vmem>> -> memref<64x128xf32, #tpu.memory_space<vmem>>
      %dma_wait3A_457 = arith.constant 0 : i32
      %dma_wait3A_458 = tpu.memref_slice %arg12[%add3A_302, %dma_wait3A_457] : memref<10112x128xf32, #tpu.memory_space<vmem_shared>> -> memref<64x128xf32, #tpu.memory_space<vmem_shared>>
      tpu.wait_dma2 semaphore(%run_scoped3A : memref<!tpu.dma_semaphore, #tpu.memory_space<semaphore_mem>>) src(%dma_wait3A_458 : memref<64x128xf32, #tpu.memory_space<vmem_shared>>) dst(%dma_wait3A_456 : memref<64x128xf32, #tpu.memory_space<vmem>>)
      tpu.yield
    }) : () -> ()
    %add3A_303 = arith.constant 448 : i32
    %add3A_304 = arith.addi %mul3A_0, %add3A_303 : i32
    %dma_start3A_305 = arith.constant 0 : i32
    %dma_start3A_306 = arith.constant 0 : i32
    %dma_start3A_307 = tpu.memref_slice %arg11[%dma_start3A_305, %dma_start3A_306] : memref<64x128xf32, #tpu.memory_space<vmem>> -> memref<64x128xf32, #tpu.memory_space<vmem>>
    %dma_start3A_308 = arith.constant 0 : i32
    %dma_start3A_309 = arith.constant 0 : i32
    %dma_start3A_310 = tpu.memref_slice %arg5[%arg0, %dma_start3A_308, %dma_start3A_309] : memref<2x10112x128xf32, #tpu.memory_space<hbm>> -> memref<1x10112x128xf32, #tpu.memory_space<hbm>>
    %dma_start3A_311 = tpu.memref_squeeze %dma_start3A_310 : memref<1x10112x128xf32, #tpu.memory_space<hbm>> -> memref<10112x128xf32, #tpu.memory_space<hbm>>
    %dma_start3A_312 = arith.constant 0 : i32
    %dma_start3A_313 = tpu.memref_slice %dma_start3A_311[%add3A_304, %dma_start3A_312] : memref<10112x128xf32, #tpu.memory_space<hbm>> -> memref<64x128xf32, #tpu.memory_space<hbm>>
    %dma_start3A_314 = arith.constant 0 : i32
    %dma_start3A_315 = arith.constant 0 : i32
    %dma_start3A_316 = tpu.memref_slice %arg5[%arg0, %dma_start3A_314, %dma_start3A_315] : memref<2x10112x128xf32, #tpu.memory_space<hbm>> -> memref<1x10112x128xf32, #tpu.memory_space<hbm>>
    %dma_start3A_317 = tpu.memref_squeeze %dma_start3A_316 : memref<1x10112x128xf32, #tpu.memory_space<hbm>> -> memref<10112x128xf32, #tpu.memory_space<hbm>>
    %dma_start3A_318 = arith.constant 0 : i32
    %dma_start3A_319 = tpu.memref_slice %dma_start3A_317[%add3A_304, %dma_start3A_318] : memref<10112x128xf32, #tpu.memory_space<hbm>> -> memref<64x128xf32, #tpu.memory_space<hbm>>
    %dma_start3A_320 = arith.constant 0 : i32
    %dma_start3A_321 = arith.constant 0 : i32
    %dma_start3A_322 = tpu.memref_slice %arg11[%dma_start3A_320, %dma_start3A_321] : memref<64x128xf32, #tpu.memory_space<vmem>> -> memref<64x128xf32, #tpu.memory_space<vmem>>
    tpu.enqueue_dma source(%dma_start3A_322 : memref<64x128xf32, #tpu.memory_space<vmem>>) target(%dma_start3A_319 : memref<64x128xf32, #tpu.memory_space<hbm>>) target_semaphore(%arg14 : memref<!tpu.dma_semaphore, #tpu.memory_space<semaphore_mem>>)
    %dma_wait3A_323 = arith.constant 0 : i32
    %dma_wait3A_324 = arith.constant 0 : i32
    %dma_wait3A_325 = tpu.memref_slice %arg10[%dma_wait3A_323, %dma_wait3A_324] : memref<64x128xf32, #tpu.memory_space<vmem>> -> memref<64x128xf32, #tpu.memory_space<vmem>>
    %dma_wait3A_326 = arith.constant 0 : i32
    %dma_wait3A_327 = arith.constant 0 : i32
    %dma_wait3A_328 = tpu.memref_slice %arg5[%arg0, %dma_wait3A_326, %dma_wait3A_327] : memref<2x10112x128xf32, #tpu.memory_space<hbm>> -> memref<1x10112x128xf32, #tpu.memory_space<hbm>>
    %dma_wait3A_329 = tpu.memref_squeeze %dma_wait3A_328 : memref<1x10112x128xf32, #tpu.memory_space<hbm>> -> memref<10112x128xf32, #tpu.memory_space<hbm>>
    %dma_wait3A_330 = arith.constant 0 : i32
    %dma_wait3A_331 = tpu.memref_slice %dma_wait3A_329[%add3A_264, %dma_wait3A_330] : memref<10112x128xf32, #tpu.memory_space<hbm>> -> memref<64x128xf32, #tpu.memory_space<hbm>>
    %dma_wait3A_332 = arith.constant 0 : i32
    %dma_wait3A_333 = arith.constant 0 : i32
    %dma_wait3A_334 = tpu.memref_slice %arg5[%arg0, %dma_wait3A_332, %dma_wait3A_333] : memref<2x10112x128xf32, #tpu.memory_space<hbm>> -> memref<1x10112x128xf32, #tpu.memory_space<hbm>>
    %dma_wait3A_335 = tpu.memref_squeeze %dma_wait3A_334 : memref<1x10112x128xf32, #tpu.memory_space<hbm>> -> memref<10112x128xf32, #tpu.memory_space<hbm>>
    %dma_wait3A_336 = arith.constant 0 : i32
    %dma_wait3A_337 = tpu.memref_slice %dma_wait3A_335[%add3A_264, %dma_wait3A_336] : memref<10112x128xf32, #tpu.memory_space<hbm>> -> memref<64x128xf32, #tpu.memory_space<hbm>>
    %dma_wait3A_338 = arith.constant 0 : i32
    %dma_wait3A_339 = arith.constant 0 : i32
    %dma_wait3A_340 = tpu.memref_slice %arg10[%dma_wait3A_338, %dma_wait3A_339] : memref<64x128xf32, #tpu.memory_space<vmem>> -> memref<64x128xf32, #tpu.memory_space<vmem>>
    tpu.wait_dma2 semaphore(%arg13 : memref<!tpu.dma_semaphore, #tpu.memory_space<semaphore_mem>>) src(%dma_wait3A_340 : memref<64x128xf32, #tpu.memory_space<vmem>>) dst(%dma_wait3A_337 : memref<64x128xf32, #tpu.memory_space<hbm>>)
    %add3A_341 = arith.constant 512 : i32
    %add3A_342 = arith.addi %mul3A_0, %add3A_341 : i32
    "tpu.region"() ({
      %run_scoped3A = tpu.sem_alloc : memref<!tpu.dma_semaphore, #tpu.memory_space<semaphore_mem>>
      %dma_start3A_439 = arith.constant 0 : i32
      %dma_start3A_440 = arith.constant 0 : i32
      %dma_start3A_441 = tpu.memref_slice %arg10[%dma_start3A_439, %dma_start3A_440] : memref<64x128xf32, #tpu.memory_space<vmem>> -> memref<64x128xf32, #tpu.memory_space<vmem>>
      %dma_start3A_442 = arith.constant 0 : i32
      %dma_start3A_443 = tpu.memref_slice %arg12[%add3A_342, %dma_start3A_442] : memref<10112x128xf32, #tpu.memory_space<vmem_shared>> -> memref<64x128xf32, #tpu.memory_space<vmem_shared>>
      %dma_start3A_444 = arith.constant 0 : i32
      %dma_start3A_445 = arith.constant 0 : i32
      %dma_start3A_446 = tpu.memref_slice %arg10[%dma_start3A_444, %dma_start3A_445] : memref<64x128xf32, #tpu.memory_space<vmem>> -> memref<64x128xf32, #tpu.memory_space<vmem>>
      %dma_start3A_447 = arith.constant 0 : i32
      %dma_start3A_448 = tpu.memref_slice %arg12[%add3A_342, %dma_start3A_447] : memref<10112x128xf32, #tpu.memory_space<vmem_shared>> -> memref<64x128xf32, #tpu.memory_space<vmem_shared>>
      tpu.enqueue_dma source(%dma_start3A_448 : memref<64x128xf32, #tpu.memory_space<vmem_shared>>) target(%dma_start3A_446 : memref<64x128xf32, #tpu.memory_space<vmem>>) target_semaphore(%run_scoped3A : memref<!tpu.dma_semaphore, #tpu.memory_space<semaphore_mem>>)
      %dma_wait3A_449 = arith.constant 0 : i32
      %dma_wait3A_450 = arith.constant 0 : i32
      %dma_wait3A_451 = tpu.memref_slice %arg10[%dma_wait3A_449, %dma_wait3A_450] : memref<64x128xf32, #tpu.memory_space<vmem>> -> memref<64x128xf32, #tpu.memory_space<vmem>>
      %dma_wait3A_452 = arith.constant 0 : i32
      %dma_wait3A_453 = tpu.memref_slice %arg12[%add3A_342, %dma_wait3A_452] : memref<10112x128xf32, #tpu.memory_space<vmem_shared>> -> memref<64x128xf32, #tpu.memory_space<vmem_shared>>
      %dma_wait3A_454 = arith.constant 0 : i32
      %dma_wait3A_455 = arith.constant 0 : i32
      %dma_wait3A_456 = tpu.memref_slice %arg10[%dma_wait3A_454, %dma_wait3A_455] : memref<64x128xf32, #tpu.memory_space<vmem>> -> memref<64x128xf32, #tpu.memory_space<vmem>>
      %dma_wait3A_457 = arith.constant 0 : i32
      %dma_wait3A_458 = tpu.memref_slice %arg12[%add3A_342, %dma_wait3A_457] : memref<10112x128xf32, #tpu.memory_space<vmem_shared>> -> memref<64x128xf32, #tpu.memory_space<vmem_shared>>
      tpu.wait_dma2 semaphore(%run_scoped3A : memref<!tpu.dma_semaphore, #tpu.memory_space<semaphore_mem>>) src(%dma_wait3A_458 : memref<64x128xf32, #tpu.memory_space<vmem_shared>>) dst(%dma_wait3A_456 : memref<64x128xf32, #tpu.memory_space<vmem>>)
      tpu.yield
    }) : () -> ()
    %add3A_343 = arith.constant 512 : i32
    %add3A_344 = arith.addi %mul3A_0, %add3A_343 : i32
    %dma_start3A_345 = arith.constant 0 : i32
    %dma_start3A_346 = arith.constant 0 : i32
    %dma_start3A_347 = tpu.memref_slice %arg10[%dma_start3A_345, %dma_start3A_346] : memref<64x128xf32, #tpu.memory_space<vmem>> -> memref<64x128xf32, #tpu.memory_space<vmem>>
    %dma_start3A_348 = arith.constant 0 : i32
    %dma_start3A_349 = arith.constant 0 : i32
    %dma_start3A_350 = tpu.memref_slice %arg5[%arg0, %dma_start3A_348, %dma_start3A_349] : memref<2x10112x128xf32, #tpu.memory_space<hbm>> -> memref<1x10112x128xf32, #tpu.memory_space<hbm>>
    %dma_start3A_351 = tpu.memref_squeeze %dma_start3A_350 : memref<1x10112x128xf32, #tpu.memory_space<hbm>> -> memref<10112x128xf32, #tpu.memory_space<hbm>>
    %dma_start3A_352 = arith.constant 0 : i32
    %dma_start3A_353 = tpu.memref_slice %dma_start3A_351[%add3A_344, %dma_start3A_352] : memref<10112x128xf32, #tpu.memory_space<hbm>> -> memref<64x128xf32, #tpu.memory_space<hbm>>
    %dma_start3A_354 = arith.constant 0 : i32
    %dma_start3A_355 = arith.constant 0 : i32
    %dma_start3A_356 = tpu.memref_slice %arg5[%arg0, %dma_start3A_354, %dma_start3A_355] : memref<2x10112x128xf32, #tpu.memory_space<hbm>> -> memref<1x10112x128xf32, #tpu.memory_space<hbm>>
    %dma_start3A_357 = tpu.memref_squeeze %dma_start3A_356 : memref<1x10112x128xf32, #tpu.memory_space<hbm>> -> memref<10112x128xf32, #tpu.memory_space<hbm>>
    %dma_start3A_358 = arith.constant 0 : i32
    %dma_start3A_359 = tpu.memref_slice %dma_start3A_357[%add3A_344, %dma_start3A_358] : memref<10112x128xf32, #tpu.memory_space<hbm>> -> memref<64x128xf32, #tpu.memory_space<hbm>>
    %dma_start3A_360 = arith.constant 0 : i32
    %dma_start3A_361 = arith.constant 0 : i32
    %dma_start3A_362 = tpu.memref_slice %arg10[%dma_start3A_360, %dma_start3A_361] : memref<64x128xf32, #tpu.memory_space<vmem>> -> memref<64x128xf32, #tpu.memory_space<vmem>>
    tpu.enqueue_dma source(%dma_start3A_362 : memref<64x128xf32, #tpu.memory_space<vmem>>) target(%dma_start3A_359 : memref<64x128xf32, #tpu.memory_space<hbm>>) target_semaphore(%arg13 : memref<!tpu.dma_semaphore, #tpu.memory_space<semaphore_mem>>)
    %dma_wait3A_363 = arith.constant 0 : i32
    %dma_wait3A_364 = arith.constant 0 : i32
    %dma_wait3A_365 = tpu.memref_slice %arg11[%dma_wait3A_363, %dma_wait3A_364] : memref<64x128xf32, #tpu.memory_space<vmem>> -> memref<64x128xf32, #tpu.memory_space<vmem>>
    %dma_wait3A_366 = arith.constant 0 : i32
    %dma_wait3A_367 = arith.constant 0 : i32
    %dma_wait3A_368 = tpu.memref_slice %arg5[%arg0, %dma_wait3A_366, %dma_wait3A_367] : memref<2x10112x128xf32, #tpu.memory_space<hbm>> -> memref<1x10112x128xf32, #tpu.memory_space<hbm>>
    %dma_wait3A_369 = tpu.memref_squeeze %dma_wait3A_368 : memref<1x10112x128xf32, #tpu.memory_space<hbm>> -> memref<10112x128xf32, #tpu.memory_space<hbm>>
    %dma_wait3A_370 = arith.constant 0 : i32
    %dma_wait3A_371 = tpu.memref_slice %dma_wait3A_369[%add3A_304, %dma_wait3A_370] : memref<10112x128xf32, #tpu.memory_space<hbm>> -> memref<64x128xf32, #tpu.memory_space<hbm>>
    %dma_wait3A_372 = arith.constant 0 : i32
    %dma_wait3A_373 = arith.constant 0 : i32
    %dma_wait3A_374 = tpu.memref_slice %arg5[%arg0, %dma_wait3A_372, %dma_wait3A_373] : memref<2x10112x128xf32, #tpu.memory_space<hbm>> -> memref<1x10112x128xf32, #tpu.memory_space<hbm>>
    %dma_wait3A_375 = tpu.memref_squeeze %dma_wait3A_374 : memref<1x10112x128xf32, #tpu.memory_space<hbm>> -> memref<10112x128xf32, #tpu.memory_space<hbm>>
    %dma_wait3A_376 = arith.constant 0 : i32
    %dma_wait3A_377 = tpu.memref_slice %dma_wait3A_375[%add3A_304, %dma_wait3A_376] : memref<10112x128xf32, #tpu.memory_space<hbm>> -> memref<64x128xf32, #tpu.memory_space<hbm>>
    %dma_wait3A_378 = arith.constant 0 : i32
    %dma_wait3A_379 = arith.constant 0 : i32
    %dma_wait3A_380 = tpu.memref_slice %arg11[%dma_wait3A_378, %dma_wait3A_379] : memref<64x128xf32, #tpu.memory_space<vmem>> -> memref<64x128xf32, #tpu.memory_space<vmem>>
    tpu.wait_dma2 semaphore(%arg14 : memref<!tpu.dma_semaphore, #tpu.memory_space<semaphore_mem>>) src(%dma_wait3A_380 : memref<64x128xf32, #tpu.memory_space<vmem>>) dst(%dma_wait3A_377 : memref<64x128xf32, #tpu.memory_space<hbm>>)
    %add3A_381 = arith.constant 576 : i32
    %add3A_382 = arith.addi %mul3A_0, %add3A_381 : i32
    "tpu.region"() ({
      %run_scoped3A = tpu.sem_alloc : memref<!tpu.dma_semaphore, #tpu.memory_space<semaphore_mem>>
      %dma_start3A_439 = arith.constant 0 : i32
      %dma_start3A_440 = arith.constant 0 : i32
      %dma_start3A_441 = tpu.memref_slice %arg11[%dma_start3A_439, %dma_start3A_440] : memref<64x128xf32, #tpu.memory_space<vmem>> -> memref<56x128xf32, #tpu.memory_space<vmem>>
      %dma_start3A_442 = arith.constant 0 : i32
      %dma_start3A_443 = tpu.memref_slice %arg12[%add3A_382, %dma_start3A_442] : memref<10112x128xf32, #tpu.memory_space<vmem_shared>> -> memref<56x128xf32, #tpu.memory_space<vmem_shared>>
      %dma_start3A_444 = arith.constant 0 : i32
      %dma_start3A_445 = arith.constant 0 : i32
      %dma_start3A_446 = tpu.memref_slice %arg11[%dma_start3A_444, %dma_start3A_445] : memref<64x128xf32, #tpu.memory_space<vmem>> -> memref<56x128xf32, #tpu.memory_space<vmem>>
      %dma_start3A_447 = arith.constant 0 : i32
      %dma_start3A_448 = tpu.memref_slice %arg12[%add3A_382, %dma_start3A_447] : memref<10112x128xf32, #tpu.memory_space<vmem_shared>> -> memref<56x128xf32, #tpu.memory_space<vmem_shared>>
      tpu.enqueue_dma source(%dma_start3A_448 : memref<56x128xf32, #tpu.memory_space<vmem_shared>>) target(%dma_start3A_446 : memref<56x128xf32, #tpu.memory_space<vmem>>) target_semaphore(%run_scoped3A : memref<!tpu.dma_semaphore, #tpu.memory_space<semaphore_mem>>)
      %dma_wait3A_449 = arith.constant 0 : i32
      %dma_wait3A_450 = arith.constant 0 : i32
      %dma_wait3A_451 = tpu.memref_slice %arg11[%dma_wait3A_449, %dma_wait3A_450] : memref<64x128xf32, #tpu.memory_space<vmem>> -> memref<56x128xf32, #tpu.memory_space<vmem>>
      %dma_wait3A_452 = arith.constant 0 : i32
      %dma_wait3A_453 = tpu.memref_slice %arg12[%add3A_382, %dma_wait3A_452] : memref<10112x128xf32, #tpu.memory_space<vmem_shared>> -> memref<56x128xf32, #tpu.memory_space<vmem_shared>>
      %dma_wait3A_454 = arith.constant 0 : i32
      %dma_wait3A_455 = arith.constant 0 : i32
      %dma_wait3A_456 = tpu.memref_slice %arg11[%dma_wait3A_454, %dma_wait3A_455] : memref<64x128xf32, #tpu.memory_space<vmem>> -> memref<56x128xf32, #tpu.memory_space<vmem>>
      %dma_wait3A_457 = arith.constant 0 : i32
      %dma_wait3A_458 = tpu.memref_slice %arg12[%add3A_382, %dma_wait3A_457] : memref<10112x128xf32, #tpu.memory_space<vmem_shared>> -> memref<56x128xf32, #tpu.memory_space<vmem_shared>>
      tpu.wait_dma2 semaphore(%run_scoped3A : memref<!tpu.dma_semaphore, #tpu.memory_space<semaphore_mem>>) src(%dma_wait3A_458 : memref<56x128xf32, #tpu.memory_space<vmem_shared>>) dst(%dma_wait3A_456 : memref<56x128xf32, #tpu.memory_space<vmem>>)
      tpu.yield
    }) : () -> ()
    %add3A_383 = arith.constant 576 : i32
    %add3A_384 = arith.addi %mul3A_0, %add3A_383 : i32
    %dma_start3A_385 = arith.constant 0 : i32
    %dma_start3A_386 = arith.constant 0 : i32
    %dma_start3A_387 = tpu.memref_slice %arg11[%dma_start3A_385, %dma_start3A_386] : memref<64x128xf32, #tpu.memory_space<vmem>> -> memref<56x128xf32, #tpu.memory_space<vmem>>
    %dma_start3A_388 = arith.constant 0 : i32
    %dma_start3A_389 = arith.constant 0 : i32
    %dma_start3A_390 = tpu.memref_slice %arg5[%arg0, %dma_start3A_388, %dma_start3A_389] : memref<2x10112x128xf32, #tpu.memory_space<hbm>> -> memref<1x10112x128xf32, #tpu.memory_space<hbm>>
    %dma_start3A_391 = tpu.memref_squeeze %dma_start3A_390 : memref<1x10112x128xf32, #tpu.memory_space<hbm>> -> memref<10112x128xf32, #tpu.memory_space<hbm>>
    %dma_start3A_392 = arith.constant 0 : i32
    %dma_start3A_393 = tpu.memref_slice %dma_start3A_391[%add3A_384, %dma_start3A_392] : memref<10112x128xf32, #tpu.memory_space<hbm>> -> memref<56x128xf32, #tpu.memory_space<hbm>>
    %dma_start3A_394 = arith.constant 0 : i32
    %dma_start3A_395 = arith.constant 0 : i32
    %dma_start3A_396 = tpu.memref_slice %arg5[%arg0, %dma_start3A_394, %dma_start3A_395] : memref<2x10112x128xf32, #tpu.memory_space<hbm>> -> memref<1x10112x128xf32, #tpu.memory_space<hbm>>
    %dma_start3A_397 = tpu.memref_squeeze %dma_start3A_396 : memref<1x10112x128xf32, #tpu.memory_space<hbm>> -> memref<10112x128xf32, #tpu.memory_space<hbm>>
    %dma_start3A_398 = arith.constant 0 : i32
    %dma_start3A_399 = tpu.memref_slice %dma_start3A_397[%add3A_384, %dma_start3A_398] : memref<10112x128xf32, #tpu.memory_space<hbm>> -> memref<56x128xf32, #tpu.memory_space<hbm>>
    %dma_start3A_400 = arith.constant 0 : i32
    %dma_start3A_401 = arith.constant 0 : i32
    %dma_start3A_402 = tpu.memref_slice %arg11[%dma_start3A_400, %dma_start3A_401] : memref<64x128xf32, #tpu.memory_space<vmem>> -> memref<56x128xf32, #tpu.memory_space<vmem>>
    tpu.enqueue_dma source(%dma_start3A_402 : memref<56x128xf32, #tpu.memory_space<vmem>>) target(%dma_start3A_399 : memref<56x128xf32, #tpu.memory_space<hbm>>) target_semaphore(%arg14 : memref<!tpu.dma_semaphore, #tpu.memory_space<semaphore_mem>>)
    %dma_wait3A_403 = arith.constant 0 : i32
    %dma_wait3A_404 = arith.constant 0 : i32
    %dma_wait3A_405 = tpu.memref_slice %arg10[%dma_wait3A_403, %dma_wait3A_404] : memref<64x128xf32, #tpu.memory_space<vmem>> -> memref<64x128xf32, #tpu.memory_space<vmem>>
    %dma_wait3A_406 = arith.constant 0 : i32
    %dma_wait3A_407 = arith.constant 0 : i32
    %dma_wait3A_408 = tpu.memref_slice %arg5[%arg0, %dma_wait3A_406, %dma_wait3A_407] : memref<2x10112x128xf32, #tpu.memory_space<hbm>> -> memref<1x10112x128xf32, #tpu.memory_space<hbm>>
    %dma_wait3A_409 = tpu.memref_squeeze %dma_wait3A_408 : memref<1x10112x128xf32, #tpu.memory_space<hbm>> -> memref<10112x128xf32, #tpu.memory_space<hbm>>
    %dma_wait3A_410 = arith.constant 0 : i32
    %dma_wait3A_411 = tpu.memref_slice %dma_wait3A_409[%add3A_344, %dma_wait3A_410] : memref<10112x128xf32, #tpu.memory_space<hbm>> -> memref<64x128xf32, #tpu.memory_space<hbm>>
    %dma_wait3A_412 = arith.constant 0 : i32
    %dma_wait3A_413 = arith.constant 0 : i32
    %dma_wait3A_414 = tpu.memref_slice %arg5[%arg0, %dma_wait3A_412, %dma_wait3A_413] : memref<2x10112x128xf32, #tpu.memory_space<hbm>> -> memref<1x10112x128xf32, #tpu.memory_space<hbm>>
    %dma_wait3A_415 = tpu.memref_squeeze %dma_wait3A_414 : memref<1x10112x128xf32, #tpu.memory_space<hbm>> -> memref<10112x128xf32, #tpu.memory_space<hbm>>
    %dma_wait3A_416 = arith.constant 0 : i32
    %dma_wait3A_417 = tpu.memref_slice %dma_wait3A_415[%add3A_344, %dma_wait3A_416] : memref<10112x128xf32, #tpu.memory_space<hbm>> -> memref<64x128xf32, #tpu.memory_space<hbm>>
    %dma_wait3A_418 = arith.constant 0 : i32
    %dma_wait3A_419 = arith.constant 0 : i32
    %dma_wait3A_420 = tpu.memref_slice %arg10[%dma_wait3A_418, %dma_wait3A_419] : memref<64x128xf32, #tpu.memory_space<vmem>> -> memref<64x128xf32, #tpu.memory_space<vmem>>
    tpu.wait_dma2 semaphore(%arg13 : memref<!tpu.dma_semaphore, #tpu.memory_space<semaphore_mem>>) src(%dma_wait3A_420 : memref<64x128xf32, #tpu.memory_space<vmem>>) dst(%dma_wait3A_417 : memref<64x128xf32, #tpu.memory_space<hbm>>)
    %dma_wait3A_421 = arith.constant 0 : i32
    %dma_wait3A_422 = arith.constant 0 : i32
    %dma_wait3A_423 = tpu.memref_slice %arg11[%dma_wait3A_421, %dma_wait3A_422] : memref<64x128xf32, #tpu.memory_space<vmem>> -> memref<56x128xf32, #tpu.memory_space<vmem>>
    %dma_wait3A_424 = arith.constant 0 : i32
    %dma_wait3A_425 = arith.constant 0 : i32
    %dma_wait3A_426 = tpu.memref_slice %arg5[%arg0, %dma_wait3A_424, %dma_wait3A_425] : memref<2x10112x128xf32, #tpu.memory_space<hbm>> -> memref<1x10112x128xf32, #tpu.memory_space<hbm>>
    %dma_wait3A_427 = tpu.memref_squeeze %dma_wait3A_426 : memref<1x10112x128xf32, #tpu.memory_space<hbm>> -> memref<10112x128xf32, #tpu.memory_space<hbm>>
    %dma_wait3A_428 = arith.constant 0 : i32
    %dma_wait3A_429 = tpu.memref_slice %dma_wait3A_427[%add3A_384, %dma_wait3A_428] : memref<10112x128xf32, #tpu.memory_space<hbm>> -> memref<56x128xf32, #tpu.memory_space<hbm>>
    %dma_wait3A_430 = arith.constant 0 : i32
    %dma_wait3A_431 = arith.constant 0 : i32
    %dma_wait3A_432 = tpu.memref_slice %arg5[%arg0, %dma_wait3A_430, %dma_wait3A_431] : memref<2x10112x128xf32, #tpu.memory_space<hbm>> -> memref<1x10112x128xf32, #tpu.memory_space<hbm>>
    %dma_wait3A_433 = tpu.memref_squeeze %dma_wait3A_432 : memref<1x10112x128xf32, #tpu.memory_space<hbm>> -> memref<10112x128xf32, #tpu.memory_space<hbm>>
    %dma_wait3A_434 = arith.constant 0 : i32
    %dma_wait3A_435 = tpu.memref_slice %dma_wait3A_433[%add3A_384, %dma_wait3A_434] : memref<10112x128xf32, #tpu.memory_space<hbm>> -> memref<56x128xf32, #tpu.memory_space<hbm>>
    %dma_wait3A_436 = arith.constant 0 : i32
    %dma_wait3A_437 = arith.constant 0 : i32
    %dma_wait3A_438 = tpu.memref_slice %arg11[%dma_wait3A_436, %dma_wait3A_437] : memref<64x128xf32, #tpu.memory_space<vmem>> -> memref<56x128xf32, #tpu.memory_space<vmem>>
    tpu.wait_dma2 semaphore(%arg14 : memref<!tpu.dma_semaphore, #tpu.memory_space<semaphore_mem>>) src(%dma_wait3A_438 : memref<56x128xf32, #tpu.memory_space<vmem>>) dst(%dma_wait3A_435 : memref<56x128xf32, #tpu.memory_space<hbm>>)
    return
  }
}

module attributes {stable_mosaic.version = 14 : i64} {
  func.func @_tc1_body(%arg0: i32, %arg1: memref<2048x128xf32, #tpu.memory_space<vmem>>, %arg2: memref<1x2048x128xf32, #tpu.memory_space<vmem>>, %arg3: memref<1x2048x128xf32, #tpu.memory_space<vmem>>, %arg4: memref<2x16x2048xf32, #tpu.memory_space<vmem>>, %arg5: memref<128x256xf32, #tpu.memory_space<vmem>>, %arg6: memref<128x256xf32, #tpu.memory_space<vmem>>, %arg7: memref<1x256xf32, #tpu.memory_space<vmem>>, %arg8: memref<2048x256xf32, #tpu.memory_space<vmem>>) attributes {dimension_semantics = [#tpu.dimension_semantics<arbitrary>], iteration_bounds = array<i64: 5>, scalar_prefetch = 0 : i64, scratch_operands = 0 : i64, tpu.core_type = #tpu.core_type<tc>, window_params = [{transform_indices = @transform_0, window_bounds = array<i64: 2048, 128>}, {transform_indices = @transform_1, window_bounds = array<i64: 1, 2048, 128>}, {transform_indices = @transform_2, window_bounds = array<i64: 1, 2048, 128>}, {transform_indices = @transform_3, window_bounds = array<i64: 2, 16, 2048>}, {pipeline_mode = #tpu.pipeline_mode<synchronous>, transform_indices = @transform_4, window_bounds = array<i64: 128, 256>}, {pipeline_mode = #tpu.pipeline_mode<synchronous>, transform_indices = @transform_5, window_bounds = array<i64: 128, 256>}, {pipeline_mode = #tpu.pipeline_mode<synchronous>, transform_indices = @transform_6, window_bounds = array<i64: 1, 256>}, {transform_indices = @transform_7, window_bounds = array<i64: 2048, 256>}]} {
    %get3A = arith.constant 0 : index
    %get3A_0 = arith.constant 0 : index
    %get3A_1 = arith.constant 0 : index
    %get3A_2 = vector.load %arg2[%get3A, %get3A_0, %get3A_1] : memref<1x2048x128xf32, #tpu.memory_space<vmem>>, vector<1x2048x128xf32>
    %get3A_3 = vector.shape_cast %get3A_2 : vector<1x2048x128xf32> to vector<2048x128xf32>
    %get3A_4 = arith.constant 0 : index
    %get3A_5 = arith.constant 0 : index
    %get3A_6 = arith.constant 0 : index
    %get3A_7 = vector.load %arg3[%get3A_4, %get3A_5, %get3A_6] : memref<1x2048x128xf32, #tpu.memory_space<vmem>>, vector<1x2048x128xf32>
    %get3A_8 = vector.shape_cast %get3A_7 : vector<1x2048x128xf32> to vector<2048x128xf32>
    %add3A = arith.addf %get3A_3, %get3A_8 : vector<2048x128xf32>
    %get3A_9 = arith.constant 0 : index
    %get3A_10 = arith.constant 0 : index
    %get3A_11 = arith.constant 0 : index
    %get3A_12 = vector.load %arg4[%get3A_9, %get3A_10, %get3A_11] : memref<2x16x2048xf32, #tpu.memory_space<vmem>>, vector<2x16x2048xf32>
    %reduce_sum3A = arith.constant dense<0.000000e+00> : vector<2048xf32>
    %reduce_sum3A_13 = vector.multi_reduction <add>, %get3A_12, %reduce_sum3A [0, 1] : vector<2x16x2048xf32> to vector<2048xf32>
    %broadcast_in_dim3A = vector.shape_cast %reduce_sum3A_13 : vector<2048xf32> to vector<2048x1xf32>
    %max3A = arith.constant 1.000000e+00 : f32
    %max3A_14 = vector.broadcast %max3A : f32 to vector<2048x1xf32>
    %max3A_15 = arith.maximumf %broadcast_in_dim3A, %max3A_14 : vector<2048x1xf32>
    %div3A = arith.constant 1.000000e+00 : f32
    %div3A_16 = vector.broadcast %div3A : f32 to vector<2048x1xf32>
    %div3A_17 = arith.divf %div3A_16, %max3A_15 : vector<2048x1xf32>
    %mul3A = vector.broadcast %div3A_17 : vector<2048x1xf32> to vector<2048x128xf32>
    %mul3A_18 = arith.mulf %add3A, %mul3A : vector<2048x128xf32>
    %get3A_19 = arith.constant 0 : index
    %get3A_20 = arith.constant 0 : index
    %get3A_21 = vector.load %arg5[%get3A_19, %get3A_20] : memref<128x256xf32, #tpu.memory_space<vmem>>, vector<128x256xf32>
    %dot_general3A = arith.constant dense<0.000000e+00> : vector<2048x256xf32>
    %dot_general3A_22 = tpu.matmul %mul3A_18, %get3A_21, %dot_general3A {dimension_numbers = #tpu.dot_dimension_numbers<[1], [0], [0], [1], [0, 0, 1, 1], [], []>, transpose_lhs_hint = false} : vector<2048x128xf32>, vector<128x256xf32>, vector<2048x256xf32> -> vector<2048x256xf32>
    %get3A_23 = arith.constant 0 : index
    %get3A_24 = arith.constant 0 : index
    %get3A_25 = vector.load %arg1[%get3A_23, %get3A_24] : memref<2048x128xf32, #tpu.memory_space<vmem>>, vector<2048x128xf32>
    %get3A_26 = arith.constant 0 : index
    %get3A_27 = arith.constant 0 : index
    %get3A_28 = vector.load %arg6[%get3A_26, %get3A_27] : memref<128x256xf32, #tpu.memory_space<vmem>>, vector<128x256xf32>
    %dot_general3A_29 = arith.constant dense<0.000000e+00> : vector<2048x256xf32>
    %dot_general3A_30 = tpu.matmul %get3A_25, %get3A_28, %dot_general3A_29 {dimension_numbers = #tpu.dot_dimension_numbers<[1], [0], [0], [1], [0, 0, 1, 1], [], []>, transpose_lhs_hint = false} : vector<2048x128xf32>, vector<128x256xf32>, vector<2048x256xf32> -> vector<2048x256xf32>
    %add3A_31 = arith.addf %dot_general3A_22, %dot_general3A_30 : vector<2048x256xf32>
    %get3A_32 = arith.constant 0 : index
    %get3A_33 = arith.constant 0 : index
    %get3A_34 = vector.load %arg7[%get3A_32, %get3A_33] : memref<1x256xf32, #tpu.memory_space<vmem>>, vector<1x256xf32>
    %add3A_35 = vector.broadcast %get3A_34 : vector<1x256xf32> to vector<2048x256xf32>
    %add3A_36 = arith.addf %add3A_31, %add3A_35 : vector<2048x256xf32>
    %max3A_37 = arith.constant 0.000000e+00 : f32
    %max3A_38 = vector.broadcast %max3A_37 : f32 to vector<2048x256xf32>
    %max3A_39 = arith.maximumf %add3A_36, %max3A_38 : vector<2048x256xf32>
    %swap3A = arith.constant 0 : index
    %swap3A_40 = arith.constant 0 : index
    %swap3A_41 = vector.load %arg8[%swap3A, %swap3A_40] : memref<2048x256xf32, #tpu.memory_space<vmem>>, vector<2048x256xf32>
    tpu.vector_store %arg8[%swap3A, %swap3A_40], %max3A_39 {strides = array<i32>} : memref<2048x256xf32, #tpu.memory_space<vmem>>, vector<2048x256xf32>,
    return
  }
  func.func @transform_0(%arg0: i32) -> (i32, i32) {
    %c0_i32 = arith.constant 0 : i32
    %c0_i32_0 = arith.constant 0 : i32
    return %arg0, %c0_i32 : i32, i32
  }
  func.func @transform_1(%arg0: i32) -> (i32, i32, i32) {
    %c0_i32 = arith.constant 0 : i32
    %c0_i32_0 = arith.constant 0 : i32
    %c0_i32_1 = arith.constant 0 : i32
    return %c0_i32, %arg0, %c0_i32_0 : i32, i32, i32
  }
  func.func @transform_2(%arg0: i32) -> (i32, i32, i32) {
    %c1_i32 = arith.constant 1 : i32
    %c0_i32 = arith.constant 0 : i32
    %c0_i32_0 = arith.constant 0 : i32
    return %c1_i32, %arg0, %c0_i32 : i32, i32, i32
  }
  func.func @transform_3(%arg0: i32) -> (i32, i32, i32) {
    %c0_i32 = arith.constant 0 : i32
    %c0_i32_0 = arith.constant 0 : i32
    %c0_i32_1 = arith.constant 0 : i32
    return %c0_i32, %c0_i32_0, %arg0 : i32, i32, i32
  }
  func.func @transform_4(%arg0: i32) -> (i32, i32) {
    %c0_i32 = arith.constant 0 : i32
    %c0_i32_0 = arith.constant 0 : i32
    %c0_i32_1 = arith.constant 0 : i32
    return %c0_i32, %c0_i32_0 : i32, i32
  }
  func.func @transform_5(%arg0: i32) -> (i32, i32) {
    %c0_i32 = arith.constant 0 : i32
    %c0_i32_0 = arith.constant 0 : i32
    %c0_i32_1 = arith.constant 0 : i32
    return %c0_i32, %c0_i32_0 : i32, i32
  }
  func.func @transform_6(%arg0: i32) -> (i32, i32) {
    %c0_i32 = arith.constant 0 : i32
    %c0_i32_0 = arith.constant 0 : i32
    %c0_i32_1 = arith.constant 0 : i32
    return %c0_i32, %c0_i32_0 : i32, i32
  }
  func.func @transform_7(%arg0: i32) -> (i32, i32) {
    %c0_i32 = arith.constant 0 : i32
    %c0_i32_0 = arith.constant 0 : i32
    return %arg0, %c0_i32 : i32, i32
  }
}

module attributes {stable_mosaic.version = 14 : i64} {
  func.func @_tc2_body(%arg0: i32, %arg1: memref<2048x256xf32, #tpu.memory_space<vmem>>, %arg2: memref<1x2048x128xf32, #tpu.memory_space<vmem>>, %arg3: memref<1x2048x128xf32, #tpu.memory_space<vmem>>, %arg4: memref<2x16x2048xf32, #tpu.memory_space<vmem>>, %arg5: memref<128x256xf32, #tpu.memory_space<vmem>>, %arg6: memref<128x256xf32, #tpu.memory_space<vmem>>, %arg7: memref<256x256xf32, #tpu.memory_space<vmem>>, %arg8: memref<1x256xf32, #tpu.memory_space<vmem>>, %arg9: memref<256x128xf32, #tpu.memory_space<vmem>>, %arg10: memref<2048x256xf32, #tpu.memory_space<vmem>>, %arg11: memref<2048x128xf32, #tpu.memory_space<vmem>>) attributes {dimension_semantics = [#tpu.dimension_semantics<arbitrary>], iteration_bounds = array<i64: 5>, scalar_prefetch = 0 : i64, scratch_operands = 0 : i64, tpu.core_type = #tpu.core_type<tc>, window_params = [{transform_indices = @transform_0, window_bounds = array<i64: 2048, 256>}, {transform_indices = @transform_1, window_bounds = array<i64: 1, 2048, 128>}, {transform_indices = @transform_2, window_bounds = array<i64: 1, 2048, 128>}, {transform_indices = @transform_3, window_bounds = array<i64: 2, 16, 2048>}, {pipeline_mode = #tpu.pipeline_mode<synchronous>, transform_indices = @transform_4, window_bounds = array<i64: 128, 256>}, {pipeline_mode = #tpu.pipeline_mode<synchronous>, transform_indices = @transform_5, window_bounds = array<i64: 128, 256>}, {pipeline_mode = #tpu.pipeline_mode<synchronous>, transform_indices = @transform_6, window_bounds = array<i64: 256, 256>}, {pipeline_mode = #tpu.pipeline_mode<synchronous>, transform_indices = @transform_7, window_bounds = array<i64: 1, 256>}, {pipeline_mode = #tpu.pipeline_mode<synchronous>, transform_indices = @transform_8, window_bounds = array<i64: 256, 128>}, {transform_indices = @transform_9, window_bounds = array<i64: 2048, 256>}, {transform_indices = @transform_10, window_bounds = array<i64: 2048, 128>}]} {
    %get3A = arith.constant 0 : index
    %get3A_0 = arith.constant 0 : index
    %get3A_1 = arith.constant 0 : index
    %get3A_2 = vector.load %arg4[%get3A, %get3A_0, %get3A_1] : memref<2x16x2048xf32, #tpu.memory_space<vmem>>, vector<2x16x2048xf32>
    %reduce_sum3A = arith.constant dense<0.000000e+00> : vector<2048xf32>
    %reduce_sum3A_3 = vector.multi_reduction <add>, %get3A_2, %reduce_sum3A [0, 1] : vector<2x16x2048xf32> to vector<2048xf32>
    %broadcast_in_dim3A = vector.shape_cast %reduce_sum3A_3 : vector<2048xf32> to vector<2048x1xf32>
    %max3A = arith.constant 1.000000e+00 : f32
    %max3A_4 = vector.broadcast %max3A : f32 to vector<2048x1xf32>
    %max3A_5 = arith.maximumf %broadcast_in_dim3A, %max3A_4 : vector<2048x1xf32>
    %div3A = arith.constant 1.000000e+00 : f32
    %div3A_6 = vector.broadcast %div3A : f32 to vector<2048x1xf32>
    %div3A_7 = arith.divf %div3A_6, %max3A_5 : vector<2048x1xf32>
    %get3A_8 = arith.constant 0 : index
    %get3A_9 = arith.constant 0 : index
    %get3A_10 = arith.constant 0 : index
    %get3A_11 = vector.load %arg2[%get3A_8, %get3A_9, %get3A_10] : memref<1x2048x128xf32, #tpu.memory_space<vmem>>, vector<1x2048x128xf32>
    %get3A_12 = vector.shape_cast %get3A_11 : vector<1x2048x128xf32> to vector<2048x128xf32>
    %mul3A = vector.broadcast %div3A_7 : vector<2048x1xf32> to vector<2048x128xf32>
    %mul3A_13 = arith.mulf %get3A_12, %mul3A : vector<2048x128xf32>
    %get3A_14 = arith.constant 0 : index
    %get3A_15 = arith.constant 0 : index
    %get3A_16 = vector.load %arg5[%get3A_14, %get3A_15] : memref<128x256xf32, #tpu.memory_space<vmem>>, vector<128x256xf32>
    %dot_general3A = arith.constant dense<0.000000e+00> : vector<2048x256xf32>
    %dot_general3A_17 = tpu.matmul %mul3A_13, %get3A_16, %dot_general3A {dimension_numbers = #tpu.dot_dimension_numbers<[1], [0], [0], [1], [0, 0, 1, 1], [], []>, transpose_lhs_hint = false} : vector<2048x128xf32>, vector<128x256xf32>, vector<2048x256xf32> -> vector<2048x256xf32>
    %get3A_18 = arith.constant 0 : index
    %get3A_19 = arith.constant 0 : index
    %get3A_20 = arith.constant 0 : index
    %get3A_21 = vector.load %arg3[%get3A_18, %get3A_19, %get3A_20] : memref<1x2048x128xf32, #tpu.memory_space<vmem>>, vector<1x2048x128xf32>
    %get3A_22 = vector.shape_cast %get3A_21 : vector<1x2048x128xf32> to vector<2048x128xf32>
    %mul3A_23 = vector.broadcast %div3A_7 : vector<2048x1xf32> to vector<2048x128xf32>
    %mul3A_24 = arith.mulf %get3A_22, %mul3A_23 : vector<2048x128xf32>
    %get3A_25 = arith.constant 0 : index
    %get3A_26 = arith.constant 0 : index
    %get3A_27 = vector.load %arg6[%get3A_25, %get3A_26] : memref<128x256xf32, #tpu.memory_space<vmem>>, vector<128x256xf32>
    %dot_general3A_28 = arith.constant dense<0.000000e+00> : vector<2048x256xf32>
    %dot_general3A_29 = tpu.matmul %mul3A_24, %get3A_27, %dot_general3A_28 {dimension_numbers = #tpu.dot_dimension_numbers<[1], [0], [0], [1], [0, 0, 1, 1], [], []>, transpose_lhs_hint = false} : vector<2048x128xf32>, vector<128x256xf32>, vector<2048x256xf32> -> vector<2048x256xf32>
    %add3A = arith.addf %dot_general3A_17, %dot_general3A_29 : vector<2048x256xf32>
    %get3A_30 = arith.constant 0 : index
    %get3A_31 = arith.constant 0 : index
    %get3A_32 = vector.load %arg1[%get3A_30, %get3A_31] : memref<2048x256xf32, #tpu.memory_space<vmem>>, vector<2048x256xf32>
    %get3A_33 = arith.constant 0 : index
    %get3A_34 = arith.constant 0 : index
    %get3A_35 = vector.load %arg7[%get3A_33, %get3A_34] : memref<256x256xf32, #tpu.memory_space<vmem>>, vector<256x256xf32>
    %dot_general3A_36 = arith.constant dense<0.000000e+00> : vector<2048x256xf32>
    %dot_general3A_37 = tpu.matmul %get3A_32, %get3A_35, %dot_general3A_36 {dimension_numbers = #tpu.dot_dimension_numbers<[1], [0], [0], [1], [0, 0, 1, 1], [], []>, transpose_lhs_hint = false} : vector<2048x256xf32>, vector<256x256xf32>, vector<2048x256xf32> -> vector<2048x256xf32>
    %add3A_38 = arith.addf %add3A, %dot_general3A_37 : vector<2048x256xf32>
    %get3A_39 = arith.constant 0 : index
    %get3A_40 = arith.constant 0 : index
    %get3A_41 = vector.load %arg8[%get3A_39, %get3A_40] : memref<1x256xf32, #tpu.memory_space<vmem>>, vector<1x256xf32>
    %add3A_42 = vector.broadcast %get3A_41 : vector<1x256xf32> to vector<2048x256xf32>
    %add3A_43 = arith.addf %add3A_38, %add3A_42 : vector<2048x256xf32>
    %swap3A = arith.constant 0 : index
    %swap3A_44 = arith.constant 0 : index
    %swap3A_45 = vector.load %arg10[%swap3A, %swap3A_44] : memref<2048x256xf32, #tpu.memory_space<vmem>>, vector<2048x256xf32>
    tpu.vector_store %arg10[%swap3A, %swap3A_44], %add3A_43 {strides = array<i32>} : memref<2048x256xf32, #tpu.memory_space<vmem>>, vector<2048x256xf32>,
    %get3A_46 = arith.constant 0 : index
    %get3A_47 = arith.constant 0 : index
    %get3A_48 = vector.load %arg9[%get3A_46, %get3A_47] : memref<256x128xf32, #tpu.memory_space<vmem>>, vector<256x128xf32>
    %dot_general3A_49 = arith.constant dense<0.000000e+00> : vector<2048x128xf32>
    %dot_general3A_50 = tpu.matmul %add3A_43, %get3A_48, %dot_general3A_49 {dimension_numbers = #tpu.dot_dimension_numbers<[1], [0], [0], [1], [0, 0, 1, 1], [], []>, transpose_lhs_hint = false} : vector<2048x256xf32>, vector<256x128xf32>, vector<2048x128xf32> -> vector<2048x128xf32>
    %swap3A_51 = arith.constant 0 : index
    %swap3A_52 = arith.constant 0 : index
    %swap3A_53 = vector.load %arg11[%swap3A_51, %swap3A_52] : memref<2048x128xf32, #tpu.memory_space<vmem>>, vector<2048x128xf32>
    tpu.vector_store %arg11[%swap3A_51, %swap3A_52], %dot_general3A_50 {strides = array<i32>} : memref<2048x128xf32, #tpu.memory_space<vmem>>, vector<2048x128xf32>,
    return
  }
  func.func @transform_0(%arg0: i32) -> (i32, i32) {
    %c0_i32 = arith.constant 0 : i32
    %c0_i32_0 = arith.constant 0 : i32
    return %arg0, %c0_i32 : i32, i32
  }
  func.func @transform_1(%arg0: i32) -> (i32, i32, i32) {
    %c0_i32 = arith.constant 0 : i32
    %c0_i32_0 = arith.constant 0 : i32
    %c0_i32_1 = arith.constant 0 : i32
    return %c0_i32, %arg0, %c0_i32_0 : i32, i32, i32
  }
  func.func @transform_2(%arg0: i32) -> (i32, i32, i32) {
    %c1_i32 = arith.constant 1 : i32
    %c0_i32 = arith.constant 0 : i32
    %c0_i32_0 = arith.constant 0 : i32
    return %c1_i32, %arg0, %c0_i32 : i32, i32, i32
  }
  func.func @transform_3(%arg0: i32) -> (i32, i32, i32) {
    %c0_i32 = arith.constant 0 : i32
    %c0_i32_0 = arith.constant 0 : i32
    %c0_i32_1 = arith.constant 0 : i32
    return %c0_i32, %c0_i32_0, %arg0 : i32, i32, i32
  }
  func.func @transform_4(%arg0: i32) -> (i32, i32) {
    %c0_i32 = arith.constant 0 : i32
    %c0_i32_0 = arith.constant 0 : i32
    %c0_i32_1 = arith.constant 0 : i32
    return %c0_i32, %c0_i32_0 : i32, i32
  }
  func.func @transform_5(%arg0: i32) -> (i32, i32) {
    %c0_i32 = arith.constant 0 : i32
    %c0_i32_0 = arith.constant 0 : i32
    %c0_i32_1 = arith.constant 0 : i32
    return %c0_i32, %c0_i32_0 : i32, i32
  }
  func.func @transform_6(%arg0: i32) -> (i32, i32) {
    %c0_i32 = arith.constant 0 : i32
    %c0_i32_0 = arith.constant 0 : i32
    %c0_i32_1 = arith.constant 0 : i32
    return %c0_i32, %c0_i32_0 : i32, i32
  }
  func.func @transform_7(%arg0: i32) -> (i32, i32) {
    %c0_i32 = arith.constant 0 : i32
    %c0_i32_0 = arith.constant 0 : i32
    %c0_i32_1 = arith.constant 0 : i32
    return %c0_i32, %c0_i32_0 : i32, i32
  }
  func.func @transform_8(%arg0: i32) -> (i32, i32) {
    %c0_i32 = arith.constant 0 : i32
    %c0_i32_0 = arith.constant 0 : i32
    %c0_i32_1 = arith.constant 0 : i32
    return %c0_i32, %c0_i32_0 : i32, i32
  }
  func.func @transform_9(%arg0: i32) -> (i32, i32) {
    %c0_i32 = arith.constant 0 : i32
    %c0_i32_0 = arith.constant 0 : i32
    return %arg0, %c0_i32 : i32, i32
  }
  func.func @transform_10(%arg0: i32) -> (i32, i32) {
    %c0_i32 = arith.constant 0 : i32
    %c0_i32_0 = arith.constant 0 : i32
    return %arg0, %c0_i32 : i32, i32
  }
}

</mosaic_0001>

<sc_bundles>
// kernel: kernel.6.cloned.1.call-start
scs
__scs_entry_jumppad:
0x0: {  	(pc) =	sbr.rel $0x88, $3  }
0x1: {  	(tag) =	ssettag $0x0;
	lr =	simm.s32 $0x1  }
0x2: {  	[smem:$0x3F97] =	sst lr;
	_ =	strace $0xD0000000  }
0x3: {  	_ = 	snop  }
0x4: {  	_ = 	snop  }
0x5: {  	_ = 	snop  }
0x6: {  	_ = 	snop  }
0x7: {  	_ = 	snop  }
__scs_overlays_trampoline_lowered:
0x8: {  	[smem:$0x3FA6] =	sst s0  }
0x9: {  	[smem:$0x3FA7] =	sst s1  }
0xa: {  	[smem:$0x3FA8] =	sst s2  }
0xb: {  	[smem:$0x3FA9] =	sst s3  }
0xc: {  	[smem:$0x3FAA] =	sst s4  }
0xd: {  	[smem:$0x3FAB] =	sst s5  }
0xe: {  	[smem:$0x3FAC] =	sst s6  }
0xf: {  	[smem:$0x3FAD] =	sst s7  }
0x10: {  	[smem:$0x3FAE] =	sst s8  }
0x11: {  	[smem:$0x3FAF] =	sst s9;
	s0 =	simm.s32 @!p0 $0x0  }
0x12: {  	s1 =	sld [smem:$0x3F95];
	s0 =	simm.s32 @p0 $0x1  }
0x13: {  	[smem:$0x3FB0] =	sst s0;
	s0 =	simm.s32 @!p1 $0x0  }
0x14: {  	s2 =	sld [smem:$0x3F94];
	s0 =	simm.s32 @p1 $0x1  }
0x15: {  	[smem:$0x3FB1] =	sst s0;
	s0 =	simm.s32 @!p2 $0x0  }
0x16: {  	s3 =	sld [smem:$0x3FDB];
	s0 =	simm.s32 @p2 $0x1  }
0x17: {  	s4 =	simm.s32 $0x1BF5;
	[smem:$0x3FB3] =	sst s0  }
0x18: {  	s0 =	sld [smem:$0x3F96];
	_ =	swait.ge [sflag:s4], $0x0  }
0x19: {  	s7 =	sld [smem:$0x3F97]  }
0x1a: {  	s8 =	sadd.s32 $0xFFFFE003, lr  }
0x1b: {  	s9 =	sadd.s32 $0xFFFFFEF7, lr;
	s5 =	simm.s32 $0xFFFFFFFF;
	p2 =	slt.u32 s8, $0xFFFFF086  }
0x1c: {  	p1 =	slt.u32 s9, $0xF7A;
	s5 =	simm.s32 @!p2 $0x0  }
0x1d: {  	s5 =	simm.s32 @p1 $0x1;
	p0 =	seq.s32 s7, s2  }
0x1e: {  	s7 =	smul.u32 @!p0 $0xF7A, s2;
	p2 =	seq.s32 @!p0 s5, $0x0  }
0x1f: {  	s9 =	smul.u32 $0xF7A, s1;
	s8 =	simm.s32 @!p0 $0x1BF5;
	p2 =	por !p2, p0  }
0x20: {  	[sflag:s8] =	ssyncset.s32 @!p0 $0xFFFFF086;
	s6 =	sadd.s32 @!p0 s3, s7;
	s7 =	simm.s32 @!p0 $0x108  }
0x21: {  	s3 =	sadd.s32 s3, s9;
	s6 =	sadd.s32 @!p0 $0x88, s6;
	s7 =	simm.s32 @p2 $0x1082  }
0x22: {  	[simem:s7], [sflag:s8] =	dma.local @!p0 [hbm:s6], $0xF7A  }
0x23: {  	s9 =	sor.u32 $0xD0000000, s2;
	s6 =	simm.s32 $0x108;
	_ =	swait.ge @!p0 [sflag:s8], $0x0  }
0x24: {  	s3 =	sadd.s32 $0x88, s3;
	s6 =	simm.s32 @!p1 $0x1082;
	[sflag:s4] =	ssyncset.s32 $0xFFFFF086  }
0x25: {  	[simem:s6], [sflag:s4] =	dma.local [hbm:s3], $0xF7A  }
0x26: {  	[smem:$0x3F97] =	sst s1;
	(tag) =	ssettag s2;
	_ =	strace s9  }
0x27: {  	s1 =	sld [smem:$0x3FA7]  }
0x28: {  	s2 =	sld [smem:$0x3FA8]  }
0x29: {  	s4 =	sld [smem:$0x3FAA]  }
0x2a: {  	p0 =	seq.s32 s5, $0x0;
	s5 =	sld [smem:$0x3FAB]  }
0x2b: {  	s6 =	sld [smem:$0x3FAC]  }
0x2c: {  	s7 =	sld [smem:$0x3FAD]  }
0x2d: {  	s3 =	simm.s32 $0x108;
	s8 =	sld [smem:$0x3FAE]  }
0x2e: {  	s3 =	simm.s32 @!p0 $0x1082;
	s9 =	sld [smem:$0x3FAF]  }
0x2f: {  	lr =	sadd.s32 s0, s3;
	s0 =	sld [smem:$0x3FA6]  }
0x30: {  	s3 =	sld [smem:$0x3FA9]  }
0x31: {  	[smem:$0x3FB2] =	sst s10  }
0x32: {  	s10 =	sld [smem:$0x3FB0];
	_ =	sdelay $0x3  }
0x33: {  	p0 =	seq.s32 s10, $0x1;
	s10 =	sld [smem:$0x3FB2];
	_ =	sdelay $0x3  }
0x34: {  	[smem:$0x3FB2] =	sst s10  }
0x35: {  	s10 =	sld [smem:$0x3FB1];
	_ =	sdelay $0x3  }
0x36: {  	p1 =	seq.s32 s10, $0x1;
	s10 =	sld [smem:$0x3FB2];
	_ =	sdelay $0x3  }
0x37: {  	[smem:$0x3FB2] =	sst s10  }
0x38: {  	s10 =	sld [smem:$0x3FB3]  }
0x39: {  	_ = 	snop;
	(pc) =	sbr.ind lr, $3  }
0x3a: {  	_ = 	snop  }
0x3b: {  	_ = 	snop  }
0x3c: {  	p2 =	seq.s32 s10, $0x1;
	s10 =	sld [smem:$0x3FB2]  }
0x3d: {  	_ =	shalt  }
0x3e: {  	_ =	shalt  }
0x3f: {  	_ =	shalt  }
0x40: {  	_ =	shalt  }
0x41: {  	_ =	shalt  }
0x42: {  	_ =	shalt  }
0x43: {  	_ =	shalt  }
0x44: {  	_ =	shalt  }
0x45: {  	_ =	shalt  }
0x46: {  	_ =	shalt  }
0x47: {  	_ =	shalt  }
0x48: {  	_ =	shalt  }
0x49: {  	_ =	shalt  }
0x4a: {  	_ =	shalt  }
0x4b: {  	_ =	shalt  }
0x4c: {  	_ =	shalt  }
0x4d: {  	_ =	shalt  }
0x4e: {  	_ =	shalt  }
0x4f: {  	_ =	shalt  }
0x50: {  	_ =	shalt  }
0x51: {  	_ =	shalt  }
0x52: {  	_ =	shalt  }
0x53: {  	_ =	shalt  }
0x54: {  	_ =	shalt  }
0x55: {  	_ =	shalt  }
0x56: {  	_ =	shalt  }
0x57: {  	_ =	shalt  }
0x58: {  	_ =	shalt  }
0x59: {  	_ =	shalt  }
0x5a: {  	_ =	shalt  }
0x5b: {  	_ =	shalt  }
0x5c: {  	_ =	shalt  }
0x5d: {  	_ =	shalt  }
0x5e: {  	_ =	shalt  }
0x5f: {  	_ =	shalt  }
0x60: {  	_ =	shalt  }
0x61: {  	_ =	shalt  }
0x62: {  	_ =	shalt  }
0x63: {  	_ =	shalt  }
0x64: {  	_ =	shalt  }
0x65: {  	_ =	shalt  }
0x66: {  	_ =	shalt  }
0x67: {  	_ =	shalt  }
0x68: {  	_ =	shalt  }
0x69: {  	_ =	shalt  }
0x6a: {  	_ =	shalt  }
0x6b: {  	_ =	shalt  }
0x6c: {  	_ =	shalt  }
0x6d: {  	_ =	shalt  }
0x6e: {  	_ =	shalt  }
0x6f: {  	_ =	shalt  }
0x70: {  	_ =	shalt  }
0x71: {  	_ =	shalt  }
0x72: {  	_ =	shalt  }
0x73: {  	_ =	shalt  }
0x74: {  	_ =	shalt  }
0x75: {  	_ =	shalt  }
0x76: {  	_ =	shalt  }
0x77: {  	_ =	shalt  }
0x78: {  	_ =	shalt  }
0x79: {  	_ =	shalt  }
0x7a: {  	_ =	shalt  }
0x7b: {  	_ =	shalt  }
0x7c: {  	_ =	shalt  }
0x7d: {  	_ =	shalt  }
0x7e: {  	_ =	shalt  }
0x7f: {  	_ =	shalt  }
0x80: {  	_ =	shalt  }
0x81: {  	_ =	shalt  }
0x82: {  	_ =	shalt  }
0x83: {  	_ =	shalt  }
0x84: {  	_ =	shalt  }
0x85: {  	_ =	shalt  }
0x86: {  	_ =	shalt  }
0x87: {  	_ =	shalt  }
.Lfunc_end0:
.L_simem_size_0:
called_computation_lowered:
.L_overlay_start_0:
0x88: {  	s2 =	sld [smem:$0x3FD9]  }
0x89: {  	s3 =	sld [smem:$0x3FFE];
	_ =	sdelay $0x1  }
0x8a: {  	s1 =	srdreg.scid  }
0x8b: {  	s0 =	sand.u32 $0x1, s1  }
0x8c: {  	s14 =	sshll.u32 s0, $0xA;
	s2 =	sadd.s32 s3, s2  }
0x8d: {  	s2 =	sadd.s32 s2, s14  }
0x8e: {  	[smem:$0x3FBE] =	sst s2  }
0x8f: {  	_ = 	snop  }
0x90: {  	s2 =	sld [smem:$0x3FD0];
	_ =	sdelay $0x2  }
0x91: {  	s4 =	simm.s32 $0xA;
	s5 =	simm.s32 $0x10;
	s15 =	sld [smem:$0x3FC9]  }
0x92: {  	[smem:s5], [sflag:s4] =	dma.local [hbm:s2], $0x1  }
0x93: {  	_ =	swait.eq [sflag:s4], $0x1  }
0x94: {  	[sflag:s4] =	ssyncset.done $0x0  }
0x95: {  	[sflag:s4] =	ssyncadd.s32 $0xFFFFFFFF  }
0x96: {  	s16 =	sld [smem:$0x11];
	(tm) =	ssettm $0x1  }
0x97: {  	s17 =	sld [smem:$0x3FFB];
	_ =	sdelay $0x3  }
0x98: {  	_ =	strace s17  }
0x99: {  	s4 =	sld [smem:$0x3FFC];
	_ =	sdelay $0x3  }
0x9a: {  	_ =	strace s4  }
0x9b: {  	s4 =	sld [smem:$0x3FFD];
	_ =	sdelay $0x3  }
0x9c: {  	_ =	strace s4  }
0x9d: {  	_ =	strace $0x8FFFFFFF  }
0x9e: {  	s18 =	sld [smem:$0x3FDB];
	_ =	sdelay $0x1  }
0x9f: {  	s19 =	simm.s32 $_scs_section_size  }
0xa0: {  	s6 =	simm.s32 $_size__tile_overlayer_lowered;
	s7 =	simm.s32 $_tile_overlayer_lowered  }
0xa1: {  	s22 =	simm.s32 $0x1BFF;
	s21 =	sshll.u32 s7, $0x1;
	s4 =	sadd.s32 s19, s18  }
0xa2: {  	s8 =	simm.s32 $0x0;
	s20 =	sshll.u32 s6, $0x1;
	s6 =	sadd.s32 s21, s4  }
0xa3: {  	[timem:s8], [sflag:s22] =	dma.local [hbm:s6], s20  }
0xa4: {  	_ =	swait.ge [sflag:s22], s20  }
0xa5: {  	s5 =	ssub.s32 $0x0, s20;
	[sflag:s22] =	ssyncset.done $0x0  }
0xa6: {  	[sflag:s22] =	ssyncadd.s32 s5;
	_ =	sdelay $0x1  }
0xa7: {  	s23 =	simm.s32 $0x1B8B  }
0xa8: {  	_ =	swait.ge [sflag:s23], $0x1  }
0xa9: {  	[sflag:s23] =	ssyncset.done $0x0  }
0xaa: {  	s25 =	simm.s32 $0x1B8E;
	s24 =	sld [smem:$0x3FFE];
	[sflag:s23] =	ssyncadd.s32 $0xFFFFFFFF  }
0xab: {  	s26 =	simm.s32 $execute0_lowered;
	[smem:$0x3FD2] =	sst s25  }
0xac: {  	s6 =	sshll.u32 s26, $0x1;
	_ =	strace $0x80000046;
	[dreg:$0x1] =	wrdreg $0xFFFFFFFF  }
0xad: {  	s28 =	simm.s32 $_size_execute0_lowered;
	s4 =	sadd.s32 s4, s6;
	[dreg:$0x0] =	wrdreg $0x0  }
0xae: {  	s6 =	sshll.u32 s28, $0x1;
	[dreg:$0x2] =	wrdreg s4  }
0xaf: {  	[dreg:$0x3] =	wrdreg s6  }
0xb0: {  	[dreg:$0x4] =	wrdreg $0xC0  }
0xb1: {  	_ =	task [dreg:s8], $0x5FFFF  }
0xb2: {  	[dreg:$0x1] =	wrdreg $0xFFFFFFFF  }
0xb3: {  	[dreg:$0x0] =	wrdreg $0x60  }
0xb4: {  	[dreg:$0x2] =	wrdreg s15  }
0xb5: {  	[dreg:$0x3] =	wrdreg s24  }
0xb6: {  	[dreg:$0x4] =	wrdreg s16  }
0xb7: {  	[dreg:$0x5] =	wrdreg $0x77800  }
0xb8: {  	[dreg:$0x6] =	wrdreg $0x9  }
0xb9: {  	_ =	task.clear_ibuf [dreg:s8], $0x7FFFF;
	_ =	strace $0x90000046  }
0xba: {  	s29 =	simm.s32 $0x9;
	_ =	strace $0x80000048  }
0xbb: {  	_ =	swait.ge [sflag:s29], $0x1  }
0xbc: {  	[sflag:s29] =	ssyncadd.s32 $0xFFFFFFFF  }
0xbd: {  	_ =	strace $0x90000048  }
0xbe: {  	_ =	sfence  }
0xbf: {  	s30 =	sld [smem:$0x0];
	_ =	sdelay $0x2  }
0xc0: {  	s31 =	sshll.u32 s1, $0xD;
	s1 =	sshrl.u32 s1, $0x2  }
0xc1: {  	s3 =	sand.u32 $0x4000, s31;
	s1 =	sadd.s32 s1, s30  }
0xc2: {  	s0 =	sor.u32 s3, s0;
	s1 =	sshll.u32 s1, $0x11  }
0xc3: {  	s0 =	sor.u32 s1, s0  }
0xc4: {  	s0 =	sadd.s32 $0x8F2B, s0  }
0xc5: {  	[sflag:s0] =	ssyncadd.remote.s32 $0x1  }
0xc6: {  	_ =	sfence.sel $0xFFFF  }
0xc7: {  	[dreg:$0x0] =	wrdreg $0xFFFFFFFF;
	(pc) =	sbr.abs _section_cstart, $3  }
0xc8: {  	[dreg:$0x1] =	wrdreg $0xFFFFFFFF  }
0xc9: {  	_ =	task.clear_ibuf [dreg:s8], $0x2FFFF;
	_ =	strace $0x9FFFFFFF  }
0xca: {  	(tm) =	ssettm $0x7FFFFFFF  }
0xcb: {  	_ =	shalt  }
tec
execute0_lowered:
.L_overlay_start_1:
0x0: {  	(tag) =	ssettag $0x1  }
0x1: {  	s1 =	rddreg [dreg:$0x0]  }
0x2: {  	s0 =	rddreg [dreg:$0x1]  }
0x3: {  	s13 =	rddreg [dreg:$0x2];
	s2 =	srdreg.scid  }
0x4: {  	s24 =	stileid.u32;
	s3 =	rddreg [dreg:$0x3];
	s4 =	simm.s32 $0x0  }
0x5: {  	s21 =	simm.s32 $0x100;
	s22 =	simm.s32 $0x880;
	s23 =	simm.s32 $0x180  }
0x6: {  	s25 =	simm.s32 $0x900;
	s26 =	simm.s32 $0x200;
	s28 =	simm.s32 $0x1000  }
0x7: {  	s29 =	simm.s32 $0x5;
	s5 =	smul.u32 $0xA000, s24;
	[smem:$0x7FF] =	sst s4  }
0x8: {  	s17 =	smul.u32 $0x278, s24;
	_ =	strace $0x80000047;
	[dreg:$0x7] =	wrdreg s21  }
0x9: {  	s2 =	sand.u32 $0x1, s2;
	s14 =	smul.u32 $0x4F000, s24;
	[dreg:$0x8] =	wrdreg s22  }
0xa: {  	s30 =	simm.s32 $0x800;
	s6 =	smul.u32 $0x5000, s2;
	[dreg:$0x9] =	wrdreg s23  }
0xb: {  	s31 =	simm.s32 $0x40;
	s15 =	smul.u32 $0x27800, s2;
	[dreg:$0xa] =	wrdreg s25  }
0xc: {  	s2 =	ssub.s32 $0x2, s2;
	s22 =	sshrl.u32 s24, $0x3;
	[dreg:$0xb] =	wrdreg s26  }
0xd: {  	s23 =	simm.s32 $0x980;
	s25 =	simm.s32 $0x280;
	s26 =	simm.s32 $0xA00  }
0xe: {  	s20 =	sshrl.u32 s2, $0x1;
	s11 =	sadd.s32 $0x40, s17;
	s12 =	sadd.s32 $0x80, s17  }
0xf: {  	s10 =	sadd.s32 $0xC0, s17;
	s8 =	sadd.s32 $0x100, s17;
	[dreg:$0xc] =	wrdreg s23  }
0x10: {  	s9 =	sadd.s32 $0x140, s17;
	s7 =	sadd.s32 $0x180, s17;
	[dreg:$0xd] =	wrdreg s25  }
0x11: {  	s22 =	smul.u32 $0x13C00, s22;
	[dreg:$0xe] =	wrdreg s26;
	s25 =	simm.s32 $0x300  }
0x12: {  	s26 =	sshll.u32 s24, $0x7;
	s5 =	sadd.s32 s6, s5;
	s18 =	sadd.s32 s15, s0  }
0x13: {  	s6 =	sadd.s32 $0x200, s17;
	s21 =	sshll.u32 s10, $0x4;
	s23 =	sshll.u32 s8, $0x4  }
0x14: {  	[dreg:$0xf] =	wrdreg s25;
	s25 =	simm.s32 $0x380;
	s10 =	sshll.u32 s10, $0x7  }
0x15: {  	s8 =	sshll.u32 s8, $0x7;
	s5 =	sshrl.u32 s5, $0x3;
	s15 =	sadd.s32 s15, s22  }
0x16: {  	s22 =	sand.u32 $0x380, s26;
	[dreg:$0x11] =	wrdreg s25;
	s26 =	simm.s32 $0xB00  }
0x17: {  	s25 =	simm.s32 $0x480;
	s10 =	sadd.s32 s10, s3;
	s8 =	sadd.s32 s8, s3  }
0x18: {  	s16 =	sadd.s32 s5, s0;
	s0 =	ssub.s32 s2, s20;
	s5 =	sadd.s32 $0x1C0, s17  }
0x19: {  	s2 =	sadd.s32 $0x240, s17;
	s17 =	sadd.s32 $0x2A200, s18;
	s18 =	smul.u32 $0x2780, s24  }
0x1a: {  	s20 =	sshll.u32 s12, $0x4;
	s24 =	simm.s32 $0xA80;
	[dreg:$0x12] =	wrdreg s26  }
0x1b: {  	s15 =	sor.u32 s22, s15;
	s22 =	sshll.u32 s9, $0x4;
	[dreg:$0x14] =	wrdreg s25  }
0x1c: {  	s26 =	simm.s32 $0xC00;
	s12 =	sshll.u32 s12, $0x7;
	[smem:$0x7F3] =	sst s10  }
0x1d: {  	s9 =	sshll.u32 s9, $0x7;
	[smem:$0x7F4] =	sst s8;
	s8 =	simm.s32 $0x2  }
0x1e: {  	s10 =	simm.s32 $0x400;
	s19 =	sadd.s32 $0x16200, s16;
	s16 =	sadd.s32 $0x2200, s16  }
0x1f: {  	[dreg:$0x10] =	wrdreg s24;
	s24 =	simm.s32 $0xB80;
	s15 =	sshrl.u32 s15, $0x3  }
0x20: {  	[dreg:$0x15] =	wrdreg s26;
	s25 =	sadd.s32 s20, s17;
	s26 =	sadd.s32 s21, s17  }
0x21: {  	s20 =	sshll.u32 s6, $0x4;
	s21 =	sshll.u32 s2, $0x4;
	[dreg:$0x5] =	wrdreg s19  }
0x22: {  	s6 =	sshll.u32 s6, $0x7;
	s2 =	sshll.u32 s2, $0x7;
	[dreg:$0x6] =	wrdreg s16  }
0x23: {  	s0 =	smax.u32 s0, $0x1;
	s19 =	sshll.u32 s11, $0x4;
	[dreg:$0x13] =	wrdreg s24  }
0x24: {  	s13 =	sadd.s32 s13, s15;
	s15 =	sshll.u32 s7, $0x4;
	[dreg:$0x1a] =	wrdreg s25  }
0x25: {  	s16 =	simm.s32 $0x500;
	s18 =	sadd.s32 s18, s17;
	[dreg:$0x1b] =	wrdreg s26  }
0x26: {  	s11 =	sshll.u32 s11, $0x7;
	s25 =	sadd.s32 s12, s3;
	[smem:$0x7FA] =	sst s0  }
0x27: {  	s7 =	sshll.u32 s7, $0x7;
	s26 =	sadd.s32 s6, s3;
	[dreg:$0x17] =	wrdreg s13  }
0x28: {  	s2 =	sadd.s32 s2, s3;
	s0 =	simm.s32 $0x3000;
	[dreg:$0x16] =	wrdreg s16  }
0x29: {  	s6 =	simm.s32 $0x5000;
	s12 =	simm.s32 $0x580;
	[dreg:$0x18] =	wrdreg s18  }
0x2a: {  	s13 =	sshll.u32 s5, $0x4;
	s24 =	sadd.s32 s19, s17;
	[smem:$0x7F8] =	sst s26  }
0x2b: {  	s18 =	sadd.s32 s23, s17;
	s19 =	sadd.s32 s22, s17;
	[smem:$0x7F9] =	sst s2  }
0x2c: {  	s15 =	sadd.s32 s15, s17;
	s22 =	sadd.s32 s21, s17;
	[smem:$0x7FD] =	sst s25  }
0x2d: {  	s23 =	sshrl.u32 s14, $0x2;
	s11 =	sadd.s32 s11, s3;
	[dreg:$0x19] =	wrdreg s24  }
0x2e: {  	s7 =	sadd.s32 s7, s3;
	s5 =	sshll.u32 s5, $0x7;
	[dreg:$0x1c] =	wrdreg s18  }
0x2f: {  	s2 =	simm.s32 $0x80;
	s14 =	simm.s32 $0x600;
	[dreg:$0x1d] =	wrdreg s19  }
0x30: {  	s26 =	simm.s32 $0x680;
	s16 =	simm.s32 $0xE00;
	[dreg:$0x1e] =	wrdreg s15  }
0x31: {  	s21 =	simm.s32 $0xF80;
	s13 =	sadd.s32 s13, s17;
	[smem:$0x7F2] =	sst s22  }
0x32: {  	s24 =	sadd.s32 s23, s3;
	s23 =	sadd.s32 s9, s3;
	[smem:$0x7F6] =	sst s7  }
0x33: {  	s5 =	sadd.s32 s5, s3;
	s7 =	simm.s32 $0x3;
	[smem:$0x7FC] =	sst s11  }
0x34: {  	s9 =	simm.s32 $0x4;
	s15 =	simm.s32 $0xD80;
	[dreg:$0x1f] =	wrdreg s13  }
0x35: {  	s18 =	simm.s32 $0xE80;
	s19 =	simm.s32 $0x780;
	[smem:$0x7F5] =	sst s23  }
0x36: {  	s13 =	sadd.s32 s20, s17;
	[smem:$0x7F7] =	sst s5;
	s5 =	simm.s32 $0x1  }
0x37: {  	s17 =	simm.s32 $0x700;
	s20 =	simm.s32 $0xF00;
	[smem:$0x7FB] =	sst s24  }
0x38: {  	v0 =	vimm.f32 $0.0e+00;
	v1 =	vimm.f32 $1.000000000e+00;
	s23 =	simm.s32 $0x0;
	[smem:$0x7F1] =	sst s13;
	s13 =	simm.s32 $0xD00  }
.LBB2_1:
0x39: {  	s22 =	sand.u32 $0x7E00, s4  }
0x3a: {  	[smem:$0x7F0] =	sst s23;
	s25 =	sand.u32 $0x70, s4;
	s22 =	sshrl.u32 s22, $0x2  }
0x3b: {  	s24 =	simm.s32 $0x40;
	s22 =	sor.u32 s25, s22;
	s25 =	simm.s32 $0x0  }
.LBB2_2:
0x3c: {  	p0 =	sne.s32 s24, $0x7FC0  }
0x3d: {  	[tilespmem:s22+$0x1000] =	vst v0;
	s25 =	sadd.s32 $0x10, s25;
	s22 =	smov.u32 s24;
	s24 =	sadd.s32 $0x40, s24  }
.Ltmp0:
0x3e: {  	(pc) =	sbr.rel @p0 .LBB2_2-.Ltmp0, $4  }
0x3f: {  	_ = 	snop  }
0x40: {  	s22 =	sand.u32 $0x7E00, s22  }
0x41: {  	s23 =	sand.u32 $0x70, s25;
	s22 =	sshrl.u32 s22, $0x2  }
0x42: {  	s22 =	sor.u32 s23, s22;
	s23 =	simm.s32 $0x0  }
0x43: {  	s24 =	sand.u32 $0x7E00, s23  }
0x44: {  	s25 =	sand.u32 $0x70, s23;
	s11 =	sshrl.u32 s24, $0x2  }
0x45: {  	[tilespmem:s22+$0x1000] =	vst v0;
	s24 =	simm.s32 $0x40;
	s22 =	sor.u32 s25, s11  }
.LBB2_4:
0x46: {  	p0 =	sne.s32 s24, $0x7FC0  }
0x47: {  	[tilespmem:s22+$0x3000] =	vst v0;
	s23 =	sadd.s32 $0x10, s23;
	s11 =	smov.u32 s24;
	s24 =	sadd.s32 $0x40, s24  }
.Ltmp1:
0x48: {  	(pc) =	sbr.rel @p0 .LBB2_4-.Ltmp1, $4  }
0x49: {  	_ = 	snop  }
0x4a: {  	s11 =	sand.u32 $0x7E00, s11  }
0x4b: {  	s22 =	sand.u32 $0x70, s23;
	s11 =	sshrl.u32 s11, $0x2  }
0x4c: {  	s22 =	sor.u32 s22, s11  }
0x4d: {  	[tilespmem:s22+$0x3000] =	vst v0;
	s23 =	simm.s32 $0x40;
	s22 =	simm.s32 $0x0;
	s25 =	sld [smem:$0x7FD]  }
.LBB2_6:
0x4e: {  	p0 =	sne.s32 s23, $0x9DC0;
	[tilespmem:s22+$0x5000] =	vst v0;
	s11 =	smov.u32 s23;
	s23 =	sadd.s32 $0x40, s23  }
.Ltmp2:
0x4f: {  	(pc) =	sbr.rel @p0 .LBB2_6-.Ltmp2, $2  }
0x50: {  	_ =	sdelay $0x2  }
0x51: {  	s22 =	sshra.s32 s11, $0x2  }
0x52: {  	[tilespmem:s22+$0x5000] =	vst v0;
	s22 =	sld [smem:$0x7FB];
	_ =	sdelay $0x2  }
0x53: {  	[spmem:s22] =	stream.linear.scatter [tilespmem:s28], [sflag:$0x5], $0x2000, $0x38;
	[tilespmem:$0x1B380] =	vst v63  }
0x54: {  	_ =	swait.ge [sflag:s29], $0x2000  }
0x55: {  	s24 =	sld [smem:$0x7FC]  }
0x56: {  	[sflag:s29] =	ssyncset.done $0x0  }
0x57: {  	[sflag:s29] =	ssyncadd.s32 $0xFFFFE000  }
0x58: {  	[spmem:s24] =	stream.linear.scatter [tilespmem:s28], [sflag:$0x5], $0x2000, $0x38;
	[tilespmem:$0x1B380] =	vst v63  }
0x59: {  	_ =	swait.ge [sflag:s29], $0x2000  }
0x5a: {  	[sflag:s29] =	ssyncset.done $0x0  }
0x5b: {  	[sflag:s29] =	ssyncadd.s32 $0xFFFFE000  }
0x5c: {  	[spmem:s25] =	stream.linear.scatter [tilespmem:s28], [sflag:$0x5], $0x2000, $0x38;
	[tilespmem:$0x1B380] =	vst v63  }
0x5d: {  	_ =	swait.ge [sflag:s29], $0x2000  }
0x5e: {  	s11 =	sld [smem:$0x7F3]  }
0x5f: {  	[sflag:s29] =	ssyncset.done $0x0  }
0x60: {  	[sflag:s29] =	ssyncadd.s32 $0xFFFFE000  }
0x61: {  	[spmem:s11] =	stream.linear.scatter [tilespmem:s28], [sflag:$0x5], $0x2000, $0x38;
	[tilespmem:$0x1B380] =	vst v63  }
0x62: {  	_ =	swait.ge [sflag:s29], $0x2000  }
0x63: {  	s23 =	sld [smem:$0x7F4]  }
0x64: {  	[sflag:s29] =	ssyncset.done $0x0  }
0x65: {  	[sflag:s29] =	ssyncadd.s32 $0xFFFFE000  }
0x66: {  	[spmem:s23] =	stream.linear.scatter [tilespmem:s28], [sflag:$0x5], $0x2000, $0x38;
	[tilespmem:$0x1B380] =	vst v63  }
0x67: {  	_ =	swait.ge [sflag:s29], $0x2000  }
0x68: {  	s25 =	sld [smem:$0x7F5]  }
0x69: {  	[sflag:s29] =	ssyncset.done $0x0  }
0x6a: {  	[sflag:s29] =	ssyncadd.s32 $0xFFFFE000  }
0x6b: {  	[spmem:s25] =	stream.linear.scatter [tilespmem:s28], [sflag:$0x5], $0x2000, $0x38;
	[tilespmem:$0x1B380] =	vst v63  }
0x6c: {  	_ =	swait.ge [sflag:s29], $0x2000  }
0x6d: {  	s23 =	sld [smem:$0x7F6]  }
0x6e: {  	[sflag:s29] =	ssyncset.done $0x0  }
0x6f: {  	[sflag:s29] =	ssyncadd.s32 $0xFFFFE000  }
0x70: {  	[spmem:s23] =	stream.linear.scatter [tilespmem:s28], [sflag:$0x5], $0x2000, $0x38;
	[tilespmem:$0x1B380] =	vst v63  }
0x71: {  	_ =	swait.ge [sflag:s29], $0x2000  }
0x72: {  	s25 =	sld [smem:$0x7F7]  }
0x73: {  	[sflag:s29] =	ssyncset.done $0x0  }
0x74: {  	[sflag:s29] =	ssyncadd.s32 $0xFFFFE000  }
0x75: {  	[spmem:s25] =	stream.linear.scatter [tilespmem:s28], [sflag:$0x5], $0x2000, $0x38;
	[tilespmem:$0x1B380] =	vst v63  }
0x76: {  	_ =	swait.ge [sflag:s29], $0x2000  }
0x77: {  	s23 =	sld [smem:$0x7F8]  }
0x78: {  	[sflag:s29] =	ssyncset.done $0x0  }
0x79: {  	[sflag:s29] =	ssyncadd.s32 $0xFFFFE000  }
0x7a: {  	[spmem:s23] =	stream.linear.scatter [tilespmem:s28], [sflag:$0x5], $0x2000, $0x38;
	[tilespmem:$0x1B380] =	vst v63  }
0x7b: {  	_ =	swait.ge [sflag:s29], $0x2000  }
0x7c: {  	s25 =	sld [smem:$0x7F9]  }
0x7d: {  	[sflag:s29] =	ssyncset.done $0x0  }
0x7e: {  	[sflag:s29] =	ssyncadd.s32 $0xFFFFE000  }
0x7f: {  	[spmem:s25] =	stream.linear.scatter [tilespmem:s28], [sflag:$0x5], $0x1C00, $0x38;
	[tilespmem:$0x1B380] =	vst v63  }
0x80: {  	_ =	swait.ge [sflag:s29], $0x1C00  }
0x81: {  	[sflag:s29] =	ssyncset.done $0x0  }
0x82: {  	[sflag:s29] =	ssyncadd.s32 $0xFFFFE400  }
0x83: {  	s23 =	simm.s32 $0x0;
	s25 =	simm.s32 $0xC80;
	[bflag:$0x0] =	sbarrier.arrive $0xFFFF  }
.LBB2_8:
0x84: {  	s11 =	rddreg [dreg:$0x6]  }
0x85: {  	s11 =	sadd.s32 s23, s11  }
0x86: {  	[tilespmem:s4], [sflag:$0x5] =	stream.linear.gather [hbm4b:s11+s4], $0x800, $0x38;
	[tilespmem:$0x1B380] =	vst v63  }
0x87: {  	_ =	swait.ge [sflag:s29], $0x800  }
0x88: {  	s11 =	rddreg [dreg:$0x5];
	[sflag:s29] =	ssyncset.done $0x0  }
0x89: {  	[sflag:s29] =	ssyncadd.s32 $0xFFFFF800;
	s11 =	sadd.s32 s23, s11  }
0x8a: {  	[tilespmem:s30], [sflag:$0x5] =	stream.linear.gather [hbm4b:s11+s4], $0x800, $0x38;
	[tilespmem:$0x1B380] =	vst v63  }
0x8b: {  	_ =	swait.ge [sflag:s29], $0x800  }
0x8c: {  	[sflag:s29] =	ssyncset.done $0x0  }
0x8d: {  	[sflag:s29] =	ssyncadd.s32 $0xFFFFF800  }
0x8e: {  	[tilespmem:s28], [sflag:$0x1] =	stream.indirect.gather [hbm4b:s1+s31], $0x80, s4, s31, $0xb8;
	[tilespmem:$0x1B380] =	vst v63  }
0x8f: {  	_ = 	snop  }
0x90: {  	[tilespmem:s0], [sflag:$0x2] =	stream.indirect.gather [hbm4b:s1+s31], $0x80, s2, s31, $0xb8;
	[tilespmem:$0x1B380] =	vst v63  }
0x91: {  	_ =	swait.ge [sflag:s5], $0x2000  }
0x92: {  	[sflag:s5] =	ssyncset.done $0x0  }
0x93: {  	[sflag:s5] =	ssyncadd.s32 $0xFFFFE000  }
0x94: {  	[spmem:s3] =	stream.indirect.scatter.add.f32 [tilespmem:s28], [sflag:$0x3], $0x80, s30, s31, $0xb8;
	[tilespmem:$0x1B380] =	vst v63  }
0x95: {  	v2 =	vld [tilespmem:$0x800];
	_ =	sdelay $0x7  }
0x96: {  	[tilespmem:v2+s6+$0x0] =	vst.idx.add.f32.msk $0xffff, v1  }
0x97: {  	v2 =	vld [tilespmem:$0x810];
	_ =	sdelay $0x7  }
0x98: {  	[tilespmem:v2+s6+$0x0] =	vst.idx.add.f32.msk $0xffff, v1  }
0x99: {  	v2 =	vld [tilespmem:$0x820];
	_ =	sdelay $0x7  }
0x9a: {  	[tilespmem:v2+s6+$0x0] =	vst.idx.add.f32.msk $0xffff, v1  }
0x9b: {  	v2 =	vld [tilespmem:$0x830];
	_ =	sdelay $0x7  }
0x9c: {  	[tilespmem:v2+s6+$0x0] =	vst.idx.add.f32.msk $0xffff, v1  }
0x9d: {  	_ =	swait.ge [sflag:s7], $0x2000  }
0x9e: {  	[sflag:s7] =	ssyncset.done $0x0  }
0x9f: {  	s11 =	rddreg [dreg:$0x7];
	[sflag:s7] =	ssyncadd.s32 $0xFFFFE000  }
0xa0: {  	[tilespmem:s28], [sflag:$0x1] =	stream.indirect.gather [hbm4b:s1+s31], $0x80, s11, s31, $0xb8;
	[tilespmem:$0x1B380] =	vst v63  }
0xa1: {  	_ =	swait.ge [sflag:s8], $0x2000  }
0xa2: {  	[sflag:s8] =	ssyncset.done $0x0  }
0xa3: {  	s11 =	rddreg [dreg:$0x8];
	[sflag:s8] =	ssyncadd.s32 $0xFFFFE000  }
0xa4: {  	[spmem:s3] =	stream.indirect.scatter.add.f32 [tilespmem:s0], [sflag:$0x4], $0x80, s11, s31, $0xb8;
	[tilespmem:$0x1B380] =	vst v63  }
0xa5: {  	v2 =	vld [tilespmem:$0x880];
	_ =	sdelay $0x7  }
0xa6: {  	[tilespmem:v2+s6+$0x0] =	vst.idx.add.f32.msk $0xffff, v1  }
0xa7: {  	v2 =	vld [tilespmem:$0x890];
	_ =	sdelay $0x7  }
0xa8: {  	[tilespmem:v2+s6+$0x0] =	vst.idx.add.f32.msk $0xffff, v1  }
0xa9: {  	v2 =	vld [tilespmem:$0x8A0];
	_ =	sdelay $0x7  }
0xaa: {  	[tilespmem:v2+s6+$0x0] =	vst.idx.add.f32.msk $0xffff, v1  }
0xab: {  	v2 =	vld [tilespmem:$0x8B0];
	_ =	sdelay $0x7  }
0xac: {  	[tilespmem:v2+s6+$0x0] =	vst.idx.add.f32.msk $0xffff, v1  }
0xad: {  	_ =	swait.ge [sflag:s9], $0x2000  }
0xae: {  	[sflag:s9] =	ssyncset.done $0x0  }
0xaf: {  	s11 =	rddreg [dreg:$0x9];
	[sflag:s9] =	ssyncadd.s32 $0xFFFFE000  }
0xb0: {  	[tilespmem:s0], [sflag:$0x2] =	stream.indirect.gather [hbm4b:s1+s31], $0x80, s11, s31, $0xb8;
	[tilespmem:$0x1B380] =	vst v63  }
0xb1: {  	_ =	swait.ge [sflag:s5], $0x2000  }
0xb2: {  	[sflag:s5] =	ssyncset.done $0x0  }
0xb3: {  	s11 =	rddreg [dreg:$0xa];
	[sflag:s5] =	ssyncadd.s32 $0xFFFFE000  }
0xb4: {  	[spmem:s3] =	stream.indirect.scatter.add.f32 [tilespmem:s28], [sflag:$0x3], $0x80, s11, s31, $0xb8;
	[tilespmem:$0x1B380] =	vst v63  }
0xb5: {  	v2 =	vld [tilespmem:$0x900];
	_ =	sdelay $0x7  }
0xb6: {  	[tilespmem:v2+s6+$0x0] =	vst.idx.add.f32.msk $0xffff, v1  }
0xb7: {  	v2 =	vld [tilespmem:$0x910];
	_ =	sdelay $0x7  }
0xb8: {  	[tilespmem:v2+s6+$0x0] =	vst.idx.add.f32.msk $0xffff, v1  }
0xb9: {  	v2 =	vld [tilespmem:$0x920];
	_ =	sdelay $0x7  }
0xba: {  	[tilespmem:v2+s6+$0x0] =	vst.idx.add.f32.msk $0xffff, v1  }
0xbb: {  	v2 =	vld [tilespmem:$0x930];
	_ =	sdelay $0x7  }
0xbc: {  	[tilespmem:v2+s6+$0x0] =	vst.idx.add.f32.msk $0xffff, v1  }
0xbd: {  	_ =	swait.ge [sflag:s7], $0x2000  }
0xbe: {  	[sflag:s7] =	ssyncset.done $0x0  }
0xbf: {  	s11 =	rddreg [dreg:$0xb];
	[sflag:s7] =	ssyncadd.s32 $0xFFFFE000  }
0xc0: {  	[tilespmem:s28], [sflag:$0x1] =	stream.indirect.gather [hbm4b:s1+s31], $0x80, s11, s31, $0xb8;
	[tilespmem:$0x1B380] =	vst v63  }
0xc1: {  	_ =	swait.ge [sflag:s8], $0x2000  }
0xc2: {  	[sflag:s8] =	ssyncset.done $0x0  }
0xc3: {  	s11 =	rddreg [dreg:$0xc];
	[sflag:s8] =	ssyncadd.s32 $0xFFFFE000  }
0xc4: {  	[spmem:s3] =	stream.indirect.scatter.add.f32 [tilespmem:s0], [sflag:$0x4], $0x80, s11, s31, $0xb8;
	[tilespmem:$0x1B380] =	vst v63  }
0xc5: {  	v2 =	vld [tilespmem:$0x980];
	_ =	sdelay $0x7  }
0xc6: {  	[tilespmem:v2+s6+$0x0] =	vst.idx.add.f32.msk $0xffff, v1  }
0xc7: {  	v2 =	vld [tilespmem:$0x990];
	_ =	sdelay $0x7  }
0xc8: {  	[tilespmem:v2+s6+$0x0] =	vst.idx.add.f32.msk $0xffff, v1  }
0xc9: {  	v2 =	vld [tilespmem:$0x9A0];
	_ =	sdelay $0x7  }
0xca: {  	[tilespmem:v2+s6+$0x0] =	vst.idx.add.f32.msk $0xffff, v1  }
0xcb: {  	v2 =	vld [tilespmem:$0x9B0];
	_ =	sdelay $0x7  }
0xcc: {  	[tilespmem:v2+s6+$0x0] =	vst.idx.add.f32.msk $0xffff, v1  }
0xcd: {  	_ =	swait.ge [sflag:s9], $0x2000  }
0xce: {  	[sflag:s9] =	ssyncset.done $0x0  }
0xcf: {  	s11 =	rddreg [dreg:$0xd];
	[sflag:s9] =	ssyncadd.s32 $0xFFFFE000  }
0xd0: {  	[tilespmem:s0], [sflag:$0x2] =	stream.indirect.gather [hbm4b:s1+s31], $0x80, s11, s31, $0xb8;
	[tilespmem:$0x1B380] =	vst v63  }
0xd1: {  	_ =	swait.ge [sflag:s5], $0x2000  }
0xd2: {  	[sflag:s5] =	ssyncset.done $0x0  }
0xd3: {  	s11 =	rddreg [dreg:$0xe];
	[sflag:s5] =	ssyncadd.s32 $0xFFFFE000  }
0xd4: {  	[spmem:s3] =	stream.indirect.scatter.add.f32 [tilespmem:s28], [sflag:$0x3], $0x80, s11, s31, $0xb8;
	[tilespmem:$0x1B380] =	vst v63  }
0xd5: {  	v2 =	vld [tilespmem:$0xA00];
	_ =	sdelay $0x7  }
0xd6: {  	[tilespmem:v2+s6+$0x0] =	vst.idx.add.f32.msk $0xffff, v1  }
0xd7: {  	v2 =	vld [tilespmem:$0xA10];
	_ =	sdelay $0x7  }
0xd8: {  	[tilespmem:v2+s6+$0x0] =	vst.idx.add.f32.msk $0xffff, v1  }
0xd9: {  	v2 =	vld [tilespmem:$0xA20];
	_ =	sdelay $0x7  }
0xda: {  	[tilespmem:v2+s6+$0x0] =	vst.idx.add.f32.msk $0xffff, v1  }
0xdb: {  	v2 =	vld [tilespmem:$0xA30];
	_ =	sdelay $0x7  }
0xdc: {  	[tilespmem:v2+s6+$0x0] =	vst.idx.add.f32.msk $0xffff, v1  }
0xdd: {  	_ =	swait.ge [sflag:s7], $0x2000  }
0xde: {  	[sflag:s7] =	ssyncset.done $0x0  }
0xdf: {  	s11 =	rddreg [dreg:$0xf];
	[sflag:s7] =	ssyncadd.s32 $0xFFFFE000  }
0xe0: {  	[tilespmem:s28], [sflag:$0x1] =	stream.indirect.gather [hbm4b:s1+s31], $0x80, s11, s31, $0xb8;
	[tilespmem:$0x1B380] =	vst v63  }
0xe1: {  	_ =	swait.ge [sflag:s8], $0x2000  }
0xe2: {  	[sflag:s8] =	ssyncset.done $0x0  }
0xe3: {  	s11 =	rddreg [dreg:$0x10];
	[sflag:s8] =	ssyncadd.s32 $0xFFFFE000  }
0xe4: {  	[spmem:s3] =	stream.indirect.scatter.add.f32 [tilespmem:s0], [sflag:$0x4], $0x80, s11, s31, $0xb8;
	[tilespmem:$0x1B380] =	vst v63  }
0xe5: {  	v2 =	vld [tilespmem:$0xA80];
	_ =	sdelay $0x7  }
0xe6: {  	[tilespmem:v2+s6+$0x0] =	vst.idx.add.f32.msk $0xffff, v1  }
0xe7: {  	v2 =	vld [tilespmem:$0xA90];
	_ =	sdelay $0x7  }
0xe8: {  	[tilespmem:v2+s6+$0x0] =	vst.idx.add.f32.msk $0xffff, v1  }
0xe9: {  	v2 =	vld [tilespmem:$0xAA0];
	_ =	sdelay $0x7  }
0xea: {  	[tilespmem:v2+s6+$0x0] =	vst.idx.add.f32.msk $0xffff, v1  }
0xeb: {  	v2 =	vld [tilespmem:$0xAB0];
	_ =	sdelay $0x7  }
0xec: {  	[tilespmem:v2+s6+$0x0] =	vst.idx.add.f32.msk $0xffff, v1  }
0xed: {  	_ =	swait.ge [sflag:s9], $0x2000  }
0xee: {  	[sflag:s9] =	ssyncset.done $0x0  }
0xef: {  	s11 =	rddreg [dreg:$0x11];
	[sflag:s9] =	ssyncadd.s32 $0xFFFFE000  }
0xf0: {  	[tilespmem:s0], [sflag:$0x2] =	stream.indirect.gather [hbm4b:s1+s31], $0x80, s11, s31, $0xb8;
	[tilespmem:$0x1B380] =	vst v63  }
0xf1: {  	_ =	swait.ge [sflag:s5], $0x2000  }
0xf2: {  	[sflag:s5] =	ssyncset.done $0x0  }
0xf3: {  	s11 =	rddreg [dreg:$0x12];
	[sflag:s5] =	ssyncadd.s32 $0xFFFFE000  }
0xf4: {  	[spmem:s3] =	stream.indirect.scatter.add.f32 [tilespmem:s28], [sflag:$0x3], $0x80, s11, s31, $0xb8;
	[tilespmem:$0x1B380] =	vst v63  }
0xf5: {  	v2 =	vld [tilespmem:$0xB00];
	_ =	sdelay $0x7  }
0xf6: {  	[tilespmem:v2+s6+$0x0] =	vst.idx.add.f32.msk $0xffff, v1  }
0xf7: {  	v2 =	vld [tilespmem:$0xB10];
	_ =	sdelay $0x7  }
0xf8: {  	[tilespmem:v2+s6+$0x0] =	vst.idx.add.f32.msk $0xffff, v1  }
0xf9: {  	v2 =	vld [tilespmem:$0xB20];
	_ =	sdelay $0x7  }
0xfa: {  	[tilespmem:v2+s6+$0x0] =	vst.idx.add.f32.msk $0xffff, v1  }
0xfb: {  	v2 =	vld [tilespmem:$0xB30];
	_ =	sdelay $0x7  }
0xfc: {  	[tilespmem:v2+s6+$0x0] =	vst.idx.add.f32.msk $0xffff, v1  }
0xfd: {  	_ =	swait.ge [sflag:s7], $0x2000  }
0xfe: {  	[sflag:s7] =	ssyncset.done $0x0  }
0xff: {  	[sflag:s7] =	ssyncadd.s32 $0xFFFFE000  }
0x100: {  	[tilespmem:s28], [sflag:$0x1] =	stream.indirect.gather [hbm4b:s1+s31], $0x80, s10, s31, $0xb8;
	[tilespmem:$0x1B380] =	vst v63  }
0x101: {  	_ =	swait.ge [sflag:s8], $0x2000  }
0x102: {  	[sflag:s8] =	ssyncset.done $0x0  }
0x103: {  	s11 =	rddreg [dreg:$0x13];
	[sflag:s8] =	ssyncadd.s32 $0xFFFFE000  }
0x104: {  	[spmem:s3] =	stream.indirect.scatter.add.f32 [tilespmem:s0], [sflag:$0x4], $0x80, s11, s31, $0xb8;
	[tilespmem:$0x1B380] =	vst v63  }
0x105: {  	v2 =	vld [tilespmem:$0xB80];
	_ =	sdelay $0x7  }
0x106: {  	[tilespmem:v2+s6+$0x0] =	vst.idx.add.f32.msk $0xffff, v1  }
0x107: {  	v2 =	vld [tilespmem:$0xB90];
	_ =	sdelay $0x7  }
0x108: {  	[tilespmem:v2+s6+$0x0] =	vst.idx.add.f32.msk $0xffff, v1  }
0x109: {  	v2 =	vld [tilespmem:$0xBA0];
	_ =	sdelay $0x7  }
0x10a: {  	[tilespmem:v2+s6+$0x0] =	vst.idx.add.f32.msk $0xffff, v1  }
0x10b: {  	v2 =	vld [tilespmem:$0xBB0];
	_ =	sdelay $0x7  }
0x10c: {  	[tilespmem:v2+s6+$0x0] =	vst.idx.add.f32.msk $0xffff, v1  }
0x10d: {  	_ =	swait.ge [sflag:s9], $0x2000  }
0x10e: {  	[sflag:s9] =	ssyncset.done $0x0  }
0x10f: {  	s11 =	rddreg [dreg:$0x14];
	[sflag:s9] =	ssyncadd.s32 $0xFFFFE000  }
0x110: {  	[tilespmem:s0], [sflag:$0x2] =	stream.indirect.gather [hbm4b:s1+s31], $0x80, s11, s31, $0xb8;
	[tilespmem:$0x1B380] =	vst v63  }
0x111: {  	_ =	swait.ge [sflag:s5], $0x2000  }
0x112: {  	[sflag:s5] =	ssyncset.done $0x0  }
0x113: {  	s11 =	rddreg [dreg:$0x15];
	[sflag:s5] =	ssyncadd.s32 $0xFFFFE000  }
0x114: {  	[spmem:s3] =	stream.indirect.scatter.add.f32 [tilespmem:s28], [sflag:$0x3], $0x80, s11, s31, $0xb8;
	[tilespmem:$0x1B380] =	vst v63  }
0x115: {  	v2 =	vld [tilespmem:$0xC00];
	_ =	sdelay $0x7  }
0x116: {  	[tilespmem:v2+s6+$0x0] =	vst.idx.add.f32.msk $0xffff, v1  }
0x117: {  	v2 =	vld [tilespmem:$0xC10];
	_ =	sdelay $0x7  }
0x118: {  	[tilespmem:v2+s6+$0x0] =	vst.idx.add.f32.msk $0xffff, v1  }
0x119: {  	v2 =	vld [tilespmem:$0xC20];
	_ =	sdelay $0x7  }
0x11a: {  	[tilespmem:v2+s6+$0x0] =	vst.idx.add.f32.msk $0xffff, v1  }
0x11b: {  	v2 =	vld [tilespmem:$0xC30];
	_ =	sdelay $0x7  }
0x11c: {  	[tilespmem:v2+s6+$0x0] =	vst.idx.add.f32.msk $0xffff, v1  }
0x11d: {  	_ =	swait.ge [sflag:s7], $0x2000  }
0x11e: {  	[sflag:s7] =	ssyncset.done $0x0  }
0x11f: {  	s11 =	rddreg [dreg:$0x16];
	[sflag:s7] =	ssyncadd.s32 $0xFFFFE000  }
0x120: {  	[tilespmem:s28], [sflag:$0x1] =	stream.indirect.gather [hbm4b:s1+s31], $0x80, s11, s31, $0xb8;
	[tilespmem:$0x1B380] =	vst v63  }
0x121: {  	_ =	swait.ge [sflag:s8], $0x2000  }
0x122: {  	[sflag:s8] =	ssyncset.done $0x0  }
0x123: {  	[sflag:s8] =	ssyncadd.s32 $0xFFFFE000  }
0x124: {  	[spmem:s3] =	stream.indirect.scatter.add.f32 [tilespmem:s0], [sflag:$0x4], $0x80, s25, s31, $0xb8;
	[tilespmem:$0x1B380] =	vst v63  }
0x125: {  	v2 =	vld [tilespmem:$0xC80];
	_ =	sdelay $0x7  }
0x126: {  	[tilespmem:v2+s6+$0x0] =	vst.idx.add.f32.msk $0xffff, v1  }
0x127: {  	v2 =	vld [tilespmem:$0xC90];
	_ =	sdelay $0x7  }
0x128: {  	[tilespmem:v2+s6+$0x0] =	vst.idx.add.f32.msk $0xffff, v1  }
0x129: {  	v2 =	vld [tilespmem:$0xCA0];
	_ =	sdelay $0x7  }
0x12a: {  	[tilespmem:v2+s6+$0x0] =	vst.idx.add.f32.msk $0xffff, v1  }
0x12b: {  	v2 =	vld [tilespmem:$0xCB0];
	_ =	sdelay $0x7  }
0x12c: {  	[tilespmem:v2+s6+$0x0] =	vst.idx.add.f32.msk $0xffff, v1  }
0x12d: {  	_ =	swait.ge [sflag:s9], $0x2000  }
0x12e: {  	[sflag:s9] =	ssyncset.done $0x0  }
0x12f: {  	[sflag:s9] =	ssyncadd.s32 $0xFFFFE000  }
0x130: {  	[tilespmem:s0], [sflag:$0x2] =	stream.indirect.gather [hbm4b:s1+s31], $0x80, s12, s31, $0xb8;
	[tilespmem:$0x1B380] =	vst v63  }
0x131: {  	_ =	swait.ge [sflag:s5], $0x2000  }
0x132: {  	[sflag:s5] =	ssyncset.done $0x0  }
0x133: {  	[sflag:s5] =	ssyncadd.s32 $0xFFFFE000  }
0x134: {  	[spmem:s3] =	stream.indirect.scatter.add.f32 [tilespmem:s28], [sflag:$0x3], $0x80, s13, s31, $0xb8;
	[tilespmem:$0x1B380] =	vst v63  }
0x135: {  	v2 =	vld [tilespmem:$0xD00];
	_ =	sdelay $0x7  }
0x136: {  	[tilespmem:v2+s6+$0x0] =	vst.idx.add.f32.msk $0xffff, v1  }
0x137: {  	v2 =	vld [tilespmem:$0xD10];
	_ =	sdelay $0x7  }
0x138: {  	[tilespmem:v2+s6+$0x0] =	vst.idx.add.f32.msk $0xffff, v1  }
0x139: {  	v2 =	vld [tilespmem:$0xD20];
	_ =	sdelay $0x7  }
0x13a: {  	[tilespmem:v2+s6+$0x0] =	vst.idx.add.f32.msk $0xffff, v1  }
0x13b: {  	v2 =	vld [tilespmem:$0xD30];
	_ =	sdelay $0x7  }
0x13c: {  	[tilespmem:v2+s6+$0x0] =	vst.idx.add.f32.msk $0xffff, v1  }
0x13d: {  	_ =	swait.ge [sflag:s7], $0x2000  }
0x13e: {  	[sflag:s7] =	ssyncset.done $0x0  }
0x13f: {  	[sflag:s7] =	ssyncadd.s32 $0xFFFFE000  }
0x140: {  	[tilespmem:s28], [sflag:$0x1] =	stream.indirect.gather [hbm4b:s1+s31], $0x80, s14, s31, $0xb8;
	[tilespmem:$0x1B380] =	vst v63  }
0x141: {  	_ =	swait.ge [sflag:s8], $0x2000  }
0x142: {  	[sflag:s8] =	ssyncset.done $0x0  }
0x143: {  	[sflag:s8] =	ssyncadd.s32 $0xFFFFE000  }
0x144: {  	[spmem:s3] =	stream.indirect.scatter.add.f32 [tilespmem:s0], [sflag:$0x4], $0x80, s15, s31, $0xb8;
	[tilespmem:$0x1B380] =	vst v63  }
0x145: {  	v2 =	vld [tilespmem:$0xD80];
	_ =	sdelay $0x7  }
0x146: {  	[tilespmem:v2+s6+$0x0] =	vst.idx.add.f32.msk $0xffff, v1  }
0x147: {  	v2 =	vld [tilespmem:$0xD90];
	_ =	sdelay $0x7  }
0x148: {  	[tilespmem:v2+s6+$0x0] =	vst.idx.add.f32.msk $0xffff, v1  }
0x149: {  	v2 =	vld [tilespmem:$0xDA0];
	_ =	sdelay $0x7  }
0x14a: {  	[tilespmem:v2+s6+$0x0] =	vst.idx.add.f32.msk $0xffff, v1  }
0x14b: {  	v2 =	vld [tilespmem:$0xDB0];
	_ =	sdelay $0x7  }
0x14c: {  	[tilespmem:v2+s6+$0x0] =	vst.idx.add.f32.msk $0xffff, v1  }
0x14d: {  	_ =	swait.ge [sflag:s9], $0x2000  }
0x14e: {  	[sflag:s9] =	ssyncset.done $0x0  }
0x14f: {  	[sflag:s9] =	ssyncadd.s32 $0xFFFFE000  }
0x150: {  	[tilespmem:s0], [sflag:$0x2] =	stream.indirect.gather [hbm4b:s1+s31], $0x80, s26, s31, $0xb8;
	[tilespmem:$0x1B380] =	vst v63  }
0x151: {  	_ =	swait.ge [sflag:s5], $0x2000  }
0x152: {  	[sflag:s5] =	ssyncset.done $0x0  }
0x153: {  	[sflag:s5] =	ssyncadd.s32 $0xFFFFE000  }
0x154: {  	[spmem:s3] =	stream.indirect.scatter.add.f32 [tilespmem:s28], [sflag:$0x3], $0x80, s16, s31, $0xb8;
	[tilespmem:$0x1B380] =	vst v63  }
0x155: {  	v2 =	vld [tilespmem:$0xE00];
	_ =	sdelay $0x7  }
0x156: {  	[tilespmem:v2+s6+$0x0] =	vst.idx.add.f32.msk $0xffff, v1  }
0x157: {  	v2 =	vld [tilespmem:$0xE10];
	_ =	sdelay $0x7  }
0x158: {  	[tilespmem:v2+s6+$0x0] =	vst.idx.add.f32.msk $0xffff, v1  }
0x159: {  	v2 =	vld [tilespmem:$0xE20];
	_ =	sdelay $0x7  }
0x15a: {  	[tilespmem:v2+s6+$0x0] =	vst.idx.add.f32.msk $0xffff, v1  }
0x15b: {  	v2 =	vld [tilespmem:$0xE30];
	_ =	sdelay $0x7  }
0x15c: {  	[tilespmem:v2+s6+$0x0] =	vst.idx.add.f32.msk $0xffff, v1  }
0x15d: {  	_ =	swait.ge [sflag:s7], $0x2000  }
0x15e: {  	[sflag:s7] =	ssyncset.done $0x0  }
0x15f: {  	[sflag:s7] =	ssyncadd.s32 $0xFFFFE000  }
0x160: {  	[tilespmem:s28], [sflag:$0x1] =	stream.indirect.gather [hbm4b:s1+s31], $0x80, s17, s31, $0xb8;
	[tilespmem:$0x1B380] =	vst v63  }
0x161: {  	_ =	swait.ge [sflag:s8], $0x2000  }
0x162: {  	[sflag:s8] =	ssyncset.done $0x0  }
0x163: {  	[sflag:s8] =	ssyncadd.s32 $0xFFFFE000  }
0x164: {  	[spmem:s3] =	stream.indirect.scatter.add.f32 [tilespmem:s0], [sflag:$0x4], $0x80, s18, s31, $0xb8;
	[tilespmem:$0x1B380] =	vst v63  }
0x165: {  	v2 =	vld [tilespmem:$0xE80];
	_ =	sdelay $0x7  }
0x166: {  	[tilespmem:v2+s6+$0x0] =	vst.idx.add.f32.msk $0xffff, v1  }
0x167: {  	v2 =	vld [tilespmem:$0xE90];
	_ =	sdelay $0x7  }
0x168: {  	[tilespmem:v2+s6+$0x0] =	vst.idx.add.f32.msk $0xffff, v1  }
0x169: {  	v2 =	vld [tilespmem:$0xEA0];
	_ =	sdelay $0x7  }
0x16a: {  	[tilespmem:v2+s6+$0x0] =	vst.idx.add.f32.msk $0xffff, v1  }
0x16b: {  	v2 =	vld [tilespmem:$0xEB0];
	_ =	sdelay $0x7  }
0x16c: {  	[tilespmem:v2+s6+$0x0] =	vst.idx.add.f32.msk $0xffff, v1  }
0x16d: {  	_ =	swait.ge [sflag:s9], $0x2000  }
0x16e: {  	[sflag:s9] =	ssyncset.done $0x0  }
0x16f: {  	[sflag:s9] =	ssyncadd.s32 $0xFFFFE000  }
0x170: {  	[tilespmem:s0], [sflag:$0x2] =	stream.indirect.gather [hbm4b:s1+s31], $0x80, s19, s31, $0xb8;
	[tilespmem:$0x1B380] =	vst v63  }
0x171: {  	_ =	swait.ge [sflag:s5], $0x2000  }
0x172: {  	[sflag:s5] =	ssyncset.done $0x0  }
0x173: {  	[sflag:s5] =	ssyncadd.s32 $0xFFFFE000  }
0x174: {  	[spmem:s3] =	stream.indirect.scatter.add.f32 [tilespmem:s28], [sflag:$0x3], $0x80, s20, s31, $0xb8;
	[tilespmem:$0x1B380] =	vst v63  }
0x175: {  	v2 =	vld [tilespmem:$0xF00];
	_ =	sdelay $0x7  }
0x176: {  	[tilespmem:v2+s6+$0x0] =	vst.idx.add.f32.msk $0xffff, v1  }
0x177: {  	v2 =	vld [tilespmem:$0xF10];
	_ =	sdelay $0x7  }
0x178: {  	[tilespmem:v2+s6+$0x0] =	vst.idx.add.f32.msk $0xffff, v1  }
0x179: {  	v2 =	vld [tilespmem:$0xF20];
	_ =	sdelay $0x7  }
0x17a: {  	[tilespmem:v2+s6+$0x0] =	vst.idx.add.f32.msk $0xffff, v1  }
0x17b: {  	v2 =	vld [tilespmem:$0xF30];
	_ =	sdelay $0x7  }
0x17c: {  	[tilespmem:v2+s6+$0x0] =	vst.idx.add.f32.msk $0xffff, v1  }
0x17d: {  	_ =	swait.ge [sflag:s8], $0x2000  }
0x17e: {  	[sflag:s8] =	ssyncset.done $0x0  }
0x17f: {  	[sflag:s8] =	ssyncadd.s32 $0xFFFFE000  }
0x180: {  	[spmem:s3] =	stream.indirect.scatter.add.f32 [tilespmem:s0], [sflag:$0x4], $0x80, s21, s31, $0xb8;
	[tilespmem:$0x1B380] =	vst v63  }
0x181: {  	v2 =	vld [tilespmem:$0xF80];
	_ =	sdelay $0x7  }
0x182: {  	[tilespmem:v2+s6+$0x0] =	vst.idx.add.f32.msk $0xffff, v1  }
0x183: {  	v2 =	vld [tilespmem:$0xF90];
	_ =	sdelay $0x7  }
0x184: {  	[tilespmem:v2+s6+$0x0] =	vst.idx.add.f32.msk $0xffff, v1  }
0x185: {  	v2 =	vld [tilespmem:$0xFA0];
	_ =	sdelay $0x7  }
0x186: {  	[tilespmem:v2+s6+$0x0] =	vst.idx.add.f32.msk $0xffff, v1  }
0x187: {  	v2 =	vld [tilespmem:$0xFB0];
	_ =	sdelay $0x7  }
0x188: {  	[tilespmem:v2+s6+$0x0] =	vst.idx.add.f32.msk $0xffff, v1  }
0x189: {  	p0 =	sne.s32 s23, $0x900;
	_ =	swait.ge [sflag:s7], $0x2000  }
.Ltmp3:
0x18a: {  	[sflag:s7] =	ssyncset.done $0x0;
	(pc) =	sbr.rel @p0 .LBB2_8-.Ltmp3, $4  }
0x18b: {  	[sflag:s7] =	ssyncadd.s32 $0xFFFFE000  }
0x18c: {  	_ =	swait.ge [sflag:s9], $0x2000  }
0x18d: {  	[sflag:s9] =	ssyncset.done $0x0  }
0x18e: {  	s23 =	sadd.s32 $0x100, s23;
	[sflag:s9] =	ssyncadd.s32 $0xFFFFE000  }
0x18f: {  	[bflag:$0x0] =	sbarrier.arrive $0xFFFF  }
0x190: {  	[tilespmem:s28], [sflag:$0x5] =	stream.linear.gather [spmem:s22], $0x2000, $0x38;
	[tilespmem:$0x1B380] =	vst v63  }
0x191: {  	_ =	swait.ge [sflag:s29], $0x2000  }
0x192: {  	[sflag:s29] =	ssyncset.done $0x0  }
0x193: {  	s11 =	rddreg [dreg:$0x18];
	[sflag:s29] =	ssyncadd.s32 $0xFFFFE000  }
0x194: {  	[hbm4b:s11+s4] =	stream.linear.scatter [tilespmem:s28], [sflag:$0x1], $0x2000, $0x38;
	[tilespmem:$0x1B380] =	vst v63  }
0x195: {  	_ = 	snop  }
0x196: {  	[tilespmem:s0], [sflag:$0x5] =	stream.linear.gather [spmem:s24], $0x2000, $0x38;
	[tilespmem:$0x1B380] =	vst v63  }
0x197: {  	_ =	swait.ge [sflag:s29], $0x2000  }
0x198: {  	[sflag:s29] =	ssyncset.done $0x0  }
0x199: {  	s24 =	rddreg [dreg:$0x19];
	[sflag:s29] =	ssyncadd.s32 $0xFFFFE000  }
0x19a: {  	[hbm4b:s24+s4] =	stream.linear.scatter [tilespmem:s0], [sflag:$0x2], $0x2000, $0x38;
	[tilespmem:$0x1B380] =	vst v63  }
0x19b: {  	_ =	swait.ge [sflag:s5], $0x2000  }
0x19c: {  	s25 =	sld [smem:$0x7FD]  }
0x19d: {  	[sflag:s5] =	ssyncset.done $0x0  }
0x19e: {  	[sflag:s5] =	ssyncadd.s32 $0xFFFFE000  }
0x19f: {  	[tilespmem:s28], [sflag:$0x5] =	stream.linear.gather [spmem:s25], $0x2000, $0x38;
	[tilespmem:$0x1B380] =	vst v63  }
0x1a0: {  	_ =	swait.ge [sflag:s29], $0x2000  }
0x1a1: {  	[sflag:s29] =	ssyncset.done $0x0  }
0x1a2: {  	s25 =	rddreg [dreg:$0x1a];
	[sflag:s29] =	ssyncadd.s32 $0xFFFFE000  }
0x1a3: {  	[hbm4b:s25+s4] =	stream.linear.scatter [tilespmem:s28], [sflag:$0x1], $0x2000, $0x38;
	[tilespmem:$0x1B380] =	vst v63  }
0x1a4: {  	_ =	swait.ge [sflag:s8], $0x2000  }
0x1a5: {  	s22 =	sld [smem:$0x7F3]  }
0x1a6: {  	[sflag:s8] =	ssyncset.done $0x0  }
0x1a7: {  	[sflag:s8] =	ssyncadd.s32 $0xFFFFE000  }
0x1a8: {  	[tilespmem:s0], [sflag:$0x5] =	stream.linear.gather [spmem:s22], $0x2000, $0x38;
	[tilespmem:$0x1B380] =	vst v63  }
0x1a9: {  	_ =	swait.ge [sflag:s29], $0x2000  }
0x1aa: {  	[sflag:s29] =	ssyncset.done $0x0  }
0x1ab: {  	s23 =	rddreg [dreg:$0x1b];
	[sflag:s29] =	ssyncadd.s32 $0xFFFFE000  }
0x1ac: {  	[hbm4b:s23+s4] =	stream.linear.scatter [tilespmem:s0], [sflag:$0x2], $0x2000, $0x38;
	[tilespmem:$0x1B380] =	vst v63  }
0x1ad: {  	_ =	swait.ge [sflag:s5], $0x2000  }
0x1ae: {  	s24 =	sld [smem:$0x7F4]  }
0x1af: {  	[sflag:s5] =	ssyncset.done $0x0  }
0x1b0: {  	[sflag:s5] =	ssyncadd.s32 $0xFFFFE000  }
0x1b1: {  	[tilespmem:s28], [sflag:$0x5] =	stream.linear.gather [spmem:s24], $0x2000, $0x38;
	[tilespmem:$0x1B380] =	vst v63  }
0x1b2: {  	_ =	swait.ge [sflag:s29], $0x2000  }
0x1b3: {  	[sflag:s29] =	ssyncset.done $0x0  }
0x1b4: {  	s25 =	rddreg [dreg:$0x1c];
	[sflag:s29] =	ssyncadd.s32 $0xFFFFE000  }
0x1b5: {  	[hbm4b:s25+s4] =	stream.linear.scatter [tilespmem:s28], [sflag:$0x1], $0x2000, $0x38;
	[tilespmem:$0x1B380] =	vst v63  }
0x1b6: {  	_ =	swait.ge [sflag:s8], $0x2000  }
0x1b7: {  	s22 =	sld [smem:$0x7F5]  }
0x1b8: {  	[sflag:s8] =	ssyncset.done $0x0  }
0x1b9: {  	[sflag:s8] =	ssyncadd.s32 $0xFFFFE000  }
0x1ba: {  	[tilespmem:s0], [sflag:$0x5] =	stream.linear.gather [spmem:s22], $0x2000, $0x38;
	[tilespmem:$0x1B380] =	vst v63  }
0x1bb: {  	_ =	swait.ge [sflag:s29], $0x2000  }
0x1bc: {  	[sflag:s29] =	ssyncset.done $0x0  }
0x1bd: {  	s23 =	rddreg [dreg:$0x1d];
	[sflag:s29] =	ssyncadd.s32 $0xFFFFE000  }
0x1be: {  	[hbm4b:s23+s4] =	stream.linear.scatter [tilespmem:s0], [sflag:$0x2], $0x2000, $0x38;
	[tilespmem:$0x1B380] =	vst v63  }
0x1bf: {  	_ =	swait.ge [sflag:s5], $0x2000  }
0x1c0: {  	s24 =	sld [smem:$0x7F6]  }
0x1c1: {  	[sflag:s5] =	ssyncset.done $0x0  }
0x1c2: {  	[sflag:s5] =	ssyncadd.s32 $0xFFFFE000  }
0x1c3: {  	[tilespmem:s28], [sflag:$0x5] =	stream.linear.gather [spmem:s24], $0x2000, $0x38;
	[tilespmem:$0x1B380] =	vst v63  }
0x1c4: {  	_ =	swait.ge [sflag:s29], $0x2000  }
0x1c5: {  	[sflag:s29] =	ssyncset.done $0x0  }
0x1c6: {  	s25 =	rddreg [dreg:$0x1e];
	[sflag:s29] =	ssyncadd.s32 $0xFFFFE000  }
0x1c7: {  	[hbm4b:s25+s4] =	stream.linear.scatter [tilespmem:s28], [sflag:$0x1], $0x2000, $0x38;
	[tilespmem:$0x1B380] =	vst v63  }
0x1c8: {  	_ =	swait.ge [sflag:s8], $0x2000  }
0x1c9: {  	s22 =	sld [smem:$0x7F7]  }
0x1ca: {  	[sflag:s8] =	ssyncset.done $0x0  }
0x1cb: {  	[sflag:s8] =	ssyncadd.s32 $0xFFFFE000  }
0x1cc: {  	[tilespmem:s0], [sflag:$0x5] =	stream.linear.gather [spmem:s22], $0x2000, $0x38;
	[tilespmem:$0x1B380] =	vst v63  }
0x1cd: {  	_ =	swait.ge [sflag:s29], $0x2000  }
0x1ce: {  	[sflag:s29] =	ssyncset.done $0x0  }
0x1cf: {  	s23 =	rddreg [dreg:$0x1f];
	[sflag:s29] =	ssyncadd.s32 $0xFFFFE000  }
0x1d0: {  	[hbm4b:s23+s4] =	stream.linear.scatter [tilespmem:s0], [sflag:$0x2], $0x2000, $0x38;
	[tilespmem:$0x1B380] =	vst v63  }
0x1d1: {  	_ =	swait.ge [sflag:s5], $0x2000  }
0x1d2: {  	s24 =	sld [smem:$0x7F8]  }
0x1d3: {  	[sflag:s5] =	ssyncset.done $0x0  }
0x1d4: {  	[sflag:s5] =	ssyncadd.s32 $0xFFFFE000  }
0x1d5: {  	[tilespmem:s28], [sflag:$0x5] =	stream.linear.gather [spmem:s24], $0x2000, $0x38;
	[tilespmem:$0x1B380] =	vst v63  }
0x1d6: {  	_ =	swait.ge [sflag:s29], $0x2000  }
0x1d7: {  	s25 =	sld [smem:$0x7F1]  }
0x1d8: {  	[sflag:s29] =	ssyncset.done $0x0  }
0x1d9: {  	[sflag:s29] =	ssyncadd.s32 $0xFFFFE000  }
0x1da: {  	[hbm4b:s25+s4] =	stream.linear.scatter [tilespmem:s28], [sflag:$0x1], $0x2000, $0x38;
	[tilespmem:$0x1B380] =	vst v63  }
0x1db: {  	_ =	swait.ge [sflag:s8], $0x2000  }
0x1dc: {  	s22 =	sld [smem:$0x7F9]  }
0x1dd: {  	[sflag:s8] =	ssyncset.done $0x0  }
0x1de: {  	[sflag:s8] =	ssyncadd.s32 $0xFFFFE000  }
0x1df: {  	[tilespmem:s0], [sflag:$0x5] =	stream.linear.gather [spmem:s22], $0x1C00, $0x38;
	[tilespmem:$0x1B380] =	vst v63  }
0x1e0: {  	_ =	swait.ge [sflag:s29], $0x1C00  }
0x1e1: {  	s23 =	sld [smem:$0x7F2]  }
0x1e2: {  	[sflag:s29] =	ssyncset.done $0x0  }
0x1e3: {  	[sflag:s29] =	ssyncadd.s32 $0xFFFFE400  }
0x1e4: {  	[hbm4b:s23+s4] =	stream.linear.scatter [tilespmem:s0], [sflag:$0x2], $0x1C00, $0x38;
	[tilespmem:$0x1B380] =	vst v63  }
0x1e5: {  	_ =	swait.ge [sflag:s5], $0x2000  }
0x1e6: {  	[sflag:s5] =	ssyncset.done $0x0  }
0x1e7: {  	[sflag:s5] =	ssyncadd.s32 $0xFFFFE000  }
0x1e8: {  	_ =	swait.ge [sflag:s8], $0x1C00  }
0x1e9: {  	[sflag:s8] =	ssyncset.done $0x0  }
0x1ea: {  	s24 =	rddreg [dreg:$0x17];
	[sflag:s8] =	ssyncadd.s32 $0xFFFFE400  }
0x1eb: {  	[hbm4b:s24+s2] =	stream.strided.scatter [tilespmem:s6], [sflag:$0x5], $0x2780, s10, s2, $0x38;
	[tilespmem:$0x1B380] =	vst v63  }
0x1ec: {  	_ =	swait.ge [sflag:s29], $0x2780  }
0x1ed: {  	s23 =	sld [smem:$0x7F0]  }
0x1ee: {  	s25 =	sld [smem:$0x7FA];
	_ =	sdelay $0x1  }
0x1ef: {  	s23 =	sadd.s32 $0x1, s23  }
0x1f0: {  	p0 =	sne.s32 s23, s25  }
.Ltmp4:
0x1f1: {  	_ = 	snop;
	(pc) =	sbr.rel @p0 .LBB2_1-.Ltmp4, $3  }
0x1f2: {  	_ =	sdelay $0x1  }
0x1f3: {  	[sflag:s29] =	ssyncset.done $0x0  }
0x1f4: {  	[sflag:s29] =	ssyncadd.s32 $0xFFFFD880  }
0x1f5: {  	_ =	sfence.sel $0x180000  }
0x1f6: {  	[bflag:$0x0] =	sbarrier.arrive $0xFFFF  }
0x1f7: {  	_ =	strace $0x90000047  }
0x1f8: {  	s0 =	stileid.u32;
	[bflag:$0x2] =	sbarrier.arrive $0xFFFF  }
0x1f9: {  	p0 =	sne.s32 s0, $0x0;
	s0 =	rddreg [dreg:$0x4]  }
0x1fa: {  	s0 =	sadd.s32 @!p0 $0x100000, s0  }
0x1fb: {  	[sflag:s0] =	ssyncadd.tile.s32 @!p0 $0x1;
	_ =	shalt  }
.Lfunc_end2:
_tile_overlayer_lowered:
.L_overlay_start_2:
0x1fc: {  	(tag) =	ssettag $0x2  }
0x1fd: {  	s0 =	rddreg [dreg:$0x0];
	s2 =	stileid.u32  }
0x1fe: {  	s1 =	rddreg [dreg:$0x1];
	p0 =	sne.s32 s2, $0x0  }
0x1ff: {  	s3 =	rddreg [dreg:$0x2];
	[bflag:$0x3] =	sbarrier.arrive $0xFFFF;
	s2 =	simm.s32 @!p0 $0x1C05  }
0x200: {  	[timem:s3], [sflag:s2] =	dma.local @!p0 [hbm:s0], s1  }
0x201: {  	s0 =	simm.s32 @!p0 $0x5  }
0x202: {  	_ =	swait.ge @!p0 [sflag:s0], s1  }
0x203: {  	s1 =	ssub.s32 @!p0 $0x0, s1;
	[sflag:s0] =	ssyncset.done @!p0 $0x0  }
0x204: {  	[sflag:s0] =	ssyncadd.s32 @!p0 s1  }
0x205: {  	[bflag:$0x3] =	sbarrier.arrive $0xFFFF  }
0x206: {  	_ =	shalt  }

// kernel: kernel.9.cloned.1.call-start
scs
__scs_entry_jumppad:
0x0: {  	(pc) =	sbr.rel $0x88, $3  }
0x1: {  	(tag) =	ssettag $0x0;
	lr =	simm.s32 $0x1  }
0x2: {  	[smem:$0x3F97] =	sst lr;
	_ =	strace $0xD0000000  }
0x3: {  	_ = 	snop  }
0x4: {  	_ = 	snop  }
0x5: {  	_ = 	snop  }
0x6: {  	_ = 	snop  }
0x7: {  	_ = 	snop  }
__scs_overlays_trampoline_lowered:
0x8: {  	[smem:$0x3FA6] =	sst s0  }
0x9: {  	[smem:$0x3FA7] =	sst s1  }
0xa: {  	[smem:$0x3FA8] =	sst s2  }
0xb: {  	[smem:$0x3FA9] =	sst s3  }
0xc: {  	[smem:$0x3FAA] =	sst s4  }
0xd: {  	[smem:$0x3FAB] =	sst s5  }
0xe: {  	[smem:$0x3FAC] =	sst s6  }
0xf: {  	[smem:$0x3FAD] =	sst s7  }
0x10: {  	[smem:$0x3FAE] =	sst s8  }
0x11: {  	[smem:$0x3FAF] =	sst s9;
	s0 =	simm.s32 @!p0 $0x0  }
0x12: {  	s1 =	sld [smem:$0x3F95];
	s0 =	simm.s32 @p0 $0x1  }
0x13: {  	[smem:$0x3FB0] =	sst s0;
	s0 =	simm.s32 @!p1 $0x0  }
0x14: {  	s2 =	sld [smem:$0x3F94];
	s0 =	simm.s32 @p1 $0x1  }
0x15: {  	[smem:$0x3FB1] =	sst s0;
	s0 =	simm.s32 @!p2 $0x0  }
0x16: {  	s3 =	sld [smem:$0x3FDB];
	s0 =	simm.s32 @p2 $0x1  }
0x17: {  	s4 =	simm.s32 $0x1BF5;
	[smem:$0x3FB3] =	sst s0  }
0x18: {  	s0 =	sld [smem:$0x3F96];
	_ =	swait.ge [sflag:s4], $0x0  }
0x19: {  	s7 =	sld [smem:$0x3F97]  }
0x1a: {  	s8 =	sadd.s32 $0xFFFFE003, lr  }
0x1b: {  	s9 =	sadd.s32 $0xFFFFFEF7, lr;
	s5 =	simm.s32 $0xFFFFFFFF;
	p2 =	slt.u32 s8, $0xFFFFF086  }
0x1c: {  	p1 =	slt.u32 s9, $0xF7A;
	s5 =	simm.s32 @!p2 $0x0  }
0x1d: {  	s5 =	simm.s32 @p1 $0x1;
	p0 =	seq.s32 s7, s2  }
0x1e: {  	s7 =	smul.u32 @!p0 $0xF7A, s2;
	p2 =	seq.s32 @!p0 s5, $0x0  }
0x1f: {  	s9 =	smul.u32 $0xF7A, s1;
	s8 =	simm.s32 @!p0 $0x1BF5;
	p2 =	por !p2, p0  }
0x20: {  	[sflag:s8] =	ssyncset.s32 @!p0 $0xFFFFF086;
	s6 =	sadd.s32 @!p0 s3, s7;
	s7 =	simm.s32 @!p0 $0x108  }
0x21: {  	s3 =	sadd.s32 s3, s9;
	s6 =	sadd.s32 @!p0 $0x88, s6;
	s7 =	simm.s32 @p2 $0x1082  }
0x22: {  	[simem:s7], [sflag:s8] =	dma.local @!p0 [hbm:s6], $0xF7A  }
0x23: {  	s9 =	sor.u32 $0xD0000000, s2;
	s6 =	simm.s32 $0x108;
	_ =	swait.ge @!p0 [sflag:s8], $0x0  }
0x24: {  	s3 =	sadd.s32 $0x88, s3;
	s6 =	simm.s32 @!p1 $0x1082;
	[sflag:s4] =	ssyncset.s32 $0xFFFFF086  }
0x25: {  	[simem:s6], [sflag:s4] =	dma.local [hbm:s3], $0xF7A  }
0x26: {  	[smem:$0x3F97] =	sst s1;
	(tag) =	ssettag s2;
	_ =	strace s9  }
0x27: {  	s1 =	sld [smem:$0x3FA7]  }
0x28: {  	s2 =	sld [smem:$0x3FA8]  }
0x29: {  	s4 =	sld [smem:$0x3FAA]  }
0x2a: {  	p0 =	seq.s32 s5, $0x0;
	s5 =	sld [smem:$0x3FAB]  }
0x2b: {  	s6 =	sld [smem:$0x3FAC]  }
0x2c: {  	s7 =	sld [smem:$0x3FAD]  }
0x2d: {  	s3 =	simm.s32 $0x108;
	s8 =	sld [smem:$0x3FAE]  }
0x2e: {  	s3 =	simm.s32 @!p0 $0x1082;
	s9 =	sld [smem:$0x3FAF]  }
0x2f: {  	lr =	sadd.s32 s0, s3;
	s0 =	sld [smem:$0x3FA6]  }
0x30: {  	s3 =	sld [smem:$0x3FA9]  }
0x31: {  	[smem:$0x3FB2] =	sst s10  }
0x32: {  	s10 =	sld [smem:$0x3FB0];
	_ =	sdelay $0x3  }
0x33: {  	p0 =	seq.s32 s10, $0x1;
	s10 =	sld [smem:$0x3FB2];
	_ =	sdelay $0x3  }
0x34: {  	[smem:$0x3FB2] =	sst s10  }
0x35: {  	s10 =	sld [smem:$0x3FB1];
	_ =	sdelay $0x3  }
0x36: {  	p1 =	seq.s32 s10, $0x1;
	s10 =	sld [smem:$0x3FB2];
	_ =	sdelay $0x3  }
0x37: {  	[smem:$0x3FB2] =	sst s10  }
0x38: {  	s10 =	sld [smem:$0x3FB3]  }
0x39: {  	_ = 	snop;
	(pc) =	sbr.ind lr, $3  }
0x3a: {  	_ = 	snop  }
0x3b: {  	_ = 	snop  }
0x3c: {  	p2 =	seq.s32 s10, $0x1;
	s10 =	sld [smem:$0x3FB2]  }
0x3d: {  	_ =	shalt  }
0x3e: {  	_ =	shalt  }
0x3f: {  	_ =	shalt  }
0x40: {  	_ =	shalt  }
0x41: {  	_ =	shalt  }
0x42: {  	_ =	shalt  }
0x43: {  	_ =	shalt  }
0x44: {  	_ =	shalt  }
0x45: {  	_ =	shalt  }
0x46: {  	_ =	shalt  }
0x47: {  	_ =	shalt  }
0x48: {  	_ =	shalt  }
0x49: {  	_ =	shalt  }
0x4a: {  	_ =	shalt  }
0x4b: {  	_ =	shalt  }
0x4c: {  	_ =	shalt  }
0x4d: {  	_ =	shalt  }
0x4e: {  	_ =	shalt  }
0x4f: {  	_ =	shalt  }
0x50: {  	_ =	shalt  }
0x51: {  	_ =	shalt  }
0x52: {  	_ =	shalt  }
0x53: {  	_ =	shalt  }
0x54: {  	_ =	shalt  }
0x55: {  	_ =	shalt  }
0x56: {  	_ =	shalt  }
0x57: {  	_ =	shalt  }
0x58: {  	_ =	shalt  }
0x59: {  	_ =	shalt  }
0x5a: {  	_ =	shalt  }
0x5b: {  	_ =	shalt  }
0x5c: {  	_ =	shalt  }
0x5d: {  	_ =	shalt  }
0x5e: {  	_ =	shalt  }
0x5f: {  	_ =	shalt  }
0x60: {  	_ =	shalt  }
0x61: {  	_ =	shalt  }
0x62: {  	_ =	shalt  }
0x63: {  	_ =	shalt  }
0x64: {  	_ =	shalt  }
0x65: {  	_ =	shalt  }
0x66: {  	_ =	shalt  }
0x67: {  	_ =	shalt  }
0x68: {  	_ =	shalt  }
0x69: {  	_ =	shalt  }
0x6a: {  	_ =	shalt  }
0x6b: {  	_ =	shalt  }
0x6c: {  	_ =	shalt  }
0x6d: {  	_ =	shalt  }
0x6e: {  	_ =	shalt  }
0x6f: {  	_ =	shalt  }
0x70: {  	_ =	shalt  }
0x71: {  	_ =	shalt  }
0x72: {  	_ =	shalt  }
0x73: {  	_ =	shalt  }
0x74: {  	_ =	shalt  }
0x75: {  	_ =	shalt  }
0x76: {  	_ =	shalt  }
0x77: {  	_ =	shalt  }
0x78: {  	_ =	shalt  }
0x79: {  	_ =	shalt  }
0x7a: {  	_ =	shalt  }
0x7b: {  	_ =	shalt  }
0x7c: {  	_ =	shalt  }
0x7d: {  	_ =	shalt  }
0x7e: {  	_ =	shalt  }
0x7f: {  	_ =	shalt  }
0x80: {  	_ =	shalt  }
0x81: {  	_ =	shalt  }
0x82: {  	_ =	shalt  }
0x83: {  	_ =	shalt  }
0x84: {  	_ =	shalt  }
0x85: {  	_ =	shalt  }
0x86: {  	_ =	shalt  }
0x87: {  	_ =	shalt  }
.Lfunc_end0:
.L_simem_size_0:
called_computation.1_lowered:
.L_overlay_start_0:
0x88: {  	s2 =	sld [smem:$0x3FD9]  }
0x89: {  	s3 =	sld [smem:$0x3FFE];
	_ =	sdelay $0x1  }
0x8a: {  	s1 =	srdreg.scid  }
0x8b: {  	s0 =	sand.u32 $0x1, s1  }
0x8c: {  	s14 =	sshll.u32 s0, $0xA;
	s2 =	sadd.s32 s3, s2  }
0x8d: {  	s2 =	sadd.s32 s2, s14  }
0x8e: {  	[smem:$0x3FBE] =	sst s2  }
0x8f: {  	_ = 	snop  }
0x90: {  	s2 =	sld [smem:$0x3FD0];
	_ =	sdelay $0x2  }
0x91: {  	s15 =	simm.s32 $0xA;
	s4 =	simm.s32 $0x10  }
0x92: {  	[smem:s4], [sflag:s15] =	dma.local [hbm:s2], $0x1  }
0x93: {  	_ =	swait.eq [sflag:s15], $0x1  }
0x94: {  	[sflag:s15] =	ssyncset.done $0x0  }
0x95: {  	[sflag:s15] =	ssyncadd.s32 $0xFFFFFFFF  }
0x96: {  	s16 =	sld [smem:$0x12];
	(tm) =	ssettm $0x1  }
0x97: {  	s17 =	sld [smem:$0x3FFB];
	_ =	sdelay $0x3  }
0x98: {  	_ =	strace s17  }
0x99: {  	s3 =	sld [smem:$0x3FFC];
	_ =	sdelay $0x3  }
0x9a: {  	_ =	strace s3  }
0x9b: {  	s3 =	sld [smem:$0x3FFD];
	_ =	sdelay $0x3  }
0x9c: {  	_ =	strace s3  }
0x9d: {  	_ =	strace $0x8FFFFFFF  }
0x9e: {  	s18 =	sld [smem:$0x3FDB];
	_ =	sdelay $0x1  }
0x9f: {  	s19 =	simm.s32 $_scs_section_size  }
0xa0: {  	s5 =	simm.s32 $_size__tile_overlayer_lowered;
	s6 =	simm.s32 $_tile_overlayer_lowered  }
0xa1: {  	s22 =	simm.s32 $0x1BFF;
	s21 =	sshll.u32 s6, $0x1;
	s3 =	sadd.s32 s19, s18  }
0xa2: {  	s7 =	simm.s32 $0x0;
	s20 =	sshll.u32 s5, $0x1;
	s5 =	sadd.s32 s21, s3  }
0xa3: {  	[timem:s7], [sflag:s22] =	dma.local [hbm:s5], s20  }
0xa4: {  	_ =	swait.ge [sflag:s22], s20  }
0xa5: {  	s4 =	ssub.s32 $0x0, s20;
	[sflag:s22] =	ssyncset.done $0x0  }
0xa6: {  	[sflag:s22] =	ssyncadd.s32 s4;
	_ =	sdelay $0x1  }
0xa7: {  	s23 =	simm.s32 $0x1B8B  }
0xa8: {  	_ =	swait.ge [sflag:s23], $0x1  }
0xa9: {  	[sflag:s23] =	ssyncset.done $0x0  }
0xaa: {  	s25 =	simm.s32 $0x1B8E;
	s24 =	sld [smem:$0x3FFE];
	[sflag:s23] =	ssyncadd.s32 $0xFFFFFFFF  }
0xab: {  	s26 =	simm.s32 $execute0_lowered;
	[smem:$0x3FD2] =	sst s25  }
0xac: {  	s5 =	sshll.u32 s26, $0x1;
	_ =	strace $0x80000049;
	[dreg:$0x1] =	wrdreg $0xFFFFFFFF  }
0xad: {  	s28 =	simm.s32 $_size_execute0_lowered;
	s3 =	sadd.s32 s3, s5;
	[dreg:$0x0] =	wrdreg $0x0  }
0xae: {  	s5 =	sshll.u32 s28, $0x1;
	[dreg:$0x2] =	wrdreg s3  }
0xaf: {  	[dreg:$0x3] =	wrdreg s5  }
0xb0: {  	[dreg:$0x4] =	wrdreg $0xC0  }
0xb1: {  	_ =	task [dreg:s7], $0x5FFFF  }
0xb2: {  	[dreg:$0x1] =	wrdreg $0xFFFFFFFF  }
0xb3: {  	[dreg:$0x0] =	wrdreg $0x60  }
0xb4: {  	[dreg:$0x2] =	wrdreg s16  }
0xb5: {  	[dreg:$0x3] =	wrdreg s24  }
0xb6: {  	[dreg:$0x4] =	wrdreg $0x51000  }
0xb7: {  	[dreg:$0x5] =	wrdreg $0x9  }
0xb8: {  	_ =	task.clear_ibuf [dreg:s7], $0x6FFFF;
	_ =	strace $0x90000049  }
0xb9: {  	s29 =	simm.s32 $0x9;
	_ =	strace $0x8000004B  }
0xba: {  	_ =	swait.ge [sflag:s29], $0x1  }
0xbb: {  	[sflag:s29] =	ssyncadd.s32 $0xFFFFFFFF  }
0xbc: {  	_ =	strace $0x9000004B  }
0xbd: {  	_ =	sfence  }
0xbe: {  	s30 =	sld [smem:$0x0];
	_ =	sdelay $0x2  }
0xbf: {  	s31 =	sshll.u32 s1, $0xD;
	s1 =	sshrl.u32 s1, $0x2  }
0xc0: {  	s3 =	sand.u32 $0x4000, s31;
	s1 =	sadd.s32 s1, s30  }
0xc1: {  	s0 =	sor.u32 s3, s0;
	s1 =	sshll.u32 s1, $0x11  }
0xc2: {  	s0 =	sor.u32 s1, s0  }
0xc3: {  	s0 =	sadd.s32 $0x8F2B, s0  }
0xc4: {  	[sflag:s0] =	ssyncadd.remote.s32 $0x1  }
0xc5: {  	_ =	sfence.sel $0xFFFF  }
0xc6: {  	[dreg:$0x0] =	wrdreg $0xFFFFFFFF;
	(pc) =	sbr.abs _section_cstart, $3  }
0xc7: {  	[dreg:$0x1] =	wrdreg $0xFFFFFFFF  }
0xc8: {  	_ =	task.clear_ibuf [dreg:s7], $0x2FFFF;
	_ =	strace $0x9FFFFFFF  }
0xc9: {  	(tm) =	ssettm $0x7FFFFFFF  }
tec
execute0_lowered:
.L_overlay_start_1:
0x0: {  	(tag) =	ssettag $0x1  }
0x1: {  	s1 =	rddreg [dreg:$0x0]  }
0x2: {  	s0 =	rddreg [dreg:$0x1]  }
0x3: {  	s3 =	rddreg [dreg:$0x2];
	s4 =	simm.s32 $0x0;
	s16 =	stileid.u32  }
0x4: {  	s2 =	srdreg.scid;
	s26 =	simm.s32 $0x880;
	s24 =	simm.s32 $0x900  }
0x5: {  	s28 =	simm.s32 $0x5;
	s29 =	simm.s32 $0x800;
	s30 =	simm.s32 $0x40  }
0x6: {  	s31 =	simm.s32 $0x1000;
	[smem:$0x7FF] =	sst s4;
	s5 =	smul.u32 $0x1400, s16  }
0x7: {  	s19 =	sand.u32 $0x1, s2;
	s8 =	smul.u32 $0x278, s16;
	_ =	strace $0x8000004A  }
0x8: {  	s2 =	smul.u32 $0x27800, s19;
	s6 =	ssub.s32 $0x2, s19;
	[dreg:$0x6] =	wrdreg s26  }
0x9: {  	[dreg:$0x7] =	wrdreg s24;
	v0 =	vmov s19;
	s19 =	simm.s32 $0xF00;
	s5 =	sadd.s32 s5, s0  }
0xa: {  	s7 =	sshrl.u32 s6, $0x1;
	s9 =	sadd.s32 $0x80, s8;
	s10 =	sadd.s32 $0xC0, s8  }
0xb: {  	s11 =	sadd.s32 $0x100, s8;
	s12 =	sadd.s32 $0x140, s8;
	s13 =	sadd.s32 $0x180, s8  }
0xc: {  	s14 =	sadd.s32 $0x1C0, s8;
	s15 =	sadd.s32 $0x200, s8;
	s0 =	sadd.s32 s2, s0  }
0xd: {  	s2 =	ssub.s32 s6, s7;
	s6 =	smul.u32 $0x4F000, s16;
	s7 =	sadd.s32 $0x40, s8  }
0xe: {  	s16 =	smul.u32 $0x2780, s16;
	s21 =	sadd.s32 $0x16200, s5;
	s22 =	sshll.u32 s11, $0x4  }
0xf: {  	s5 =	sadd.s32 $0x2200, s5;
	s11 =	sshll.u32 s11, $0x7;
	[dreg:$0x4] =	wrdreg s21  }
0x10: {  	s0 =	sadd.s32 $0x2A200, s0;
	[dreg:$0x5] =	wrdreg s5;
	s11 =	sadd.s32 s11, s3  }
0x11: {  	s17 =	sshll.u32 s7, $0x4;
	s16 =	sadd.s32 s16, s0;
	[dreg:$0x12] =	wrdreg s11  }
0x12: {  	s18 =	sshll.u32 s9, $0x4;
	s26 =	sadd.s32 s17, s0;
	[dreg:$0x8] =	wrdreg s16  }
0x13: {  	s20 =	sshll.u32 s10, $0x4;
	s17 =	sadd.s32 s18, s0;
	[dreg:$0x9] =	wrdreg s26  }
0x14: {  	s8 =	sadd.s32 $0x240, s8;
	s18 =	sadd.s32 s20, s0;
	[dreg:$0xa] =	wrdreg s17  }
0x15: {  	s21 =	sshll.u32 s12, $0x4;
	s20 =	sadd.s32 s22, s0;
	[dreg:$0xb] =	wrdreg s18  }
0x16: {  	s23 =	sshll.u32 s13, $0x4;
	s22 =	sadd.s32 s21, s0;
	[dreg:$0xc] =	wrdreg s20  }
0x17: {  	s25 =	sshll.u32 s14, $0x4;
	s24 =	sadd.s32 s23, s0;
	[dreg:$0xd] =	wrdreg s22  }
0x18: {  	s10 =	sshll.u32 s10, $0x7;
	s5 =	sadd.s32 s25, s0;
	[dreg:$0xe] =	wrdreg s24  }
0x19: {  	s25 =	sshll.u32 s15, $0x4;
	[dreg:$0xf] =	wrdreg s5;
	s26 =	sshll.u32 s8, $0x4  }
0x1a: {  	s5 =	sadd.s32 s25, s0;
	s24 =	sadd.s32 s10, s3;
	s16 =	sshll.u32 s12, $0x7  }
0x1b: {  	s17 =	sshll.u32 s13, $0x7;
	s18 =	sshll.u32 s14, $0x7;
	s20 =	sshll.u32 s15, $0x7  }
0x1c: {  	s25 =	sshll.u32 s8, $0x7;
	s8 =	simm.s32 $0x4;
	s13 =	simm.s32 $0xB80  }
0x1d: {  	s14 =	simm.s32 $0xC00;
	s15 =	simm.s32 $0xD00;
	s10 =	simm.s32 $0x0  }
0x1e: {  	[dreg:$0x10] =	wrdreg s5;
	s0 =	sadd.s32 s26, s0;
	s5 =	sshrl.u32 s6, $0x2  }
0x1f: {  	s6 =	sshll.u32 s7, $0x7;
	s7 =	sshll.u32 s9, $0x7;
	[dreg:$0x1d] =	wrdreg s24  }
0x20: {  	s12 =	sadd.s32 s16, s3;
	s21 =	sadd.s32 s20, s3;
	[dreg:$0x11] =	wrdreg s0  }
0x21: {  	s26 =	smax.u32 s2, $0x1;
	s2 =	simm.s32 $0x3100;
	[dreg:$0x16] =	wrdreg s21  }
0x22: {  	s16 =	simm.s32 $0xD80;
	s20 =	simm.s32 $0xF80;
	[dreg:$0x18] =	wrdreg s26  }
0x23: {  	s22 =	sadd.s32 s5, s3;
	s0 =	sadd.s32 s17, s3;
	[dreg:$0x13] =	wrdreg s12  }
0x24: {  	s9 =	sadd.s32 s6, s3;
	s23 =	sadd.s32 s7, s3;
	[dreg:$0x14] =	wrdreg s0  }
0x25: {  	s26 =	simm.s32 $0x1100;
	s5 =	simm.s32 $0x1;
	[dreg:$0x19] =	wrdreg s22  }
0x26: {  	s6 =	simm.s32 $0x3;
	s7 =	simm.s32 $0x2;
	[dreg:$0x1a] =	wrdreg s9  }
0x27: {  	s17 =	simm.s32 $0xE00;
	s0 =	sadd.s32 s18, s3;
	[dreg:$0x1c] =	wrdreg s23  }
0x28: {  	s18 =	simm.s32 $0xE80;
	[dreg:$0x15] =	wrdreg s0;
	s0 =	sadd.s32 s25, s3  }
0x29: {  	v1 =	vimm.f32 $0.0e+00;
	s25 =	simm.s32 $0xC80;
	[dreg:$0x17] =	wrdreg s0;
	s0 =	simm.s32 $0x1080  }
.LBB2_1:
0x2a: {  	[dreg:$0x1b] =	wrdreg s10  }
0x2b: {  	s12 =	smov.u32 s24;
	s11 =	smov.u32 s23;
	s10 =	smov.u32 s9  }
0x2c: {  	s9 =	smov.u32 s22;
	s22 =	simm.s32 $0x0;
	s23 =	simm.s32 $0x0  }
.LBB2_2:
0x2d: {  	p0 =	sne.s32 s23, $0x7FC0  }
.Ltmp0:
0x2e: {  	_ = 	snop;
	(pc) =	sbr.rel @p0 .LBB2_2-.Ltmp0, $4  }
0x2f: {  	s24 =	sand.u32 $0x7E00, s23  }
0x30: {  	s21 =	sand.u32 $0x70, s22;
	s24 =	sshrl.u32 s24, $0x2  }
0x31: {  	s21 =	sor.u32 s21, s24  }
0x32: {  	s22 =	sadd.s32 $0x10, s22;
	s23 =	sadd.s32 $0x40, s23;
	[tilespmem:s21+$0x1100] =	vst v1  }
0x33: {  	s22 =	simm.s32 $0x0  }
0x34: {  	s21 =	sand.u32 $0x7E00, s22  }
0x35: {  	s24 =	sand.u32 $0x70, s22;
	s21 =	sshrl.u32 s21, $0x2  }
0x36: {  	s23 =	simm.s32 $0x40;
	s24 =	sor.u32 s24, s21  }
.LBB2_4:
0x37: {  	p0 =	sne.s32 s23, $0x7FC0  }
0x38: {  	[tilespmem:s24+$0x3100] =	vst v1;
	s22 =	sadd.s32 $0x10, s22;
	s21 =	smov.u32 s23;
	s23 =	sadd.s32 $0x40, s23  }
.Ltmp1:
0x39: {  	(pc) =	sbr.rel @p0 .LBB2_4-.Ltmp1, $4  }
0x3a: {  	_ = 	snop  }
0x3b: {  	s21 =	sand.u32 $0x7E00, s21  }
0x3c: {  	s24 =	sand.u32 $0x70, s22;
	s21 =	sshrl.u32 s21, $0x2  }
0x3d: {  	s24 =	sor.u32 s24, s21  }
0x3e: {  	[tilespmem:s24+$0x3100] =	vst v1  }
0x3f: {  	[spmem:s9] =	stream.linear.scatter [tilespmem:s26], [sflag:$0x5], $0x2000, $0x38;
	[tilespmem:$0x18D00] =	vst v63  }
0x40: {  	_ =	swait.ge [sflag:s28], $0x2000  }
0x41: {  	[sflag:s28] =	ssyncset.done $0x0  }
0x42: {  	[sflag:s28] =	ssyncadd.s32 $0xFFFFE000  }
0x43: {  	[spmem:s10] =	stream.linear.scatter [tilespmem:s26], [sflag:$0x5], $0x2000, $0x38;
	[tilespmem:$0x18D00] =	vst v63  }
0x44: {  	_ =	swait.ge [sflag:s28], $0x2000  }
0x45: {  	[sflag:s28] =	ssyncset.done $0x0  }
0x46: {  	[sflag:s28] =	ssyncadd.s32 $0xFFFFE000  }
0x47: {  	[spmem:s11] =	stream.linear.scatter [tilespmem:s26], [sflag:$0x5], $0x2000, $0x38;
	[tilespmem:$0x18D00] =	vst v63  }
0x48: {  	_ =	swait.ge [sflag:s28], $0x2000  }
0x49: {  	[sflag:s28] =	ssyncset.done $0x0  }
0x4a: {  	[sflag:s28] =	ssyncadd.s32 $0xFFFFE000  }
0x4b: {  	[spmem:s12] =	stream.linear.scatter [tilespmem:s26], [sflag:$0x5], $0x2000, $0x38;
	[tilespmem:$0x18D00] =	vst v63  }
0x4c: {  	_ =	swait.ge [sflag:s28], $0x2000  }
0x4d: {  	[sflag:s28] =	ssyncset.done $0x0  }
0x4e: {  	s11 =	rddreg [dreg:$0x12];
	[sflag:s28] =	ssyncadd.s32 $0xFFFFE000  }
0x4f: {  	[spmem:s11] =	stream.linear.scatter [tilespmem:s26], [sflag:$0x5], $0x2000, $0x38;
	[tilespmem:$0x18D00] =	vst v63  }
0x50: {  	_ =	swait.ge [sflag:s28], $0x2000  }
0x51: {  	[sflag:s28] =	ssyncset.done $0x0  }
0x52: {  	s12 =	rddreg [dreg:$0x13];
	[sflag:s28] =	ssyncadd.s32 $0xFFFFE000  }
0x53: {  	[spmem:s12] =	stream.linear.scatter [tilespmem:s26], [sflag:$0x5], $0x2000, $0x38;
	[tilespmem:$0x18D00] =	vst v63  }
0x54: {  	_ =	swait.ge [sflag:s28], $0x2000  }
0x55: {  	[sflag:s28] =	ssyncset.done $0x0  }
0x56: {  	s21 =	rddreg [dreg:$0x14];
	[sflag:s28] =	ssyncadd.s32 $0xFFFFE000  }
0x57: {  	[spmem:s21] =	stream.linear.scatter [tilespmem:s26], [sflag:$0x5], $0x2000, $0x38;
	[tilespmem:$0x18D00] =	vst v63  }
0x58: {  	_ =	swait.ge [sflag:s28], $0x2000  }
0x59: {  	[sflag:s28] =	ssyncset.done $0x0  }
0x5a: {  	s22 =	rddreg [dreg:$0x15];
	[sflag:s28] =	ssyncadd.s32 $0xFFFFE000  }
0x5b: {  	[spmem:s22] =	stream.linear.scatter [tilespmem:s26], [sflag:$0x5], $0x2000, $0x38;
	[tilespmem:$0x18D00] =	vst v63  }
0x5c: {  	_ =	swait.ge [sflag:s28], $0x2000  }
0x5d: {  	[sflag:s28] =	ssyncset.done $0x0  }
0x5e: {  	s23 =	rddreg [dreg:$0x16];
	[sflag:s28] =	ssyncadd.s32 $0xFFFFE000  }
0x5f: {  	[spmem:s23] =	stream.linear.scatter [tilespmem:s26], [sflag:$0x5], $0x2000, $0x38;
	[tilespmem:$0x18D00] =	vst v63  }
0x60: {  	_ =	swait.ge [sflag:s28], $0x2000  }
0x61: {  	[sflag:s28] =	ssyncset.done $0x0  }
0x62: {  	s24 =	rddreg [dreg:$0x17];
	[sflag:s28] =	ssyncadd.s32 $0xFFFFE000  }
0x63: {  	[spmem:s24] =	stream.linear.scatter [tilespmem:s26], [sflag:$0x5], $0x1C00, $0x38;
	[tilespmem:$0x18D00] =	vst v63  }
0x64: {  	_ =	swait.ge [sflag:s28], $0x1C00  }
0x65: {  	s9 =	simm.s32 $0xA00;
	[sflag:s28] =	ssyncset.done $0x0  }
0x66: {  	s10 =	simm.s32 $0xB00;
	s22 =	simm.s32 $0x0;
	[sflag:s28] =	ssyncadd.s32 $0xFFFFE400  }
0x67: {  	s23 =	simm.s32 $0x980;
	s24 =	simm.s32 $0xA80;
	[bflag:$0x0] =	sbarrier.arrive $0xFFFF  }
.LBB2_6:
0x68: {  	s21 =	rddreg [dreg:$0x5]  }
0x69: {  	s21 =	sadd.s32 s22, s21  }
0x6a: {  	[tilespmem:s4], [sflag:$0x5] =	stream.linear.gather [hbm4b:s21+s4], $0x800, $0x38;
	[tilespmem:$0x18D00] =	vst v63  }
0x6b: {  	_ =	swait.ge [sflag:s28], $0x800  }
0x6c: {  	s21 =	rddreg [dreg:$0x4];
	[sflag:s28] =	ssyncset.done $0x0  }
0x6d: {  	[sflag:s28] =	ssyncadd.s32 $0xFFFFF800;
	s21 =	sadd.s32 s22, s21  }
0x6e: {  	[tilespmem:s29], [sflag:$0x5] =	stream.linear.gather [hbm4b:s21+s4], $0x800, $0x38;
	[tilespmem:$0x18D00] =	vst v63  }
0x6f: {  	_ =	swait.ge [sflag:s28], $0x800  }
0x70: {  	[sflag:s28] =	ssyncset.done $0x0  }
0x71: {  	[sflag:s28] =	ssyncadd.s32 $0xFFFFF800  }
0x72: {  	v2 =	vld [tilespmem:$0x0]  }
0x73: {  	v3 =	vld [tilespmem:$0x10]  }
0x74: {  	v4 =	vld [tilespmem:$0x20]  }
0x75: {  	v5 =	vld [tilespmem:$0x30];
	_ =	sdelay $0x1  }
0x76: {  	v2 =	vshll.u32 v2, $0x1  }
0x77: {  	v3 =	vshll.u32 v3, $0x1;
	v2 =	vor.u32 v0, v2  }
0x78: {  	[tilespmem:$0x1000] =	vst v2;
	v2 =	vor.u32 v0, v3;
	v3 =	vshll.u32 v4, $0x1  }
0x79: {  	[tilespmem:$0x1010] =	vst v2;
	v2 =	vor.u32 v0, v3;
	v3 =	vshll.u32 v5, $0x1  }
0x7a: {  	[tilespmem:$0x1020] =	vst v2;
	v2 =	vor.u32 v0, v3  }
0x7b: {  	[tilespmem:$0x1030] =	vst v2  }
0x7c: {  	[tilespmem:s26], [sflag:$0x1] =	stream.indirect.gather [hbm4b:s1+s30], $0x80, s31, s30, $0xb8;
	[tilespmem:$0x18D00] =	vst v63  }
0x7d: {  	v2 =	vld [tilespmem:$0x80]  }
0x7e: {  	v3 =	vld [tilespmem:$0x90]  }
0x7f: {  	v34 =	vld [tilespmem:$0xA0]  }
0x80: {  	v35 =	vld [tilespmem:$0xB0];
	_ =	sdelay $0x1  }
0x81: {  	v2 =	vshll.u32 v2, $0x1  }
0x82: {  	v3 =	vshll.u32 v3, $0x1;
	v2 =	vor.u32 v0, v2  }
0x83: {  	[tilespmem:$0x1080] =	vst v2;
	v2 =	vor.u32 v0, v3;
	v3 =	vshll.u32 v34, $0x1  }
0x84: {  	[tilespmem:$0x1090] =	vst v2;
	v2 =	vor.u32 v0, v3;
	v3 =	vshll.u32 v35, $0x1  }
0x85: {  	[tilespmem:$0x10A0] =	vst v2;
	v2 =	vor.u32 v0, v3  }
0x86: {  	[tilespmem:$0x10B0] =	vst v2  }
0x87: {  	[tilespmem:s2], [sflag:$0x2] =	stream.indirect.gather [hbm4b:s1+s30], $0x80, s0, s30, $0xb8;
	[tilespmem:$0x18D00] =	vst v63  }
0x88: {  	_ =	swait.ge [sflag:s5], $0x2000  }
0x89: {  	[sflag:s5] =	ssyncset.done $0x0  }
0x8a: {  	[sflag:s5] =	ssyncadd.s32 $0xFFFFE000  }
0x8b: {  	[spmem:s3] =	stream.indirect.scatter.add.f32 [tilespmem:s26], [sflag:$0x3], $0x80, s29, s30, $0xb8;
	[tilespmem:$0x18D00] =	vst v63  }
0x8c: {  	_ =	swait.ge [sflag:s6], $0x2000  }
0x8d: {  	[sflag:s6] =	ssyncset.done $0x0  }
0x8e: {  	[sflag:s6] =	ssyncadd.s32 $0xFFFFE000  }
0x8f: {  	v2 =	vld [tilespmem:$0x100]  }
0x90: {  	v3 =	vld [tilespmem:$0x110]  }
0x91: {  	v36 =	vld [tilespmem:$0x120]  }
0x92: {  	v37 =	vld [tilespmem:$0x130];
	_ =	sdelay $0x1  }
0x93: {  	v2 =	vshll.u32 v2, $0x1  }
0x94: {  	v3 =	vshll.u32 v3, $0x1;
	v2 =	vor.u32 v0, v2  }
0x95: {  	[tilespmem:$0x1000] =	vst v2;
	v2 =	vor.u32 v0, v3;
	v3 =	vshll.u32 v36, $0x1  }
0x96: {  	[tilespmem:$0x1010] =	vst v2;
	v2 =	vor.u32 v0, v3;
	v3 =	vshll.u32 v37, $0x1  }
0x97: {  	[tilespmem:$0x1020] =	vst v2;
	v2 =	vor.u32 v0, v3  }
0x98: {  	[tilespmem:$0x1030] =	vst v2  }
0x99: {  	[tilespmem:s26], [sflag:$0x1] =	stream.indirect.gather [hbm4b:s1+s30], $0x80, s31, s30, $0xb8;
	[tilespmem:$0x18D00] =	vst v63  }
0x9a: {  	_ =	swait.ge [sflag:s7], $0x2000  }
0x9b: {  	[sflag:s7] =	ssyncset.done $0x0  }
0x9c: {  	s21 =	rddreg [dreg:$0x6];
	[sflag:s7] =	ssyncadd.s32 $0xFFFFE000  }
0x9d: {  	[spmem:s3] =	stream.indirect.scatter.add.f32 [tilespmem:s2], [sflag:$0x4], $0x80, s21, s30, $0xb8;
	[tilespmem:$0x18D00] =	vst v63  }
0x9e: {  	_ =	swait.ge [sflag:s8], $0x2000  }
0x9f: {  	[sflag:s8] =	ssyncset.done $0x0  }
0xa0: {  	[sflag:s8] =	ssyncadd.s32 $0xFFFFE000  }
0xa1: {  	v2 =	vld [tilespmem:$0x180]  }
0xa2: {  	v3 =	vld [tilespmem:$0x190]  }
0xa3: {  	v38 =	vld [tilespmem:$0x1A0]  }
0xa4: {  	v39 =	vld [tilespmem:$0x1B0];
	_ =	sdelay $0x1  }
0xa5: {  	v2 =	vshll.u32 v2, $0x1  }
0xa6: {  	v3 =	vshll.u32 v3, $0x1;
	v2 =	vor.u32 v0, v2  }
0xa7: {  	[tilespmem:$0x1080] =	vst v2;
	v2 =	vor.u32 v0, v3;
	v3 =	vshll.u32 v38, $0x1  }
0xa8: {  	[tilespmem:$0x1090] =	vst v2;
	v2 =	vor.u32 v0, v3;
	v3 =	vshll.u32 v39, $0x1  }
0xa9: {  	[tilespmem:$0x10A0] =	vst v2;
	v2 =	vor.u32 v0, v3  }
0xaa: {  	[tilespmem:$0x10B0] =	vst v2  }
0xab: {  	[tilespmem:s2], [sflag:$0x2] =	stream.indirect.gather [hbm4b:s1+s30], $0x80, s0, s30, $0xb8;
	[tilespmem:$0x18D00] =	vst v63  }
0xac: {  	_ =	swait.ge [sflag:s5], $0x2000  }
0xad: {  	[sflag:s5] =	ssyncset.done $0x0  }
0xae: {  	s21 =	rddreg [dreg:$0x7];
	[sflag:s5] =	ssyncadd.s32 $0xFFFFE000  }
0xaf: {  	[spmem:s3] =	stream.indirect.scatter.add.f32 [tilespmem:s26], [sflag:$0x3], $0x80, s21, s30, $0xb8;
	[tilespmem:$0x18D00] =	vst v63  }
0xb0: {  	_ =	swait.ge [sflag:s6], $0x2000  }
0xb1: {  	[sflag:s6] =	ssyncset.done $0x0  }
0xb2: {  	[sflag:s6] =	ssyncadd.s32 $0xFFFFE000  }
0xb3: {  	v2 =	vld [tilespmem:$0x200]  }
0xb4: {  	v3 =	vld [tilespmem:$0x210]  }
0xb5: {  	v40 =	vld [tilespmem:$0x220]  }
0xb6: {  	v41 =	vld [tilespmem:$0x230];
	_ =	sdelay $0x1  }
0xb7: {  	v2 =	vshll.u32 v2, $0x1  }
0xb8: {  	v3 =	vshll.u32 v3, $0x1;
	v2 =	vor.u32 v0, v2  }
0xb9: {  	[tilespmem:$0x1000] =	vst v2;
	v2 =	vor.u32 v0, v3;
	v3 =	vshll.u32 v40, $0x1  }
0xba: {  	[tilespmem:$0x1010] =	vst v2;
	v2 =	vor.u32 v0, v3;
	v3 =	vshll.u32 v41, $0x1  }
0xbb: {  	[tilespmem:$0x1020] =	vst v2;
	v2 =	vor.u32 v0, v3  }
0xbc: {  	[tilespmem:$0x1030] =	vst v2  }
0xbd: {  	[tilespmem:s26], [sflag:$0x1] =	stream.indirect.gather [hbm4b:s1+s30], $0x80, s31, s30, $0xb8;
	[tilespmem:$0x18D00] =	vst v63  }
0xbe: {  	_ =	swait.ge [sflag:s7], $0x2000  }
0xbf: {  	[sflag:s7] =	ssyncset.done $0x0  }
0xc0: {  	[sflag:s7] =	ssyncadd.s32 $0xFFFFE000  }
0xc1: {  	[spmem:s3] =	stream.indirect.scatter.add.f32 [tilespmem:s2], [sflag:$0x4], $0x80, s23, s30, $0xb8;
	[tilespmem:$0x18D00] =	vst v63  }
0xc2: {  	_ =	swait.ge [sflag:s8], $0x2000  }
0xc3: {  	[sflag:s8] =	ssyncset.done $0x0  }
0xc4: {  	[sflag:s8] =	ssyncadd.s32 $0xFFFFE000  }
0xc5: {  	v2 =	vld [tilespmem:$0x280]  }
0xc6: {  	v3 =	vld [tilespmem:$0x290]  }
0xc7: {  	v42 =	vld [tilespmem:$0x2A0]  }
0xc8: {  	v43 =	vld [tilespmem:$0x2B0];
	_ =	sdelay $0x1  }
0xc9: {  	v2 =	vshll.u32 v2, $0x1  }
0xca: {  	v3 =	vshll.u32 v3, $0x1;
	v2 =	vor.u32 v0, v2  }
0xcb: {  	[tilespmem:$0x1080] =	vst v2;
	v2 =	vor.u32 v0, v3;
	v3 =	vshll.u32 v42, $0x1  }
0xcc: {  	[tilespmem:$0x1090] =	vst v2;
	v2 =	vor.u32 v0, v3;
	v3 =	vshll.u32 v43, $0x1  }
0xcd: {  	[tilespmem:$0x10A0] =	vst v2;
	v2 =	vor.u32 v0, v3  }
0xce: {  	[tilespmem:$0x10B0] =	vst v2  }
0xcf: {  	[tilespmem:s2], [sflag:$0x2] =	stream.indirect.gather [hbm4b:s1+s30], $0x80, s0, s30, $0xb8;
	[tilespmem:$0x18D00] =	vst v63  }
0xd0: {  	_ =	swait.ge [sflag:s5], $0x2000  }
0xd1: {  	[sflag:s5] =	ssyncset.done $0x0  }
0xd2: {  	[sflag:s5] =	ssyncadd.s32 $0xFFFFE000  }
0xd3: {  	[spmem:s3] =	stream.indirect.scatter.add.f32 [tilespmem:s26], [sflag:$0x3], $0x80, s9, s30, $0xb8;
	[tilespmem:$0x18D00] =	vst v63  }
0xd4: {  	_ =	swait.ge [sflag:s6], $0x2000  }
0xd5: {  	[sflag:s6] =	ssyncset.done $0x0  }
0xd6: {  	[sflag:s6] =	ssyncadd.s32 $0xFFFFE000  }
0xd7: {  	v2 =	vld [tilespmem:$0x300]  }
0xd8: {  	v3 =	vld [tilespmem:$0x310]  }
0xd9: {  	v44 =	vld [tilespmem:$0x320]  }
0xda: {  	v45 =	vld [tilespmem:$0x330];
	_ =	sdelay $0x1  }
0xdb: {  	v2 =	vshll.u32 v2, $0x1  }
0xdc: {  	v3 =	vshll.u32 v3, $0x1;
	v2 =	vor.u32 v0, v2  }
0xdd: {  	[tilespmem:$0x1000] =	vst v2;
	v2 =	vor.u32 v0, v3;
	v3 =	vshll.u32 v44, $0x1  }
0xde: {  	[tilespmem:$0x1010] =	vst v2;
	v2 =	vor.u32 v0, v3;
	v3 =	vshll.u32 v45, $0x1  }
0xdf: {  	[tilespmem:$0x1020] =	vst v2;
	v2 =	vor.u32 v0, v3  }
0xe0: {  	[tilespmem:$0x1030] =	vst v2  }
0xe1: {  	[tilespmem:s26], [sflag:$0x1] =	stream.indirect.gather [hbm4b:s1+s30], $0x80, s31, s30, $0xb8;
	[tilespmem:$0x18D00] =	vst v63  }
0xe2: {  	_ =	swait.ge [sflag:s7], $0x2000  }
0xe3: {  	[sflag:s7] =	ssyncset.done $0x0  }
0xe4: {  	[sflag:s7] =	ssyncadd.s32 $0xFFFFE000  }
0xe5: {  	[spmem:s3] =	stream.indirect.scatter.add.f32 [tilespmem:s2], [sflag:$0x4], $0x80, s24, s30, $0xb8;
	[tilespmem:$0x18D00] =	vst v63  }
0xe6: {  	_ =	swait.ge [sflag:s8], $0x2000  }
0xe7: {  	[sflag:s8] =	ssyncset.done $0x0  }
0xe8: {  	[sflag:s8] =	ssyncadd.s32 $0xFFFFE000  }
0xe9: {  	v2 =	vld [tilespmem:$0x380]  }
0xea: {  	v3 =	vld [tilespmem:$0x390]  }
0xeb: {  	v46 =	vld [tilespmem:$0x3A0]  }
0xec: {  	v47 =	vld [tilespmem:$0x3B0];
	_ =	sdelay $0x1  }
0xed: {  	v2 =	vshll.u32 v2, $0x1  }
0xee: {  	v3 =	vshll.u32 v3, $0x1;
	v2 =	vor.u32 v0, v2  }
0xef: {  	[tilespmem:$0x1080] =	vst v2;
	v2 =	vor.u32 v0, v3;
	v3 =	vshll.u32 v46, $0x1  }
0xf0: {  	[tilespmem:$0x1090] =	vst v2;
	v2 =	vor.u32 v0, v3;
	v3 =	vshll.u32 v47, $0x1  }
0xf1: {  	[tilespmem:$0x10A0] =	vst v2;
	v2 =	vor.u32 v0, v3  }
0xf2: {  	[tilespmem:$0x10B0] =	vst v2  }
0xf3: {  	[tilespmem:s2], [sflag:$0x2] =	stream.indirect.gather [hbm4b:s1+s30], $0x80, s0, s30, $0xb8;
	[tilespmem:$0x18D00] =	vst v63  }
0xf4: {  	_ =	swait.ge [sflag:s5], $0x2000  }
0xf5: {  	[sflag:s5] =	ssyncset.done $0x0  }
0xf6: {  	[sflag:s5] =	ssyncadd.s32 $0xFFFFE000  }
0xf7: {  	[spmem:s3] =	stream.indirect.scatter.add.f32 [tilespmem:s26], [sflag:$0x3], $0x80, s10, s30, $0xb8;
	[tilespmem:$0x18D00] =	vst v63  }
0xf8: {  	_ =	swait.ge [sflag:s6], $0x2000  }
0xf9: {  	[sflag:s6] =	ssyncset.done $0x0  }
0xfa: {  	[sflag:s6] =	ssyncadd.s32 $0xFFFFE000  }
0xfb: {  	v2 =	vld [tilespmem:$0x400]  }
0xfc: {  	v3 =	vld [tilespmem:$0x410]  }
0xfd: {  	v48 =	vld [tilespmem:$0x420]  }
0xfe: {  	v49 =	vld [tilespmem:$0x430];
	_ =	sdelay $0x1  }
0xff: {  	v2 =	vshll.u32 v2, $0x1  }
0x100: {  	v3 =	vshll.u32 v3, $0x1;
	v2 =	vor.u32 v0, v2  }
0x101: {  	[tilespmem:$0x1000] =	vst v2;
	v2 =	vor.u32 v0, v3;
	v3 =	vshll.u32 v48, $0x1  }
0x102: {  	[tilespmem:$0x1010] =	vst v2;
	v2 =	vor.u32 v0, v3;
	v3 =	vshll.u32 v49, $0x1  }
0x103: {  	[tilespmem:$0x1020] =	vst v2;
	v2 =	vor.u32 v0, v3  }
0x104: {  	[tilespmem:$0x1030] =	vst v2  }
0x105: {  	[tilespmem:s26], [sflag:$0x1] =	stream.indirect.gather [hbm4b:s1+s30], $0x80, s31, s30, $0xb8;
	[tilespmem:$0x18D00] =	vst v63  }
0x106: {  	_ =	swait.ge [sflag:s7], $0x2000  }
0x107: {  	[sflag:s7] =	ssyncset.done $0x0  }
0x108: {  	[sflag:s7] =	ssyncadd.s32 $0xFFFFE000  }
0x109: {  	[spmem:s3] =	stream.indirect.scatter.add.f32 [tilespmem:s2], [sflag:$0x4], $0x80, s13, s30, $0xb8;
	[tilespmem:$0x18D00] =	vst v63  }
0x10a: {  	_ =	swait.ge [sflag:s8], $0x2000  }
0x10b: {  	[sflag:s8] =	ssyncset.done $0x0  }
0x10c: {  	[sflag:s8] =	ssyncadd.s32 $0xFFFFE000  }
0x10d: {  	v2 =	vld [tilespmem:$0x480]  }
0x10e: {  	v3 =	vld [tilespmem:$0x490]  }
0x10f: {  	v50 =	vld [tilespmem:$0x4A0]  }
0x110: {  	v51 =	vld [tilespmem:$0x4B0];
	_ =	sdelay $0x1  }
0x111: {  	v2 =	vshll.u32 v2, $0x1  }
0x112: {  	v3 =	vshll.u32 v3, $0x1;
	v2 =	vor.u32 v0, v2  }
0x113: {  	[tilespmem:$0x1080] =	vst v2;
	v2 =	vor.u32 v0, v3;
	v3 =	vshll.u32 v50, $0x1  }
0x114: {  	[tilespmem:$0x1090] =	vst v2;
	v2 =	vor.u32 v0, v3;
	v3 =	vshll.u32 v51, $0x1  }
0x115: {  	[tilespmem:$0x10A0] =	vst v2;
	v2 =	vor.u32 v0, v3  }
0x116: {  	[tilespmem:$0x10B0] =	vst v2  }
0x117: {  	[tilespmem:s2], [sflag:$0x2] =	stream.indirect.gather [hbm4b:s1+s30], $0x80, s0, s30, $0xb8;
	[tilespmem:$0x18D00] =	vst v63  }
0x118: {  	_ =	swait.ge [sflag:s5], $0x2000  }
0x119: {  	[sflag:s5] =	ssyncset.done $0x0  }
0x11a: {  	[sflag:s5] =	ssyncadd.s32 $0xFFFFE000  }
0x11b: {  	[spmem:s3] =	stream.indirect.scatter.add.f32 [tilespmem:s26], [sflag:$0x3], $0x80, s14, s30, $0xb8;
	[tilespmem:$0x18D00] =	vst v63  }
0x11c: {  	_ =	swait.ge [sflag:s6], $0x2000  }
0x11d: {  	[sflag:s6] =	ssyncset.done $0x0  }
0x11e: {  	[sflag:s6] =	ssyncadd.s32 $0xFFFFE000  }
0x11f: {  	v2 =	vld [tilespmem:$0x500]  }
0x120: {  	v3 =	vld [tilespmem:$0x510]  }
0x121: {  	v52 =	vld [tilespmem:$0x520]  }
0x122: {  	v53 =	vld [tilespmem:$0x530];
	_ =	sdelay $0x1  }
0x123: {  	v2 =	vshll.u32 v2, $0x1  }
0x124: {  	v3 =	vshll.u32 v3, $0x1;
	v2 =	vor.u32 v0, v2  }
0x125: {  	[tilespmem:$0x1000] =	vst v2;
	v2 =	vor.u32 v0, v3;
	v3 =	vshll.u32 v52, $0x1  }
0x126: {  	[tilespmem:$0x1010] =	vst v2;
	v2 =	vor.u32 v0, v3;
	v3 =	vshll.u32 v53, $0x1  }
0x127: {  	[tilespmem:$0x1020] =	vst v2;
	v2 =	vor.u32 v0, v3  }
0x128: {  	[tilespmem:$0x1030] =	vst v2  }
0x129: {  	[tilespmem:s26], [sflag:$0x1] =	stream.indirect.gather [hbm4b:s1+s30], $0x80, s31, s30, $0xb8;
	[tilespmem:$0x18D00] =	vst v63  }
0x12a: {  	_ =	swait.ge [sflag:s7], $0x2000  }
0x12b: {  	[sflag:s7] =	ssyncset.done $0x0  }
0x12c: {  	[sflag:s7] =	ssyncadd.s32 $0xFFFFE000  }
0x12d: {  	[spmem:s3] =	stream.indirect.scatter.add.f32 [tilespmem:s2], [sflag:$0x4], $0x80, s25, s30, $0xb8;
	[tilespmem:$0x18D00] =	vst v63  }
0x12e: {  	_ =	swait.ge [sflag:s8], $0x2000  }
0x12f: {  	[sflag:s8] =	ssyncset.done $0x0  }
0x130: {  	[sflag:s8] =	ssyncadd.s32 $0xFFFFE000  }
0x131: {  	v2 =	vld [tilespmem:$0x580]  }
0x132: {  	v3 =	vld [tilespmem:$0x590]  }
0x133: {  	v54 =	vld [tilespmem:$0x5A0]  }
0x134: {  	v55 =	vld [tilespmem:$0x5B0];
	_ =	sdelay $0x1  }
0x135: {  	v2 =	vshll.u32 v2, $0x1  }
0x136: {  	v3 =	vshll.u32 v3, $0x1;
	v2 =	vor.u32 v0, v2  }
0x137: {  	[tilespmem:$0x1080] =	vst v2;
	v2 =	vor.u32 v0, v3;
	v3 =	vshll.u32 v54, $0x1  }
0x138: {  	[tilespmem:$0x1090] =	vst v2;
	v2 =	vor.u32 v0, v3;
	v3 =	vshll.u32 v55, $0x1  }
0x139: {  	[tilespmem:$0x10A0] =	vst v2;
	v2 =	vor.u32 v0, v3  }
0x13a: {  	[tilespmem:$0x10B0] =	vst v2  }
0x13b: {  	[tilespmem:s2], [sflag:$0x2] =	stream.indirect.gather [hbm4b:s1+s30], $0x80, s0, s30, $0xb8;
	[tilespmem:$0x18D00] =	vst v63  }
0x13c: {  	_ =	swait.ge [sflag:s5], $0x2000  }
0x13d: {  	[sflag:s5] =	ssyncset.done $0x0  }
0x13e: {  	[sflag:s5] =	ssyncadd.s32 $0xFFFFE000  }
0x13f: {  	[spmem:s3] =	stream.indirect.scatter.add.f32 [tilespmem:s26], [sflag:$0x3], $0x80, s15, s30, $0xb8;
	[tilespmem:$0x18D00] =	vst v63  }
0x140: {  	_ =	swait.ge [sflag:s6], $0x2000  }
0x141: {  	[sflag:s6] =	ssyncset.done $0x0  }
0x142: {  	[sflag:s6] =	ssyncadd.s32 $0xFFFFE000  }
0x143: {  	v2 =	vld [tilespmem:$0x600]  }
0x144: {  	v3 =	vld [tilespmem:$0x610]  }
0x145: {  	v56 =	vld [tilespmem:$0x620]  }
0x146: {  	v57 =	vld [tilespmem:$0x630];
	_ =	sdelay $0x1  }
0x147: {  	v2 =	vshll.u32 v2, $0x1  }
0x148: {  	v3 =	vshll.u32 v3, $0x1;
	v2 =	vor.u32 v0, v2  }
0x149: {  	[tilespmem:$0x1000] =	vst v2;
	v2 =	vor.u32 v0, v3;
	v3 =	vshll.u32 v56, $0x1  }
0x14a: {  	[tilespmem:$0x1010] =	vst v2;
	v2 =	vor.u32 v0, v3;
	v3 =	vshll.u32 v57, $0x1  }
0x14b: {  	[tilespmem:$0x1020] =	vst v2;
	v2 =	vor.u32 v0, v3  }
0x14c: {  	[tilespmem:$0x1030] =	vst v2  }
0x14d: {  	[tilespmem:s26], [sflag:$0x1] =	stream.indirect.gather [hbm4b:s1+s30], $0x80, s31, s30, $0xb8;
	[tilespmem:$0x18D00] =	vst v63  }
0x14e: {  	_ =	swait.ge [sflag:s7], $0x2000  }
0x14f: {  	[sflag:s7] =	ssyncset.done $0x0  }
0x150: {  	[sflag:s7] =	ssyncadd.s32 $0xFFFFE000  }
0x151: {  	[spmem:s3] =	stream.indirect.scatter.add.f32 [tilespmem:s2], [sflag:$0x4], $0x80, s16, s30, $0xb8;
	[tilespmem:$0x18D00] =	vst v63  }
0x152: {  	_ =	swait.ge [sflag:s8], $0x2000  }
0x153: {  	[sflag:s8] =	ssyncset.done $0x0  }
0x154: {  	[sflag:s8] =	ssyncadd.s32 $0xFFFFE000  }
0x155: {  	v2 =	vld [tilespmem:$0x680]  }
0x156: {  	v3 =	vld [tilespmem:$0x690]  }
0x157: {  	v58 =	vld [tilespmem:$0x6A0]  }
0x158: {  	v59 =	vld [tilespmem:$0x6B0];
	_ =	sdelay $0x1  }
0x159: {  	v2 =	vshll.u32 v2, $0x1  }
0x15a: {  	v3 =	vshll.u32 v3, $0x1;
	v2 =	vor.u32 v0, v2  }
0x15b: {  	[tilespmem:$0x1080] =	vst v2;
	v2 =	vor.u32 v0, v3;
	v3 =	vshll.u32 v58, $0x1  }
0x15c: {  	[tilespmem:$0x1090] =	vst v2;
	v2 =	vor.u32 v0, v3;
	v3 =	vshll.u32 v59, $0x1  }
0x15d: {  	[tilespmem:$0x10A0] =	vst v2;
	v2 =	vor.u32 v0, v3  }
0x15e: {  	[tilespmem:$0x10B0] =	vst v2  }
0x15f: {  	[tilespmem:s2], [sflag:$0x2] =	stream.indirect.gather [hbm4b:s1+s30], $0x80, s0, s30, $0xb8;
	[tilespmem:$0x18D00] =	vst v63  }
0x160: {  	_ =	swait.ge [sflag:s5], $0x2000  }
0x161: {  	[sflag:s5] =	ssyncset.done $0x0  }
0x162: {  	[sflag:s5] =	ssyncadd.s32 $0xFFFFE000  }
0x163: {  	[spmem:s3] =	stream.indirect.scatter.add.f32 [tilespmem:s26], [sflag:$0x3], $0x80, s17, s30, $0xb8;
	[tilespmem:$0x18D00] =	vst v63  }
0x164: {  	_ =	swait.ge [sflag:s6], $0x2000  }
0x165: {  	[sflag:s6] =	ssyncset.done $0x0  }
0x166: {  	[sflag:s6] =	ssyncadd.s32 $0xFFFFE000  }
0x167: {  	v2 =	vld [tilespmem:$0x700]  }
0x168: {  	v3 =	vld [tilespmem:$0x710]  }
0x169: {  	v60 =	vld [tilespmem:$0x720]  }
0x16a: {  	v61 =	vld [tilespmem:$0x730];
	_ =	sdelay $0x1  }
0x16b: {  	v2 =	vshll.u32 v2, $0x1  }
0x16c: {  	v3 =	vshll.u32 v3, $0x1;
	v2 =	vor.u32 v0, v2  }
0x16d: {  	[tilespmem:$0x1000] =	vst v2;
	v2 =	vor.u32 v0, v3;
	v3 =	vshll.u32 v60, $0x1  }
0x16e: {  	[tilespmem:$0x1010] =	vst v2;
	v2 =	vor.u32 v0, v3;
	v3 =	vshll.u32 v61, $0x1  }
0x16f: {  	[tilespmem:$0x1020] =	vst v2;
	v2 =	vor.u32 v0, v3  }
0x170: {  	[tilespmem:$0x1030] =	vst v2  }
0x171: {  	[tilespmem:s26], [sflag:$0x1] =	stream.indirect.gather [hbm4b:s1+s30], $0x80, s31, s30, $0xb8;
	[tilespmem:$0x18D00] =	vst v63  }
0x172: {  	_ =	swait.ge [sflag:s7], $0x2000  }
0x173: {  	[sflag:s7] =	ssyncset.done $0x0  }
0x174: {  	[sflag:s7] =	ssyncadd.s32 $0xFFFFE000  }
0x175: {  	[spmem:s3] =	stream.indirect.scatter.add.f32 [tilespmem:s2], [sflag:$0x4], $0x80, s18, s30, $0xb8;
	[tilespmem:$0x18D00] =	vst v63  }
0x176: {  	_ =	swait.ge [sflag:s8], $0x2000  }
0x177: {  	[sflag:s8] =	ssyncset.done $0x0  }
0x178: {  	[sflag:s8] =	ssyncadd.s32 $0xFFFFE000  }
0x179: {  	v2 =	vld [tilespmem:$0x780]  }
0x17a: {  	v3 =	vld [tilespmem:$0x790]  }
0x17b: {  	v62 =	vld [tilespmem:$0x7A0]  }
0x17c: {  	v63 =	vld [tilespmem:$0x7B0];
	_ =	sdelay $0x1  }
0x17d: {  	v2 =	vshll.u32 v2, $0x1  }
0x17e: {  	v3 =	vshll.u32 v3, $0x1;
	v2 =	vor.u32 v0, v2  }
0x17f: {  	[tilespmem:$0x1080] =	vst v2;
	v2 =	vor.u32 v0, v3;
	v3 =	vshll.u32 v62, $0x1  }
0x180: {  	[tilespmem:$0x1090] =	vst v2;
	v2 =	vor.u32 v0, v3;
	v3 =	vshll.u32 v63, $0x1  }
0x181: {  	[tilespmem:$0x10A0] =	vst v2;
	v2 =	vor.u32 v0, v3  }
0x182: {  	[tilespmem:$0x10B0] =	vst v2  }
0x183: {  	[tilespmem:s2], [sflag:$0x2] =	stream.indirect.gather [hbm4b:s1+s30], $0x80, s0, s30, $0xb8;
	[tilespmem:$0x18D00] =	vst v63  }
0x184: {  	_ =	swait.ge [sflag:s5], $0x2000  }
0x185: {  	[sflag:s5] =	ssyncset.done $0x0  }
0x186: {  	[sflag:s5] =	ssyncadd.s32 $0xFFFFE000  }
0x187: {  	[spmem:s3] =	stream.indirect.scatter.add.f32 [tilespmem:s26], [sflag:$0x3], $0x80, s19, s30, $0xb8;
	[tilespmem:$0x18D00] =	vst v63  }
0x188: {  	_ =	swait.ge [sflag:s7], $0x2000  }
0x189: {  	[sflag:s7] =	ssyncset.done $0x0  }
0x18a: {  	[sflag:s7] =	ssyncadd.s32 $0xFFFFE000  }
0x18b: {  	[spmem:s3] =	stream.indirect.scatter.add.f32 [tilespmem:s2], [sflag:$0x4], $0x80, s20, s30, $0xb8;
	[tilespmem:$0x18D00] =	vst v63  }
0x18c: {  	p0 =	sne.s32 s22, $0x1300;
	_ =	swait.ge [sflag:s6], $0x2000  }
.Ltmp2:
0x18d: {  	[sflag:s6] =	ssyncset.done $0x0;
	(pc) =	sbr.rel @p0 .LBB2_6-.Ltmp2, $4  }
0x18e: {  	[sflag:s6] =	ssyncadd.s32 $0xFFFFE000  }
0x18f: {  	_ =	swait.ge [sflag:s8], $0x2000  }
0x190: {  	[sflag:s8] =	ssyncset.done $0x0  }
0x191: {  	s22 =	sadd.s32 $0x100, s22;
	[sflag:s8] =	ssyncadd.s32 $0xFFFFE000  }
0x192: {  	[bflag:$0x0] =	sbarrier.arrive $0xFFFF  }
0x193: {  	s22 =	rddreg [dreg:$0x19]  }
0x194: {  	[tilespmem:s26], [sflag:$0x5] =	stream.linear.gather [spmem:s22], $0x2000, $0x38;
	[tilespmem:$0x18D00] =	vst v63  }
0x195: {  	_ =	swait.ge [sflag:s28], $0x2000  }
0x196: {  	[sflag:s28] =	ssyncset.done $0x0  }
0x197: {  	s21 =	rddreg [dreg:$0x8];
	[sflag:s28] =	ssyncadd.s32 $0xFFFFE000  }
0x198: {  	[hbm4b:s21+s4] =	stream.linear.scatter [tilespmem:s26], [sflag:$0x1], $0x2000, $0x38;
	[tilespmem:$0x18D00] =	vst v63  }
0x199: {  	s9 =	rddreg [dreg:$0x1a]  }
0x19a: {  	[tilespmem:s2], [sflag:$0x5] =	stream.linear.gather [spmem:s9], $0x2000, $0x38;
	[tilespmem:$0x18D00] =	vst v63  }
0x19b: {  	_ =	swait.ge [sflag:s28], $0x2000  }
0x19c: {  	[sflag:s28] =	ssyncset.done $0x0  }
0x19d: {  	s23 =	rddreg [dreg:$0x9];
	[sflag:s28] =	ssyncadd.s32 $0xFFFFE000  }
0x19e: {  	[hbm4b:s23+s4] =	stream.linear.scatter [tilespmem:s2], [sflag:$0x2], $0x2000, $0x38;
	[tilespmem:$0x18D00] =	vst v63  }
0x19f: {  	_ =	swait.ge [sflag:s5], $0x2000  }
0x1a0: {  	[sflag:s5] =	ssyncset.done $0x0  }
0x1a1: {  	s23 =	rddreg [dreg:$0x1c];
	[sflag:s5] =	ssyncadd.s32 $0xFFFFE000  }
0x1a2: {  	[tilespmem:s26], [sflag:$0x5] =	stream.linear.gather [spmem:s23], $0x2000, $0x38;
	[tilespmem:$0x18D00] =	vst v63  }
0x1a3: {  	_ =	swait.ge [sflag:s28], $0x2000  }
0x1a4: {  	[sflag:s28] =	ssyncset.done $0x0  }
0x1a5: {  	s24 =	rddreg [dreg:$0xa];
	[sflag:s28] =	ssyncadd.s32 $0xFFFFE000  }
0x1a6: {  	[hbm4b:s24+s4] =	stream.linear.scatter [tilespmem:s26], [sflag:$0x1], $0x2000, $0x38;
	[tilespmem:$0x18D00] =	vst v63  }
0x1a7: {  	_ =	swait.ge [sflag:s7], $0x2000  }
0x1a8: {  	[sflag:s7] =	ssyncset.done $0x0  }
0x1a9: {  	s24 =	rddreg [dreg:$0x1d];
	[sflag:s7] =	ssyncadd.s32 $0xFFFFE000  }
0x1aa: {  	[tilespmem:s2], [sflag:$0x5] =	stream.linear.gather [spmem:s24], $0x2000, $0x38;
	[tilespmem:$0x18D00] =	vst v63  }
0x1ab: {  	_ =	swait.ge [sflag:s28], $0x2000  }
0x1ac: {  	[sflag:s28] =	ssyncset.done $0x0  }
0x1ad: {  	s10 =	rddreg [dreg:$0xb];
	[sflag:s28] =	ssyncadd.s32 $0xFFFFE000  }
0x1ae: {  	[hbm4b:s10+s4] =	stream.linear.scatter [tilespmem:s2], [sflag:$0x2], $0x2000, $0x38;
	[tilespmem:$0x18D00] =	vst v63  }
0x1af: {  	_ =	swait.ge [sflag:s5], $0x2000  }
0x1b0: {  	[sflag:s5] =	ssyncset.done $0x0  }
0x1b1: {  	[sflag:s5] =	ssyncadd.s32 $0xFFFFE000  }
0x1b2: {  	[tilespmem:s26], [sflag:$0x5] =	stream.linear.gather [spmem:s11], $0x2000, $0x38;
	[tilespmem:$0x18D00] =	vst v63  }
0x1b3: {  	_ =	swait.ge [sflag:s28], $0x2000  }
0x1b4: {  	[sflag:s28] =	ssyncset.done $0x0  }
0x1b5: {  	s11 =	rddreg [dreg:$0xc];
	[sflag:s28] =	ssyncadd.s32 $0xFFFFE000  }
0x1b6: {  	[hbm4b:s11+s4] =	stream.linear.scatter [tilespmem:s26], [sflag:$0x1], $0x2000, $0x38;
	[tilespmem:$0x18D00] =	vst v63  }
0x1b7: {  	_ =	swait.ge [sflag:s7], $0x2000  }
0x1b8: {  	[sflag:s7] =	ssyncset.done $0x0  }
0x1b9: {  	[sflag:s7] =	ssyncadd.s32 $0xFFFFE000  }
0x1ba: {  	[tilespmem:s2], [sflag:$0x5] =	stream.linear.gather [spmem:s12], $0x2000, $0x38;
	[tilespmem:$0x18D00] =	vst v63  }
0x1bb: {  	_ =	swait.ge [sflag:s28], $0x2000  }
0x1bc: {  	[sflag:s28] =	ssyncset.done $0x0  }
0x1bd: {  	s12 =	rddreg [dreg:$0xd];
	[sflag:s28] =	ssyncadd.s32 $0xFFFFE000  }
0x1be: {  	[hbm4b:s12+s4] =	stream.linear.scatter [tilespmem:s2], [sflag:$0x2], $0x2000, $0x38;
	[tilespmem:$0x18D00] =	vst v63  }
0x1bf: {  	_ =	swait.ge [sflag:s5], $0x2000  }
0x1c0: {  	[sflag:s5] =	ssyncset.done $0x0  }
0x1c1: {  	s10 =	rddreg [dreg:$0x14];
	[sflag:s5] =	ssyncadd.s32 $0xFFFFE000  }
0x1c2: {  	[tilespmem:s26], [sflag:$0x5] =	stream.linear.gather [spmem:s10], $0x2000, $0x38;
	[tilespmem:$0x18D00] =	vst v63  }
0x1c3: {  	_ =	swait.ge [sflag:s28], $0x2000  }
0x1c4: {  	[sflag:s28] =	ssyncset.done $0x0  }
0x1c5: {  	s11 =	rddreg [dreg:$0xe];
	[sflag:s28] =	ssyncadd.s32 $0xFFFFE000  }
0x1c6: {  	[hbm4b:s11+s4] =	stream.linear.scatter [tilespmem:s26], [sflag:$0x1], $0x2000, $0x38;
	[tilespmem:$0x18D00] =	vst v63  }
0x1c7: {  	_ =	swait.ge [sflag:s7], $0x2000  }
0x1c8: {  	[sflag:s7] =	ssyncset.done $0x0  }
0x1c9: {  	s12 =	rddreg [dreg:$0x15];
	[sflag:s7] =	ssyncadd.s32 $0xFFFFE000  }
0x1ca: {  	[tilespmem:s2], [sflag:$0x5] =	stream.linear.gather [spmem:s12], $0x2000, $0x38;
	[tilespmem:$0x18D00] =	vst v63  }
0x1cb: {  	_ =	swait.ge [sflag:s28], $0x2000  }
0x1cc: {  	[sflag:s28] =	ssyncset.done $0x0  }
0x1cd: {  	s10 =	rddreg [dreg:$0xf];
	[sflag:s28] =	ssyncadd.s32 $0xFFFFE000  }
0x1ce: {  	[hbm4b:s10+s4] =	stream.linear.scatter [tilespmem:s2], [sflag:$0x2], $0x2000, $0x38;
	[tilespmem:$0x18D00] =	vst v63  }
0x1cf: {  	_ =	swait.ge [sflag:s5], $0x2000  }
0x1d0: {  	[sflag:s5] =	ssyncset.done $0x0  }
0x1d1: {  	s11 =	rddreg [dreg:$0x16];
	[sflag:s5] =	ssyncadd.s32 $0xFFFFE000  }
0x1d2: {  	[tilespmem:s26], [sflag:$0x5] =	stream.linear.gather [spmem:s11], $0x2000, $0x38;
	[tilespmem:$0x18D00] =	vst v63  }
0x1d3: {  	_ =	swait.ge [sflag:s28], $0x2000  }
0x1d4: {  	[sflag:s28] =	ssyncset.done $0x0  }
0x1d5: {  	s12 =	rddreg [dreg:$0x10];
	[sflag:s28] =	ssyncadd.s32 $0xFFFFE000  }
0x1d6: {  	[hbm4b:s12+s4] =	stream.linear.scatter [tilespmem:s26], [sflag:$0x1], $0x2000, $0x38;
	[tilespmem:$0x18D00] =	vst v63  }
0x1d7: {  	_ =	swait.ge [sflag:s7], $0x2000  }
0x1d8: {  	[sflag:s7] =	ssyncset.done $0x0  }
0x1d9: {  	s10 =	rddreg [dreg:$0x17];
	[sflag:s7] =	ssyncadd.s32 $0xFFFFE000  }
0x1da: {  	[tilespmem:s2], [sflag:$0x5] =	stream.linear.gather [spmem:s10], $0x1C00, $0x38;
	[tilespmem:$0x18D00] =	vst v63  }
0x1db: {  	_ =	swait.ge [sflag:s28], $0x1C00  }
0x1dc: {  	[sflag:s28] =	ssyncset.done $0x0  }
0x1dd: {  	s11 =	rddreg [dreg:$0x11];
	[sflag:s28] =	ssyncadd.s32 $0xFFFFE400  }
0x1de: {  	[hbm4b:s11+s4] =	stream.linear.scatter [tilespmem:s2], [sflag:$0x2], $0x1C00, $0x38;
	[tilespmem:$0x18D00] =	vst v63  }
0x1df: {  	_ =	swait.ge [sflag:s5], $0x2000  }
0x1e0: {  	[sflag:s5] =	ssyncset.done $0x0  }
0x1e1: {  	[sflag:s5] =	ssyncadd.s32 $0xFFFFE000  }
0x1e2: {  	_ =	swait.ge [sflag:s7], $0x1C00  }
0x1e3: {  	s10 =	rddreg [dreg:$0x1b]  }
0x1e4: {  	s12 =	rddreg [dreg:$0x18];
	s10 =	sadd.s32 $0x1, s10  }
0x1e5: {  	p0 =	sne.s32 s10, s12  }
.Ltmp3:
0x1e6: {  	_ = 	snop;
	(pc) =	sbr.rel @p0 .LBB2_1-.Ltmp3, $3  }
0x1e7: {  	_ =	sdelay $0x1  }
0x1e8: {  	[sflag:s7] =	ssyncset.done $0x0  }
0x1e9: {  	[sflag:s7] =	ssyncadd.s32 $0xFFFFE400  }
0x1ea: {  	_ =	sfence.sel $0x180000  }
0x1eb: {  	[bflag:$0x0] =	sbarrier.arrive $0xFFFF  }
0x1ec: {  	_ =	strace $0x9000004A  }
0x1ed: {  	s0 =	stileid.u32;
	[bflag:$0x2] =	sbarrier.arrive $0xFFFF  }
0x1ee: {  	p0 =	sne.s32 s0, $0x0;
	s0 =	rddreg [dreg:$0x3]  }
0x1ef: {  	s0 =	sadd.s32 @!p0 $0x100000, s0  }
0x1f0: {  	[sflag:s0] =	ssyncadd.tile.s32 @!p0 $0x1;
	_ =	shalt  }
.Lfunc_end2:
_tile_overlayer_lowered:
.L_overlay_start_2:
0x1f1: {  	(tag) =	ssettag $0x2  }
0x1f2: {  	s0 =	rddreg [dreg:$0x0];
	s2 =	stileid.u32  }
0x1f3: {  	s1 =	rddreg [dreg:$0x1];
	p0 =	sne.s32 s2, $0x0  }
0x1f4: {  	s3 =	rddreg [dreg:$0x2];
	[bflag:$0x3] =	sbarrier.arrive $0xFFFF;
	s2 =	simm.s32 @!p0 $0x1C05  }
0x1f5: {  	[timem:s3], [sflag:s2] =	dma.local @!p0 [hbm:s0], s1  }
0x1f6: {  	s0 =	simm.s32 @!p0 $0x5  }
0x1f7: {  	_ =	swait.ge @!p0 [sflag:s0], s1  }
0x1f8: {  	s1 =	ssub.s32 @!p0 $0x0, s1;
	[sflag:s0] =	ssyncset.done @!p0 $0x0  }
0x1f9: {  	[sflag:s0] =	ssyncadd.s32 @!p0 s1  }
0x1fa: {  	[bflag:$0x3] =	sbarrier.arrive $0xFFFF  }
0x1fb: {  	_ =	shalt  }

</sc_bundles>
